<compile_context>
chip_gen: v7x
topology: tpu7x:2x2x1
jax: 0.10.2.dev20260603
libtpu: 0.0.44.dev20260713+nightly
codegen_flags: <defaults>
</compile_context>

<pallas_src>
import jax
import jax.numpy as jnp
from jax import lax
from jax.experimental import pallas as pl
from jax.experimental.pallas import tpu as pltpu
from jax.experimental.pallas import tpu_sc as plsc

ROWS, COLS = 2048, 4096
HCOLS = COLS // 2
GROUP = 64
NLEV = 16
NELEM = ROWS * COLS
NGROUPS = NELEM // GROUP
NWORKERS = 32
CROWS = 8
CELEM = CROWS * COLS
CGROUP = CELEM // GROUP
NCHUNK = (ROWS // CROWS) // NWORKERS


def _sc_body(
    x_hbm,
    lv_hbm,
    out_hbm,
    xbuf0,
    xbuf1,
    lvbuf0,
    lvbuf1,
    obufa,
    obufb,
    sin0,
    sin1,
    souta,
    soutb,
):
    info = plsc.get_sparse_core_info()
    nc = info.num_cores
    wid = lax.axis_index("s") * nc + lax.axis_index("c")

    ii = lax.iota(jnp.int32, 16)
    zero = ii * 0
    one = zero + 1
    two = zero + 2
    d = (
        jnp.where(ii >= 1, one, zero)
        + jnp.where(ii >= 3, one, zero)
        + jnp.where(ii >= 7, one, zero)
        + jnp.where(ii >= 15, one, zero)
    )
    heap = (ii - lax.shift_left(one, d) + 1) * lax.shift_right_logical(
        zero + 16, d
    ) + lax.shift_right_logical(zero + 8, d) - 1
    heap = jnp.maximum(heap, zero)
    heap_p1 = heap + one
    fifteen = zero + 15

    def take16(vec, idx):
        return vec.at[idx].get(mode="promise_in_bounds")

    xbufs = (xbuf0, xbuf1)
    lvbufs = (lvbuf0, lvbuf1)
    sins = (sin0, sin1)

    def start_in(c, half):
        tr = wid * NCHUNK + c
        pltpu.async_copy(
            x_hbm.at[pl.ds(tr * CROWS, CROWS), :], xbufs[half], sins[half]
        )
        pltpu.async_copy(
            lv_hbm.at[pl.ds(tr * CGROUP * NLEV, CGROUP * NLEV)],
            lvbufs[half],
            sins[half],
        )

    def wait_in(half):
        pltpu.make_async_copy(
            x_hbm.at[pl.ds(0, CROWS), :], xbufs[half], sins[half]
        ).wait()
        pltpu.make_async_copy(
            lv_hbm.at[pl.ds(0, CGROUP * NLEV)], lvbufs[half], sins[half]
        ).wait()

    def wait_out(obuf, sout):
        pltpu.make_async_copy(
            out_hbm.at[pl.ds(0, CROWS), pl.ds(0, HCOLS)], obuf, sout
        ).wait()

    def compute_half(half, part):
        xbuf, lvbuf = xbufs[half], lvbufs[half]
        obuf = obufa if part == 0 else obufb

        @plsc.parallel_loop(0, CGROUP // 2, unroll=4)
        def _search(j):
            r = j >> 5
            gq = j & 31
            g = r * (COLS // GROUP) + part * (HCOLS // GROUP) + gq
            lv = lvbuf[pl.ds(g * NLEV, NLEV)]
            bvec = (take16(lv, heap) + take16(lv, heap_p1)) * 0.5
            for k in range(GROUP // 16):
                cq = gq * GROUP + k * 16
                xv = xbuf[r, pl.ds(part * HCOLS + cq, 16)]
                pos = zero
                for _ in range(4):
                    bv = take16(bvec, pos)
                    step = jnp.where(xv > bv, two, one)
                    pos = pos + pos + step
                obuf[r, pl.ds(cq, 16)] = take16(lv, pos - fifteen)

    start_in(0, 0)

    def pair_body(k, carry):
        for half in range(2):
            c = 2 * k + half
            tr = wid * NCHUNK + c
            wait_in(half)

            @pl.when(c + 1 < NCHUNK)
            def _():
                start_in(c + 1, 1 - half)

            @pl.when(c > 0)
            def _():
                wait_out(obufa, souta)

            compute_half(half, 0)
            pltpu.async_copy(
                obufa,
                out_hbm.at[pl.ds(tr * CROWS, CROWS), pl.ds(0, HCOLS)],
                souta,
            )

            @pl.when(c > 0)
            def _():
                wait_out(obufb, soutb)

            compute_half(half, 1)
            pltpu.async_copy(
                obufb,
                out_hbm.at[pl.ds(tr * CROWS, CROWS), pl.ds(HCOLS, HCOLS)],
                soutb,
            )
        return carry

    lax.fori_loop(0, NCHUNK // 2, pair_body, 0)
    wait_out(obufa, souta)
    wait_out(obufb, soutb)


@jax.jit
def _quantize(x, lf):
    mesh = plsc.VectorSubcoreMesh(core_axis_name="c", subcore_axis_name="s")
    return pl.kernel(
        _sc_body,
        out_type=jax.ShapeDtypeStruct((ROWS, COLS), jnp.float32),
        mesh=mesh,
        scratch_types=[
            pltpu.VMEM((CROWS, COLS), jnp.float32),
            pltpu.VMEM((CROWS, COLS), jnp.float32),
            pltpu.VMEM((CGROUP * NLEV,), jnp.float32),
            pltpu.VMEM((CGROUP * NLEV,), jnp.float32),
            pltpu.VMEM((CROWS, HCOLS), jnp.float32),
            pltpu.VMEM((CROWS, HCOLS), jnp.float32),
            pltpu.SemaphoreType.DMA,
            pltpu.SemaphoreType.DMA,
            pltpu.SemaphoreType.DMA,
            pltpu.SemaphoreType.DMA,
        ],
        compiler_params=pltpu.CompilerParams(
            needs_layout_passes=False, use_tc_tiling_on_sc=True
        ),
    )(x, lf)


def kernel(x, levels):
    return _quantize(x, levels.reshape(-1))

# --- scband reference (transcript-rebuilt; emitter-appended) ---
"""Pipeline reference for scband-quantizer-lut-13580686590013 (READ-ONLY COPY).

The authoritative reference and input builder live on the scoring server;
editing this copy changes nothing except your own understanding.
"""

import jax, jax.numpy as jnp
import numpy as np

GROUP_SIZE = 64
BIT_WIDTH = 4
N_LEVELS = BIT_WIDTH ** 2  # 16, matching torch code's bit_width ** 2


def setup_inputs(seed: int = 0) -> dict:
    key = jax.random.key(seed)
    k1, k2 = jax.random.split(key)
    x = jax.random.normal(k1, (2048, 4096), dtype=jnp.float32)
    num_groups = (2048 * 4096) // GROUP_SIZE
    # learned per-group LUT levels (assume quantizer already _initialized);
    # sorted along last dim like a proper level table
    levels = jnp.sort(
        jax.random.normal(k2, (num_groups, N_LEVELS), dtype=jnp.float32),
        axis=-1,
    )
    return {"x": x, "levels": levels}


def reference(x, levels):
    # QuantizerLUT.quantize with with_additions=False, already initialized.
    x_shape = x.shape
    # regroup: reshape(-1, group_size)
    x_ = x.reshape(-1, GROUP_SIZE)
    # borders property is computed under torch.no_grad -> stop_gradient
    lv = jax.lax.stop_gradient(levels)
    borders = (lv[:, 1:] + lv[:, :-1]) / 2.0  # [G, N_LEVELS-1]
    # mask = x_.unsqueeze(2) > borders.unsqueeze(1)
    mask = x_[:, :, None] > borders[:, None, :]  # [G, group_size, N_LEVELS-1]
    indices = mask.sum(axis=2).astype(jnp.int32)  # [G, group_size], values in [0, N_LEVELS-1]
    # torch.take_along_dim(levels, indices, dim=1)
    x_q = jnp.take_along_axis(levels, indices, axis=1)
    x_q = x_q.reshape(x_shape)
    # straight-through estimator: x_q - x.detach() + x
    return x_q - jax.lax.stop_gradient(x) + x

if __name__ == "__main__":
    import jax
    _d = setup_inputs()
    print(jax.jit(kernel)(*tuple(_d.values())))

</pallas_src>

<mosaic_0001>
#map = affine_map<(d0, d1) -> (0, 0)>
#map1 = affine_map<(d0, d1) -> (0)>
module attributes {stable_mosaic.version = 14 : i64} {
  func.func @_sc_body(%arg0: i32, %arg1: i32, %arg2: memref<2048x4096xf32, #tpu.memory_space<hbm>>, %arg3: memref<2097152xf32, #tpu.memory_space<hbm>>, %arg4: memref<2048x4096xf32, #tpu.memory_space<hbm>>, %arg5: memref<8x4096xf32, #tpu.memory_space<vmem>>, %arg6: memref<8x4096xf32, #tpu.memory_space<vmem>>, %arg7: memref<8192xf32, #tpu.memory_space<vmem>>, %arg8: memref<8192xf32, #tpu.memory_space<vmem>>, %arg9: memref<8x2048xf32, #tpu.memory_space<vmem>>, %arg10: memref<8x2048xf32, #tpu.memory_space<vmem>>, %arg11: memref<!tpu.dma_semaphore, #tpu.memory_space<semaphore_mem>>, %arg12: memref<!tpu.dma_semaphore, #tpu.memory_space<semaphore_mem>>, %arg13: memref<!tpu.dma_semaphore, #tpu.memory_space<semaphore_mem>>, %arg14: memref<!tpu.dma_semaphore, #tpu.memory_space<semaphore_mem>>) attributes {dimension_semantics = [#tpu.dimension_semantics<core_parallel>, #tpu.dimension_semantics<subcore_parallel>], iteration_bounds = array<i64: 2, 16>, scalar_prefetch = 0 : i64, scratch_operands = 10 : i64, tpu.core_type = #tpu.core_type<sc_vector_subcore>, window_params = [{transform_indices = #map}, {transform_indices = #map1}, {transform_indices = #map}]} {
    %mul3A = arith.constant 2 : i32
    %mul3A_0 = arith.muli %arg1, %mul3A : i32
    %add3A = arith.addi %mul3A_0, %arg0 : i32
    %iota3A = tpu.iota {dimensions = array<i32: 0>} : vector<16xi32>
    %mul3A_1 = arith.constant 0 : i32
    %mul3A_2 = vector.broadcast %mul3A_1 : i32 to vector<16xi32>
    %mul3A_3 = arith.muli %iota3A, %mul3A_2 : vector<16xi32>
    %add3A_4 = arith.constant 1 : i32
    %add3A_5 = vector.broadcast %add3A_4 : i32 to vector<16xi32>
    %add3A_6 = arith.addi %mul3A_3, %add3A_5 : vector<16xi32>
    %add3A_7 = arith.constant 2 : i32
    %add3A_8 = vector.broadcast %add3A_7 : i32 to vector<16xi32>
    %add3A_9 = arith.addi %mul3A_3, %add3A_8 : vector<16xi32>
    %ge3A = arith.constant 1 : i32
    %ge3A_10 = vector.broadcast %ge3A : i32 to vector<16xi32>
    %ge3A_11 = arith.cmpi sge, %iota3A, %ge3A_10 : vector<16xi32>
    %select_n3A = arith.select %ge3A_11, %add3A_6, %mul3A_3 : vector<16xi1>, vector<16xi32>
    %ge3A_12 = arith.constant 3 : i32
    %ge3A_13 = vector.broadcast %ge3A_12 : i32 to vector<16xi32>
    %ge3A_14 = arith.cmpi sge, %iota3A, %ge3A_13 : vector<16xi32>
    %select_n3A_15 = arith.select %ge3A_14, %add3A_6, %mul3A_3 : vector<16xi1>, vector<16xi32>
    %add3A_16 = arith.addi %select_n3A, %select_n3A_15 : vector<16xi32>
    %ge3A_17 = arith.constant 7 : i32
    %ge3A_18 = vector.broadcast %ge3A_17 : i32 to vector<16xi32>
    %ge3A_19 = arith.cmpi sge, %iota3A, %ge3A_18 : vector<16xi32>
    %select_n3A_20 = arith.select %ge3A_19, %add3A_6, %mul3A_3 : vector<16xi1>, vector<16xi32>
    %add3A_21 = arith.addi %add3A_16, %select_n3A_20 : vector<16xi32>
    %ge3A_22 = arith.constant 15 : i32
    %ge3A_23 = vector.broadcast %ge3A_22 : i32 to vector<16xi32>
    %ge3A_24 = arith.cmpi sge, %iota3A, %ge3A_23 : vector<16xi32>
    %select_n3A_25 = arith.select %ge3A_24, %add3A_6, %mul3A_3 : vector<16xi1>, vector<16xi32>
    %add3A_26 = arith.addi %add3A_21, %select_n3A_25 : vector<16xi32>
    %shift_left3A = arith.shli %add3A_6, %add3A_26 : vector<16xi32>
    %sub3A = arith.subi %iota3A, %shift_left3A : vector<16xi32>
    %add3A_27 = arith.constant 1 : i32
    %add3A_28 = vector.broadcast %add3A_27 : i32 to vector<16xi32>
    %add3A_29 = arith.addi %sub3A, %add3A_28 : vector<16xi32>
    %add3A_30 = arith.constant 16 : i32
    %add3A_31 = vector.broadcast %add3A_30 : i32 to vector<16xi32>
    %add3A_32 = arith.addi %mul3A_3, %add3A_31 : vector<16xi32>
    %shift_right_logical3A = arith.shrui %add3A_32, %add3A_26 : vector<16xi32>
    %mul3A_33 = arith.muli %add3A_29, %shift_right_logical3A : vector<16xi32>
    %add3A_34 = arith.constant 8 : i32
    %add3A_35 = vector.broadcast %add3A_34 : i32 to vector<16xi32>
    %add3A_36 = arith.addi %mul3A_3, %add3A_35 : vector<16xi32>
    %shift_right_logical3A_37 = arith.shrui %add3A_36, %add3A_26 : vector<16xi32>
    %add3A_38 = arith.addi %mul3A_33, %shift_right_logical3A_37 : vector<16xi32>
    %sub3A_39 = arith.constant 1 : i32
    %sub3A_40 = vector.broadcast %sub3A_39 : i32 to vector<16xi32>
    %sub3A_41 = arith.subi %add3A_38, %sub3A_40 : vector<16xi32>
    %max3A = arith.maxsi %sub3A_41, %mul3A_3 : vector<16xi32>
    %add3A_42 = arith.addi %max3A, %add3A_6 : vector<16xi32>
    %add3A_43 = arith.constant 15 : i32
    %add3A_44 = vector.broadcast %add3A_43 : i32 to vector<16xi32>
    %add3A_45 = arith.addi %mul3A_3, %add3A_44 : vector<16xi32>
    %mul3A_46 = arith.constant 8 : i32
    %mul3A_47 = arith.muli %add3A, %mul3A_46 : i32
    %add3A_48 = arith.constant 0 : i32
    %add3A_49 = arith.addi %mul3A_47, %add3A_48 : i32
    %mul3A_50 = arith.constant 8 : i32
    %mul3A_51 = arith.muli %add3A_49, %mul3A_50 : i32
    %dma_start3A = arith.constant 0 : i32
    %dma_start3A_52 = tpu.memref_slice %arg2[%mul3A_51, %dma_start3A] : memref<2048x4096xf32, #tpu.memory_space<hbm>> -> memref<8x4096xf32, #tpu.memory_space<hbm>>
    %dma_start3A_53 = arith.constant 0 : i32
    %dma_start3A_54 = tpu.memref_slice %arg2[%mul3A_51, %dma_start3A_53] : memref<2048x4096xf32, #tpu.memory_space<hbm>> -> memref<8x4096xf32, #tpu.memory_space<hbm>>
    tpu.enqueue_dma source(%dma_start3A_54 : memref<8x4096xf32, #tpu.memory_space<hbm>>) target(%arg5 : memref<8x4096xf32, #tpu.memory_space<vmem>>) target_semaphore(%arg11 : memref<!tpu.dma_semaphore, #tpu.memory_space<semaphore_mem>>)
    %mul3A_55 = arith.constant 512 : i32
    %mul3A_56 = arith.muli %add3A_49, %mul3A_55 : i32
    %mul3A_57 = arith.constant 16 : i32
    %mul3A_58 = arith.muli %mul3A_56, %mul3A_57 : i32
    %dma_start3A_59 = tpu.memref_slice %arg3[%mul3A_58] : memref<2097152xf32, #tpu.memory_space<hbm>> -> memref<8192xf32, #tpu.memory_space<hbm>>
    %dma_start3A_60 = tpu.memref_slice %arg3[%mul3A_58] : memref<2097152xf32, #tpu.memory_space<hbm>> -> memref<8192xf32, #tpu.memory_space<hbm>>
    tpu.enqueue_dma source(%dma_start3A_60 : memref<8192xf32, #tpu.memory_space<hbm>>) target(%arg7 : memref<8192xf32, #tpu.memory_space<vmem>>) target_semaphore(%arg11 : memref<!tpu.dma_semaphore, #tpu.memory_space<semaphore_mem>>)
    %scan3A = arith.constant 0 : i32
    %scan3A_61 = arith.constant 0 : i32
    %scan3A_62 = arith.constant 4 : i32
    %scan3A_63 = arith.addi %scan3A_61, %scan3A_62 : i32
    %scan3A_64 = arith.constant 1 : i32
    scf.for %scan3A_77 = %scan3A_61 to %scan3A_63 step %scan3A_64  : i32 {
      %mul3A_78 = arith.constant 2 : i32
      %mul3A_79 = arith.muli %mul3A_78, %scan3A_77 : i32
      %add3A_80 = arith.constant 0 : i32
      %add3A_81 = arith.addi %mul3A_79, %add3A_80 : i32
      %mul3A_82 = arith.constant 8 : i32
      %mul3A_83 = arith.muli %add3A, %mul3A_82 : i32
      %add3A_84 = arith.addi %mul3A_83, %add3A_81 : i32
      %dma_wait3A_85 = arith.constant 0 : i32
      %dma_wait3A_86 = arith.constant 0 : i32
      %dma_wait3A_87 = tpu.memref_slice %arg2[%dma_wait3A_85, %dma_wait3A_86] : memref<2048x4096xf32, #tpu.memory_space<hbm>> -> memref<8x4096xf32, #tpu.memory_space<hbm>>
      %dma_wait3A_88 = arith.constant 0 : i32
      %dma_wait3A_89 = arith.constant 0 : i32
      %dma_wait3A_90 = tpu.memref_slice %arg2[%dma_wait3A_88, %dma_wait3A_89] : memref<2048x4096xf32, #tpu.memory_space<hbm>> -> memref<8x4096xf32, #tpu.memory_space<hbm>>
      tpu.wait_dma2 semaphore(%arg11 : memref<!tpu.dma_semaphore, #tpu.memory_space<semaphore_mem>>) src(%dma_wait3A_90 : memref<8x4096xf32, #tpu.memory_space<hbm>>) dst(%arg5 : memref<8x4096xf32, #tpu.memory_space<vmem>>)
      %dma_wait3A_91 = arith.constant 0 : i32
      %dma_wait3A_92 = tpu.memref_slice %arg3[%dma_wait3A_91] : memref<2097152xf32, #tpu.memory_space<hbm>> -> memref<8192xf32, #tpu.memory_space<hbm>>
      %dma_wait3A_93 = arith.constant 0 : i32
      %dma_wait3A_94 = tpu.memref_slice %arg3[%dma_wait3A_93] : memref<2097152xf32, #tpu.memory_space<hbm>> -> memref<8192xf32, #tpu.memory_space<hbm>>
      tpu.wait_dma2 semaphore(%arg11 : memref<!tpu.dma_semaphore, #tpu.memory_space<semaphore_mem>>) src(%dma_wait3A_94 : memref<8192xf32, #tpu.memory_space<hbm>>) dst(%arg7 : memref<8192xf32, #tpu.memory_space<vmem>>)
      %add3A_95 = arith.constant 1 : i32
      %add3A_96 = arith.addi %add3A_81, %add3A_95 : i32
      %lt3A = arith.constant 8 : i32
      %lt3A_97 = arith.cmpi slt, %add3A_96, %lt3A : i32
      %convert_element_type3A = arith.extui %lt3A_97 : i1 to i32
      %cond3A = arith.constant 0 : i32
      %cond3A_98 = arith.cmpi ne, %convert_element_type3A, %cond3A : i32
      scf.if %cond3A_98 {
        %add3A_177 = arith.constant 1 : i32
        %add3A_178 = arith.addi %add3A_81, %add3A_177 : i32
        %mul3A_179 = arith.constant 8 : i32
        %mul3A_180 = arith.muli %add3A, %mul3A_179 : i32
        %add3A_181 = arith.addi %mul3A_180, %add3A_178 : i32
        %mul3A_182 = arith.constant 8 : i32
        %mul3A_183 = arith.muli %add3A_181, %mul3A_182 : i32
        %dma_start3A_184 = arith.constant 0 : i32
        %dma_start3A_185 = tpu.memref_slice %arg2[%mul3A_183, %dma_start3A_184] : memref<2048x4096xf32, #tpu.memory_space<hbm>> -> memref<8x4096xf32, #tpu.memory_space<hbm>>
        %dma_start3A_186 = arith.constant 0 : i32
        %dma_start3A_187 = tpu.memref_slice %arg2[%mul3A_183, %dma_start3A_186] : memref<2048x4096xf32, #tpu.memory_space<hbm>> -> memref<8x4096xf32, #tpu.memory_space<hbm>>
        tpu.enqueue_dma source(%dma_start3A_187 : memref<8x4096xf32, #tpu.memory_space<hbm>>) target(%arg6 : memref<8x4096xf32, #tpu.memory_space<vmem>>) target_semaphore(%arg12 : memref<!tpu.dma_semaphore, #tpu.memory_space<semaphore_mem>>)
        %mul3A_188 = arith.constant 512 : i32
        %mul3A_189 = arith.muli %add3A_181, %mul3A_188 : i32
        %mul3A_190 = arith.constant 16 : i32
        %mul3A_191 = arith.muli %mul3A_189, %mul3A_190 : i32
        %dma_start3A_192 = tpu.memref_slice %arg3[%mul3A_191] : memref<2097152xf32, #tpu.memory_space<hbm>> -> memref<8192xf32, #tpu.memory_space<hbm>>
        %dma_start3A_193 = tpu.memref_slice %arg3[%mul3A_191] : memref<2097152xf32, #tpu.memory_space<hbm>> -> memref<8192xf32, #tpu.memory_space<hbm>>
        tpu.enqueue_dma source(%dma_start3A_193 : memref<8192xf32, #tpu.memory_space<hbm>>) target(%arg8 : memref<8192xf32, #tpu.memory_space<vmem>>) target_semaphore(%arg12 : memref<!tpu.dma_semaphore, #tpu.memory_space<semaphore_mem>>)
      } else {
      }
      %gt3A = arith.constant 0 : i32
      %gt3A_99 = arith.cmpi sgt, %add3A_81, %gt3A : i32
      %convert_element_type3A_100 = arith.extui %gt3A_99 : i1 to i32
      %cond3A_101 = arith.constant 0 : i32
      %cond3A_102 = arith.cmpi ne, %convert_element_type3A_100, %cond3A_101 : i32
      scf.if %cond3A_102 {
        %dma_wait3A_177 = arith.constant 0 : i32
        %dma_wait3A_178 = arith.constant 0 : i32
        %dma_wait3A_179 = tpu.memref_slice %arg4[%dma_wait3A_177, %dma_wait3A_178] : memref<2048x4096xf32, #tpu.memory_space<hbm>> -> memref<8x2048xf32, #tpu.memory_space<hbm>>
        %dma_wait3A_180 = arith.constant 0 : i32
        %dma_wait3A_181 = arith.constant 0 : i32
        %dma_wait3A_182 = tpu.memref_slice %arg4[%dma_wait3A_180, %dma_wait3A_181] : memref<2048x4096xf32, #tpu.memory_space<hbm>> -> memref<8x2048xf32, #tpu.memory_space<hbm>>
        tpu.wait_dma2 semaphore(%arg13 : memref<!tpu.dma_semaphore, #tpu.memory_space<semaphore_mem>>) src(%dma_wait3A_182 : memref<8x2048xf32, #tpu.memory_space<hbm>>) dst(%arg9 : memref<8x2048xf32, #tpu.memory_space<vmem>>)
      } else {
      }
      %parallel_loop3A = arith.constant 0 : i32
      %parallel_loop3A_103 = arith.constant 256 : i32
      %parallel_loop3A_104 = arith.constant 1 : i32
      scf.for %parallel_loop3A_177 = %parallel_loop3A to %parallel_loop3A_103 step %parallel_loop3A_104  : i32 {
        %parallel_loop3A_178 = arith.constant 5 : i32
        %parallel_loop3A_179 = arith.shrsi %parallel_loop3A_177, %parallel_loop3A_178 : i32
        %parallel_loop3A_180 = arith.constant 31 : i32
        %parallel_loop3A_181 = arith.andi %parallel_loop3A_177, %parallel_loop3A_180 : i32
        %parallel_loop3A_182 = arith.constant 64 : i32
        %parallel_loop3A_183 = arith.muli %parallel_loop3A_179, %parallel_loop3A_182 : i32
        %parallel_loop3A_184 = arith.constant 0 : i32
        %parallel_loop3A_185 = arith.addi %parallel_loop3A_183, %parallel_loop3A_184 : i32
        %parallel_loop3A_186 = arith.addi %parallel_loop3A_185, %parallel_loop3A_181 : i32
        %parallel_loop3A_187 = arith.constant 16 : i32
        %parallel_loop3A_188 = arith.muli %parallel_loop3A_186, %parallel_loop3A_187 : i32
        %parallel_loop3A_189 = arith.index_cast %parallel_loop3A_188 : i32 to index
        %parallel_loop3A_190 = tpu.vector_load %arg7[%parallel_loop3A_189] {strides = array<i32>} : memref<8192xf32, #tpu.memory_space<vmem>>, vector<16xf32>,
        %parallel_loop3A_191 = arith.constant 0 : i32
        %parallel_loop3A_192 = vector.broadcast %parallel_loop3A_191 : i32 to vector<16xi32>
        %parallel_loop3A_193 = arith.cmpi slt, %max3A, %parallel_loop3A_192 : vector<16xi32>
        %parallel_loop3A_194 = arith.constant 16 : i32
        %parallel_loop3A_195 = vector.broadcast %parallel_loop3A_194 : i32 to vector<16xi32>
        %parallel_loop3A_196 = arith.addi %max3A, %parallel_loop3A_195 : vector<16xi32>
        %parallel_loop3A_197 = arith.select %parallel_loop3A_193, %parallel_loop3A_196, %max3A : vector<16xi1>, vector<16xi32>
        %parallel_loop3A_198 = vector.shape_cast %parallel_loop3A_197 : vector<16xi32> to vector<16x1xi32>
        %parallel_loop3A_199 = vector.shape_cast %parallel_loop3A_198 : vector<16x1xi32> to vector<16xi32>
        %parallel_loop3A_200 = tpu.dynamic_gather %parallel_loop3A_190[%parallel_loop3A_199] in [0] : vector<16xf32>, vector<16xi32> -> vector<16xf32>
        %parallel_loop3A_201 = arith.constant 0 : i32
        %parallel_loop3A_202 = vector.broadcast %parallel_loop3A_201 : i32 to vector<16xi32>
        %parallel_loop3A_203 = arith.cmpi slt, %add3A_42, %parallel_loop3A_202 : vector<16xi32>
        %parallel_loop3A_204 = arith.constant 16 : i32
        %parallel_loop3A_205 = vector.broadcast %parallel_loop3A_204 : i32 to vector<16xi32>
        %parallel_loop3A_206 = arith.addi %add3A_42, %parallel_loop3A_205 : vector<16xi32>
        %parallel_loop3A_207 = arith.select %parallel_loop3A_203, %parallel_loop3A_206, %add3A_42 : vector<16xi1>, vector<16xi32>
        %parallel_loop3A_208 = vector.shape_cast %parallel_loop3A_207 : vector<16xi32> to vector<16x1xi32>
        %parallel_loop3A_209 = vector.shape_cast %parallel_loop3A_208 : vector<16x1xi32> to vector<16xi32>
        %parallel_loop3A_210 = tpu.dynamic_gather %parallel_loop3A_190[%parallel_loop3A_209] in [0] : vector<16xf32>, vector<16xi32> -> vector<16xf32>
        %parallel_loop3A_211 = arith.addf %parallel_loop3A_200, %parallel_loop3A_210 : vector<16xf32>
        %parallel_loop3A_212 = arith.constant 5.000000e-01 : f32
        %parallel_loop3A_213 = vector.broadcast %parallel_loop3A_212 : f32 to vector<16xf32>
        %parallel_loop3A_214 = arith.mulf %parallel_loop3A_211, %parallel_loop3A_213 : vector<16xf32>
        %parallel_loop3A_215 = arith.constant 64 : i32
        %parallel_loop3A_216 = arith.muli %parallel_loop3A_181, %parallel_loop3A_215 : i32
        %parallel_loop3A_217 = arith.constant 0 : i32
        %parallel_loop3A_218 = arith.addi %parallel_loop3A_216, %parallel_loop3A_217 : i32
        %parallel_loop3A_219 = arith.constant 0 : i32
        %parallel_loop3A_220 = arith.addi %parallel_loop3A_219, %parallel_loop3A_218 : i32
        %parallel_loop3A_221 = arith.index_cast %parallel_loop3A_179 : i32 to index
        %parallel_loop3A_222 = arith.index_cast %parallel_loop3A_220 : i32 to index
        %parallel_loop3A_223 = tpu.vector_load %arg5[%parallel_loop3A_221, %parallel_loop3A_222] {strides = array<i32>} : memref<8x4096xf32, #tpu.memory_space<vmem>>, vector<16xf32>,
        %parallel_loop3A_224 = arith.constant 0 : i32
        %parallel_loop3A_225 = vector.broadcast %parallel_loop3A_224 : i32 to vector<16xi32>
        %parallel_loop3A_226 = arith.cmpi slt, %mul3A_3, %parallel_loop3A_225 : vector<16xi32>
        %parallel_loop3A_227 = arith.constant 16 : i32
        %parallel_loop3A_228 = vector.broadcast %parallel_loop3A_227 : i32 to vector<16xi32>
        %parallel_loop3A_229 = arith.addi %mul3A_3, %parallel_loop3A_228 : vector<16xi32>
        %parallel_loop3A_230 = arith.select %parallel_loop3A_226, %parallel_loop3A_229, %mul3A_3 : vector<16xi1>, vector<16xi32>
        %parallel_loop3A_231 = vector.shape_cast %parallel_loop3A_230 : vector<16xi32> to vector<16x1xi32>
        %parallel_loop3A_232 = vector.shape_cast %parallel_loop3A_231 : vector<16x1xi32> to vector<16xi32>
        %parallel_loop3A_233 = tpu.dynamic_gather %parallel_loop3A_214[%parallel_loop3A_232] in [0] : vector<16xf32>, vector<16xi32> -> vector<16xf32>
        %parallel_loop3A_234 = arith.cmpf ogt, %parallel_loop3A_223, %parallel_loop3A_233 : vector<16xf32>
        %parallel_loop3A_235 = arith.select %parallel_loop3A_234, %add3A_9, %add3A_6 : vector<16xi1>, vector<16xi32>
        %parallel_loop3A_236 = arith.addi %mul3A_3, %mul3A_3 : vector<16xi32>
        %parallel_loop3A_237 = arith.addi %parallel_loop3A_236, %parallel_loop3A_235 : vector<16xi32>
        %parallel_loop3A_238 = arith.constant 0 : i32
        %parallel_loop3A_239 = vector.broadcast %parallel_loop3A_238 : i32 to vector<16xi32>
        %parallel_loop3A_240 = arith.cmpi slt, %parallel_loop3A_237, %parallel_loop3A_239 : vector<16xi32>
        %parallel_loop3A_241 = arith.constant 16 : i32
        %parallel_loop3A_242 = vector.broadcast %parallel_loop3A_241 : i32 to vector<16xi32>
        %parallel_loop3A_243 = arith.addi %parallel_loop3A_237, %parallel_loop3A_242 : vector<16xi32>
        %parallel_loop3A_244 = arith.select %parallel_loop3A_240, %parallel_loop3A_243, %parallel_loop3A_237 : vector<16xi1>, vector<16xi32>
        %parallel_loop3A_245 = vector.shape_cast %parallel_loop3A_244 : vector<16xi32> to vector<16x1xi32>
        %parallel_loop3A_246 = vector.shape_cast %parallel_loop3A_245 : vector<16x1xi32> to vector<16xi32>
        %parallel_loop3A_247 = tpu.dynamic_gather %parallel_loop3A_214[%parallel_loop3A_246] in [0] : vector<16xf32>, vector<16xi32> -> vector<16xf32>
        %parallel_loop3A_248 = arith.cmpf ogt, %parallel_loop3A_223, %parallel_loop3A_247 : vector<16xf32>
        %parallel_loop3A_249 = arith.select %parallel_loop3A_248, %add3A_9, %add3A_6 : vector<16xi1>, vector<16xi32>
        %parallel_loop3A_250 = arith.addi %parallel_loop3A_237, %parallel_loop3A_237 : vector<16xi32>
        %parallel_loop3A_251 = arith.addi %parallel_loop3A_250, %parallel_loop3A_249 : vector<16xi32>
        %parallel_loop3A_252 = arith.constant 0 : i32
        %parallel_loop3A_253 = vector.broadcast %parallel_loop3A_252 : i32 to vector<16xi32>
        %parallel_loop3A_254 = arith.cmpi slt, %parallel_loop3A_251, %parallel_loop3A_253 : vector<16xi32>
        %parallel_loop3A_255 = arith.constant 16 : i32
        %parallel_loop3A_256 = vector.broadcast %parallel_loop3A_255 : i32 to vector<16xi32>
        %parallel_loop3A_257 = arith.addi %parallel_loop3A_251, %parallel_loop3A_256 : vector<16xi32>
        %parallel_loop3A_258 = arith.select %parallel_loop3A_254, %parallel_loop3A_257, %parallel_loop3A_251 : vector<16xi1>, vector<16xi32>
        %parallel_loop3A_259 = vector.shape_cast %parallel_loop3A_258 : vector<16xi32> to vector<16x1xi32>
        %parallel_loop3A_260 = vector.shape_cast %parallel_loop3A_259 : vector<16x1xi32> to vector<16xi32>
        %parallel_loop3A_261 = tpu.dynamic_gather %parallel_loop3A_214[%parallel_loop3A_260] in [0] : vector<16xf32>, vector<16xi32> -> vector<16xf32>
        %parallel_loop3A_262 = arith.cmpf ogt, %parallel_loop3A_223, %parallel_loop3A_261 : vector<16xf32>
        %parallel_loop3A_263 = arith.select %parallel_loop3A_262, %add3A_9, %add3A_6 : vector<16xi1>, vector<16xi32>
        %parallel_loop3A_264 = arith.addi %parallel_loop3A_251, %parallel_loop3A_251 : vector<16xi32>
        %parallel_loop3A_265 = arith.addi %parallel_loop3A_264, %parallel_loop3A_263 : vector<16xi32>
        %parallel_loop3A_266 = arith.constant 0 : i32
        %parallel_loop3A_267 = vector.broadcast %parallel_loop3A_266 : i32 to vector<16xi32>
        %parallel_loop3A_268 = arith.cmpi slt, %parallel_loop3A_265, %parallel_loop3A_267 : vector<16xi32>
        %parallel_loop3A_269 = arith.constant 16 : i32
        %parallel_loop3A_270 = vector.broadcast %parallel_loop3A_269 : i32 to vector<16xi32>
        %parallel_loop3A_271 = arith.addi %parallel_loop3A_265, %parallel_loop3A_270 : vector<16xi32>
        %parallel_loop3A_272 = arith.select %parallel_loop3A_268, %parallel_loop3A_271, %parallel_loop3A_265 : vector<16xi1>, vector<16xi32>
        %parallel_loop3A_273 = vector.shape_cast %parallel_loop3A_272 : vector<16xi32> to vector<16x1xi32>
        %parallel_loop3A_274 = vector.shape_cast %parallel_loop3A_273 : vector<16x1xi32> to vector<16xi32>
        %parallel_loop3A_275 = tpu.dynamic_gather %parallel_loop3A_214[%parallel_loop3A_274] in [0] : vector<16xf32>, vector<16xi32> -> vector<16xf32>
        %parallel_loop3A_276 = arith.cmpf ogt, %parallel_loop3A_223, %parallel_loop3A_275 : vector<16xf32>
        %parallel_loop3A_277 = arith.select %parallel_loop3A_276, %add3A_9, %add3A_6 : vector<16xi1>, vector<16xi32>
        %parallel_loop3A_278 = arith.addi %parallel_loop3A_265, %parallel_loop3A_265 : vector<16xi32>
        %parallel_loop3A_279 = arith.addi %parallel_loop3A_278, %parallel_loop3A_277 : vector<16xi32>
        %parallel_loop3A_280 = arith.subi %parallel_loop3A_279, %add3A_45 : vector<16xi32>
        %parallel_loop3A_281 = arith.constant 0 : i32
        %parallel_loop3A_282 = vector.broadcast %parallel_loop3A_281 : i32 to vector<16xi32>
        %parallel_loop3A_283 = arith.cmpi slt, %parallel_loop3A_280, %parallel_loop3A_282 : vector<16xi32>
        %parallel_loop3A_284 = arith.constant 16 : i32
        %parallel_loop3A_285 = vector.broadcast %parallel_loop3A_284 : i32 to vector<16xi32>
        %parallel_loop3A_286 = arith.addi %parallel_loop3A_280, %parallel_loop3A_285 : vector<16xi32>
        %parallel_loop3A_287 = arith.select %parallel_loop3A_283, %parallel_loop3A_286, %parallel_loop3A_280 : vector<16xi1>, vector<16xi32>
        %parallel_loop3A_288 = vector.shape_cast %parallel_loop3A_287 : vector<16xi32> to vector<16x1xi32>
        %parallel_loop3A_289 = vector.shape_cast %parallel_loop3A_288 : vector<16x1xi32> to vector<16xi32>
        %parallel_loop3A_290 = tpu.dynamic_gather %parallel_loop3A_190[%parallel_loop3A_289] in [0] : vector<16xf32>, vector<16xi32> -> vector<16xf32>
        %parallel_loop3A_291 = arith.index_cast %parallel_loop3A_179 : i32 to index
        %parallel_loop3A_292 = arith.index_cast %parallel_loop3A_218 : i32 to index
        %parallel_loop3A_293 = tpu.vector_load %arg9[%parallel_loop3A_291, %parallel_loop3A_292] {strides = array<i32>} : memref<8x2048xf32, #tpu.memory_space<vmem>>, vector<16xf32>,
        tpu.vector_store %arg9[%parallel_loop3A_291, %parallel_loop3A_292], %parallel_loop3A_290 {strides = array<i32>} : memref<8x2048xf32, #tpu.memory_space<vmem>>, vector<16xf32>,
        %parallel_loop3A_294 = arith.constant 64 : i32
        %parallel_loop3A_295 = arith.muli %parallel_loop3A_181, %parallel_loop3A_294 : i32
        %parallel_loop3A_296 = arith.constant 16 : i32
        %parallel_loop3A_297 = arith.addi %parallel_loop3A_295, %parallel_loop3A_296 : i32
        %parallel_loop3A_298 = arith.constant 0 : i32
        %parallel_loop3A_299 = arith.addi %parallel_loop3A_298, %parallel_loop3A_297 : i32
        %parallel_loop3A_300 = arith.index_cast %parallel_loop3A_179 : i32 to index
        %parallel_loop3A_301 = arith.index_cast %parallel_loop3A_299 : i32 to index
        %parallel_loop3A_302 = tpu.vector_load %arg5[%parallel_loop3A_300, %parallel_loop3A_301] {strides = array<i32>} : memref<8x4096xf32, #tpu.memory_space<vmem>>, vector<16xf32>,
        %parallel_loop3A_303 = arith.constant 0 : i32
        %parallel_loop3A_304 = vector.broadcast %parallel_loop3A_303 : i32 to vector<16xi32>
        %parallel_loop3A_305 = arith.cmpi slt, %mul3A_3, %parallel_loop3A_304 : vector<16xi32>
        %parallel_loop3A_306 = arith.constant 16 : i32
        %parallel_loop3A_307 = vector.broadcast %parallel_loop3A_306 : i32 to vector<16xi32>
        %parallel_loop3A_308 = arith.addi %mul3A_3, %parallel_loop3A_307 : vector<16xi32>
        %parallel_loop3A_309 = arith.select %parallel_loop3A_305, %parallel_loop3A_308, %mul3A_3 : vector<16xi1>, vector<16xi32>
        %parallel_loop3A_310 = vector.shape_cast %parallel_loop3A_309 : vector<16xi32> to vector<16x1xi32>
        %parallel_loop3A_311 = vector.shape_cast %parallel_loop3A_310 : vector<16x1xi32> to vector<16xi32>
        %parallel_loop3A_312 = tpu.dynamic_gather %parallel_loop3A_214[%parallel_loop3A_311] in [0] : vector<16xf32>, vector<16xi32> -> vector<16xf32>
        %parallel_loop3A_313 = arith.cmpf ogt, %parallel_loop3A_302, %parallel_loop3A_312 : vector<16xf32>
        %parallel_loop3A_314 = arith.select %parallel_loop3A_313, %add3A_9, %add3A_6 : vector<16xi1>, vector<16xi32>
        %parallel_loop3A_315 = arith.addi %mul3A_3, %mul3A_3 : vector<16xi32>
        %parallel_loop3A_316 = arith.addi %parallel_loop3A_315, %parallel_loop3A_314 : vector<16xi32>
        %parallel_loop3A_317 = arith.constant 0 : i32
        %parallel_loop3A_318 = vector.broadcast %parallel_loop3A_317 : i32 to vector<16xi32>
        %parallel_loop3A_319 = arith.cmpi slt, %parallel_loop3A_316, %parallel_loop3A_318 : vector<16xi32>
        %parallel_loop3A_320 = arith.constant 16 : i32
        %parallel_loop3A_321 = vector.broadcast %parallel_loop3A_320 : i32 to vector<16xi32>
        %parallel_loop3A_322 = arith.addi %parallel_loop3A_316, %parallel_loop3A_321 : vector<16xi32>
        %parallel_loop3A_323 = arith.select %parallel_loop3A_319, %parallel_loop3A_322, %parallel_loop3A_316 : vector<16xi1>, vector<16xi32>
        %parallel_loop3A_324 = vector.shape_cast %parallel_loop3A_323 : vector<16xi32> to vector<16x1xi32>
        %parallel_loop3A_325 = vector.shape_cast %parallel_loop3A_324 : vector<16x1xi32> to vector<16xi32>
        %parallel_loop3A_326 = tpu.dynamic_gather %parallel_loop3A_214[%parallel_loop3A_325] in [0] : vector<16xf32>, vector<16xi32> -> vector<16xf32>
        %parallel_loop3A_327 = arith.cmpf ogt, %parallel_loop3A_302, %parallel_loop3A_326 : vector<16xf32>
        %parallel_loop3A_328 = arith.select %parallel_loop3A_327, %add3A_9, %add3A_6 : vector<16xi1>, vector<16xi32>
        %parallel_loop3A_329 = arith.addi %parallel_loop3A_316, %parallel_loop3A_316 : vector<16xi32>
        %parallel_loop3A_330 = arith.addi %parallel_loop3A_329, %parallel_loop3A_328 : vector<16xi32>
        %parallel_loop3A_331 = arith.constant 0 : i32
        %parallel_loop3A_332 = vector.broadcast %parallel_loop3A_331 : i32 to vector<16xi32>
        %parallel_loop3A_333 = arith.cmpi slt, %parallel_loop3A_330, %parallel_loop3A_332 : vector<16xi32>
        %parallel_loop3A_334 = arith.constant 16 : i32
        %parallel_loop3A_335 = vector.broadcast %parallel_loop3A_334 : i32 to vector<16xi32>
        %parallel_loop3A_336 = arith.addi %parallel_loop3A_330, %parallel_loop3A_335 : vector<16xi32>
        %parallel_loop3A_337 = arith.select %parallel_loop3A_333, %parallel_loop3A_336, %parallel_loop3A_330 : vector<16xi1>, vector<16xi32>
        %parallel_loop3A_338 = vector.shape_cast %parallel_loop3A_337 : vector<16xi32> to vector<16x1xi32>
        %parallel_loop3A_339 = vector.shape_cast %parallel_loop3A_338 : vector<16x1xi32> to vector<16xi32>
        %parallel_loop3A_340 = tpu.dynamic_gather %parallel_loop3A_214[%parallel_loop3A_339] in [0] : vector<16xf32>, vector<16xi32> -> vector<16xf32>
        %parallel_loop3A_341 = arith.cmpf ogt, %parallel_loop3A_302, %parallel_loop3A_340 : vector<16xf32>
        %parallel_loop3A_342 = arith.select %parallel_loop3A_341, %add3A_9, %add3A_6 : vector<16xi1>, vector<16xi32>
        %parallel_loop3A_343 = arith.addi %parallel_loop3A_330, %parallel_loop3A_330 : vector<16xi32>
        %parallel_loop3A_344 = arith.addi %parallel_loop3A_343, %parallel_loop3A_342 : vector<16xi32>
        %parallel_loop3A_345 = arith.constant 0 : i32
        %parallel_loop3A_346 = vector.broadcast %parallel_loop3A_345 : i32 to vector<16xi32>
        %parallel_loop3A_347 = arith.cmpi slt, %parallel_loop3A_344, %parallel_loop3A_346 : vector<16xi32>
        %parallel_loop3A_348 = arith.constant 16 : i32
        %parallel_loop3A_349 = vector.broadcast %parallel_loop3A_348 : i32 to vector<16xi32>
        %parallel_loop3A_350 = arith.addi %parallel_loop3A_344, %parallel_loop3A_349 : vector<16xi32>
        %parallel_loop3A_351 = arith.select %parallel_loop3A_347, %parallel_loop3A_350, %parallel_loop3A_344 : vector<16xi1>, vector<16xi32>
        %parallel_loop3A_352 = vector.shape_cast %parallel_loop3A_351 : vector<16xi32> to vector<16x1xi32>
        %parallel_loop3A_353 = vector.shape_cast %parallel_loop3A_352 : vector<16x1xi32> to vector<16xi32>
        %parallel_loop3A_354 = tpu.dynamic_gather %parallel_loop3A_214[%parallel_loop3A_353] in [0] : vector<16xf32>, vector<16xi32> -> vector<16xf32>
        %parallel_loop3A_355 = arith.cmpf ogt, %parallel_loop3A_302, %parallel_loop3A_354 : vector<16xf32>
        %parallel_loop3A_356 = arith.select %parallel_loop3A_355, %add3A_9, %add3A_6 : vector<16xi1>, vector<16xi32>
        %parallel_loop3A_357 = arith.addi %parallel_loop3A_344, %parallel_loop3A_344 : vector<16xi32>
        %parallel_loop3A_358 = arith.addi %parallel_loop3A_357, %parallel_loop3A_356 : vector<16xi32>
        %parallel_loop3A_359 = arith.subi %parallel_loop3A_358, %add3A_45 : vector<16xi32>
        %parallel_loop3A_360 = arith.constant 0 : i32
        %parallel_loop3A_361 = vector.broadcast %parallel_loop3A_360 : i32 to vector<16xi32>
        %parallel_loop3A_362 = arith.cmpi slt, %parallel_loop3A_359, %parallel_loop3A_361 : vector<16xi32>
        %parallel_loop3A_363 = arith.constant 16 : i32
        %parallel_loop3A_364 = vector.broadcast %parallel_loop3A_363 : i32 to vector<16xi32>
        %parallel_loop3A_365 = arith.addi %parallel_loop3A_359, %parallel_loop3A_364 : vector<16xi32>
        %parallel_loop3A_366 = arith.select %parallel_loop3A_362, %parallel_loop3A_365, %parallel_loop3A_359 : vector<16xi1>, vector<16xi32>
        %parallel_loop3A_367 = vector.shape_cast %parallel_loop3A_366 : vector<16xi32> to vector<16x1xi32>
        %parallel_loop3A_368 = vector.shape_cast %parallel_loop3A_367 : vector<16x1xi32> to vector<16xi32>
        %parallel_loop3A_369 = tpu.dynamic_gather %parallel_loop3A_190[%parallel_loop3A_368] in [0] : vector<16xf32>, vector<16xi32> -> vector<16xf32>
        %parallel_loop3A_370 = arith.index_cast %parallel_loop3A_179 : i32 to index
        %parallel_loop3A_371 = arith.index_cast %parallel_loop3A_297 : i32 to index
        %parallel_loop3A_372 = tpu.vector_load %arg9[%parallel_loop3A_370, %parallel_loop3A_371] {strides = array<i32>} : memref<8x2048xf32, #tpu.memory_space<vmem>>, vector<16xf32>,
        tpu.vector_store %arg9[%parallel_loop3A_370, %parallel_loop3A_371], %parallel_loop3A_369 {strides = array<i32>} : memref<8x2048xf32, #tpu.memory_space<vmem>>, vector<16xf32>,
        %parallel_loop3A_373 = arith.constant 64 : i32
        %parallel_loop3A_374 = arith.muli %parallel_loop3A_181, %parallel_loop3A_373 : i32
        %parallel_loop3A_375 = arith.constant 32 : i32
        %parallel_loop3A_376 = arith.addi %parallel_loop3A_374, %parallel_loop3A_375 : i32
        %parallel_loop3A_377 = arith.constant 0 : i32
        %parallel_loop3A_378 = arith.addi %parallel_loop3A_377, %parallel_loop3A_376 : i32
        %parallel_loop3A_379 = arith.index_cast %parallel_loop3A_179 : i32 to index
        %parallel_loop3A_380 = arith.index_cast %parallel_loop3A_378 : i32 to index
        %parallel_loop3A_381 = tpu.vector_load %arg5[%parallel_loop3A_379, %parallel_loop3A_380] {strides = array<i32>} : memref<8x4096xf32, #tpu.memory_space<vmem>>, vector<16xf32>,
        %parallel_loop3A_382 = arith.constant 0 : i32
        %parallel_loop3A_383 = vector.broadcast %parallel_loop3A_382 : i32 to vector<16xi32>
        %parallel_loop3A_384 = arith.cmpi slt, %mul3A_3, %parallel_loop3A_383 : vector<16xi32>
        %parallel_loop3A_385 = arith.constant 16 : i32
        %parallel_loop3A_386 = vector.broadcast %parallel_loop3A_385 : i32 to vector<16xi32>
        %parallel_loop3A_387 = arith.addi %mul3A_3, %parallel_loop3A_386 : vector<16xi32>
        %parallel_loop3A_388 = arith.select %parallel_loop3A_384, %parallel_loop3A_387, %mul3A_3 : vector<16xi1>, vector<16xi32>
        %parallel_loop3A_389 = vector.shape_cast %parallel_loop3A_388 : vector<16xi32> to vector<16x1xi32>
        %parallel_loop3A_390 = vector.shape_cast %parallel_loop3A_389 : vector<16x1xi32> to vector<16xi32>
        %parallel_loop3A_391 = tpu.dynamic_gather %parallel_loop3A_214[%parallel_loop3A_390] in [0] : vector<16xf32>, vector<16xi32> -> vector<16xf32>
        %parallel_loop3A_392 = arith.cmpf ogt, %parallel_loop3A_381, %parallel_loop3A_391 : vector<16xf32>
        %parallel_loop3A_393 = arith.select %parallel_loop3A_392, %add3A_9, %add3A_6 : vector<16xi1>, vector<16xi32>
        %parallel_loop3A_394 = arith.addi %mul3A_3, %mul3A_3 : vector<16xi32>
        %parallel_loop3A_395 = arith.addi %parallel_loop3A_394, %parallel_loop3A_393 : vector<16xi32>
        %parallel_loop3A_396 = arith.constant 0 : i32
        %parallel_loop3A_397 = vector.broadcast %parallel_loop3A_396 : i32 to vector<16xi32>
        %parallel_loop3A_398 = arith.cmpi slt, %parallel_loop3A_395, %parallel_loop3A_397 : vector<16xi32>
        %parallel_loop3A_399 = arith.constant 16 : i32
        %parallel_loop3A_400 = vector.broadcast %parallel_loop3A_399 : i32 to vector<16xi32>
        %parallel_loop3A_401 = arith.addi %parallel_loop3A_395, %parallel_loop3A_400 : vector<16xi32>
        %parallel_loop3A_402 = arith.select %parallel_loop3A_398, %parallel_loop3A_401, %parallel_loop3A_395 : vector<16xi1>, vector<16xi32>
        %parallel_loop3A_403 = vector.shape_cast %parallel_loop3A_402 : vector<16xi32> to vector<16x1xi32>
        %parallel_loop3A_404 = vector.shape_cast %parallel_loop3A_403 : vector<16x1xi32> to vector<16xi32>
        %parallel_loop3A_405 = tpu.dynamic_gather %parallel_loop3A_214[%parallel_loop3A_404] in [0] : vector<16xf32>, vector<16xi32> -> vector<16xf32>
        %parallel_loop3A_406 = arith.cmpf ogt, %parallel_loop3A_381, %parallel_loop3A_405 : vector<16xf32>
        %parallel_loop3A_407 = arith.select %parallel_loop3A_406, %add3A_9, %add3A_6 : vector<16xi1>, vector<16xi32>
        %parallel_loop3A_408 = arith.addi %parallel_loop3A_395, %parallel_loop3A_395 : vector<16xi32>
        %parallel_loop3A_409 = arith.addi %parallel_loop3A_408, %parallel_loop3A_407 : vector<16xi32>
        %parallel_loop3A_410 = arith.constant 0 : i32
        %parallel_loop3A_411 = vector.broadcast %parallel_loop3A_410 : i32 to vector<16xi32>
        %parallel_loop3A_412 = arith.cmpi slt, %parallel_loop3A_409, %parallel_loop3A_411 : vector<16xi32>
        %parallel_loop3A_413 = arith.constant 16 : i32
        %parallel_loop3A_414 = vector.broadcast %parallel_loop3A_413 : i32 to vector<16xi32>
        %parallel_loop3A_415 = arith.addi %parallel_loop3A_409, %parallel_loop3A_414 : vector<16xi32>
        %parallel_loop3A_416 = arith.select %parallel_loop3A_412, %parallel_loop3A_415, %parallel_loop3A_409 : vector<16xi1>, vector<16xi32>
        %parallel_loop3A_417 = vector.shape_cast %parallel_loop3A_416 : vector<16xi32> to vector<16x1xi32>
        %parallel_loop3A_418 = vector.shape_cast %parallel_loop3A_417 : vector<16x1xi32> to vector<16xi32>
        %parallel_loop3A_419 = tpu.dynamic_gather %parallel_loop3A_214[%parallel_loop3A_418] in [0] : vector<16xf32>, vector<16xi32> -> vector<16xf32>
        %parallel_loop3A_420 = arith.cmpf ogt, %parallel_loop3A_381, %parallel_loop3A_419 : vector<16xf32>
        %parallel_loop3A_421 = arith.select %parallel_loop3A_420, %add3A_9, %add3A_6 : vector<16xi1>, vector<16xi32>
        %parallel_loop3A_422 = arith.addi %parallel_loop3A_409, %parallel_loop3A_409 : vector<16xi32>
        %parallel_loop3A_423 = arith.addi %parallel_loop3A_422, %parallel_loop3A_421 : vector<16xi32>
        %parallel_loop3A_424 = arith.constant 0 : i32
        %parallel_loop3A_425 = vector.broadcast %parallel_loop3A_424 : i32 to vector<16xi32>
        %parallel_loop3A_426 = arith.cmpi slt, %parallel_loop3A_423, %parallel_loop3A_425 : vector<16xi32>
        %parallel_loop3A_427 = arith.constant 16 : i32
        %parallel_loop3A_428 = vector.broadcast %parallel_loop3A_427 : i32 to vector<16xi32>
        %parallel_loop3A_429 = arith.addi %parallel_loop3A_423, %parallel_loop3A_428 : vector<16xi32>
        %parallel_loop3A_430 = arith.select %parallel_loop3A_426, %parallel_loop3A_429, %parallel_loop3A_423 : vector<16xi1>, vector<16xi32>
        %parallel_loop3A_431 = vector.shape_cast %parallel_loop3A_430 : vector<16xi32> to vector<16x1xi32>
        %parallel_loop3A_432 = vector.shape_cast %parallel_loop3A_431 : vector<16x1xi32> to vector<16xi32>
        %parallel_loop3A_433 = tpu.dynamic_gather %parallel_loop3A_214[%parallel_loop3A_432] in [0] : vector<16xf32>, vector<16xi32> -> vector<16xf32>
        %parallel_loop3A_434 = arith.cmpf ogt, %parallel_loop3A_381, %parallel_loop3A_433 : vector<16xf32>
        %parallel_loop3A_435 = arith.select %parallel_loop3A_434, %add3A_9, %add3A_6 : vector<16xi1>, vector<16xi32>
        %parallel_loop3A_436 = arith.addi %parallel_loop3A_423, %parallel_loop3A_423 : vector<16xi32>
        %parallel_loop3A_437 = arith.addi %parallel_loop3A_436, %parallel_loop3A_435 : vector<16xi32>
        %parallel_loop3A_438 = arith.subi %parallel_loop3A_437, %add3A_45 : vector<16xi32>
        %parallel_loop3A_439 = arith.constant 0 : i32
        %parallel_loop3A_440 = vector.broadcast %parallel_loop3A_439 : i32 to vector<16xi32>
        %parallel_loop3A_441 = arith.cmpi slt, %parallel_loop3A_438, %parallel_loop3A_440 : vector<16xi32>
        %parallel_loop3A_442 = arith.constant 16 : i32
        %parallel_loop3A_443 = vector.broadcast %parallel_loop3A_442 : i32 to vector<16xi32>
        %parallel_loop3A_444 = arith.addi %parallel_loop3A_438, %parallel_loop3A_443 : vector<16xi32>
        %parallel_loop3A_445 = arith.select %parallel_loop3A_441, %parallel_loop3A_444, %parallel_loop3A_438 : vector<16xi1>, vector<16xi32>
        %parallel_loop3A_446 = vector.shape_cast %parallel_loop3A_445 : vector<16xi32> to vector<16x1xi32>
        %parallel_loop3A_447 = vector.shape_cast %parallel_loop3A_446 : vector<16x1xi32> to vector<16xi32>
        %parallel_loop3A_448 = tpu.dynamic_gather %parallel_loop3A_190[%parallel_loop3A_447] in [0] : vector<16xf32>, vector<16xi32> -> vector<16xf32>
        %parallel_loop3A_449 = arith.index_cast %parallel_loop3A_179 : i32 to index
        %parallel_loop3A_450 = arith.index_cast %parallel_loop3A_376 : i32 to index
        %parallel_loop3A_451 = tpu.vector_load %arg9[%parallel_loop3A_449, %parallel_loop3A_450] {strides = array<i32>} : memref<8x2048xf32, #tpu.memory_space<vmem>>, vector<16xf32>,
        tpu.vector_store %arg9[%parallel_loop3A_449, %parallel_loop3A_450], %parallel_loop3A_448 {strides = array<i32>} : memref<8x2048xf32, #tpu.memory_space<vmem>>, vector<16xf32>,
        %parallel_loop3A_452 = arith.constant 64 : i32
        %parallel_loop3A_453 = arith.muli %parallel_loop3A_181, %parallel_loop3A_452 : i32
        %parallel_loop3A_454 = arith.constant 48 : i32
        %parallel_loop3A_455 = arith.addi %parallel_loop3A_453, %parallel_loop3A_454 : i32
        %parallel_loop3A_456 = arith.constant 0 : i32
        %parallel_loop3A_457 = arith.addi %parallel_loop3A_456, %parallel_loop3A_455 : i32
        %parallel_loop3A_458 = arith.index_cast %parallel_loop3A_179 : i32 to index
        %parallel_loop3A_459 = arith.index_cast %parallel_loop3A_457 : i32 to index
        %parallel_loop3A_460 = tpu.vector_load %arg5[%parallel_loop3A_458, %parallel_loop3A_459] {strides = array<i32>} : memref<8x4096xf32, #tpu.memory_space<vmem>>, vector<16xf32>,
        %parallel_loop3A_461 = arith.constant 0 : i32
        %parallel_loop3A_462 = vector.broadcast %parallel_loop3A_461 : i32 to vector<16xi32>
        %parallel_loop3A_463 = arith.cmpi slt, %mul3A_3, %parallel_loop3A_462 : vector<16xi32>
        %parallel_loop3A_464 = arith.constant 16 : i32
        %parallel_loop3A_465 = vector.broadcast %parallel_loop3A_464 : i32 to vector<16xi32>
        %parallel_loop3A_466 = arith.addi %mul3A_3, %parallel_loop3A_465 : vector<16xi32>
        %parallel_loop3A_467 = arith.select %parallel_loop3A_463, %parallel_loop3A_466, %mul3A_3 : vector<16xi1>, vector<16xi32>
        %parallel_loop3A_468 = vector.shape_cast %parallel_loop3A_467 : vector<16xi32> to vector<16x1xi32>
        %parallel_loop3A_469 = vector.shape_cast %parallel_loop3A_468 : vector<16x1xi32> to vector<16xi32>
        %parallel_loop3A_470 = tpu.dynamic_gather %parallel_loop3A_214[%parallel_loop3A_469] in [0] : vector<16xf32>, vector<16xi32> -> vector<16xf32>
        %parallel_loop3A_471 = arith.cmpf ogt, %parallel_loop3A_460, %parallel_loop3A_470 : vector<16xf32>
        %parallel_loop3A_472 = arith.select %parallel_loop3A_471, %add3A_9, %add3A_6 : vector<16xi1>, vector<16xi32>
        %parallel_loop3A_473 = arith.addi %mul3A_3, %mul3A_3 : vector<16xi32>
        %parallel_loop3A_474 = arith.addi %parallel_loop3A_473, %parallel_loop3A_472 : vector<16xi32>
        %parallel_loop3A_475 = arith.constant 0 : i32
        %parallel_loop3A_476 = vector.broadcast %parallel_loop3A_475 : i32 to vector<16xi32>
        %parallel_loop3A_477 = arith.cmpi slt, %parallel_loop3A_474, %parallel_loop3A_476 : vector<16xi32>
        %parallel_loop3A_478 = arith.constant 16 : i32
        %parallel_loop3A_479 = vector.broadcast %parallel_loop3A_478 : i32 to vector<16xi32>
        %parallel_loop3A_480 = arith.addi %parallel_loop3A_474, %parallel_loop3A_479 : vector<16xi32>
        %parallel_loop3A_481 = arith.select %parallel_loop3A_477, %parallel_loop3A_480, %parallel_loop3A_474 : vector<16xi1>, vector<16xi32>
        %parallel_loop3A_482 = vector.shape_cast %parallel_loop3A_481 : vector<16xi32> to vector<16x1xi32>
        %parallel_loop3A_483 = vector.shape_cast %parallel_loop3A_482 : vector<16x1xi32> to vector<16xi32>
        %parallel_loop3A_484 = tpu.dynamic_gather %parallel_loop3A_214[%parallel_loop3A_483] in [0] : vector<16xf32>, vector<16xi32> -> vector<16xf32>
        %parallel_loop3A_485 = arith.cmpf ogt, %parallel_loop3A_460, %parallel_loop3A_484 : vector<16xf32>
        %parallel_loop3A_486 = arith.select %parallel_loop3A_485, %add3A_9, %add3A_6 : vector<16xi1>, vector<16xi32>
        %parallel_loop3A_487 = arith.addi %parallel_loop3A_474, %parallel_loop3A_474 : vector<16xi32>
        %parallel_loop3A_488 = arith.addi %parallel_loop3A_487, %parallel_loop3A_486 : vector<16xi32>
        %parallel_loop3A_489 = arith.constant 0 : i32
        %parallel_loop3A_490 = vector.broadcast %parallel_loop3A_489 : i32 to vector<16xi32>
        %parallel_loop3A_491 = arith.cmpi slt, %parallel_loop3A_488, %parallel_loop3A_490 : vector<16xi32>
        %parallel_loop3A_492 = arith.constant 16 : i32
        %parallel_loop3A_493 = vector.broadcast %parallel_loop3A_492 : i32 to vector<16xi32>
        %parallel_loop3A_494 = arith.addi %parallel_loop3A_488, %parallel_loop3A_493 : vector<16xi32>
        %parallel_loop3A_495 = arith.select %parallel_loop3A_491, %parallel_loop3A_494, %parallel_loop3A_488 : vector<16xi1>, vector<16xi32>
        %parallel_loop3A_496 = vector.shape_cast %parallel_loop3A_495 : vector<16xi32> to vector<16x1xi32>
        %parallel_loop3A_497 = vector.shape_cast %parallel_loop3A_496 : vector<16x1xi32> to vector<16xi32>
        %parallel_loop3A_498 = tpu.dynamic_gather %parallel_loop3A_214[%parallel_loop3A_497] in [0] : vector<16xf32>, vector<16xi32> -> vector<16xf32>
        %parallel_loop3A_499 = arith.cmpf ogt, %parallel_loop3A_460, %parallel_loop3A_498 : vector<16xf32>
        %parallel_loop3A_500 = arith.select %parallel_loop3A_499, %add3A_9, %add3A_6 : vector<16xi1>, vector<16xi32>
        %parallel_loop3A_501 = arith.addi %parallel_loop3A_488, %parallel_loop3A_488 : vector<16xi32>
        %parallel_loop3A_502 = arith.addi %parallel_loop3A_501, %parallel_loop3A_500 : vector<16xi32>
        %parallel_loop3A_503 = arith.constant 0 : i32
        %parallel_loop3A_504 = vector.broadcast %parallel_loop3A_503 : i32 to vector<16xi32>
        %parallel_loop3A_505 = arith.cmpi slt, %parallel_loop3A_502, %parallel_loop3A_504 : vector<16xi32>
        %parallel_loop3A_506 = arith.constant 16 : i32
        %parallel_loop3A_507 = vector.broadcast %parallel_loop3A_506 : i32 to vector<16xi32>
        %parallel_loop3A_508 = arith.addi %parallel_loop3A_502, %parallel_loop3A_507 : vector<16xi32>
        %parallel_loop3A_509 = arith.select %parallel_loop3A_505, %parallel_loop3A_508, %parallel_loop3A_502 : vector<16xi1>, vector<16xi32>
        %parallel_loop3A_510 = vector.shape_cast %parallel_loop3A_509 : vector<16xi32> to vector<16x1xi32>
        %parallel_loop3A_511 = vector.shape_cast %parallel_loop3A_510 : vector<16x1xi32> to vector<16xi32>
        %parallel_loop3A_512 = tpu.dynamic_gather %parallel_loop3A_214[%parallel_loop3A_511] in [0] : vector<16xf32>, vector<16xi32> -> vector<16xf32>
        %parallel_loop3A_513 = arith.cmpf ogt, %parallel_loop3A_460, %parallel_loop3A_512 : vector<16xf32>
        %parallel_loop3A_514 = arith.select %parallel_loop3A_513, %add3A_9, %add3A_6 : vector<16xi1>, vector<16xi32>
        %parallel_loop3A_515 = arith.addi %parallel_loop3A_502, %parallel_loop3A_502 : vector<16xi32>
        %parallel_loop3A_516 = arith.addi %parallel_loop3A_515, %parallel_loop3A_514 : vector<16xi32>
        %parallel_loop3A_517 = arith.subi %parallel_loop3A_516, %add3A_45 : vector<16xi32>
        %parallel_loop3A_518 = arith.constant 0 : i32
        %parallel_loop3A_519 = vector.broadcast %parallel_loop3A_518 : i32 to vector<16xi32>
        %parallel_loop3A_520 = arith.cmpi slt, %parallel_loop3A_517, %parallel_loop3A_519 : vector<16xi32>
        %parallel_loop3A_521 = arith.constant 16 : i32
        %parallel_loop3A_522 = vector.broadcast %parallel_loop3A_521 : i32 to vector<16xi32>
        %parallel_loop3A_523 = arith.addi %parallel_loop3A_517, %parallel_loop3A_522 : vector<16xi32>
        %parallel_loop3A_524 = arith.select %parallel_loop3A_520, %parallel_loop3A_523, %parallel_loop3A_517 : vector<16xi1>, vector<16xi32>
        %parallel_loop3A_525 = vector.shape_cast %parallel_loop3A_524 : vector<16xi32> to vector<16x1xi32>
        %parallel_loop3A_526 = vector.shape_cast %parallel_loop3A_525 : vector<16x1xi32> to vector<16xi32>
        %parallel_loop3A_527 = tpu.dynamic_gather %parallel_loop3A_190[%parallel_loop3A_526] in [0] : vector<16xf32>, vector<16xi32> -> vector<16xf32>
        %parallel_loop3A_528 = arith.index_cast %parallel_loop3A_179 : i32 to index
        %parallel_loop3A_529 = arith.index_cast %parallel_loop3A_455 : i32 to index
        %parallel_loop3A_530 = tpu.vector_load %arg9[%parallel_loop3A_528, %parallel_loop3A_529] {strides = array<i32>} : memref<8x2048xf32, #tpu.memory_space<vmem>>, vector<16xf32>,
        tpu.vector_store %arg9[%parallel_loop3A_528, %parallel_loop3A_529], %parallel_loop3A_527 {strides = array<i32>} : memref<8x2048xf32, #tpu.memory_space<vmem>>, vector<16xf32>,
      } {sc.loop_unroll_factor = 4 : i64, sc.parallel_access}
      %mul3A_105 = arith.constant 8 : i32
      %mul3A_106 = arith.muli %add3A_84, %mul3A_105 : i32
      %dma_start3A_107 = arith.constant 0 : i32
      %dma_start3A_108 = tpu.memref_slice %arg4[%mul3A_106, %dma_start3A_107] : memref<2048x4096xf32, #tpu.memory_space<hbm>> -> memref<8x2048xf32, #tpu.memory_space<hbm>>
      %dma_start3A_109 = arith.constant 0 : i32
      %dma_start3A_110 = tpu.memref_slice %arg4[%mul3A_106, %dma_start3A_109] : memref<2048x4096xf32, #tpu.memory_space<hbm>> -> memref<8x2048xf32, #tpu.memory_space<hbm>>
      tpu.enqueue_dma source(%arg9 : memref<8x2048xf32, #tpu.memory_space<vmem>>) target(%dma_start3A_110 : memref<8x2048xf32, #tpu.memory_space<hbm>>) target_semaphore(%arg13 : memref<!tpu.dma_semaphore, #tpu.memory_space<semaphore_mem>>)
      %gt3A_111 = arith.constant 0 : i32
      %gt3A_112 = arith.cmpi sgt, %add3A_81, %gt3A_111 : i32
      %convert_element_type3A_113 = arith.extui %gt3A_112 : i1 to i32
      %cond3A_114 = arith.constant 0 : i32
      %cond3A_115 = arith.cmpi ne, %convert_element_type3A_113, %cond3A_114 : i32
      scf.if %cond3A_115 {
        %dma_wait3A_177 = arith.constant 0 : i32
        %dma_wait3A_178 = arith.constant 0 : i32
        %dma_wait3A_179 = tpu.memref_slice %arg4[%dma_wait3A_177, %dma_wait3A_178] : memref<2048x4096xf32, #tpu.memory_space<hbm>> -> memref<8x2048xf32, #tpu.memory_space<hbm>>
        %dma_wait3A_180 = arith.constant 0 : i32
        %dma_wait3A_181 = arith.constant 0 : i32
        %dma_wait3A_182 = tpu.memref_slice %arg4[%dma_wait3A_180, %dma_wait3A_181] : memref<2048x4096xf32, #tpu.memory_space<hbm>> -> memref<8x2048xf32, #tpu.memory_space<hbm>>
        tpu.wait_dma2 semaphore(%arg14 : memref<!tpu.dma_semaphore, #tpu.memory_space<semaphore_mem>>) src(%dma_wait3A_182 : memref<8x2048xf32, #tpu.memory_space<hbm>>) dst(%arg10 : memref<8x2048xf32, #tpu.memory_space<vmem>>)
      } else {
      }
      %parallel_loop3A_116 = arith.constant 0 : i32
      %parallel_loop3A_117 = arith.constant 256 : i32
      %parallel_loop3A_118 = arith.constant 1 : i32
      scf.for %parallel_loop3A_177 = %parallel_loop3A_116 to %parallel_loop3A_117 step %parallel_loop3A_118  : i32 {
        %parallel_loop3A_178 = arith.constant 5 : i32
        %parallel_loop3A_179 = arith.shrsi %parallel_loop3A_177, %parallel_loop3A_178 : i32
        %parallel_loop3A_180 = arith.constant 31 : i32
        %parallel_loop3A_181 = arith.andi %parallel_loop3A_177, %parallel_loop3A_180 : i32
        %parallel_loop3A_182 = arith.constant 64 : i32
        %parallel_loop3A_183 = arith.muli %parallel_loop3A_179, %parallel_loop3A_182 : i32
        %parallel_loop3A_184 = arith.constant 32 : i32
        %parallel_loop3A_185 = arith.addi %parallel_loop3A_183, %parallel_loop3A_184 : i32
        %parallel_loop3A_186 = arith.addi %parallel_loop3A_185, %parallel_loop3A_181 : i32
        %parallel_loop3A_187 = arith.constant 16 : i32
        %parallel_loop3A_188 = arith.muli %parallel_loop3A_186, %parallel_loop3A_187 : i32
        %parallel_loop3A_189 = arith.index_cast %parallel_loop3A_188 : i32 to index
        %parallel_loop3A_190 = tpu.vector_load %arg7[%parallel_loop3A_189] {strides = array<i32>} : memref<8192xf32, #tpu.memory_space<vmem>>, vector<16xf32>,
        %parallel_loop3A_191 = arith.constant 0 : i32
        %parallel_loop3A_192 = vector.broadcast %parallel_loop3A_191 : i32 to vector<16xi32>
        %parallel_loop3A_193 = arith.cmpi slt, %max3A, %parallel_loop3A_192 : vector<16xi32>
        %parallel_loop3A_194 = arith.constant 16 : i32
        %parallel_loop3A_195 = vector.broadcast %parallel_loop3A_194 : i32 to vector<16xi32>
        %parallel_loop3A_196 = arith.addi %max3A, %parallel_loop3A_195 : vector<16xi32>
        %parallel_loop3A_197 = arith.select %parallel_loop3A_193, %parallel_loop3A_196, %max3A : vector<16xi1>, vector<16xi32>
        %parallel_loop3A_198 = vector.shape_cast %parallel_loop3A_197 : vector<16xi32> to vector<16x1xi32>
        %parallel_loop3A_199 = vector.shape_cast %parallel_loop3A_198 : vector<16x1xi32> to vector<16xi32>
        %parallel_loop3A_200 = tpu.dynamic_gather %parallel_loop3A_190[%parallel_loop3A_199] in [0] : vector<16xf32>, vector<16xi32> -> vector<16xf32>
        %parallel_loop3A_201 = arith.constant 0 : i32
        %parallel_loop3A_202 = vector.broadcast %parallel_loop3A_201 : i32 to vector<16xi32>
        %parallel_loop3A_203 = arith.cmpi slt, %add3A_42, %parallel_loop3A_202 : vector<16xi32>
        %parallel_loop3A_204 = arith.constant 16 : i32
        %parallel_loop3A_205 = vector.broadcast %parallel_loop3A_204 : i32 to vector<16xi32>
        %parallel_loop3A_206 = arith.addi %add3A_42, %parallel_loop3A_205 : vector<16xi32>
        %parallel_loop3A_207 = arith.select %parallel_loop3A_203, %parallel_loop3A_206, %add3A_42 : vector<16xi1>, vector<16xi32>
        %parallel_loop3A_208 = vector.shape_cast %parallel_loop3A_207 : vector<16xi32> to vector<16x1xi32>
        %parallel_loop3A_209 = vector.shape_cast %parallel_loop3A_208 : vector<16x1xi32> to vector<16xi32>
        %parallel_loop3A_210 = tpu.dynamic_gather %parallel_loop3A_190[%parallel_loop3A_209] in [0] : vector<16xf32>, vector<16xi32> -> vector<16xf32>
        %parallel_loop3A_211 = arith.addf %parallel_loop3A_200, %parallel_loop3A_210 : vector<16xf32>
        %parallel_loop3A_212 = arith.constant 5.000000e-01 : f32
        %parallel_loop3A_213 = vector.broadcast %parallel_loop3A_212 : f32 to vector<16xf32>
        %parallel_loop3A_214 = arith.mulf %parallel_loop3A_211, %parallel_loop3A_213 : vector<16xf32>
        %parallel_loop3A_215 = arith.constant 64 : i32
        %parallel_loop3A_216 = arith.muli %parallel_loop3A_181, %parallel_loop3A_215 : i32
        %parallel_loop3A_217 = arith.constant 0 : i32
        %parallel_loop3A_218 = arith.addi %parallel_loop3A_216, %parallel_loop3A_217 : i32
        %parallel_loop3A_219 = arith.constant 2048 : i32
        %parallel_loop3A_220 = arith.addi %parallel_loop3A_219, %parallel_loop3A_218 : i32
        %parallel_loop3A_221 = arith.index_cast %parallel_loop3A_179 : i32 to index
        %parallel_loop3A_222 = arith.index_cast %parallel_loop3A_220 : i32 to index
        %parallel_loop3A_223 = tpu.vector_load %arg5[%parallel_loop3A_221, %parallel_loop3A_222] {strides = array<i32>} : memref<8x4096xf32, #tpu.memory_space<vmem>>, vector<16xf32>,
        %parallel_loop3A_224 = arith.constant 0 : i32
        %parallel_loop3A_225 = vector.broadcast %parallel_loop3A_224 : i32 to vector<16xi32>
        %parallel_loop3A_226 = arith.cmpi slt, %mul3A_3, %parallel_loop3A_225 : vector<16xi32>
        %parallel_loop3A_227 = arith.constant 16 : i32
        %parallel_loop3A_228 = vector.broadcast %parallel_loop3A_227 : i32 to vector<16xi32>
        %parallel_loop3A_229 = arith.addi %mul3A_3, %parallel_loop3A_228 : vector<16xi32>
        %parallel_loop3A_230 = arith.select %parallel_loop3A_226, %parallel_loop3A_229, %mul3A_3 : vector<16xi1>, vector<16xi32>
        %parallel_loop3A_231 = vector.shape_cast %parallel_loop3A_230 : vector<16xi32> to vector<16x1xi32>
        %parallel_loop3A_232 = vector.shape_cast %parallel_loop3A_231 : vector<16x1xi32> to vector<16xi32>
        %parallel_loop3A_233 = tpu.dynamic_gather %parallel_loop3A_214[%parallel_loop3A_232] in [0] : vector<16xf32>, vector<16xi32> -> vector<16xf32>
        %parallel_loop3A_234 = arith.cmpf ogt, %parallel_loop3A_223, %parallel_loop3A_233 : vector<16xf32>
        %parallel_loop3A_235 = arith.select %parallel_loop3A_234, %add3A_9, %add3A_6 : vector<16xi1>, vector<16xi32>
        %parallel_loop3A_236 = arith.addi %mul3A_3, %mul3A_3 : vector<16xi32>
        %parallel_loop3A_237 = arith.addi %parallel_loop3A_236, %parallel_loop3A_235 : vector<16xi32>
        %parallel_loop3A_238 = arith.constant 0 : i32
        %parallel_loop3A_239 = vector.broadcast %parallel_loop3A_238 : i32 to vector<16xi32>
        %parallel_loop3A_240 = arith.cmpi slt, %parallel_loop3A_237, %parallel_loop3A_239 : vector<16xi32>
        %parallel_loop3A_241 = arith.constant 16 : i32
        %parallel_loop3A_242 = vector.broadcast %parallel_loop3A_241 : i32 to vector<16xi32>
        %parallel_loop3A_243 = arith.addi %parallel_loop3A_237, %parallel_loop3A_242 : vector<16xi32>
        %parallel_loop3A_244 = arith.select %parallel_loop3A_240, %parallel_loop3A_243, %parallel_loop3A_237 : vector<16xi1>, vector<16xi32>
        %parallel_loop3A_245 = vector.shape_cast %parallel_loop3A_244 : vector<16xi32> to vector<16x1xi32>
        %parallel_loop3A_246 = vector.shape_cast %parallel_loop3A_245 : vector<16x1xi32> to vector<16xi32>
        %parallel_loop3A_247 = tpu.dynamic_gather %parallel_loop3A_214[%parallel_loop3A_246] in [0] : vector<16xf32>, vector<16xi32> -> vector<16xf32>
        %parallel_loop3A_248 = arith.cmpf ogt, %parallel_loop3A_223, %parallel_loop3A_247 : vector<16xf32>
        %parallel_loop3A_249 = arith.select %parallel_loop3A_248, %add3A_9, %add3A_6 : vector<16xi1>, vector<16xi32>
        %parallel_loop3A_250 = arith.addi %parallel_loop3A_237, %parallel_loop3A_237 : vector<16xi32>
        %parallel_loop3A_251 = arith.addi %parallel_loop3A_250, %parallel_loop3A_249 : vector<16xi32>
        %parallel_loop3A_252 = arith.constant 0 : i32
        %parallel_loop3A_253 = vector.broadcast %parallel_loop3A_252 : i32 to vector<16xi32>
        %parallel_loop3A_254 = arith.cmpi slt, %parallel_loop3A_251, %parallel_loop3A_253 : vector<16xi32>
        %parallel_loop3A_255 = arith.constant 16 : i32
        %parallel_loop3A_256 = vector.broadcast %parallel_loop3A_255 : i32 to vector<16xi32>
        %parallel_loop3A_257 = arith.addi %parallel_loop3A_251, %parallel_loop3A_256 : vector<16xi32>
        %parallel_loop3A_258 = arith.select %parallel_loop3A_254, %parallel_loop3A_257, %parallel_loop3A_251 : vector<16xi1>, vector<16xi32>
        %parallel_loop3A_259 = vector.shape_cast %parallel_loop3A_258 : vector<16xi32> to vector<16x1xi32>
        %parallel_loop3A_260 = vector.shape_cast %parallel_loop3A_259 : vector<16x1xi32> to vector<16xi32>
        %parallel_loop3A_261 = tpu.dynamic_gather %parallel_loop3A_214[%parallel_loop3A_260] in [0] : vector<16xf32>, vector<16xi32> -> vector<16xf32>
        %parallel_loop3A_262 = arith.cmpf ogt, %parallel_loop3A_223, %parallel_loop3A_261 : vector<16xf32>
        %parallel_loop3A_263 = arith.select %parallel_loop3A_262, %add3A_9, %add3A_6 : vector<16xi1>, vector<16xi32>
        %parallel_loop3A_264 = arith.addi %parallel_loop3A_251, %parallel_loop3A_251 : vector<16xi32>
        %parallel_loop3A_265 = arith.addi %parallel_loop3A_264, %parallel_loop3A_263 : vector<16xi32>
        %parallel_loop3A_266 = arith.constant 0 : i32
        %parallel_loop3A_267 = vector.broadcast %parallel_loop3A_266 : i32 to vector<16xi32>
        %parallel_loop3A_268 = arith.cmpi slt, %parallel_loop3A_265, %parallel_loop3A_267 : vector<16xi32>
        %parallel_loop3A_269 = arith.constant 16 : i32
        %parallel_loop3A_270 = vector.broadcast %parallel_loop3A_269 : i32 to vector<16xi32>
        %parallel_loop3A_271 = arith.addi %parallel_loop3A_265, %parallel_loop3A_270 : vector<16xi32>
        %parallel_loop3A_272 = arith.select %parallel_loop3A_268, %parallel_loop3A_271, %parallel_loop3A_265 : vector<16xi1>, vector<16xi32>
        %parallel_loop3A_273 = vector.shape_cast %parallel_loop3A_272 : vector<16xi32> to vector<16x1xi32>
        %parallel_loop3A_274 = vector.shape_cast %parallel_loop3A_273 : vector<16x1xi32> to vector<16xi32>
        %parallel_loop3A_275 = tpu.dynamic_gather %parallel_loop3A_214[%parallel_loop3A_274] in [0] : vector<16xf32>, vector<16xi32> -> vector<16xf32>
        %parallel_loop3A_276 = arith.cmpf ogt, %parallel_loop3A_223, %parallel_loop3A_275 : vector<16xf32>
        %parallel_loop3A_277 = arith.select %parallel_loop3A_276, %add3A_9, %add3A_6 : vector<16xi1>, vector<16xi32>
        %parallel_loop3A_278 = arith.addi %parallel_loop3A_265, %parallel_loop3A_265 : vector<16xi32>
        %parallel_loop3A_279 = arith.addi %parallel_loop3A_278, %parallel_loop3A_277 : vector<16xi32>
        %parallel_loop3A_280 = arith.subi %parallel_loop3A_279, %add3A_45 : vector<16xi32>
        %parallel_loop3A_281 = arith.constant 0 : i32
        %parallel_loop3A_282 = vector.broadcast %parallel_loop3A_281 : i32 to vector<16xi32>
        %parallel_loop3A_283 = arith.cmpi slt, %parallel_loop3A_280, %parallel_loop3A_282 : vector<16xi32>
        %parallel_loop3A_284 = arith.constant 16 : i32
        %parallel_loop3A_285 = vector.broadcast %parallel_loop3A_284 : i32 to vector<16xi32>
        %parallel_loop3A_286 = arith.addi %parallel_loop3A_280, %parallel_loop3A_285 : vector<16xi32>
        %parallel_loop3A_287 = arith.select %parallel_loop3A_283, %parallel_loop3A_286, %parallel_loop3A_280 : vector<16xi1>, vector<16xi32>
        %parallel_loop3A_288 = vector.shape_cast %parallel_loop3A_287 : vector<16xi32> to vector<16x1xi32>
        %parallel_loop3A_289 = vector.shape_cast %parallel_loop3A_288 : vector<16x1xi32> to vector<16xi32>
        %parallel_loop3A_290 = tpu.dynamic_gather %parallel_loop3A_190[%parallel_loop3A_289] in [0] : vector<16xf32>, vector<16xi32> -> vector<16xf32>
        %parallel_loop3A_291 = arith.index_cast %parallel_loop3A_179 : i32 to index
        %parallel_loop3A_292 = arith.index_cast %parallel_loop3A_218 : i32 to index
        %parallel_loop3A_293 = tpu.vector_load %arg10[%parallel_loop3A_291, %parallel_loop3A_292] {strides = array<i32>} : memref<8x2048xf32, #tpu.memory_space<vmem>>, vector<16xf32>,
        tpu.vector_store %arg10[%parallel_loop3A_291, %parallel_loop3A_292], %parallel_loop3A_290 {strides = array<i32>} : memref<8x2048xf32, #tpu.memory_space<vmem>>, vector<16xf32>,
        %parallel_loop3A_294 = arith.constant 64 : i32
        %parallel_loop3A_295 = arith.muli %parallel_loop3A_181, %parallel_loop3A_294 : i32
        %parallel_loop3A_296 = arith.constant 16 : i32
        %parallel_loop3A_297 = arith.addi %parallel_loop3A_295, %parallel_loop3A_296 : i32
        %parallel_loop3A_298 = arith.constant 2048 : i32
        %parallel_loop3A_299 = arith.addi %parallel_loop3A_298, %parallel_loop3A_297 : i32
        %parallel_loop3A_300 = arith.index_cast %parallel_loop3A_179 : i32 to index
        %parallel_loop3A_301 = arith.index_cast %parallel_loop3A_299 : i32 to index
        %parallel_loop3A_302 = tpu.vector_load %arg5[%parallel_loop3A_300, %parallel_loop3A_301] {strides = array<i32>} : memref<8x4096xf32, #tpu.memory_space<vmem>>, vector<16xf32>,
        %parallel_loop3A_303 = arith.constant 0 : i32
        %parallel_loop3A_304 = vector.broadcast %parallel_loop3A_303 : i32 to vector<16xi32>
        %parallel_loop3A_305 = arith.cmpi slt, %mul3A_3, %parallel_loop3A_304 : vector<16xi32>
        %parallel_loop3A_306 = arith.constant 16 : i32
        %parallel_loop3A_307 = vector.broadcast %parallel_loop3A_306 : i32 to vector<16xi32>
        %parallel_loop3A_308 = arith.addi %mul3A_3, %parallel_loop3A_307 : vector<16xi32>
        %parallel_loop3A_309 = arith.select %parallel_loop3A_305, %parallel_loop3A_308, %mul3A_3 : vector<16xi1>, vector<16xi32>
        %parallel_loop3A_310 = vector.shape_cast %parallel_loop3A_309 : vector<16xi32> to vector<16x1xi32>
        %parallel_loop3A_311 = vector.shape_cast %parallel_loop3A_310 : vector<16x1xi32> to vector<16xi32>
        %parallel_loop3A_312 = tpu.dynamic_gather %parallel_loop3A_214[%parallel_loop3A_311] in [0] : vector<16xf32>, vector<16xi32> -> vector<16xf32>
        %parallel_loop3A_313 = arith.cmpf ogt, %parallel_loop3A_302, %parallel_loop3A_312 : vector<16xf32>
        %parallel_loop3A_314 = arith.select %parallel_loop3A_313, %add3A_9, %add3A_6 : vector<16xi1>, vector<16xi32>
        %parallel_loop3A_315 = arith.addi %mul3A_3, %mul3A_3 : vector<16xi32>
        %parallel_loop3A_316 = arith.addi %parallel_loop3A_315, %parallel_loop3A_314 : vector<16xi32>
        %parallel_loop3A_317 = arith.constant 0 : i32
        %parallel_loop3A_318 = vector.broadcast %parallel_loop3A_317 : i32 to vector<16xi32>
        %parallel_loop3A_319 = arith.cmpi slt, %parallel_loop3A_316, %parallel_loop3A_318 : vector<16xi32>
        %parallel_loop3A_320 = arith.constant 16 : i32
        %parallel_loop3A_321 = vector.broadcast %parallel_loop3A_320 : i32 to vector<16xi32>
        %parallel_loop3A_322 = arith.addi %parallel_loop3A_316, %parallel_loop3A_321 : vector<16xi32>
        %parallel_loop3A_323 = arith.select %parallel_loop3A_319, %parallel_loop3A_322, %parallel_loop3A_316 : vector<16xi1>, vector<16xi32>
        %parallel_loop3A_324 = vector.shape_cast %parallel_loop3A_323 : vector<16xi32> to vector<16x1xi32>
        %parallel_loop3A_325 = vector.shape_cast %parallel_loop3A_324 : vector<16x1xi32> to vector<16xi32>
        %parallel_loop3A_326 = tpu.dynamic_gather %parallel_loop3A_214[%parallel_loop3A_325] in [0] : vector<16xf32>, vector<16xi32> -> vector<16xf32>
        %parallel_loop3A_327 = arith.cmpf ogt, %parallel_loop3A_302, %parallel_loop3A_326 : vector<16xf32>
        %parallel_loop3A_328 = arith.select %parallel_loop3A_327, %add3A_9, %add3A_6 : vector<16xi1>, vector<16xi32>
        %parallel_loop3A_329 = arith.addi %parallel_loop3A_316, %parallel_loop3A_316 : vector<16xi32>
        %parallel_loop3A_330 = arith.addi %parallel_loop3A_329, %parallel_loop3A_328 : vector<16xi32>
        %parallel_loop3A_331 = arith.constant 0 : i32
        %parallel_loop3A_332 = vector.broadcast %parallel_loop3A_331 : i32 to vector<16xi32>
        %parallel_loop3A_333 = arith.cmpi slt, %parallel_loop3A_330, %parallel_loop3A_332 : vector<16xi32>
        %parallel_loop3A_334 = arith.constant 16 : i32
        %parallel_loop3A_335 = vector.broadcast %parallel_loop3A_334 : i32 to vector<16xi32>
        %parallel_loop3A_336 = arith.addi %parallel_loop3A_330, %parallel_loop3A_335 : vector<16xi32>
        %parallel_loop3A_337 = arith.select %parallel_loop3A_333, %parallel_loop3A_336, %parallel_loop3A_330 : vector<16xi1>, vector<16xi32>
        %parallel_loop3A_338 = vector.shape_cast %parallel_loop3A_337 : vector<16xi32> to vector<16x1xi32>
        %parallel_loop3A_339 = vector.shape_cast %parallel_loop3A_338 : vector<16x1xi32> to vector<16xi32>
        %parallel_loop3A_340 = tpu.dynamic_gather %parallel_loop3A_214[%parallel_loop3A_339] in [0] : vector<16xf32>, vector<16xi32> -> vector<16xf32>
        %parallel_loop3A_341 = arith.cmpf ogt, %parallel_loop3A_302, %parallel_loop3A_340 : vector<16xf32>
        %parallel_loop3A_342 = arith.select %parallel_loop3A_341, %add3A_9, %add3A_6 : vector<16xi1>, vector<16xi32>
        %parallel_loop3A_343 = arith.addi %parallel_loop3A_330, %parallel_loop3A_330 : vector<16xi32>
        %parallel_loop3A_344 = arith.addi %parallel_loop3A_343, %parallel_loop3A_342 : vector<16xi32>
        %parallel_loop3A_345 = arith.constant 0 : i32
        %parallel_loop3A_346 = vector.broadcast %parallel_loop3A_345 : i32 to vector<16xi32>
        %parallel_loop3A_347 = arith.cmpi slt, %parallel_loop3A_344, %parallel_loop3A_346 : vector<16xi32>
        %parallel_loop3A_348 = arith.constant 16 : i32
        %parallel_loop3A_349 = vector.broadcast %parallel_loop3A_348 : i32 to vector<16xi32>
        %parallel_loop3A_350 = arith.addi %parallel_loop3A_344, %parallel_loop3A_349 : vector<16xi32>
        %parallel_loop3A_351 = arith.select %parallel_loop3A_347, %parallel_loop3A_350, %parallel_loop3A_344 : vector<16xi1>, vector<16xi32>
        %parallel_loop3A_352 = vector.shape_cast %parallel_loop3A_351 : vector<16xi32> to vector<16x1xi32>
        %parallel_loop3A_353 = vector.shape_cast %parallel_loop3A_352 : vector<16x1xi32> to vector<16xi32>
        %parallel_loop3A_354 = tpu.dynamic_gather %parallel_loop3A_214[%parallel_loop3A_353] in [0] : vector<16xf32>, vector<16xi32> -> vector<16xf32>
        %parallel_loop3A_355 = arith.cmpf ogt, %parallel_loop3A_302, %parallel_loop3A_354 : vector<16xf32>
        %parallel_loop3A_356 = arith.select %parallel_loop3A_355, %add3A_9, %add3A_6 : vector<16xi1>, vector<16xi32>
        %parallel_loop3A_357 = arith.addi %parallel_loop3A_344, %parallel_loop3A_344 : vector<16xi32>
        %parallel_loop3A_358 = arith.addi %parallel_loop3A_357, %parallel_loop3A_356 : vector<16xi32>
        %parallel_loop3A_359 = arith.subi %parallel_loop3A_358, %add3A_45 : vector<16xi32>
        %parallel_loop3A_360 = arith.constant 0 : i32
        %parallel_loop3A_361 = vector.broadcast %parallel_loop3A_360 : i32 to vector<16xi32>
        %parallel_loop3A_362 = arith.cmpi slt, %parallel_loop3A_359, %parallel_loop3A_361 : vector<16xi32>
        %parallel_loop3A_363 = arith.constant 16 : i32
        %parallel_loop3A_364 = vector.broadcast %parallel_loop3A_363 : i32 to vector<16xi32>
        %parallel_loop3A_365 = arith.addi %parallel_loop3A_359, %parallel_loop3A_364 : vector<16xi32>
        %parallel_loop3A_366 = arith.select %parallel_loop3A_362, %parallel_loop3A_365, %parallel_loop3A_359 : vector<16xi1>, vector<16xi32>
        %parallel_loop3A_367 = vector.shape_cast %parallel_loop3A_366 : vector<16xi32> to vector<16x1xi32>
        %parallel_loop3A_368 = vector.shape_cast %parallel_loop3A_367 : vector<16x1xi32> to vector<16xi32>
        %parallel_loop3A_369 = tpu.dynamic_gather %parallel_loop3A_190[%parallel_loop3A_368] in [0] : vector<16xf32>, vector<16xi32> -> vector<16xf32>
        %parallel_loop3A_370 = arith.index_cast %parallel_loop3A_179 : i32 to index
        %parallel_loop3A_371 = arith.index_cast %parallel_loop3A_297 : i32 to index
        %parallel_loop3A_372 = tpu.vector_load %arg10[%parallel_loop3A_370, %parallel_loop3A_371] {strides = array<i32>} : memref<8x2048xf32, #tpu.memory_space<vmem>>, vector<16xf32>,
        tpu.vector_store %arg10[%parallel_loop3A_370, %parallel_loop3A_371], %parallel_loop3A_369 {strides = array<i32>} : memref<8x2048xf32, #tpu.memory_space<vmem>>, vector<16xf32>,
        %parallel_loop3A_373 = arith.constant 64 : i32
        %parallel_loop3A_374 = arith.muli %parallel_loop3A_181, %parallel_loop3A_373 : i32
        %parallel_loop3A_375 = arith.constant 32 : i32
        %parallel_loop3A_376 = arith.addi %parallel_loop3A_374, %parallel_loop3A_375 : i32
        %parallel_loop3A_377 = arith.constant 2048 : i32
        %parallel_loop3A_378 = arith.addi %parallel_loop3A_377, %parallel_loop3A_376 : i32
        %parallel_loop3A_379 = arith.index_cast %parallel_loop3A_179 : i32 to index
        %parallel_loop3A_380 = arith.index_cast %parallel_loop3A_378 : i32 to index
        %parallel_loop3A_381 = tpu.vector_load %arg5[%parallel_loop3A_379, %parallel_loop3A_380] {strides = array<i32>} : memref<8x4096xf32, #tpu.memory_space<vmem>>, vector<16xf32>,
        %parallel_loop3A_382 = arith.constant 0 : i32
        %parallel_loop3A_383 = vector.broadcast %parallel_loop3A_382 : i32 to vector<16xi32>
        %parallel_loop3A_384 = arith.cmpi slt, %mul3A_3, %parallel_loop3A_383 : vector<16xi32>
        %parallel_loop3A_385 = arith.constant 16 : i32
        %parallel_loop3A_386 = vector.broadcast %parallel_loop3A_385 : i32 to vector<16xi32>
        %parallel_loop3A_387 = arith.addi %mul3A_3, %parallel_loop3A_386 : vector<16xi32>
        %parallel_loop3A_388 = arith.select %parallel_loop3A_384, %parallel_loop3A_387, %mul3A_3 : vector<16xi1>, vector<16xi32>
        %parallel_loop3A_389 = vector.shape_cast %parallel_loop3A_388 : vector<16xi32> to vector<16x1xi32>
        %parallel_loop3A_390 = vector.shape_cast %parallel_loop3A_389 : vector<16x1xi32> to vector<16xi32>
        %parallel_loop3A_391 = tpu.dynamic_gather %parallel_loop3A_214[%parallel_loop3A_390] in [0] : vector<16xf32>, vector<16xi32> -> vector<16xf32>
        %parallel_loop3A_392 = arith.cmpf ogt, %parallel_loop3A_381, %parallel_loop3A_391 : vector<16xf32>
        %parallel_loop3A_393 = arith.select %parallel_loop3A_392, %add3A_9, %add3A_6 : vector<16xi1>, vector<16xi32>
        %parallel_loop3A_394 = arith.addi %mul3A_3, %mul3A_3 : vector<16xi32>
        %parallel_loop3A_395 = arith.addi %parallel_loop3A_394, %parallel_loop3A_393 : vector<16xi32>
        %parallel_loop3A_396 = arith.constant 0 : i32
        %parallel_loop3A_397 = vector.broadcast %parallel_loop3A_396 : i32 to vector<16xi32>
        %parallel_loop3A_398 = arith.cmpi slt, %parallel_loop3A_395, %parallel_loop3A_397 : vector<16xi32>
        %parallel_loop3A_399 = arith.constant 16 : i32
        %parallel_loop3A_400 = vector.broadcast %parallel_loop3A_399 : i32 to vector<16xi32>
        %parallel_loop3A_401 = arith.addi %parallel_loop3A_395, %parallel_loop3A_400 : vector<16xi32>
        %parallel_loop3A_402 = arith.select %parallel_loop3A_398, %parallel_loop3A_401, %parallel_loop3A_395 : vector<16xi1>, vector<16xi32>
        %parallel_loop3A_403 = vector.shape_cast %parallel_loop3A_402 : vector<16xi32> to vector<16x1xi32>
        %parallel_loop3A_404 = vector.shape_cast %parallel_loop3A_403 : vector<16x1xi32> to vector<16xi32>
        %parallel_loop3A_405 = tpu.dynamic_gather %parallel_loop3A_214[%parallel_loop3A_404] in [0] : vector<16xf32>, vector<16xi32> -> vector<16xf32>
        %parallel_loop3A_406 = arith.cmpf ogt, %parallel_loop3A_381, %parallel_loop3A_405 : vector<16xf32>
        %parallel_loop3A_407 = arith.select %parallel_loop3A_406, %add3A_9, %add3A_6 : vector<16xi1>, vector<16xi32>
        %parallel_loop3A_408 = arith.addi %parallel_loop3A_395, %parallel_loop3A_395 : vector<16xi32>
        %parallel_loop3A_409 = arith.addi %parallel_loop3A_408, %parallel_loop3A_407 : vector<16xi32>
        %parallel_loop3A_410 = arith.constant 0 : i32
        %parallel_loop3A_411 = vector.broadcast %parallel_loop3A_410 : i32 to vector<16xi32>
        %parallel_loop3A_412 = arith.cmpi slt, %parallel_loop3A_409, %parallel_loop3A_411 : vector<16xi32>
        %parallel_loop3A_413 = arith.constant 16 : i32
        %parallel_loop3A_414 = vector.broadcast %parallel_loop3A_413 : i32 to vector<16xi32>
        %parallel_loop3A_415 = arith.addi %parallel_loop3A_409, %parallel_loop3A_414 : vector<16xi32>
        %parallel_loop3A_416 = arith.select %parallel_loop3A_412, %parallel_loop3A_415, %parallel_loop3A_409 : vector<16xi1>, vector<16xi32>
        %parallel_loop3A_417 = vector.shape_cast %parallel_loop3A_416 : vector<16xi32> to vector<16x1xi32>
        %parallel_loop3A_418 = vector.shape_cast %parallel_loop3A_417 : vector<16x1xi32> to vector<16xi32>
        %parallel_loop3A_419 = tpu.dynamic_gather %parallel_loop3A_214[%parallel_loop3A_418] in [0] : vector<16xf32>, vector<16xi32> -> vector<16xf32>
        %parallel_loop3A_420 = arith.cmpf ogt, %parallel_loop3A_381, %parallel_loop3A_419 : vector<16xf32>
        %parallel_loop3A_421 = arith.select %parallel_loop3A_420, %add3A_9, %add3A_6 : vector<16xi1>, vector<16xi32>
        %parallel_loop3A_422 = arith.addi %parallel_loop3A_409, %parallel_loop3A_409 : vector<16xi32>
        %parallel_loop3A_423 = arith.addi %parallel_loop3A_422, %parallel_loop3A_421 : vector<16xi32>
        %parallel_loop3A_424 = arith.constant 0 : i32
        %parallel_loop3A_425 = vector.broadcast %parallel_loop3A_424 : i32 to vector<16xi32>
        %parallel_loop3A_426 = arith.cmpi slt, %parallel_loop3A_423, %parallel_loop3A_425 : vector<16xi32>
        %parallel_loop3A_427 = arith.constant 16 : i32
        %parallel_loop3A_428 = vector.broadcast %parallel_loop3A_427 : i32 to vector<16xi32>
        %parallel_loop3A_429 = arith.addi %parallel_loop3A_423, %parallel_loop3A_428 : vector<16xi32>
        %parallel_loop3A_430 = arith.select %parallel_loop3A_426, %parallel_loop3A_429, %parallel_loop3A_423 : vector<16xi1>, vector<16xi32>
        %parallel_loop3A_431 = vector.shape_cast %parallel_loop3A_430 : vector<16xi32> to vector<16x1xi32>
        %parallel_loop3A_432 = vector.shape_cast %parallel_loop3A_431 : vector<16x1xi32> to vector<16xi32>
        %parallel_loop3A_433 = tpu.dynamic_gather %parallel_loop3A_214[%parallel_loop3A_432] in [0] : vector<16xf32>, vector<16xi32> -> vector<16xf32>
        %parallel_loop3A_434 = arith.cmpf ogt, %parallel_loop3A_381, %parallel_loop3A_433 : vector<16xf32>
        %parallel_loop3A_435 = arith.select %parallel_loop3A_434, %add3A_9, %add3A_6 : vector<16xi1>, vector<16xi32>
        %parallel_loop3A_436 = arith.addi %parallel_loop3A_423, %parallel_loop3A_423 : vector<16xi32>
        %parallel_loop3A_437 = arith.addi %parallel_loop3A_436, %parallel_loop3A_435 : vector<16xi32>
        %parallel_loop3A_438 = arith.subi %parallel_loop3A_437, %add3A_45 : vector<16xi32>
        %parallel_loop3A_439 = arith.constant 0 : i32
        %parallel_loop3A_440 = vector.broadcast %parallel_loop3A_439 : i32 to vector<16xi32>
        %parallel_loop3A_441 = arith.cmpi slt, %parallel_loop3A_438, %parallel_loop3A_440 : vector<16xi32>
        %parallel_loop3A_442 = arith.constant 16 : i32
        %parallel_loop3A_443 = vector.broadcast %parallel_loop3A_442 : i32 to vector<16xi32>
        %parallel_loop3A_444 = arith.addi %parallel_loop3A_438, %parallel_loop3A_443 : vector<16xi32>
        %parallel_loop3A_445 = arith.select %parallel_loop3A_441, %parallel_loop3A_444, %parallel_loop3A_438 : vector<16xi1>, vector<16xi32>
        %parallel_loop3A_446 = vector.shape_cast %parallel_loop3A_445 : vector<16xi32> to vector<16x1xi32>
        %parallel_loop3A_447 = vector.shape_cast %parallel_loop3A_446 : vector<16x1xi32> to vector<16xi32>
        %parallel_loop3A_448 = tpu.dynamic_gather %parallel_loop3A_190[%parallel_loop3A_447] in [0] : vector<16xf32>, vector<16xi32> -> vector<16xf32>
        %parallel_loop3A_449 = arith.index_cast %parallel_loop3A_179 : i32 to index
        %parallel_loop3A_450 = arith.index_cast %parallel_loop3A_376 : i32 to index
        %parallel_loop3A_451 = tpu.vector_load %arg10[%parallel_loop3A_449, %parallel_loop3A_450] {strides = array<i32>} : memref<8x2048xf32, #tpu.memory_space<vmem>>, vector<16xf32>,
        tpu.vector_store %arg10[%parallel_loop3A_449, %parallel_loop3A_450], %parallel_loop3A_448 {strides = array<i32>} : memref<8x2048xf32, #tpu.memory_space<vmem>>, vector<16xf32>,
        %parallel_loop3A_452 = arith.constant 64 : i32
        %parallel_loop3A_453 = arith.muli %parallel_loop3A_181, %parallel_loop3A_452 : i32
        %parallel_loop3A_454 = arith.constant 48 : i32
        %parallel_loop3A_455 = arith.addi %parallel_loop3A_453, %parallel_loop3A_454 : i32
        %parallel_loop3A_456 = arith.constant 2048 : i32
        %parallel_loop3A_457 = arith.addi %parallel_loop3A_456, %parallel_loop3A_455 : i32
        %parallel_loop3A_458 = arith.index_cast %parallel_loop3A_179 : i32 to index
        %parallel_loop3A_459 = arith.index_cast %parallel_loop3A_457 : i32 to index
        %parallel_loop3A_460 = tpu.vector_load %arg5[%parallel_loop3A_458, %parallel_loop3A_459] {strides = array<i32>} : memref<8x4096xf32, #tpu.memory_space<vmem>>, vector<16xf32>,
        %parallel_loop3A_461 = arith.constant 0 : i32
        %parallel_loop3A_462 = vector.broadcast %parallel_loop3A_461 : i32 to vector<16xi32>
        %parallel_loop3A_463 = arith.cmpi slt, %mul3A_3, %parallel_loop3A_462 : vector<16xi32>
        %parallel_loop3A_464 = arith.constant 16 : i32
        %parallel_loop3A_465 = vector.broadcast %parallel_loop3A_464 : i32 to vector<16xi32>
        %parallel_loop3A_466 = arith.addi %mul3A_3, %parallel_loop3A_465 : vector<16xi32>
        %parallel_loop3A_467 = arith.select %parallel_loop3A_463, %parallel_loop3A_466, %mul3A_3 : vector<16xi1>, vector<16xi32>
        %parallel_loop3A_468 = vector.shape_cast %parallel_loop3A_467 : vector<16xi32> to vector<16x1xi32>
        %parallel_loop3A_469 = vector.shape_cast %parallel_loop3A_468 : vector<16x1xi32> to vector<16xi32>
        %parallel_loop3A_470 = tpu.dynamic_gather %parallel_loop3A_214[%parallel_loop3A_469] in [0] : vector<16xf32>, vector<16xi32> -> vector<16xf32>
        %parallel_loop3A_471 = arith.cmpf ogt, %parallel_loop3A_460, %parallel_loop3A_470 : vector<16xf32>
        %parallel_loop3A_472 = arith.select %parallel_loop3A_471, %add3A_9, %add3A_6 : vector<16xi1>, vector<16xi32>
        %parallel_loop3A_473 = arith.addi %mul3A_3, %mul3A_3 : vector<16xi32>
        %parallel_loop3A_474 = arith.addi %parallel_loop3A_473, %parallel_loop3A_472 : vector<16xi32>
        %parallel_loop3A_475 = arith.constant 0 : i32
        %parallel_loop3A_476 = vector.broadcast %parallel_loop3A_475 : i32 to vector<16xi32>
        %parallel_loop3A_477 = arith.cmpi slt, %parallel_loop3A_474, %parallel_loop3A_476 : vector<16xi32>
        %parallel_loop3A_478 = arith.constant 16 : i32
        %parallel_loop3A_479 = vector.broadcast %parallel_loop3A_478 : i32 to vector<16xi32>
        %parallel_loop3A_480 = arith.addi %parallel_loop3A_474, %parallel_loop3A_479 : vector<16xi32>
        %parallel_loop3A_481 = arith.select %parallel_loop3A_477, %parallel_loop3A_480, %parallel_loop3A_474 : vector<16xi1>, vector<16xi32>
        %parallel_loop3A_482 = vector.shape_cast %parallel_loop3A_481 : vector<16xi32> to vector<16x1xi32>
        %parallel_loop3A_483 = vector.shape_cast %parallel_loop3A_482 : vector<16x1xi32> to vector<16xi32>
        %parallel_loop3A_484 = tpu.dynamic_gather %parallel_loop3A_214[%parallel_loop3A_483] in [0] : vector<16xf32>, vector<16xi32> -> vector<16xf32>
        %parallel_loop3A_485 = arith.cmpf ogt, %parallel_loop3A_460, %parallel_loop3A_484 : vector<16xf32>
        %parallel_loop3A_486 = arith.select %parallel_loop3A_485, %add3A_9, %add3A_6 : vector<16xi1>, vector<16xi32>
        %parallel_loop3A_487 = arith.addi %parallel_loop3A_474, %parallel_loop3A_474 : vector<16xi32>
        %parallel_loop3A_488 = arith.addi %parallel_loop3A_487, %parallel_loop3A_486 : vector<16xi32>
        %parallel_loop3A_489 = arith.constant 0 : i32
        %parallel_loop3A_490 = vector.broadcast %parallel_loop3A_489 : i32 to vector<16xi32>
        %parallel_loop3A_491 = arith.cmpi slt, %parallel_loop3A_488, %parallel_loop3A_490 : vector<16xi32>
        %parallel_loop3A_492 = arith.constant 16 : i32
        %parallel_loop3A_493 = vector.broadcast %parallel_loop3A_492 : i32 to vector<16xi32>
        %parallel_loop3A_494 = arith.addi %parallel_loop3A_488, %parallel_loop3A_493 : vector<16xi32>
        %parallel_loop3A_495 = arith.select %parallel_loop3A_491, %parallel_loop3A_494, %parallel_loop3A_488 : vector<16xi1>, vector<16xi32>
        %parallel_loop3A_496 = vector.shape_cast %parallel_loop3A_495 : vector<16xi32> to vector<16x1xi32>
        %parallel_loop3A_497 = vector.shape_cast %parallel_loop3A_496 : vector<16x1xi32> to vector<16xi32>
        %parallel_loop3A_498 = tpu.dynamic_gather %parallel_loop3A_214[%parallel_loop3A_497] in [0] : vector<16xf32>, vector<16xi32> -> vector<16xf32>
        %parallel_loop3A_499 = arith.cmpf ogt, %parallel_loop3A_460, %parallel_loop3A_498 : vector<16xf32>
        %parallel_loop3A_500 = arith.select %parallel_loop3A_499, %add3A_9, %add3A_6 : vector<16xi1>, vector<16xi32>
        %parallel_loop3A_501 = arith.addi %parallel_loop3A_488, %parallel_loop3A_488 : vector<16xi32>
        %parallel_loop3A_502 = arith.addi %parallel_loop3A_501, %parallel_loop3A_500 : vector<16xi32>
        %parallel_loop3A_503 = arith.constant 0 : i32
        %parallel_loop3A_504 = vector.broadcast %parallel_loop3A_503 : i32 to vector<16xi32>
        %parallel_loop3A_505 = arith.cmpi slt, %parallel_loop3A_502, %parallel_loop3A_504 : vector<16xi32>
        %parallel_loop3A_506 = arith.constant 16 : i32
        %parallel_loop3A_507 = vector.broadcast %parallel_loop3A_506 : i32 to vector<16xi32>
        %parallel_loop3A_508 = arith.addi %parallel_loop3A_502, %parallel_loop3A_507 : vector<16xi32>
        %parallel_loop3A_509 = arith.select %parallel_loop3A_505, %parallel_loop3A_508, %parallel_loop3A_502 : vector<16xi1>, vector<16xi32>
        %parallel_loop3A_510 = vector.shape_cast %parallel_loop3A_509 : vector<16xi32> to vector<16x1xi32>
        %parallel_loop3A_511 = vector.shape_cast %parallel_loop3A_510 : vector<16x1xi32> to vector<16xi32>
        %parallel_loop3A_512 = tpu.dynamic_gather %parallel_loop3A_214[%parallel_loop3A_511] in [0] : vector<16xf32>, vector<16xi32> -> vector<16xf32>
        %parallel_loop3A_513 = arith.cmpf ogt, %parallel_loop3A_460, %parallel_loop3A_512 : vector<16xf32>
        %parallel_loop3A_514 = arith.select %parallel_loop3A_513, %add3A_9, %add3A_6 : vector<16xi1>, vector<16xi32>
        %parallel_loop3A_515 = arith.addi %parallel_loop3A_502, %parallel_loop3A_502 : vector<16xi32>
        %parallel_loop3A_516 = arith.addi %parallel_loop3A_515, %parallel_loop3A_514 : vector<16xi32>
        %parallel_loop3A_517 = arith.subi %parallel_loop3A_516, %add3A_45 : vector<16xi32>
        %parallel_loop3A_518 = arith.constant 0 : i32
        %parallel_loop3A_519 = vector.broadcast %parallel_loop3A_518 : i32 to vector<16xi32>
        %parallel_loop3A_520 = arith.cmpi slt, %parallel_loop3A_517, %parallel_loop3A_519 : vector<16xi32>
        %parallel_loop3A_521 = arith.constant 16 : i32
        %parallel_loop3A_522 = vector.broadcast %parallel_loop3A_521 : i32 to vector<16xi32>
        %parallel_loop3A_523 = arith.addi %parallel_loop3A_517, %parallel_loop3A_522 : vector<16xi32>
        %parallel_loop3A_524 = arith.select %parallel_loop3A_520, %parallel_loop3A_523, %parallel_loop3A_517 : vector<16xi1>, vector<16xi32>
        %parallel_loop3A_525 = vector.shape_cast %parallel_loop3A_524 : vector<16xi32> to vector<16x1xi32>
        %parallel_loop3A_526 = vector.shape_cast %parallel_loop3A_525 : vector<16x1xi32> to vector<16xi32>
        %parallel_loop3A_527 = tpu.dynamic_gather %parallel_loop3A_190[%parallel_loop3A_526] in [0] : vector<16xf32>, vector<16xi32> -> vector<16xf32>
        %parallel_loop3A_528 = arith.index_cast %parallel_loop3A_179 : i32 to index
        %parallel_loop3A_529 = arith.index_cast %parallel_loop3A_455 : i32 to index
        %parallel_loop3A_530 = tpu.vector_load %arg10[%parallel_loop3A_528, %parallel_loop3A_529] {strides = array<i32>} : memref<8x2048xf32, #tpu.memory_space<vmem>>, vector<16xf32>,
        tpu.vector_store %arg10[%parallel_loop3A_528, %parallel_loop3A_529], %parallel_loop3A_527 {strides = array<i32>} : memref<8x2048xf32, #tpu.memory_space<vmem>>, vector<16xf32>,
      } {sc.loop_unroll_factor = 4 : i64, sc.parallel_access}
      %mul3A_119 = arith.constant 8 : i32
      %mul3A_120 = arith.muli %add3A_84, %mul3A_119 : i32
      %dma_start3A_121 = arith.constant 2048 : i32
      %dma_start3A_122 = tpu.memref_slice %arg4[%mul3A_120, %dma_start3A_121] : memref<2048x4096xf32, #tpu.memory_space<hbm>> -> memref<8x2048xf32, #tpu.memory_space<hbm>>
      %dma_start3A_123 = arith.constant 2048 : i32
      %dma_start3A_124 = tpu.memref_slice %arg4[%mul3A_120, %dma_start3A_123] : memref<2048x4096xf32, #tpu.memory_space<hbm>> -> memref<8x2048xf32, #tpu.memory_space<hbm>>
      tpu.enqueue_dma source(%arg10 : memref<8x2048xf32, #tpu.memory_space<vmem>>) target(%dma_start3A_124 : memref<8x2048xf32, #tpu.memory_space<hbm>>) target_semaphore(%arg14 : memref<!tpu.dma_semaphore, #tpu.memory_space<semaphore_mem>>)
      %mul3A_125 = arith.constant 2 : i32
      %mul3A_126 = arith.muli %mul3A_125, %scan3A_77 : i32
      %add3A_127 = arith.constant 1 : i32
      %add3A_128 = arith.addi %mul3A_126, %add3A_127 : i32
      %mul3A_129 = arith.constant 8 : i32
      %mul3A_130 = arith.muli %add3A, %mul3A_129 : i32
      %add3A_131 = arith.addi %mul3A_130, %add3A_128 : i32
      %dma_wait3A_132 = arith.constant 0 : i32
      %dma_wait3A_133 = arith.constant 0 : i32
      %dma_wait3A_134 = tpu.memref_slice %arg2[%dma_wait3A_132, %dma_wait3A_133] : memref<2048x4096xf32, #tpu.memory_space<hbm>> -> memref<8x4096xf32, #tpu.memory_space<hbm>>
      %dma_wait3A_135 = arith.constant 0 : i32
      %dma_wait3A_136 = arith.constant 0 : i32
      %dma_wait3A_137 = tpu.memref_slice %arg2[%dma_wait3A_135, %dma_wait3A_136] : memref<2048x4096xf32, #tpu.memory_space<hbm>> -> memref<8x4096xf32, #tpu.memory_space<hbm>>
      tpu.wait_dma2 semaphore(%arg12 : memref<!tpu.dma_semaphore, #tpu.memory_space<semaphore_mem>>) src(%dma_wait3A_137 : memref<8x4096xf32, #tpu.memory_space<hbm>>) dst(%arg6 : memref<8x4096xf32, #tpu.memory_space<vmem>>)
      %dma_wait3A_138 = arith.constant 0 : i32
      %dma_wait3A_139 = tpu.memref_slice %arg3[%dma_wait3A_138] : memref<2097152xf32, #tpu.memory_space<hbm>> -> memref<8192xf32, #tpu.memory_space<hbm>>
      %dma_wait3A_140 = arith.constant 0 : i32
      %dma_wait3A_141 = tpu.memref_slice %arg3[%dma_wait3A_140] : memref<2097152xf32, #tpu.memory_space<hbm>> -> memref<8192xf32, #tpu.memory_space<hbm>>
      tpu.wait_dma2 semaphore(%arg12 : memref<!tpu.dma_semaphore, #tpu.memory_space<semaphore_mem>>) src(%dma_wait3A_141 : memref<8192xf32, #tpu.memory_space<hbm>>) dst(%arg8 : memref<8192xf32, #tpu.memory_space<vmem>>)
      %add3A_142 = arith.constant 1 : i32
      %add3A_143 = arith.addi %add3A_128, %add3A_142 : i32
      %lt3A_144 = arith.constant 8 : i32
      %lt3A_145 = arith.cmpi slt, %add3A_143, %lt3A_144 : i32
      %convert_element_type3A_146 = arith.extui %lt3A_145 : i1 to i32
      %cond3A_147 = arith.constant 0 : i32
      %cond3A_148 = arith.cmpi ne, %convert_element_type3A_146, %cond3A_147 : i32
      scf.if %cond3A_148 {
        %add3A_177 = arith.constant 1 : i32
        %add3A_178 = arith.addi %add3A_128, %add3A_177 : i32
        %mul3A_179 = arith.constant 8 : i32
        %mul3A_180 = arith.muli %add3A, %mul3A_179 : i32
        %add3A_181 = arith.addi %mul3A_180, %add3A_178 : i32
        %mul3A_182 = arith.constant 8 : i32
        %mul3A_183 = arith.muli %add3A_181, %mul3A_182 : i32
        %dma_start3A_184 = arith.constant 0 : i32
        %dma_start3A_185 = tpu.memref_slice %arg2[%mul3A_183, %dma_start3A_184] : memref<2048x4096xf32, #tpu.memory_space<hbm>> -> memref<8x4096xf32, #tpu.memory_space<hbm>>
        %dma_start3A_186 = arith.constant 0 : i32
        %dma_start3A_187 = tpu.memref_slice %arg2[%mul3A_183, %dma_start3A_186] : memref<2048x4096xf32, #tpu.memory_space<hbm>> -> memref<8x4096xf32, #tpu.memory_space<hbm>>
        tpu.enqueue_dma source(%dma_start3A_187 : memref<8x4096xf32, #tpu.memory_space<hbm>>) target(%arg5 : memref<8x4096xf32, #tpu.memory_space<vmem>>) target_semaphore(%arg11 : memref<!tpu.dma_semaphore, #tpu.memory_space<semaphore_mem>>)
        %mul3A_188 = arith.constant 512 : i32
        %mul3A_189 = arith.muli %add3A_181, %mul3A_188 : i32
        %mul3A_190 = arith.constant 16 : i32
        %mul3A_191 = arith.muli %mul3A_189, %mul3A_190 : i32
        %dma_start3A_192 = tpu.memref_slice %arg3[%mul3A_191] : memref<2097152xf32, #tpu.memory_space<hbm>> -> memref<8192xf32, #tpu.memory_space<hbm>>
        %dma_start3A_193 = tpu.memref_slice %arg3[%mul3A_191] : memref<2097152xf32, #tpu.memory_space<hbm>> -> memref<8192xf32, #tpu.memory_space<hbm>>
        tpu.enqueue_dma source(%dma_start3A_193 : memref<8192xf32, #tpu.memory_space<hbm>>) target(%arg7 : memref<8192xf32, #tpu.memory_space<vmem>>) target_semaphore(%arg11 : memref<!tpu.dma_semaphore, #tpu.memory_space<semaphore_mem>>)
      } else {
      }
      %gt3A_149 = arith.constant 0 : i32
      %gt3A_150 = arith.cmpi sgt, %add3A_128, %gt3A_149 : i32
      %convert_element_type3A_151 = arith.extui %gt3A_150 : i1 to i32
      %cond3A_152 = arith.constant 0 : i32
      %cond3A_153 = arith.cmpi ne, %convert_element_type3A_151, %cond3A_152 : i32
      scf.if %cond3A_153 {
        %dma_wait3A_177 = arith.constant 0 : i32
        %dma_wait3A_178 = arith.constant 0 : i32
        %dma_wait3A_179 = tpu.memref_slice %arg4[%dma_wait3A_177, %dma_wait3A_178] : memref<2048x4096xf32, #tpu.memory_space<hbm>> -> memref<8x2048xf32, #tpu.memory_space<hbm>>
        %dma_wait3A_180 = arith.constant 0 : i32
        %dma_wait3A_181 = arith.constant 0 : i32
        %dma_wait3A_182 = tpu.memref_slice %arg4[%dma_wait3A_180, %dma_wait3A_181] : memref<2048x4096xf32, #tpu.memory_space<hbm>> -> memref<8x2048xf32, #tpu.memory_space<hbm>>
        tpu.wait_dma2 semaphore(%arg13 : memref<!tpu.dma_semaphore, #tpu.memory_space<semaphore_mem>>) src(%dma_wait3A_182 : memref<8x2048xf32, #tpu.memory_space<hbm>>) dst(%arg9 : memref<8x2048xf32, #tpu.memory_space<vmem>>)
      } else {
      }
      %parallel_loop3A_154 = arith.constant 0 : i32
      %parallel_loop3A_155 = arith.constant 256 : i32
      %parallel_loop3A_156 = arith.constant 1 : i32
      scf.for %parallel_loop3A_177 = %parallel_loop3A_154 to %parallel_loop3A_155 step %parallel_loop3A_156  : i32 {
        %parallel_loop3A_178 = arith.constant 5 : i32
        %parallel_loop3A_179 = arith.shrsi %parallel_loop3A_177, %parallel_loop3A_178 : i32
        %parallel_loop3A_180 = arith.constant 31 : i32
        %parallel_loop3A_181 = arith.andi %parallel_loop3A_177, %parallel_loop3A_180 : i32
        %parallel_loop3A_182 = arith.constant 64 : i32
        %parallel_loop3A_183 = arith.muli %parallel_loop3A_179, %parallel_loop3A_182 : i32
        %parallel_loop3A_184 = arith.constant 0 : i32
        %parallel_loop3A_185 = arith.addi %parallel_loop3A_183, %parallel_loop3A_184 : i32
        %parallel_loop3A_186 = arith.addi %parallel_loop3A_185, %parallel_loop3A_181 : i32
        %parallel_loop3A_187 = arith.constant 16 : i32
        %parallel_loop3A_188 = arith.muli %parallel_loop3A_186, %parallel_loop3A_187 : i32
        %parallel_loop3A_189 = arith.index_cast %parallel_loop3A_188 : i32 to index
        %parallel_loop3A_190 = tpu.vector_load %arg8[%parallel_loop3A_189] {strides = array<i32>} : memref<8192xf32, #tpu.memory_space<vmem>>, vector<16xf32>,
        %parallel_loop3A_191 = arith.constant 0 : i32
        %parallel_loop3A_192 = vector.broadcast %parallel_loop3A_191 : i32 to vector<16xi32>
        %parallel_loop3A_193 = arith.cmpi slt, %max3A, %parallel_loop3A_192 : vector<16xi32>
        %parallel_loop3A_194 = arith.constant 16 : i32
        %parallel_loop3A_195 = vector.broadcast %parallel_loop3A_194 : i32 to vector<16xi32>
        %parallel_loop3A_196 = arith.addi %max3A, %parallel_loop3A_195 : vector<16xi32>
        %parallel_loop3A_197 = arith.select %parallel_loop3A_193, %parallel_loop3A_196, %max3A : vector<16xi1>, vector<16xi32>
        %parallel_loop3A_198 = vector.shape_cast %parallel_loop3A_197 : vector<16xi32> to vector<16x1xi32>
        %parallel_loop3A_199 = vector.shape_cast %parallel_loop3A_198 : vector<16x1xi32> to vector<16xi32>
        %parallel_loop3A_200 = tpu.dynamic_gather %parallel_loop3A_190[%parallel_loop3A_199] in [0] : vector<16xf32>, vector<16xi32> -> vector<16xf32>
        %parallel_loop3A_201 = arith.constant 0 : i32
        %parallel_loop3A_202 = vector.broadcast %parallel_loop3A_201 : i32 to vector<16xi32>
        %parallel_loop3A_203 = arith.cmpi slt, %add3A_42, %parallel_loop3A_202 : vector<16xi32>
        %parallel_loop3A_204 = arith.constant 16 : i32
        %parallel_loop3A_205 = vector.broadcast %parallel_loop3A_204 : i32 to vector<16xi32>
        %parallel_loop3A_206 = arith.addi %add3A_42, %parallel_loop3A_205 : vector<16xi32>
        %parallel_loop3A_207 = arith.select %parallel_loop3A_203, %parallel_loop3A_206, %add3A_42 : vector<16xi1>, vector<16xi32>
        %parallel_loop3A_208 = vector.shape_cast %parallel_loop3A_207 : vector<16xi32> to vector<16x1xi32>
        %parallel_loop3A_209 = vector.shape_cast %parallel_loop3A_208 : vector<16x1xi32> to vector<16xi32>
        %parallel_loop3A_210 = tpu.dynamic_gather %parallel_loop3A_190[%parallel_loop3A_209] in [0] : vector<16xf32>, vector<16xi32> -> vector<16xf32>
        %parallel_loop3A_211 = arith.addf %parallel_loop3A_200, %parallel_loop3A_210 : vector<16xf32>
        %parallel_loop3A_212 = arith.constant 5.000000e-01 : f32
        %parallel_loop3A_213 = vector.broadcast %parallel_loop3A_212 : f32 to vector<16xf32>
        %parallel_loop3A_214 = arith.mulf %parallel_loop3A_211, %parallel_loop3A_213 : vector<16xf32>
        %parallel_loop3A_215 = arith.constant 64 : i32
        %parallel_loop3A_216 = arith.muli %parallel_loop3A_181, %parallel_loop3A_215 : i32
        %parallel_loop3A_217 = arith.constant 0 : i32
        %parallel_loop3A_218 = arith.addi %parallel_loop3A_216, %parallel_loop3A_217 : i32
        %parallel_loop3A_219 = arith.constant 0 : i32
        %parallel_loop3A_220 = arith.addi %parallel_loop3A_219, %parallel_loop3A_218 : i32
        %parallel_loop3A_221 = arith.index_cast %parallel_loop3A_179 : i32 to index
        %parallel_loop3A_222 = arith.index_cast %parallel_loop3A_220 : i32 to index
        %parallel_loop3A_223 = tpu.vector_load %arg6[%parallel_loop3A_221, %parallel_loop3A_222] {strides = array<i32>} : memref<8x4096xf32, #tpu.memory_space<vmem>>, vector<16xf32>,
        %parallel_loop3A_224 = arith.constant 0 : i32
        %parallel_loop3A_225 = vector.broadcast %parallel_loop3A_224 : i32 to vector<16xi32>
        %parallel_loop3A_226 = arith.cmpi slt, %mul3A_3, %parallel_loop3A_225 : vector<16xi32>
        %parallel_loop3A_227 = arith.constant 16 : i32
        %parallel_loop3A_228 = vector.broadcast %parallel_loop3A_227 : i32 to vector<16xi32>
        %parallel_loop3A_229 = arith.addi %mul3A_3, %parallel_loop3A_228 : vector<16xi32>
        %parallel_loop3A_230 = arith.select %parallel_loop3A_226, %parallel_loop3A_229, %mul3A_3 : vector<16xi1>, vector<16xi32>
        %parallel_loop3A_231 = vector.shape_cast %parallel_loop3A_230 : vector<16xi32> to vector<16x1xi32>
        %parallel_loop3A_232 = vector.shape_cast %parallel_loop3A_231 : vector<16x1xi32> to vector<16xi32>
        %parallel_loop3A_233 = tpu.dynamic_gather %parallel_loop3A_214[%parallel_loop3A_232] in [0] : vector<16xf32>, vector<16xi32> -> vector<16xf32>
        %parallel_loop3A_234 = arith.cmpf ogt, %parallel_loop3A_223, %parallel_loop3A_233 : vector<16xf32>
        %parallel_loop3A_235 = arith.select %parallel_loop3A_234, %add3A_9, %add3A_6 : vector<16xi1>, vector<16xi32>
        %parallel_loop3A_236 = arith.addi %mul3A_3, %mul3A_3 : vector<16xi32>
        %parallel_loop3A_237 = arith.addi %parallel_loop3A_236, %parallel_loop3A_235 : vector<16xi32>
        %parallel_loop3A_238 = arith.constant 0 : i32
        %parallel_loop3A_239 = vector.broadcast %parallel_loop3A_238 : i32 to vector<16xi32>
        %parallel_loop3A_240 = arith.cmpi slt, %parallel_loop3A_237, %parallel_loop3A_239 : vector<16xi32>
        %parallel_loop3A_241 = arith.constant 16 : i32
        %parallel_loop3A_242 = vector.broadcast %parallel_loop3A_241 : i32 to vector<16xi32>
        %parallel_loop3A_243 = arith.addi %parallel_loop3A_237, %parallel_loop3A_242 : vector<16xi32>
        %parallel_loop3A_244 = arith.select %parallel_loop3A_240, %parallel_loop3A_243, %parallel_loop3A_237 : vector<16xi1>, vector<16xi32>
        %parallel_loop3A_245 = vector.shape_cast %parallel_loop3A_244 : vector<16xi32> to vector<16x1xi32>
        %parallel_loop3A_246 = vector.shape_cast %parallel_loop3A_245 : vector<16x1xi32> to vector<16xi32>
        %parallel_loop3A_247 = tpu.dynamic_gather %parallel_loop3A_214[%parallel_loop3A_246] in [0] : vector<16xf32>, vector<16xi32> -> vector<16xf32>
        %parallel_loop3A_248 = arith.cmpf ogt, %parallel_loop3A_223, %parallel_loop3A_247 : vector<16xf32>
        %parallel_loop3A_249 = arith.select %parallel_loop3A_248, %add3A_9, %add3A_6 : vector<16xi1>, vector<16xi32>
        %parallel_loop3A_250 = arith.addi %parallel_loop3A_237, %parallel_loop3A_237 : vector<16xi32>
        %parallel_loop3A_251 = arith.addi %parallel_loop3A_250, %parallel_loop3A_249 : vector<16xi32>
        %parallel_loop3A_252 = arith.constant 0 : i32
        %parallel_loop3A_253 = vector.broadcast %parallel_loop3A_252 : i32 to vector<16xi32>
        %parallel_loop3A_254 = arith.cmpi slt, %parallel_loop3A_251, %parallel_loop3A_253 : vector<16xi32>
        %parallel_loop3A_255 = arith.constant 16 : i32
        %parallel_loop3A_256 = vector.broadcast %parallel_loop3A_255 : i32 to vector<16xi32>
        %parallel_loop3A_257 = arith.addi %parallel_loop3A_251, %parallel_loop3A_256 : vector<16xi32>
        %parallel_loop3A_258 = arith.select %parallel_loop3A_254, %parallel_loop3A_257, %parallel_loop3A_251 : vector<16xi1>, vector<16xi32>
        %parallel_loop3A_259 = vector.shape_cast %parallel_loop3A_258 : vector<16xi32> to vector<16x1xi32>
        %parallel_loop3A_260 = vector.shape_cast %parallel_loop3A_259 : vector<16x1xi32> to vector<16xi32>
        %parallel_loop3A_261 = tpu.dynamic_gather %parallel_loop3A_214[%parallel_loop3A_260] in [0] : vector<16xf32>, vector<16xi32> -> vector<16xf32>
        %parallel_loop3A_262 = arith.cmpf ogt, %parallel_loop3A_223, %parallel_loop3A_261 : vector<16xf32>
        %parallel_loop3A_263 = arith.select %parallel_loop3A_262, %add3A_9, %add3A_6 : vector<16xi1>, vector<16xi32>
        %parallel_loop3A_264 = arith.addi %parallel_loop3A_251, %parallel_loop3A_251 : vector<16xi32>
        %parallel_loop3A_265 = arith.addi %parallel_loop3A_264, %parallel_loop3A_263 : vector<16xi32>
        %parallel_loop3A_266 = arith.constant 0 : i32
        %parallel_loop3A_267 = vector.broadcast %parallel_loop3A_266 : i32 to vector<16xi32>
        %parallel_loop3A_268 = arith.cmpi slt, %parallel_loop3A_265, %parallel_loop3A_267 : vector<16xi32>
        %parallel_loop3A_269 = arith.constant 16 : i32
        %parallel_loop3A_270 = vector.broadcast %parallel_loop3A_269 : i32 to vector<16xi32>
        %parallel_loop3A_271 = arith.addi %parallel_loop3A_265, %parallel_loop3A_270 : vector<16xi32>
        %parallel_loop3A_272 = arith.select %parallel_loop3A_268, %parallel_loop3A_271, %parallel_loop3A_265 : vector<16xi1>, vector<16xi32>
        %parallel_loop3A_273 = vector.shape_cast %parallel_loop3A_272 : vector<16xi32> to vector<16x1xi32>
        %parallel_loop3A_274 = vector.shape_cast %parallel_loop3A_273 : vector<16x1xi32> to vector<16xi32>
        %parallel_loop3A_275 = tpu.dynamic_gather %parallel_loop3A_214[%parallel_loop3A_274] in [0] : vector<16xf32>, vector<16xi32> -> vector<16xf32>
        %parallel_loop3A_276 = arith.cmpf ogt, %parallel_loop3A_223, %parallel_loop3A_275 : vector<16xf32>
        %parallel_loop3A_277 = arith.select %parallel_loop3A_276, %add3A_9, %add3A_6 : vector<16xi1>, vector<16xi32>
        %parallel_loop3A_278 = arith.addi %parallel_loop3A_265, %parallel_loop3A_265 : vector<16xi32>
        %parallel_loop3A_279 = arith.addi %parallel_loop3A_278, %parallel_loop3A_277 : vector<16xi32>
        %parallel_loop3A_280 = arith.subi %parallel_loop3A_279, %add3A_45 : vector<16xi32>
        %parallel_loop3A_281 = arith.constant 0 : i32
        %parallel_loop3A_282 = vector.broadcast %parallel_loop3A_281 : i32 to vector<16xi32>
        %parallel_loop3A_283 = arith.cmpi slt, %parallel_loop3A_280, %parallel_loop3A_282 : vector<16xi32>
        %parallel_loop3A_284 = arith.constant 16 : i32
        %parallel_loop3A_285 = vector.broadcast %parallel_loop3A_284 : i32 to vector<16xi32>
        %parallel_loop3A_286 = arith.addi %parallel_loop3A_280, %parallel_loop3A_285 : vector<16xi32>
        %parallel_loop3A_287 = arith.select %parallel_loop3A_283, %parallel_loop3A_286, %parallel_loop3A_280 : vector<16xi1>, vector<16xi32>
        %parallel_loop3A_288 = vector.shape_cast %parallel_loop3A_287 : vector<16xi32> to vector<16x1xi32>
        %parallel_loop3A_289 = vector.shape_cast %parallel_loop3A_288 : vector<16x1xi32> to vector<16xi32>
        %parallel_loop3A_290 = tpu.dynamic_gather %parallel_loop3A_190[%parallel_loop3A_289] in [0] : vector<16xf32>, vector<16xi32> -> vector<16xf32>
        %parallel_loop3A_291 = arith.index_cast %parallel_loop3A_179 : i32 to index
        %parallel_loop3A_292 = arith.index_cast %parallel_loop3A_218 : i32 to index
        %parallel_loop3A_293 = tpu.vector_load %arg9[%parallel_loop3A_291, %parallel_loop3A_292] {strides = array<i32>} : memref<8x2048xf32, #tpu.memory_space<vmem>>, vector<16xf32>,
        tpu.vector_store %arg9[%parallel_loop3A_291, %parallel_loop3A_292], %parallel_loop3A_290 {strides = array<i32>} : memref<8x2048xf32, #tpu.memory_space<vmem>>, vector<16xf32>,
        %parallel_loop3A_294 = arith.constant 64 : i32
        %parallel_loop3A_295 = arith.muli %parallel_loop3A_181, %parallel_loop3A_294 : i32
        %parallel_loop3A_296 = arith.constant 16 : i32
        %parallel_loop3A_297 = arith.addi %parallel_loop3A_295, %parallel_loop3A_296 : i32
        %parallel_loop3A_298 = arith.constant 0 : i32
        %parallel_loop3A_299 = arith.addi %parallel_loop3A_298, %parallel_loop3A_297 : i32
        %parallel_loop3A_300 = arith.index_cast %parallel_loop3A_179 : i32 to index
        %parallel_loop3A_301 = arith.index_cast %parallel_loop3A_299 : i32 to index
        %parallel_loop3A_302 = tpu.vector_load %arg6[%parallel_loop3A_300, %parallel_loop3A_301] {strides = array<i32>} : memref<8x4096xf32, #tpu.memory_space<vmem>>, vector<16xf32>,
        %parallel_loop3A_303 = arith.constant 0 : i32
        %parallel_loop3A_304 = vector.broadcast %parallel_loop3A_303 : i32 to vector<16xi32>
        %parallel_loop3A_305 = arith.cmpi slt, %mul3A_3, %parallel_loop3A_304 : vector<16xi32>
        %parallel_loop3A_306 = arith.constant 16 : i32
        %parallel_loop3A_307 = vector.broadcast %parallel_loop3A_306 : i32 to vector<16xi32>
        %parallel_loop3A_308 = arith.addi %mul3A_3, %parallel_loop3A_307 : vector<16xi32>
        %parallel_loop3A_309 = arith.select %parallel_loop3A_305, %parallel_loop3A_308, %mul3A_3 : vector<16xi1>, vector<16xi32>
        %parallel_loop3A_310 = vector.shape_cast %parallel_loop3A_309 : vector<16xi32> to vector<16x1xi32>
        %parallel_loop3A_311 = vector.shape_cast %parallel_loop3A_310 : vector<16x1xi32> to vector<16xi32>
        %parallel_loop3A_312 = tpu.dynamic_gather %parallel_loop3A_214[%parallel_loop3A_311] in [0] : vector<16xf32>, vector<16xi32> -> vector<16xf32>
        %parallel_loop3A_313 = arith.cmpf ogt, %parallel_loop3A_302, %parallel_loop3A_312 : vector<16xf32>
        %parallel_loop3A_314 = arith.select %parallel_loop3A_313, %add3A_9, %add3A_6 : vector<16xi1>, vector<16xi32>
        %parallel_loop3A_315 = arith.addi %mul3A_3, %mul3A_3 : vector<16xi32>
        %parallel_loop3A_316 = arith.addi %parallel_loop3A_315, %parallel_loop3A_314 : vector<16xi32>
        %parallel_loop3A_317 = arith.constant 0 : i32
        %parallel_loop3A_318 = vector.broadcast %parallel_loop3A_317 : i32 to vector<16xi32>
        %parallel_loop3A_319 = arith.cmpi slt, %parallel_loop3A_316, %parallel_loop3A_318 : vector<16xi32>
        %parallel_loop3A_320 = arith.constant 16 : i32
        %parallel_loop3A_321 = vector.broadcast %parallel_loop3A_320 : i32 to vector<16xi32>
        %parallel_loop3A_322 = arith.addi %parallel_loop3A_316, %parallel_loop3A_321 : vector<16xi32>
        %parallel_loop3A_323 = arith.select %parallel_loop3A_319, %parallel_loop3A_322, %parallel_loop3A_316 : vector<16xi1>, vector<16xi32>
        %parallel_loop3A_324 = vector.shape_cast %parallel_loop3A_323 : vector<16xi32> to vector<16x1xi32>
        %parallel_loop3A_325 = vector.shape_cast %parallel_loop3A_324 : vector<16x1xi32> to vector<16xi32>
        %parallel_loop3A_326 = tpu.dynamic_gather %parallel_loop3A_214[%parallel_loop3A_325] in [0] : vector<16xf32>, vector<16xi32> -> vector<16xf32>
        %parallel_loop3A_327 = arith.cmpf ogt, %parallel_loop3A_302, %parallel_loop3A_326 : vector<16xf32>
        %parallel_loop3A_328 = arith.select %parallel_loop3A_327, %add3A_9, %add3A_6 : vector<16xi1>, vector<16xi32>
        %parallel_loop3A_329 = arith.addi %parallel_loop3A_316, %parallel_loop3A_316 : vector<16xi32>
        %parallel_loop3A_330 = arith.addi %parallel_loop3A_329, %parallel_loop3A_328 : vector<16xi32>
        %parallel_loop3A_331 = arith.constant 0 : i32
        %parallel_loop3A_332 = vector.broadcast %parallel_loop3A_331 : i32 to vector<16xi32>
        %parallel_loop3A_333 = arith.cmpi slt, %parallel_loop3A_330, %parallel_loop3A_332 : vector<16xi32>
        %parallel_loop3A_334 = arith.constant 16 : i32
        %parallel_loop3A_335 = vector.broadcast %parallel_loop3A_334 : i32 to vector<16xi32>
        %parallel_loop3A_336 = arith.addi %parallel_loop3A_330, %parallel_loop3A_335 : vector<16xi32>
        %parallel_loop3A_337 = arith.select %parallel_loop3A_333, %parallel_loop3A_336, %parallel_loop3A_330 : vector<16xi1>, vector<16xi32>
        %parallel_loop3A_338 = vector.shape_cast %parallel_loop3A_337 : vector<16xi32> to vector<16x1xi32>
        %parallel_loop3A_339 = vector.shape_cast %parallel_loop3A_338 : vector<16x1xi32> to vector<16xi32>
        %parallel_loop3A_340 = tpu.dynamic_gather %parallel_loop3A_214[%parallel_loop3A_339] in [0] : vector<16xf32>, vector<16xi32> -> vector<16xf32>
        %parallel_loop3A_341 = arith.cmpf ogt, %parallel_loop3A_302, %parallel_loop3A_340 : vector<16xf32>
        %parallel_loop3A_342 = arith.select %parallel_loop3A_341, %add3A_9, %add3A_6 : vector<16xi1>, vector<16xi32>
        %parallel_loop3A_343 = arith.addi %parallel_loop3A_330, %parallel_loop3A_330 : vector<16xi32>
        %parallel_loop3A_344 = arith.addi %parallel_loop3A_343, %parallel_loop3A_342 : vector<16xi32>
        %parallel_loop3A_345 = arith.constant 0 : i32
        %parallel_loop3A_346 = vector.broadcast %parallel_loop3A_345 : i32 to vector<16xi32>
        %parallel_loop3A_347 = arith.cmpi slt, %parallel_loop3A_344, %parallel_loop3A_346 : vector<16xi32>
        %parallel_loop3A_348 = arith.constant 16 : i32
        %parallel_loop3A_349 = vector.broadcast %parallel_loop3A_348 : i32 to vector<16xi32>
        %parallel_loop3A_350 = arith.addi %parallel_loop3A_344, %parallel_loop3A_349 : vector<16xi32>
        %parallel_loop3A_351 = arith.select %parallel_loop3A_347, %parallel_loop3A_350, %parallel_loop3A_344 : vector<16xi1>, vector<16xi32>
        %parallel_loop3A_352 = vector.shape_cast %parallel_loop3A_351 : vector<16xi32> to vector<16x1xi32>
        %parallel_loop3A_353 = vector.shape_cast %parallel_loop3A_352 : vector<16x1xi32> to vector<16xi32>
        %parallel_loop3A_354 = tpu.dynamic_gather %parallel_loop3A_214[%parallel_loop3A_353] in [0] : vector<16xf32>, vector<16xi32> -> vector<16xf32>
        %parallel_loop3A_355 = arith.cmpf ogt, %parallel_loop3A_302, %parallel_loop3A_354 : vector<16xf32>
        %parallel_loop3A_356 = arith.select %parallel_loop3A_355, %add3A_9, %add3A_6 : vector<16xi1>, vector<16xi32>
        %parallel_loop3A_357 = arith.addi %parallel_loop3A_344, %parallel_loop3A_344 : vector<16xi32>
        %parallel_loop3A_358 = arith.addi %parallel_loop3A_357, %parallel_loop3A_356 : vector<16xi32>
        %parallel_loop3A_359 = arith.subi %parallel_loop3A_358, %add3A_45 : vector<16xi32>
        %parallel_loop3A_360 = arith.constant 0 : i32
        %parallel_loop3A_361 = vector.broadcast %parallel_loop3A_360 : i32 to vector<16xi32>
        %parallel_loop3A_362 = arith.cmpi slt, %parallel_loop3A_359, %parallel_loop3A_361 : vector<16xi32>
        %parallel_loop3A_363 = arith.constant 16 : i32
        %parallel_loop3A_364 = vector.broadcast %parallel_loop3A_363 : i32 to vector<16xi32>
        %parallel_loop3A_365 = arith.addi %parallel_loop3A_359, %parallel_loop3A_364 : vector<16xi32>
        %parallel_loop3A_366 = arith.select %parallel_loop3A_362, %parallel_loop3A_365, %parallel_loop3A_359 : vector<16xi1>, vector<16xi32>
        %parallel_loop3A_367 = vector.shape_cast %parallel_loop3A_366 : vector<16xi32> to vector<16x1xi32>
        %parallel_loop3A_368 = vector.shape_cast %parallel_loop3A_367 : vector<16x1xi32> to vector<16xi32>
        %parallel_loop3A_369 = tpu.dynamic_gather %parallel_loop3A_190[%parallel_loop3A_368] in [0] : vector<16xf32>, vector<16xi32> -> vector<16xf32>
        %parallel_loop3A_370 = arith.index_cast %parallel_loop3A_179 : i32 to index
        %parallel_loop3A_371 = arith.index_cast %parallel_loop3A_297 : i32 to index
        %parallel_loop3A_372 = tpu.vector_load %arg9[%parallel_loop3A_370, %parallel_loop3A_371] {strides = array<i32>} : memref<8x2048xf32, #tpu.memory_space<vmem>>, vector<16xf32>,
        tpu.vector_store %arg9[%parallel_loop3A_370, %parallel_loop3A_371], %parallel_loop3A_369 {strides = array<i32>} : memref<8x2048xf32, #tpu.memory_space<vmem>>, vector<16xf32>,
        %parallel_loop3A_373 = arith.constant 64 : i32
        %parallel_loop3A_374 = arith.muli %parallel_loop3A_181, %parallel_loop3A_373 : i32
        %parallel_loop3A_375 = arith.constant 32 : i32
        %parallel_loop3A_376 = arith.addi %parallel_loop3A_374, %parallel_loop3A_375 : i32
        %parallel_loop3A_377 = arith.constant 0 : i32
        %parallel_loop3A_378 = arith.addi %parallel_loop3A_377, %parallel_loop3A_376 : i32
        %parallel_loop3A_379 = arith.index_cast %parallel_loop3A_179 : i32 to index
        %parallel_loop3A_380 = arith.index_cast %parallel_loop3A_378 : i32 to index
        %parallel_loop3A_381 = tpu.vector_load %arg6[%parallel_loop3A_379, %parallel_loop3A_380] {strides = array<i32>} : memref<8x4096xf32, #tpu.memory_space<vmem>>, vector<16xf32>,
        %parallel_loop3A_382 = arith.constant 0 : i32
        %parallel_loop3A_383 = vector.broadcast %parallel_loop3A_382 : i32 to vector<16xi32>
        %parallel_loop3A_384 = arith.cmpi slt, %mul3A_3, %parallel_loop3A_383 : vector<16xi32>
        %parallel_loop3A_385 = arith.constant 16 : i32
        %parallel_loop3A_386 = vector.broadcast %parallel_loop3A_385 : i32 to vector<16xi32>
        %parallel_loop3A_387 = arith.addi %mul3A_3, %parallel_loop3A_386 : vector<16xi32>
        %parallel_loop3A_388 = arith.select %parallel_loop3A_384, %parallel_loop3A_387, %mul3A_3 : vector<16xi1>, vector<16xi32>
        %parallel_loop3A_389 = vector.shape_cast %parallel_loop3A_388 : vector<16xi32> to vector<16x1xi32>
        %parallel_loop3A_390 = vector.shape_cast %parallel_loop3A_389 : vector<16x1xi32> to vector<16xi32>
        %parallel_loop3A_391 = tpu.dynamic_gather %parallel_loop3A_214[%parallel_loop3A_390] in [0] : vector<16xf32>, vector<16xi32> -> vector<16xf32>
        %parallel_loop3A_392 = arith.cmpf ogt, %parallel_loop3A_381, %parallel_loop3A_391 : vector<16xf32>
        %parallel_loop3A_393 = arith.select %parallel_loop3A_392, %add3A_9, %add3A_6 : vector<16xi1>, vector<16xi32>
        %parallel_loop3A_394 = arith.addi %mul3A_3, %mul3A_3 : vector<16xi32>
        %parallel_loop3A_395 = arith.addi %parallel_loop3A_394, %parallel_loop3A_393 : vector<16xi32>
        %parallel_loop3A_396 = arith.constant 0 : i32
        %parallel_loop3A_397 = vector.broadcast %parallel_loop3A_396 : i32 to vector<16xi32>
        %parallel_loop3A_398 = arith.cmpi slt, %parallel_loop3A_395, %parallel_loop3A_397 : vector<16xi32>
        %parallel_loop3A_399 = arith.constant 16 : i32
        %parallel_loop3A_400 = vector.broadcast %parallel_loop3A_399 : i32 to vector<16xi32>
        %parallel_loop3A_401 = arith.addi %parallel_loop3A_395, %parallel_loop3A_400 : vector<16xi32>
        %parallel_loop3A_402 = arith.select %parallel_loop3A_398, %parallel_loop3A_401, %parallel_loop3A_395 : vector<16xi1>, vector<16xi32>
        %parallel_loop3A_403 = vector.shape_cast %parallel_loop3A_402 : vector<16xi32> to vector<16x1xi32>
        %parallel_loop3A_404 = vector.shape_cast %parallel_loop3A_403 : vector<16x1xi32> to vector<16xi32>
        %parallel_loop3A_405 = tpu.dynamic_gather %parallel_loop3A_214[%parallel_loop3A_404] in [0] : vector<16xf32>, vector<16xi32> -> vector<16xf32>
        %parallel_loop3A_406 = arith.cmpf ogt, %parallel_loop3A_381, %parallel_loop3A_405 : vector<16xf32>
        %parallel_loop3A_407 = arith.select %parallel_loop3A_406, %add3A_9, %add3A_6 : vector<16xi1>, vector<16xi32>
        %parallel_loop3A_408 = arith.addi %parallel_loop3A_395, %parallel_loop3A_395 : vector<16xi32>
        %parallel_loop3A_409 = arith.addi %parallel_loop3A_408, %parallel_loop3A_407 : vector<16xi32>
        %parallel_loop3A_410 = arith.constant 0 : i32
        %parallel_loop3A_411 = vector.broadcast %parallel_loop3A_410 : i32 to vector<16xi32>
        %parallel_loop3A_412 = arith.cmpi slt, %parallel_loop3A_409, %parallel_loop3A_411 : vector<16xi32>
        %parallel_loop3A_413 = arith.constant 16 : i32
        %parallel_loop3A_414 = vector.broadcast %parallel_loop3A_413 : i32 to vector<16xi32>
        %parallel_loop3A_415 = arith.addi %parallel_loop3A_409, %parallel_loop3A_414 : vector<16xi32>
        %parallel_loop3A_416 = arith.select %parallel_loop3A_412, %parallel_loop3A_415, %parallel_loop3A_409 : vector<16xi1>, vector<16xi32>
        %parallel_loop3A_417 = vector.shape_cast %parallel_loop3A_416 : vector<16xi32> to vector<16x1xi32>
        %parallel_loop3A_418 = vector.shape_cast %parallel_loop3A_417 : vector<16x1xi32> to vector<16xi32>
        %parallel_loop3A_419 = tpu.dynamic_gather %parallel_loop3A_214[%parallel_loop3A_418] in [0] : vector<16xf32>, vector<16xi32> -> vector<16xf32>
        %parallel_loop3A_420 = arith.cmpf ogt, %parallel_loop3A_381, %parallel_loop3A_419 : vector<16xf32>
        %parallel_loop3A_421 = arith.select %parallel_loop3A_420, %add3A_9, %add3A_6 : vector<16xi1>, vector<16xi32>
        %parallel_loop3A_422 = arith.addi %parallel_loop3A_409, %parallel_loop3A_409 : vector<16xi32>
        %parallel_loop3A_423 = arith.addi %parallel_loop3A_422, %parallel_loop3A_421 : vector<16xi32>
        %parallel_loop3A_424 = arith.constant 0 : i32
        %parallel_loop3A_425 = vector.broadcast %parallel_loop3A_424 : i32 to vector<16xi32>
        %parallel_loop3A_426 = arith.cmpi slt, %parallel_loop3A_423, %parallel_loop3A_425 : vector<16xi32>
        %parallel_loop3A_427 = arith.constant 16 : i32
        %parallel_loop3A_428 = vector.broadcast %parallel_loop3A_427 : i32 to vector<16xi32>
        %parallel_loop3A_429 = arith.addi %parallel_loop3A_423, %parallel_loop3A_428 : vector<16xi32>
        %parallel_loop3A_430 = arith.select %parallel_loop3A_426, %parallel_loop3A_429, %parallel_loop3A_423 : vector<16xi1>, vector<16xi32>
        %parallel_loop3A_431 = vector.shape_cast %parallel_loop3A_430 : vector<16xi32> to vector<16x1xi32>
        %parallel_loop3A_432 = vector.shape_cast %parallel_loop3A_431 : vector<16x1xi32> to vector<16xi32>
        %parallel_loop3A_433 = tpu.dynamic_gather %parallel_loop3A_214[%parallel_loop3A_432] in [0] : vector<16xf32>, vector<16xi32> -> vector<16xf32>
        %parallel_loop3A_434 = arith.cmpf ogt, %parallel_loop3A_381, %parallel_loop3A_433 : vector<16xf32>
        %parallel_loop3A_435 = arith.select %parallel_loop3A_434, %add3A_9, %add3A_6 : vector<16xi1>, vector<16xi32>
        %parallel_loop3A_436 = arith.addi %parallel_loop3A_423, %parallel_loop3A_423 : vector<16xi32>
        %parallel_loop3A_437 = arith.addi %parallel_loop3A_436, %parallel_loop3A_435 : vector<16xi32>
        %parallel_loop3A_438 = arith.subi %parallel_loop3A_437, %add3A_45 : vector<16xi32>
        %parallel_loop3A_439 = arith.constant 0 : i32
        %parallel_loop3A_440 = vector.broadcast %parallel_loop3A_439 : i32 to vector<16xi32>
        %parallel_loop3A_441 = arith.cmpi slt, %parallel_loop3A_438, %parallel_loop3A_440 : vector<16xi32>
        %parallel_loop3A_442 = arith.constant 16 : i32
        %parallel_loop3A_443 = vector.broadcast %parallel_loop3A_442 : i32 to vector<16xi32>
        %parallel_loop3A_444 = arith.addi %parallel_loop3A_438, %parallel_loop3A_443 : vector<16xi32>
        %parallel_loop3A_445 = arith.select %parallel_loop3A_441, %parallel_loop3A_444, %parallel_loop3A_438 : vector<16xi1>, vector<16xi32>
        %parallel_loop3A_446 = vector.shape_cast %parallel_loop3A_445 : vector<16xi32> to vector<16x1xi32>
        %parallel_loop3A_447 = vector.shape_cast %parallel_loop3A_446 : vector<16x1xi32> to vector<16xi32>
        %parallel_loop3A_448 = tpu.dynamic_gather %parallel_loop3A_190[%parallel_loop3A_447] in [0] : vector<16xf32>, vector<16xi32> -> vector<16xf32>
        %parallel_loop3A_449 = arith.index_cast %parallel_loop3A_179 : i32 to index
        %parallel_loop3A_450 = arith.index_cast %parallel_loop3A_376 : i32 to index
        %parallel_loop3A_451 = tpu.vector_load %arg9[%parallel_loop3A_449, %parallel_loop3A_450] {strides = array<i32>} : memref<8x2048xf32, #tpu.memory_space<vmem>>, vector<16xf32>,
        tpu.vector_store %arg9[%parallel_loop3A_449, %parallel_loop3A_450], %parallel_loop3A_448 {strides = array<i32>} : memref<8x2048xf32, #tpu.memory_space<vmem>>, vector<16xf32>,
        %parallel_loop3A_452 = arith.constant 64 : i32
        %parallel_loop3A_453 = arith.muli %parallel_loop3A_181, %parallel_loop3A_452 : i32
        %parallel_loop3A_454 = arith.constant 48 : i32
        %parallel_loop3A_455 = arith.addi %parallel_loop3A_453, %parallel_loop3A_454 : i32
        %parallel_loop3A_456 = arith.constant 0 : i32
        %parallel_loop3A_457 = arith.addi %parallel_loop3A_456, %parallel_loop3A_455 : i32
        %parallel_loop3A_458 = arith.index_cast %parallel_loop3A_179 : i32 to index
        %parallel_loop3A_459 = arith.index_cast %parallel_loop3A_457 : i32 to index
        %parallel_loop3A_460 = tpu.vector_load %arg6[%parallel_loop3A_458, %parallel_loop3A_459] {strides = array<i32>} : memref<8x4096xf32, #tpu.memory_space<vmem>>, vector<16xf32>,
        %parallel_loop3A_461 = arith.constant 0 : i32
        %parallel_loop3A_462 = vector.broadcast %parallel_loop3A_461 : i32 to vector<16xi32>
        %parallel_loop3A_463 = arith.cmpi slt, %mul3A_3, %parallel_loop3A_462 : vector<16xi32>
        %parallel_loop3A_464 = arith.constant 16 : i32
        %parallel_loop3A_465 = vector.broadcast %parallel_loop3A_464 : i32 to vector<16xi32>
        %parallel_loop3A_466 = arith.addi %mul3A_3, %parallel_loop3A_465 : vector<16xi32>
        %parallel_loop3A_467 = arith.select %parallel_loop3A_463, %parallel_loop3A_466, %mul3A_3 : vector<16xi1>, vector<16xi32>
        %parallel_loop3A_468 = vector.shape_cast %parallel_loop3A_467 : vector<16xi32> to vector<16x1xi32>
        %parallel_loop3A_469 = vector.shape_cast %parallel_loop3A_468 : vector<16x1xi32> to vector<16xi32>
        %parallel_loop3A_470 = tpu.dynamic_gather %parallel_loop3A_214[%parallel_loop3A_469] in [0] : vector<16xf32>, vector<16xi32> -> vector<16xf32>
        %parallel_loop3A_471 = arith.cmpf ogt, %parallel_loop3A_460, %parallel_loop3A_470 : vector<16xf32>
        %parallel_loop3A_472 = arith.select %parallel_loop3A_471, %add3A_9, %add3A_6 : vector<16xi1>, vector<16xi32>
        %parallel_loop3A_473 = arith.addi %mul3A_3, %mul3A_3 : vector<16xi32>
        %parallel_loop3A_474 = arith.addi %parallel_loop3A_473, %parallel_loop3A_472 : vector<16xi32>
        %parallel_loop3A_475 = arith.constant 0 : i32
        %parallel_loop3A_476 = vector.broadcast %parallel_loop3A_475 : i32 to vector<16xi32>
        %parallel_loop3A_477 = arith.cmpi slt, %parallel_loop3A_474, %parallel_loop3A_476 : vector<16xi32>
        %parallel_loop3A_478 = arith.constant 16 : i32
        %parallel_loop3A_479 = vector.broadcast %parallel_loop3A_478 : i32 to vector<16xi32>
        %parallel_loop3A_480 = arith.addi %parallel_loop3A_474, %parallel_loop3A_479 : vector<16xi32>
        %parallel_loop3A_481 = arith.select %parallel_loop3A_477, %parallel_loop3A_480, %parallel_loop3A_474 : vector<16xi1>, vector<16xi32>
        %parallel_loop3A_482 = vector.shape_cast %parallel_loop3A_481 : vector<16xi32> to vector<16x1xi32>
        %parallel_loop3A_483 = vector.shape_cast %parallel_loop3A_482 : vector<16x1xi32> to vector<16xi32>
        %parallel_loop3A_484 = tpu.dynamic_gather %parallel_loop3A_214[%parallel_loop3A_483] in [0] : vector<16xf32>, vector<16xi32> -> vector<16xf32>
        %parallel_loop3A_485 = arith.cmpf ogt, %parallel_loop3A_460, %parallel_loop3A_484 : vector<16xf32>
        %parallel_loop3A_486 = arith.select %parallel_loop3A_485, %add3A_9, %add3A_6 : vector<16xi1>, vector<16xi32>
        %parallel_loop3A_487 = arith.addi %parallel_loop3A_474, %parallel_loop3A_474 : vector<16xi32>
        %parallel_loop3A_488 = arith.addi %parallel_loop3A_487, %parallel_loop3A_486 : vector<16xi32>
        %parallel_loop3A_489 = arith.constant 0 : i32
        %parallel_loop3A_490 = vector.broadcast %parallel_loop3A_489 : i32 to vector<16xi32>
        %parallel_loop3A_491 = arith.cmpi slt, %parallel_loop3A_488, %parallel_loop3A_490 : vector<16xi32>
        %parallel_loop3A_492 = arith.constant 16 : i32
        %parallel_loop3A_493 = vector.broadcast %parallel_loop3A_492 : i32 to vector<16xi32>
        %parallel_loop3A_494 = arith.addi %parallel_loop3A_488, %parallel_loop3A_493 : vector<16xi32>
        %parallel_loop3A_495 = arith.select %parallel_loop3A_491, %parallel_loop3A_494, %parallel_loop3A_488 : vector<16xi1>, vector<16xi32>
        %parallel_loop3A_496 = vector.shape_cast %parallel_loop3A_495 : vector<16xi32> to vector<16x1xi32>
        %parallel_loop3A_497 = vector.shape_cast %parallel_loop3A_496 : vector<16x1xi32> to vector<16xi32>
        %parallel_loop3A_498 = tpu.dynamic_gather %parallel_loop3A_214[%parallel_loop3A_497] in [0] : vector<16xf32>, vector<16xi32> -> vector<16xf32>
        %parallel_loop3A_499 = arith.cmpf ogt, %parallel_loop3A_460, %parallel_loop3A_498 : vector<16xf32>
        %parallel_loop3A_500 = arith.select %parallel_loop3A_499, %add3A_9, %add3A_6 : vector<16xi1>, vector<16xi32>
        %parallel_loop3A_501 = arith.addi %parallel_loop3A_488, %parallel_loop3A_488 : vector<16xi32>
        %parallel_loop3A_502 = arith.addi %parallel_loop3A_501, %parallel_loop3A_500 : vector<16xi32>
        %parallel_loop3A_503 = arith.constant 0 : i32
        %parallel_loop3A_504 = vector.broadcast %parallel_loop3A_503 : i32 to vector<16xi32>
        %parallel_loop3A_505 = arith.cmpi slt, %parallel_loop3A_502, %parallel_loop3A_504 : vector<16xi32>
        %parallel_loop3A_506 = arith.constant 16 : i32
        %parallel_loop3A_507 = vector.broadcast %parallel_loop3A_506 : i32 to vector<16xi32>
        %parallel_loop3A_508 = arith.addi %parallel_loop3A_502, %parallel_loop3A_507 : vector<16xi32>
        %parallel_loop3A_509 = arith.select %parallel_loop3A_505, %parallel_loop3A_508, %parallel_loop3A_502 : vector<16xi1>, vector<16xi32>
        %parallel_loop3A_510 = vector.shape_cast %parallel_loop3A_509 : vector<16xi32> to vector<16x1xi32>
        %parallel_loop3A_511 = vector.shape_cast %parallel_loop3A_510 : vector<16x1xi32> to vector<16xi32>
        %parallel_loop3A_512 = tpu.dynamic_gather %parallel_loop3A_214[%parallel_loop3A_511] in [0] : vector<16xf32>, vector<16xi32> -> vector<16xf32>
        %parallel_loop3A_513 = arith.cmpf ogt, %parallel_loop3A_460, %parallel_loop3A_512 : vector<16xf32>
        %parallel_loop3A_514 = arith.select %parallel_loop3A_513, %add3A_9, %add3A_6 : vector<16xi1>, vector<16xi32>
        %parallel_loop3A_515 = arith.addi %parallel_loop3A_502, %parallel_loop3A_502 : vector<16xi32>
        %parallel_loop3A_516 = arith.addi %parallel_loop3A_515, %parallel_loop3A_514 : vector<16xi32>
        %parallel_loop3A_517 = arith.subi %parallel_loop3A_516, %add3A_45 : vector<16xi32>
        %parallel_loop3A_518 = arith.constant 0 : i32
        %parallel_loop3A_519 = vector.broadcast %parallel_loop3A_518 : i32 to vector<16xi32>
        %parallel_loop3A_520 = arith.cmpi slt, %parallel_loop3A_517, %parallel_loop3A_519 : vector<16xi32>
        %parallel_loop3A_521 = arith.constant 16 : i32
        %parallel_loop3A_522 = vector.broadcast %parallel_loop3A_521 : i32 to vector<16xi32>
        %parallel_loop3A_523 = arith.addi %parallel_loop3A_517, %parallel_loop3A_522 : vector<16xi32>
        %parallel_loop3A_524 = arith.select %parallel_loop3A_520, %parallel_loop3A_523, %parallel_loop3A_517 : vector<16xi1>, vector<16xi32>
        %parallel_loop3A_525 = vector.shape_cast %parallel_loop3A_524 : vector<16xi32> to vector<16x1xi32>
        %parallel_loop3A_526 = vector.shape_cast %parallel_loop3A_525 : vector<16x1xi32> to vector<16xi32>
        %parallel_loop3A_527 = tpu.dynamic_gather %parallel_loop3A_190[%parallel_loop3A_526] in [0] : vector<16xf32>, vector<16xi32> -> vector<16xf32>
        %parallel_loop3A_528 = arith.index_cast %parallel_loop3A_179 : i32 to index
        %parallel_loop3A_529 = arith.index_cast %parallel_loop3A_455 : i32 to index
        %parallel_loop3A_530 = tpu.vector_load %arg9[%parallel_loop3A_528, %parallel_loop3A_529] {strides = array<i32>} : memref<8x2048xf32, #tpu.memory_space<vmem>>, vector<16xf32>,
        tpu.vector_store %arg9[%parallel_loop3A_528, %parallel_loop3A_529], %parallel_loop3A_527 {strides = array<i32>} : memref<8x2048xf32, #tpu.memory_space<vmem>>, vector<16xf32>,
      } {sc.loop_unroll_factor = 4 : i64, sc.parallel_access}
      %mul3A_157 = arith.constant 8 : i32
      %mul3A_158 = arith.muli %add3A_131, %mul3A_157 : i32
      %dma_start3A_159 = arith.constant 0 : i32
      %dma_start3A_160 = tpu.memref_slice %arg4[%mul3A_158, %dma_start3A_159] : memref<2048x4096xf32, #tpu.memory_space<hbm>> -> memref<8x2048xf32, #tpu.memory_space<hbm>>
      %dma_start3A_161 = arith.constant 0 : i32
      %dma_start3A_162 = tpu.memref_slice %arg4[%mul3A_158, %dma_start3A_161] : memref<2048x4096xf32, #tpu.memory_space<hbm>> -> memref<8x2048xf32, #tpu.memory_space<hbm>>
      tpu.enqueue_dma source(%arg9 : memref<8x2048xf32, #tpu.memory_space<vmem>>) target(%dma_start3A_162 : memref<8x2048xf32, #tpu.memory_space<hbm>>) target_semaphore(%arg13 : memref<!tpu.dma_semaphore, #tpu.memory_space<semaphore_mem>>)
      %gt3A_163 = arith.constant 0 : i32
      %gt3A_164 = arith.cmpi sgt, %add3A_128, %gt3A_163 : i32
      %convert_element_type3A_165 = arith.extui %gt3A_164 : i1 to i32
      %cond3A_166 = arith.constant 0 : i32
      %cond3A_167 = arith.cmpi ne, %convert_element_type3A_165, %cond3A_166 : i32
      scf.if %cond3A_167 {
        %dma_wait3A_177 = arith.constant 0 : i32
        %dma_wait3A_178 = arith.constant 0 : i32
        %dma_wait3A_179 = tpu.memref_slice %arg4[%dma_wait3A_177, %dma_wait3A_178] : memref<2048x4096xf32, #tpu.memory_space<hbm>> -> memref<8x2048xf32, #tpu.memory_space<hbm>>
        %dma_wait3A_180 = arith.constant 0 : i32
        %dma_wait3A_181 = arith.constant 0 : i32
        %dma_wait3A_182 = tpu.memref_slice %arg4[%dma_wait3A_180, %dma_wait3A_181] : memref<2048x4096xf32, #tpu.memory_space<hbm>> -> memref<8x2048xf32, #tpu.memory_space<hbm>>
        tpu.wait_dma2 semaphore(%arg14 : memref<!tpu.dma_semaphore, #tpu.memory_space<semaphore_mem>>) src(%dma_wait3A_182 : memref<8x2048xf32, #tpu.memory_space<hbm>>) dst(%arg10 : memref<8x2048xf32, #tpu.memory_space<vmem>>)
      } else {
      }
      %parallel_loop3A_168 = arith.constant 0 : i32
      %parallel_loop3A_169 = arith.constant 256 : i32
      %parallel_loop3A_170 = arith.constant 1 : i32
      scf.for %parallel_loop3A_177 = %parallel_loop3A_168 to %parallel_loop3A_169 step %parallel_loop3A_170  : i32 {
        %parallel_loop3A_178 = arith.constant 5 : i32
        %parallel_loop3A_179 = arith.shrsi %parallel_loop3A_177, %parallel_loop3A_178 : i32
        %parallel_loop3A_180 = arith.constant 31 : i32
        %parallel_loop3A_181 = arith.andi %parallel_loop3A_177, %parallel_loop3A_180 : i32
        %parallel_loop3A_182 = arith.constant 64 : i32
        %parallel_loop3A_183 = arith.muli %parallel_loop3A_179, %parallel_loop3A_182 : i32
        %parallel_loop3A_184 = arith.constant 32 : i32
        %parallel_loop3A_185 = arith.addi %parallel_loop3A_183, %parallel_loop3A_184 : i32
        %parallel_loop3A_186 = arith.addi %parallel_loop3A_185, %parallel_loop3A_181 : i32
        %parallel_loop3A_187 = arith.constant 16 : i32
        %parallel_loop3A_188 = arith.muli %parallel_loop3A_186, %parallel_loop3A_187 : i32
        %parallel_loop3A_189 = arith.index_cast %parallel_loop3A_188 : i32 to index
        %parallel_loop3A_190 = tpu.vector_load %arg8[%parallel_loop3A_189] {strides = array<i32>} : memref<8192xf32, #tpu.memory_space<vmem>>, vector<16xf32>,
        %parallel_loop3A_191 = arith.constant 0 : i32
        %parallel_loop3A_192 = vector.broadcast %parallel_loop3A_191 : i32 to vector<16xi32>
        %parallel_loop3A_193 = arith.cmpi slt, %max3A, %parallel_loop3A_192 : vector<16xi32>
        %parallel_loop3A_194 = arith.constant 16 : i32
        %parallel_loop3A_195 = vector.broadcast %parallel_loop3A_194 : i32 to vector<16xi32>
        %parallel_loop3A_196 = arith.addi %max3A, %parallel_loop3A_195 : vector<16xi32>
        %parallel_loop3A_197 = arith.select %parallel_loop3A_193, %parallel_loop3A_196, %max3A : vector<16xi1>, vector<16xi32>
        %parallel_loop3A_198 = vector.shape_cast %parallel_loop3A_197 : vector<16xi32> to vector<16x1xi32>
        %parallel_loop3A_199 = vector.shape_cast %parallel_loop3A_198 : vector<16x1xi32> to vector<16xi32>
        %parallel_loop3A_200 = tpu.dynamic_gather %parallel_loop3A_190[%parallel_loop3A_199] in [0] : vector<16xf32>, vector<16xi32> -> vector<16xf32>
        %parallel_loop3A_201 = arith.constant 0 : i32
        %parallel_loop3A_202 = vector.broadcast %parallel_loop3A_201 : i32 to vector<16xi32>
        %parallel_loop3A_203 = arith.cmpi slt, %add3A_42, %parallel_loop3A_202 : vector<16xi32>
        %parallel_loop3A_204 = arith.constant 16 : i32
        %parallel_loop3A_205 = vector.broadcast %parallel_loop3A_204 : i32 to vector<16xi32>
        %parallel_loop3A_206 = arith.addi %add3A_42, %parallel_loop3A_205 : vector<16xi32>
        %parallel_loop3A_207 = arith.select %parallel_loop3A_203, %parallel_loop3A_206, %add3A_42 : vector<16xi1>, vector<16xi32>
        %parallel_loop3A_208 = vector.shape_cast %parallel_loop3A_207 : vector<16xi32> to vector<16x1xi32>
        %parallel_loop3A_209 = vector.shape_cast %parallel_loop3A_208 : vector<16x1xi32> to vector<16xi32>
        %parallel_loop3A_210 = tpu.dynamic_gather %parallel_loop3A_190[%parallel_loop3A_209] in [0] : vector<16xf32>, vector<16xi32> -> vector<16xf32>
        %parallel_loop3A_211 = arith.addf %parallel_loop3A_200, %parallel_loop3A_210 : vector<16xf32>
        %parallel_loop3A_212 = arith.constant 5.000000e-01 : f32
        %parallel_loop3A_213 = vector.broadcast %parallel_loop3A_212 : f32 to vector<16xf32>
        %parallel_loop3A_214 = arith.mulf %parallel_loop3A_211, %parallel_loop3A_213 : vector<16xf32>
        %parallel_loop3A_215 = arith.constant 64 : i32
        %parallel_loop3A_216 = arith.muli %parallel_loop3A_181, %parallel_loop3A_215 : i32
        %parallel_loop3A_217 = arith.constant 0 : i32
        %parallel_loop3A_218 = arith.addi %parallel_loop3A_216, %parallel_loop3A_217 : i32
        %parallel_loop3A_219 = arith.constant 2048 : i32
        %parallel_loop3A_220 = arith.addi %parallel_loop3A_219, %parallel_loop3A_218 : i32
        %parallel_loop3A_221 = arith.index_cast %parallel_loop3A_179 : i32 to index
        %parallel_loop3A_222 = arith.index_cast %parallel_loop3A_220 : i32 to index
        %parallel_loop3A_223 = tpu.vector_load %arg6[%parallel_loop3A_221, %parallel_loop3A_222] {strides = array<i32>} : memref<8x4096xf32, #tpu.memory_space<vmem>>, vector<16xf32>,
        %parallel_loop3A_224 = arith.constant 0 : i32
        %parallel_loop3A_225 = vector.broadcast %parallel_loop3A_224 : i32 to vector<16xi32>
        %parallel_loop3A_226 = arith.cmpi slt, %mul3A_3, %parallel_loop3A_225 : vector<16xi32>
        %parallel_loop3A_227 = arith.constant 16 : i32
        %parallel_loop3A_228 = vector.broadcast %parallel_loop3A_227 : i32 to vector<16xi32>
        %parallel_loop3A_229 = arith.addi %mul3A_3, %parallel_loop3A_228 : vector<16xi32>
        %parallel_loop3A_230 = arith.select %parallel_loop3A_226, %parallel_loop3A_229, %mul3A_3 : vector<16xi1>, vector<16xi32>
        %parallel_loop3A_231 = vector.shape_cast %parallel_loop3A_230 : vector<16xi32> to vector<16x1xi32>
        %parallel_loop3A_232 = vector.shape_cast %parallel_loop3A_231 : vector<16x1xi32> to vector<16xi32>
        %parallel_loop3A_233 = tpu.dynamic_gather %parallel_loop3A_214[%parallel_loop3A_232] in [0] : vector<16xf32>, vector<16xi32> -> vector<16xf32>
        %parallel_loop3A_234 = arith.cmpf ogt, %parallel_loop3A_223, %parallel_loop3A_233 : vector<16xf32>
        %parallel_loop3A_235 = arith.select %parallel_loop3A_234, %add3A_9, %add3A_6 : vector<16xi1>, vector<16xi32>
        %parallel_loop3A_236 = arith.addi %mul3A_3, %mul3A_3 : vector<16xi32>
        %parallel_loop3A_237 = arith.addi %parallel_loop3A_236, %parallel_loop3A_235 : vector<16xi32>
        %parallel_loop3A_238 = arith.constant 0 : i32
        %parallel_loop3A_239 = vector.broadcast %parallel_loop3A_238 : i32 to vector<16xi32>
        %parallel_loop3A_240 = arith.cmpi slt, %parallel_loop3A_237, %parallel_loop3A_239 : vector<16xi32>
        %parallel_loop3A_241 = arith.constant 16 : i32
        %parallel_loop3A_242 = vector.broadcast %parallel_loop3A_241 : i32 to vector<16xi32>
        %parallel_loop3A_243 = arith.addi %parallel_loop3A_237, %parallel_loop3A_242 : vector<16xi32>
        %parallel_loop3A_244 = arith.select %parallel_loop3A_240, %parallel_loop3A_243, %parallel_loop3A_237 : vector<16xi1>, vector<16xi32>
        %parallel_loop3A_245 = vector.shape_cast %parallel_loop3A_244 : vector<16xi32> to vector<16x1xi32>
        %parallel_loop3A_246 = vector.shape_cast %parallel_loop3A_245 : vector<16x1xi32> to vector<16xi32>
        %parallel_loop3A_247 = tpu.dynamic_gather %parallel_loop3A_214[%parallel_loop3A_246] in [0] : vector<16xf32>, vector<16xi32> -> vector<16xf32>
        %parallel_loop3A_248 = arith.cmpf ogt, %parallel_loop3A_223, %parallel_loop3A_247 : vector<16xf32>
        %parallel_loop3A_249 = arith.select %parallel_loop3A_248, %add3A_9, %add3A_6 : vector<16xi1>, vector<16xi32>
        %parallel_loop3A_250 = arith.addi %parallel_loop3A_237, %parallel_loop3A_237 : vector<16xi32>
        %parallel_loop3A_251 = arith.addi %parallel_loop3A_250, %parallel_loop3A_249 : vector<16xi32>
        %parallel_loop3A_252 = arith.constant 0 : i32
        %parallel_loop3A_253 = vector.broadcast %parallel_loop3A_252 : i32 to vector<16xi32>
        %parallel_loop3A_254 = arith.cmpi slt, %parallel_loop3A_251, %parallel_loop3A_253 : vector<16xi32>
        %parallel_loop3A_255 = arith.constant 16 : i32
        %parallel_loop3A_256 = vector.broadcast %parallel_loop3A_255 : i32 to vector<16xi32>
        %parallel_loop3A_257 = arith.addi %parallel_loop3A_251, %parallel_loop3A_256 : vector<16xi32>
        %parallel_loop3A_258 = arith.select %parallel_loop3A_254, %parallel_loop3A_257, %parallel_loop3A_251 : vector<16xi1>, vector<16xi32>
        %parallel_loop3A_259 = vector.shape_cast %parallel_loop3A_258 : vector<16xi32> to vector<16x1xi32>
        %parallel_loop3A_260 = vector.shape_cast %parallel_loop3A_259 : vector<16x1xi32> to vector<16xi32>
        %parallel_loop3A_261 = tpu.dynamic_gather %parallel_loop3A_214[%parallel_loop3A_260] in [0] : vector<16xf32>, vector<16xi32> -> vector<16xf32>
        %parallel_loop3A_262 = arith.cmpf ogt, %parallel_loop3A_223, %parallel_loop3A_261 : vector<16xf32>
        %parallel_loop3A_263 = arith.select %parallel_loop3A_262, %add3A_9, %add3A_6 : vector<16xi1>, vector<16xi32>
        %parallel_loop3A_264 = arith.addi %parallel_loop3A_251, %parallel_loop3A_251 : vector<16xi32>
        %parallel_loop3A_265 = arith.addi %parallel_loop3A_264, %parallel_loop3A_263 : vector<16xi32>
        %parallel_loop3A_266 = arith.constant 0 : i32
        %parallel_loop3A_267 = vector.broadcast %parallel_loop3A_266 : i32 to vector<16xi32>
        %parallel_loop3A_268 = arith.cmpi slt, %parallel_loop3A_265, %parallel_loop3A_267 : vector<16xi32>
        %parallel_loop3A_269 = arith.constant 16 : i32
        %parallel_loop3A_270 = vector.broadcast %parallel_loop3A_269 : i32 to vector<16xi32>
        %parallel_loop3A_271 = arith.addi %parallel_loop3A_265, %parallel_loop3A_270 : vector<16xi32>
        %parallel_loop3A_272 = arith.select %parallel_loop3A_268, %parallel_loop3A_271, %parallel_loop3A_265 : vector<16xi1>, vector<16xi32>
        %parallel_loop3A_273 = vector.shape_cast %parallel_loop3A_272 : vector<16xi32> to vector<16x1xi32>
        %parallel_loop3A_274 = vector.shape_cast %parallel_loop3A_273 : vector<16x1xi32> to vector<16xi32>
        %parallel_loop3A_275 = tpu.dynamic_gather %parallel_loop3A_214[%parallel_loop3A_274] in [0] : vector<16xf32>, vector<16xi32> -> vector<16xf32>
        %parallel_loop3A_276 = arith.cmpf ogt, %parallel_loop3A_223, %parallel_loop3A_275 : vector<16xf32>
        %parallel_loop3A_277 = arith.select %parallel_loop3A_276, %add3A_9, %add3A_6 : vector<16xi1>, vector<16xi32>
        %parallel_loop3A_278 = arith.addi %parallel_loop3A_265, %parallel_loop3A_265 : vector<16xi32>
        %parallel_loop3A_279 = arith.addi %parallel_loop3A_278, %parallel_loop3A_277 : vector<16xi32>
        %parallel_loop3A_280 = arith.subi %parallel_loop3A_279, %add3A_45 : vector<16xi32>
        %parallel_loop3A_281 = arith.constant 0 : i32
        %parallel_loop3A_282 = vector.broadcast %parallel_loop3A_281 : i32 to vector<16xi32>
        %parallel_loop3A_283 = arith.cmpi slt, %parallel_loop3A_280, %parallel_loop3A_282 : vector<16xi32>
        %parallel_loop3A_284 = arith.constant 16 : i32
        %parallel_loop3A_285 = vector.broadcast %parallel_loop3A_284 : i32 to vector<16xi32>
        %parallel_loop3A_286 = arith.addi %parallel_loop3A_280, %parallel_loop3A_285 : vector<16xi32>
        %parallel_loop3A_287 = arith.select %parallel_loop3A_283, %parallel_loop3A_286, %parallel_loop3A_280 : vector<16xi1>, vector<16xi32>
        %parallel_loop3A_288 = vector.shape_cast %parallel_loop3A_287 : vector<16xi32> to vector<16x1xi32>
        %parallel_loop3A_289 = vector.shape_cast %parallel_loop3A_288 : vector<16x1xi32> to vector<16xi32>
        %parallel_loop3A_290 = tpu.dynamic_gather %parallel_loop3A_190[%parallel_loop3A_289] in [0] : vector<16xf32>, vector<16xi32> -> vector<16xf32>
        %parallel_loop3A_291 = arith.index_cast %parallel_loop3A_179 : i32 to index
        %parallel_loop3A_292 = arith.index_cast %parallel_loop3A_218 : i32 to index
        %parallel_loop3A_293 = tpu.vector_load %arg10[%parallel_loop3A_291, %parallel_loop3A_292] {strides = array<i32>} : memref<8x2048xf32, #tpu.memory_space<vmem>>, vector<16xf32>,
        tpu.vector_store %arg10[%parallel_loop3A_291, %parallel_loop3A_292], %parallel_loop3A_290 {strides = array<i32>} : memref<8x2048xf32, #tpu.memory_space<vmem>>, vector<16xf32>,
        %parallel_loop3A_294 = arith.constant 64 : i32
        %parallel_loop3A_295 = arith.muli %parallel_loop3A_181, %parallel_loop3A_294 : i32
        %parallel_loop3A_296 = arith.constant 16 : i32
        %parallel_loop3A_297 = arith.addi %parallel_loop3A_295, %parallel_loop3A_296 : i32
        %parallel_loop3A_298 = arith.constant 2048 : i32
        %parallel_loop3A_299 = arith.addi %parallel_loop3A_298, %parallel_loop3A_297 : i32
        %parallel_loop3A_300 = arith.index_cast %parallel_loop3A_179 : i32 to index
        %parallel_loop3A_301 = arith.index_cast %parallel_loop3A_299 : i32 to index
        %parallel_loop3A_302 = tpu.vector_load %arg6[%parallel_loop3A_300, %parallel_loop3A_301] {strides = array<i32>} : memref<8x4096xf32, #tpu.memory_space<vmem>>, vector<16xf32>,
        %parallel_loop3A_303 = arith.constant 0 : i32
        %parallel_loop3A_304 = vector.broadcast %parallel_loop3A_303 : i32 to vector<16xi32>
        %parallel_loop3A_305 = arith.cmpi slt, %mul3A_3, %parallel_loop3A_304 : vector<16xi32>
        %parallel_loop3A_306 = arith.constant 16 : i32
        %parallel_loop3A_307 = vector.broadcast %parallel_loop3A_306 : i32 to vector<16xi32>
        %parallel_loop3A_308 = arith.addi %mul3A_3, %parallel_loop3A_307 : vector<16xi32>
        %parallel_loop3A_309 = arith.select %parallel_loop3A_305, %parallel_loop3A_308, %mul3A_3 : vector<16xi1>, vector<16xi32>
        %parallel_loop3A_310 = vector.shape_cast %parallel_loop3A_309 : vector<16xi32> to vector<16x1xi32>
        %parallel_loop3A_311 = vector.shape_cast %parallel_loop3A_310 : vector<16x1xi32> to vector<16xi32>
        %parallel_loop3A_312 = tpu.dynamic_gather %parallel_loop3A_214[%parallel_loop3A_311] in [0] : vector<16xf32>, vector<16xi32> -> vector<16xf32>
        %parallel_loop3A_313 = arith.cmpf ogt, %parallel_loop3A_302, %parallel_loop3A_312 : vector<16xf32>
        %parallel_loop3A_314 = arith.select %parallel_loop3A_313, %add3A_9, %add3A_6 : vector<16xi1>, vector<16xi32>
        %parallel_loop3A_315 = arith.addi %mul3A_3, %mul3A_3 : vector<16xi32>
        %parallel_loop3A_316 = arith.addi %parallel_loop3A_315, %parallel_loop3A_314 : vector<16xi32>
        %parallel_loop3A_317 = arith.constant 0 : i32
        %parallel_loop3A_318 = vector.broadcast %parallel_loop3A_317 : i32 to vector<16xi32>
        %parallel_loop3A_319 = arith.cmpi slt, %parallel_loop3A_316, %parallel_loop3A_318 : vector<16xi32>
        %parallel_loop3A_320 = arith.constant 16 : i32
        %parallel_loop3A_321 = vector.broadcast %parallel_loop3A_320 : i32 to vector<16xi32>
        %parallel_loop3A_322 = arith.addi %parallel_loop3A_316, %parallel_loop3A_321 : vector<16xi32>
        %parallel_loop3A_323 = arith.select %parallel_loop3A_319, %parallel_loop3A_322, %parallel_loop3A_316 : vector<16xi1>, vector<16xi32>
        %parallel_loop3A_324 = vector.shape_cast %parallel_loop3A_323 : vector<16xi32> to vector<16x1xi32>
        %parallel_loop3A_325 = vector.shape_cast %parallel_loop3A_324 : vector<16x1xi32> to vector<16xi32>
        %parallel_loop3A_326 = tpu.dynamic_gather %parallel_loop3A_214[%parallel_loop3A_325] in [0] : vector<16xf32>, vector<16xi32> -> vector<16xf32>
        %parallel_loop3A_327 = arith.cmpf ogt, %parallel_loop3A_302, %parallel_loop3A_326 : vector<16xf32>
        %parallel_loop3A_328 = arith.select %parallel_loop3A_327, %add3A_9, %add3A_6 : vector<16xi1>, vector<16xi32>
        %parallel_loop3A_329 = arith.addi %parallel_loop3A_316, %parallel_loop3A_316 : vector<16xi32>
        %parallel_loop3A_330 = arith.addi %parallel_loop3A_329, %parallel_loop3A_328 : vector<16xi32>
        %parallel_loop3A_331 = arith.constant 0 : i32
        %parallel_loop3A_332 = vector.broadcast %parallel_loop3A_331 : i32 to vector<16xi32>
        %parallel_loop3A_333 = arith.cmpi slt, %parallel_loop3A_330, %parallel_loop3A_332 : vector<16xi32>
        %parallel_loop3A_334 = arith.constant 16 : i32
        %parallel_loop3A_335 = vector.broadcast %parallel_loop3A_334 : i32 to vector<16xi32>
        %parallel_loop3A_336 = arith.addi %parallel_loop3A_330, %parallel_loop3A_335 : vector<16xi32>
        %parallel_loop3A_337 = arith.select %parallel_loop3A_333, %parallel_loop3A_336, %parallel_loop3A_330 : vector<16xi1>, vector<16xi32>
        %parallel_loop3A_338 = vector.shape_cast %parallel_loop3A_337 : vector<16xi32> to vector<16x1xi32>
        %parallel_loop3A_339 = vector.shape_cast %parallel_loop3A_338 : vector<16x1xi32> to vector<16xi32>
        %parallel_loop3A_340 = tpu.dynamic_gather %parallel_loop3A_214[%parallel_loop3A_339] in [0] : vector<16xf32>, vector<16xi32> -> vector<16xf32>
        %parallel_loop3A_341 = arith.cmpf ogt, %parallel_loop3A_302, %parallel_loop3A_340 : vector<16xf32>
        %parallel_loop3A_342 = arith.select %parallel_loop3A_341, %add3A_9, %add3A_6 : vector<16xi1>, vector<16xi32>
        %parallel_loop3A_343 = arith.addi %parallel_loop3A_330, %parallel_loop3A_330 : vector<16xi32>
        %parallel_loop3A_344 = arith.addi %parallel_loop3A_343, %parallel_loop3A_342 : vector<16xi32>
        %parallel_loop3A_345 = arith.constant 0 : i32
        %parallel_loop3A_346 = vector.broadcast %parallel_loop3A_345 : i32 to vector<16xi32>
        %parallel_loop3A_347 = arith.cmpi slt, %parallel_loop3A_344, %parallel_loop3A_346 : vector<16xi32>
        %parallel_loop3A_348 = arith.constant 16 : i32
        %parallel_loop3A_349 = vector.broadcast %parallel_loop3A_348 : i32 to vector<16xi32>
        %parallel_loop3A_350 = arith.addi %parallel_loop3A_344, %parallel_loop3A_349 : vector<16xi32>
        %parallel_loop3A_351 = arith.select %parallel_loop3A_347, %parallel_loop3A_350, %parallel_loop3A_344 : vector<16xi1>, vector<16xi32>
        %parallel_loop3A_352 = vector.shape_cast %parallel_loop3A_351 : vector<16xi32> to vector<16x1xi32>
        %parallel_loop3A_353 = vector.shape_cast %parallel_loop3A_352 : vector<16x1xi32> to vector<16xi32>
        %parallel_loop3A_354 = tpu.dynamic_gather %parallel_loop3A_214[%parallel_loop3A_353] in [0] : vector<16xf32>, vector<16xi32> -> vector<16xf32>
        %parallel_loop3A_355 = arith.cmpf ogt, %parallel_loop3A_302, %parallel_loop3A_354 : vector<16xf32>
        %parallel_loop3A_356 = arith.select %parallel_loop3A_355, %add3A_9, %add3A_6 : vector<16xi1>, vector<16xi32>
        %parallel_loop3A_357 = arith.addi %parallel_loop3A_344, %parallel_loop3A_344 : vector<16xi32>
        %parallel_loop3A_358 = arith.addi %parallel_loop3A_357, %parallel_loop3A_356 : vector<16xi32>
        %parallel_loop3A_359 = arith.subi %parallel_loop3A_358, %add3A_45 : vector<16xi32>
        %parallel_loop3A_360 = arith.constant 0 : i32
        %parallel_loop3A_361 = vector.broadcast %parallel_loop3A_360 : i32 to vector<16xi32>
        %parallel_loop3A_362 = arith.cmpi slt, %parallel_loop3A_359, %parallel_loop3A_361 : vector<16xi32>
        %parallel_loop3A_363 = arith.constant 16 : i32
        %parallel_loop3A_364 = vector.broadcast %parallel_loop3A_363 : i32 to vector<16xi32>
        %parallel_loop3A_365 = arith.addi %parallel_loop3A_359, %parallel_loop3A_364 : vector<16xi32>
        %parallel_loop3A_366 = arith.select %parallel_loop3A_362, %parallel_loop3A_365, %parallel_loop3A_359 : vector<16xi1>, vector<16xi32>
        %parallel_loop3A_367 = vector.shape_cast %parallel_loop3A_366 : vector<16xi32> to vector<16x1xi32>
        %parallel_loop3A_368 = vector.shape_cast %parallel_loop3A_367 : vector<16x1xi32> to vector<16xi32>
        %parallel_loop3A_369 = tpu.dynamic_gather %parallel_loop3A_190[%parallel_loop3A_368] in [0] : vector<16xf32>, vector<16xi32> -> vector<16xf32>
        %parallel_loop3A_370 = arith.index_cast %parallel_loop3A_179 : i32 to index
        %parallel_loop3A_371 = arith.index_cast %parallel_loop3A_297 : i32 to index
        %parallel_loop3A_372 = tpu.vector_load %arg10[%parallel_loop3A_370, %parallel_loop3A_371] {strides = array<i32>} : memref<8x2048xf32, #tpu.memory_space<vmem>>, vector<16xf32>,
        tpu.vector_store %arg10[%parallel_loop3A_370, %parallel_loop3A_371], %parallel_loop3A_369 {strides = array<i32>} : memref<8x2048xf32, #tpu.memory_space<vmem>>, vector<16xf32>,
        %parallel_loop3A_373 = arith.constant 64 : i32
        %parallel_loop3A_374 = arith.muli %parallel_loop3A_181, %parallel_loop3A_373 : i32
        %parallel_loop3A_375 = arith.constant 32 : i32
        %parallel_loop3A_376 = arith.addi %parallel_loop3A_374, %parallel_loop3A_375 : i32
        %parallel_loop3A_377 = arith.constant 2048 : i32
        %parallel_loop3A_378 = arith.addi %parallel_loop3A_377, %parallel_loop3A_376 : i32
        %parallel_loop3A_379 = arith.index_cast %parallel_loop3A_179 : i32 to index
        %parallel_loop3A_380 = arith.index_cast %parallel_loop3A_378 : i32 to index
        %parallel_loop3A_381 = tpu.vector_load %arg6[%parallel_loop3A_379, %parallel_loop3A_380] {strides = array<i32>} : memref<8x4096xf32, #tpu.memory_space<vmem>>, vector<16xf32>,
        %parallel_loop3A_382 = arith.constant 0 : i32
        %parallel_loop3A_383 = vector.broadcast %parallel_loop3A_382 : i32 to vector<16xi32>
        %parallel_loop3A_384 = arith.cmpi slt, %mul3A_3, %parallel_loop3A_383 : vector<16xi32>
        %parallel_loop3A_385 = arith.constant 16 : i32
        %parallel_loop3A_386 = vector.broadcast %parallel_loop3A_385 : i32 to vector<16xi32>
        %parallel_loop3A_387 = arith.addi %mul3A_3, %parallel_loop3A_386 : vector<16xi32>
        %parallel_loop3A_388 = arith.select %parallel_loop3A_384, %parallel_loop3A_387, %mul3A_3 : vector<16xi1>, vector<16xi32>
        %parallel_loop3A_389 = vector.shape_cast %parallel_loop3A_388 : vector<16xi32> to vector<16x1xi32>
        %parallel_loop3A_390 = vector.shape_cast %parallel_loop3A_389 : vector<16x1xi32> to vector<16xi32>
        %parallel_loop3A_391 = tpu.dynamic_gather %parallel_loop3A_214[%parallel_loop3A_390] in [0] : vector<16xf32>, vector<16xi32> -> vector<16xf32>
        %parallel_loop3A_392 = arith.cmpf ogt, %parallel_loop3A_381, %parallel_loop3A_391 : vector<16xf32>
        %parallel_loop3A_393 = arith.select %parallel_loop3A_392, %add3A_9, %add3A_6 : vector<16xi1>, vector<16xi32>
        %parallel_loop3A_394 = arith.addi %mul3A_3, %mul3A_3 : vector<16xi32>
        %parallel_loop3A_395 = arith.addi %parallel_loop3A_394, %parallel_loop3A_393 : vector<16xi32>
        %parallel_loop3A_396 = arith.constant 0 : i32
        %parallel_loop3A_397 = vector.broadcast %parallel_loop3A_396 : i32 to vector<16xi32>
        %parallel_loop3A_398 = arith.cmpi slt, %parallel_loop3A_395, %parallel_loop3A_397 : vector<16xi32>
        %parallel_loop3A_399 = arith.constant 16 : i32
        %parallel_loop3A_400 = vector.broadcast %parallel_loop3A_399 : i32 to vector<16xi32>
        %parallel_loop3A_401 = arith.addi %parallel_loop3A_395, %parallel_loop3A_400 : vector<16xi32>
        %parallel_loop3A_402 = arith.select %parallel_loop3A_398, %parallel_loop3A_401, %parallel_loop3A_395 : vector<16xi1>, vector<16xi32>
        %parallel_loop3A_403 = vector.shape_cast %parallel_loop3A_402 : vector<16xi32> to vector<16x1xi32>
        %parallel_loop3A_404 = vector.shape_cast %parallel_loop3A_403 : vector<16x1xi32> to vector<16xi32>
        %parallel_loop3A_405 = tpu.dynamic_gather %parallel_loop3A_214[%parallel_loop3A_404] in [0] : vector<16xf32>, vector<16xi32> -> vector<16xf32>
        %parallel_loop3A_406 = arith.cmpf ogt, %parallel_loop3A_381, %parallel_loop3A_405 : vector<16xf32>
        %parallel_loop3A_407 = arith.select %parallel_loop3A_406, %add3A_9, %add3A_6 : vector<16xi1>, vector<16xi32>
        %parallel_loop3A_408 = arith.addi %parallel_loop3A_395, %parallel_loop3A_395 : vector<16xi32>
        %parallel_loop3A_409 = arith.addi %parallel_loop3A_408, %parallel_loop3A_407 : vector<16xi32>
        %parallel_loop3A_410 = arith.constant 0 : i32
        %parallel_loop3A_411 = vector.broadcast %parallel_loop3A_410 : i32 to vector<16xi32>
        %parallel_loop3A_412 = arith.cmpi slt, %parallel_loop3A_409, %parallel_loop3A_411 : vector<16xi32>
        %parallel_loop3A_413 = arith.constant 16 : i32
        %parallel_loop3A_414 = vector.broadcast %parallel_loop3A_413 : i32 to vector<16xi32>
        %parallel_loop3A_415 = arith.addi %parallel_loop3A_409, %parallel_loop3A_414 : vector<16xi32>
        %parallel_loop3A_416 = arith.select %parallel_loop3A_412, %parallel_loop3A_415, %parallel_loop3A_409 : vector<16xi1>, vector<16xi32>
        %parallel_loop3A_417 = vector.shape_cast %parallel_loop3A_416 : vector<16xi32> to vector<16x1xi32>
        %parallel_loop3A_418 = vector.shape_cast %parallel_loop3A_417 : vector<16x1xi32> to vector<16xi32>
        %parallel_loop3A_419 = tpu.dynamic_gather %parallel_loop3A_214[%parallel_loop3A_418] in [0] : vector<16xf32>, vector<16xi32> -> vector<16xf32>
        %parallel_loop3A_420 = arith.cmpf ogt, %parallel_loop3A_381, %parallel_loop3A_419 : vector<16xf32>
        %parallel_loop3A_421 = arith.select %parallel_loop3A_420, %add3A_9, %add3A_6 : vector<16xi1>, vector<16xi32>
        %parallel_loop3A_422 = arith.addi %parallel_loop3A_409, %parallel_loop3A_409 : vector<16xi32>
        %parallel_loop3A_423 = arith.addi %parallel_loop3A_422, %parallel_loop3A_421 : vector<16xi32>
        %parallel_loop3A_424 = arith.constant 0 : i32
        %parallel_loop3A_425 = vector.broadcast %parallel_loop3A_424 : i32 to vector<16xi32>
        %parallel_loop3A_426 = arith.cmpi slt, %parallel_loop3A_423, %parallel_loop3A_425 : vector<16xi32>
        %parallel_loop3A_427 = arith.constant 16 : i32
        %parallel_loop3A_428 = vector.broadcast %parallel_loop3A_427 : i32 to vector<16xi32>
        %parallel_loop3A_429 = arith.addi %parallel_loop3A_423, %parallel_loop3A_428 : vector<16xi32>
        %parallel_loop3A_430 = arith.select %parallel_loop3A_426, %parallel_loop3A_429, %parallel_loop3A_423 : vector<16xi1>, vector<16xi32>
        %parallel_loop3A_431 = vector.shape_cast %parallel_loop3A_430 : vector<16xi32> to vector<16x1xi32>
        %parallel_loop3A_432 = vector.shape_cast %parallel_loop3A_431 : vector<16x1xi32> to vector<16xi32>
        %parallel_loop3A_433 = tpu.dynamic_gather %parallel_loop3A_214[%parallel_loop3A_432] in [0] : vector<16xf32>, vector<16xi32> -> vector<16xf32>
        %parallel_loop3A_434 = arith.cmpf ogt, %parallel_loop3A_381, %parallel_loop3A_433 : vector<16xf32>
        %parallel_loop3A_435 = arith.select %parallel_loop3A_434, %add3A_9, %add3A_6 : vector<16xi1>, vector<16xi32>
        %parallel_loop3A_436 = arith.addi %parallel_loop3A_423, %parallel_loop3A_423 : vector<16xi32>
        %parallel_loop3A_437 = arith.addi %parallel_loop3A_436, %parallel_loop3A_435 : vector<16xi32>
        %parallel_loop3A_438 = arith.subi %parallel_loop3A_437, %add3A_45 : vector<16xi32>
        %parallel_loop3A_439 = arith.constant 0 : i32
        %parallel_loop3A_440 = vector.broadcast %parallel_loop3A_439 : i32 to vector<16xi32>
        %parallel_loop3A_441 = arith.cmpi slt, %parallel_loop3A_438, %parallel_loop3A_440 : vector<16xi32>
        %parallel_loop3A_442 = arith.constant 16 : i32
        %parallel_loop3A_443 = vector.broadcast %parallel_loop3A_442 : i32 to vector<16xi32>
        %parallel_loop3A_444 = arith.addi %parallel_loop3A_438, %parallel_loop3A_443 : vector<16xi32>
        %parallel_loop3A_445 = arith.select %parallel_loop3A_441, %parallel_loop3A_444, %parallel_loop3A_438 : vector<16xi1>, vector<16xi32>
        %parallel_loop3A_446 = vector.shape_cast %parallel_loop3A_445 : vector<16xi32> to vector<16x1xi32>
        %parallel_loop3A_447 = vector.shape_cast %parallel_loop3A_446 : vector<16x1xi32> to vector<16xi32>
        %parallel_loop3A_448 = tpu.dynamic_gather %parallel_loop3A_190[%parallel_loop3A_447] in [0] : vector<16xf32>, vector<16xi32> -> vector<16xf32>
        %parallel_loop3A_449 = arith.index_cast %parallel_loop3A_179 : i32 to index
        %parallel_loop3A_450 = arith.index_cast %parallel_loop3A_376 : i32 to index
        %parallel_loop3A_451 = tpu.vector_load %arg10[%parallel_loop3A_449, %parallel_loop3A_450] {strides = array<i32>} : memref<8x2048xf32, #tpu.memory_space<vmem>>, vector<16xf32>,
        tpu.vector_store %arg10[%parallel_loop3A_449, %parallel_loop3A_450], %parallel_loop3A_448 {strides = array<i32>} : memref<8x2048xf32, #tpu.memory_space<vmem>>, vector<16xf32>,
        %parallel_loop3A_452 = arith.constant 64 : i32
        %parallel_loop3A_453 = arith.muli %parallel_loop3A_181, %parallel_loop3A_452 : i32
        %parallel_loop3A_454 = arith.constant 48 : i32
        %parallel_loop3A_455 = arith.addi %parallel_loop3A_453, %parallel_loop3A_454 : i32
        %parallel_loop3A_456 = arith.constant 2048 : i32
        %parallel_loop3A_457 = arith.addi %parallel_loop3A_456, %parallel_loop3A_455 : i32
        %parallel_loop3A_458 = arith.index_cast %parallel_loop3A_179 : i32 to index
        %parallel_loop3A_459 = arith.index_cast %parallel_loop3A_457 : i32 to index
        %parallel_loop3A_460 = tpu.vector_load %arg6[%parallel_loop3A_458, %parallel_loop3A_459] {strides = array<i32>} : memref<8x4096xf32, #tpu.memory_space<vmem>>, vector<16xf32>,
        %parallel_loop3A_461 = arith.constant 0 : i32
        %parallel_loop3A_462 = vector.broadcast %parallel_loop3A_461 : i32 to vector<16xi32>
        %parallel_loop3A_463 = arith.cmpi slt, %mul3A_3, %parallel_loop3A_462 : vector<16xi32>
        %parallel_loop3A_464 = arith.constant 16 : i32
        %parallel_loop3A_465 = vector.broadcast %parallel_loop3A_464 : i32 to vector<16xi32>
        %parallel_loop3A_466 = arith.addi %mul3A_3, %parallel_loop3A_465 : vector<16xi32>
        %parallel_loop3A_467 = arith.select %parallel_loop3A_463, %parallel_loop3A_466, %mul3A_3 : vector<16xi1>, vector<16xi32>
        %parallel_loop3A_468 = vector.shape_cast %parallel_loop3A_467 : vector<16xi32> to vector<16x1xi32>
        %parallel_loop3A_469 = vector.shape_cast %parallel_loop3A_468 : vector<16x1xi32> to vector<16xi32>
        %parallel_loop3A_470 = tpu.dynamic_gather %parallel_loop3A_214[%parallel_loop3A_469] in [0] : vector<16xf32>, vector<16xi32> -> vector<16xf32>
        %parallel_loop3A_471 = arith.cmpf ogt, %parallel_loop3A_460, %parallel_loop3A_470 : vector<16xf32>
        %parallel_loop3A_472 = arith.select %parallel_loop3A_471, %add3A_9, %add3A_6 : vector<16xi1>, vector<16xi32>
        %parallel_loop3A_473 = arith.addi %mul3A_3, %mul3A_3 : vector<16xi32>
        %parallel_loop3A_474 = arith.addi %parallel_loop3A_473, %parallel_loop3A_472 : vector<16xi32>
        %parallel_loop3A_475 = arith.constant 0 : i32
        %parallel_loop3A_476 = vector.broadcast %parallel_loop3A_475 : i32 to vector<16xi32>
        %parallel_loop3A_477 = arith.cmpi slt, %parallel_loop3A_474, %parallel_loop3A_476 : vector<16xi32>
        %parallel_loop3A_478 = arith.constant 16 : i32
        %parallel_loop3A_479 = vector.broadcast %parallel_loop3A_478 : i32 to vector<16xi32>
        %parallel_loop3A_480 = arith.addi %parallel_loop3A_474, %parallel_loop3A_479 : vector<16xi32>
        %parallel_loop3A_481 = arith.select %parallel_loop3A_477, %parallel_loop3A_480, %parallel_loop3A_474 : vector<16xi1>, vector<16xi32>
        %parallel_loop3A_482 = vector.shape_cast %parallel_loop3A_481 : vector<16xi32> to vector<16x1xi32>
        %parallel_loop3A_483 = vector.shape_cast %parallel_loop3A_482 : vector<16x1xi32> to vector<16xi32>
        %parallel_loop3A_484 = tpu.dynamic_gather %parallel_loop3A_214[%parallel_loop3A_483] in [0] : vector<16xf32>, vector<16xi32> -> vector<16xf32>
        %parallel_loop3A_485 = arith.cmpf ogt, %parallel_loop3A_460, %parallel_loop3A_484 : vector<16xf32>
        %parallel_loop3A_486 = arith.select %parallel_loop3A_485, %add3A_9, %add3A_6 : vector<16xi1>, vector<16xi32>
        %parallel_loop3A_487 = arith.addi %parallel_loop3A_474, %parallel_loop3A_474 : vector<16xi32>
        %parallel_loop3A_488 = arith.addi %parallel_loop3A_487, %parallel_loop3A_486 : vector<16xi32>
        %parallel_loop3A_489 = arith.constant 0 : i32
        %parallel_loop3A_490 = vector.broadcast %parallel_loop3A_489 : i32 to vector<16xi32>
        %parallel_loop3A_491 = arith.cmpi slt, %parallel_loop3A_488, %parallel_loop3A_490 : vector<16xi32>
        %parallel_loop3A_492 = arith.constant 16 : i32
        %parallel_loop3A_493 = vector.broadcast %parallel_loop3A_492 : i32 to vector<16xi32>
        %parallel_loop3A_494 = arith.addi %parallel_loop3A_488, %parallel_loop3A_493 : vector<16xi32>
        %parallel_loop3A_495 = arith.select %parallel_loop3A_491, %parallel_loop3A_494, %parallel_loop3A_488 : vector<16xi1>, vector<16xi32>
        %parallel_loop3A_496 = vector.shape_cast %parallel_loop3A_495 : vector<16xi32> to vector<16x1xi32>
        %parallel_loop3A_497 = vector.shape_cast %parallel_loop3A_496 : vector<16x1xi32> to vector<16xi32>
        %parallel_loop3A_498 = tpu.dynamic_gather %parallel_loop3A_214[%parallel_loop3A_497] in [0] : vector<16xf32>, vector<16xi32> -> vector<16xf32>
        %parallel_loop3A_499 = arith.cmpf ogt, %parallel_loop3A_460, %parallel_loop3A_498 : vector<16xf32>
        %parallel_loop3A_500 = arith.select %parallel_loop3A_499, %add3A_9, %add3A_6 : vector<16xi1>, vector<16xi32>
        %parallel_loop3A_501 = arith.addi %parallel_loop3A_488, %parallel_loop3A_488 : vector<16xi32>
        %parallel_loop3A_502 = arith.addi %parallel_loop3A_501, %parallel_loop3A_500 : vector<16xi32>
        %parallel_loop3A_503 = arith.constant 0 : i32
        %parallel_loop3A_504 = vector.broadcast %parallel_loop3A_503 : i32 to vector<16xi32>
        %parallel_loop3A_505 = arith.cmpi slt, %parallel_loop3A_502, %parallel_loop3A_504 : vector<16xi32>
        %parallel_loop3A_506 = arith.constant 16 : i32
        %parallel_loop3A_507 = vector.broadcast %parallel_loop3A_506 : i32 to vector<16xi32>
        %parallel_loop3A_508 = arith.addi %parallel_loop3A_502, %parallel_loop3A_507 : vector<16xi32>
        %parallel_loop3A_509 = arith.select %parallel_loop3A_505, %parallel_loop3A_508, %parallel_loop3A_502 : vector<16xi1>, vector<16xi32>
        %parallel_loop3A_510 = vector.shape_cast %parallel_loop3A_509 : vector<16xi32> to vector<16x1xi32>
        %parallel_loop3A_511 = vector.shape_cast %parallel_loop3A_510 : vector<16x1xi32> to vector<16xi32>
        %parallel_loop3A_512 = tpu.dynamic_gather %parallel_loop3A_214[%parallel_loop3A_511] in [0] : vector<16xf32>, vector<16xi32> -> vector<16xf32>
        %parallel_loop3A_513 = arith.cmpf ogt, %parallel_loop3A_460, %parallel_loop3A_512 : vector<16xf32>
        %parallel_loop3A_514 = arith.select %parallel_loop3A_513, %add3A_9, %add3A_6 : vector<16xi1>, vector<16xi32>
        %parallel_loop3A_515 = arith.addi %parallel_loop3A_502, %parallel_loop3A_502 : vector<16xi32>
        %parallel_loop3A_516 = arith.addi %parallel_loop3A_515, %parallel_loop3A_514 : vector<16xi32>
        %parallel_loop3A_517 = arith.subi %parallel_loop3A_516, %add3A_45 : vector<16xi32>
        %parallel_loop3A_518 = arith.constant 0 : i32
        %parallel_loop3A_519 = vector.broadcast %parallel_loop3A_518 : i32 to vector<16xi32>
        %parallel_loop3A_520 = arith.cmpi slt, %parallel_loop3A_517, %parallel_loop3A_519 : vector<16xi32>
        %parallel_loop3A_521 = arith.constant 16 : i32
        %parallel_loop3A_522 = vector.broadcast %parallel_loop3A_521 : i32 to vector<16xi32>
        %parallel_loop3A_523 = arith.addi %parallel_loop3A_517, %parallel_loop3A_522 : vector<16xi32>
        %parallel_loop3A_524 = arith.select %parallel_loop3A_520, %parallel_loop3A_523, %parallel_loop3A_517 : vector<16xi1>, vector<16xi32>
        %parallel_loop3A_525 = vector.shape_cast %parallel_loop3A_524 : vector<16xi32> to vector<16x1xi32>
        %parallel_loop3A_526 = vector.shape_cast %parallel_loop3A_525 : vector<16x1xi32> to vector<16xi32>
        %parallel_loop3A_527 = tpu.dynamic_gather %parallel_loop3A_190[%parallel_loop3A_526] in [0] : vector<16xf32>, vector<16xi32> -> vector<16xf32>
        %parallel_loop3A_528 = arith.index_cast %parallel_loop3A_179 : i32 to index
        %parallel_loop3A_529 = arith.index_cast %parallel_loop3A_455 : i32 to index
        %parallel_loop3A_530 = tpu.vector_load %arg10[%parallel_loop3A_528, %parallel_loop3A_529] {strides = array<i32>} : memref<8x2048xf32, #tpu.memory_space<vmem>>, vector<16xf32>,
        tpu.vector_store %arg10[%parallel_loop3A_528, %parallel_loop3A_529], %parallel_loop3A_527 {strides = array<i32>} : memref<8x2048xf32, #tpu.memory_space<vmem>>, vector<16xf32>,
      } {sc.loop_unroll_factor = 4 : i64, sc.parallel_access}
      %mul3A_171 = arith.constant 8 : i32
      %mul3A_172 = arith.muli %add3A_131, %mul3A_171 : i32
      %dma_start3A_173 = arith.constant 2048 : i32
      %dma_start3A_174 = tpu.memref_slice %arg4[%mul3A_172, %dma_start3A_173] : memref<2048x4096xf32, #tpu.memory_space<hbm>> -> memref<8x2048xf32, #tpu.memory_space<hbm>>
      %dma_start3A_175 = arith.constant 2048 : i32
      %dma_start3A_176 = tpu.memref_slice %arg4[%mul3A_172, %dma_start3A_175] : memref<2048x4096xf32, #tpu.memory_space<hbm>> -> memref<8x2048xf32, #tpu.memory_space<hbm>>
      tpu.enqueue_dma source(%arg10 : memref<8x2048xf32, #tpu.memory_space<vmem>>) target(%dma_start3A_176 : memref<8x2048xf32, #tpu.memory_space<hbm>>) target_semaphore(%arg14 : memref<!tpu.dma_semaphore, #tpu.memory_space<semaphore_mem>>)
    }
    %scan3A_65 = arith.constant 4 : i32
    %dma_wait3A = arith.constant 0 : i32
    %dma_wait3A_66 = arith.constant 0 : i32
    %dma_wait3A_67 = tpu.memref_slice %arg4[%dma_wait3A, %dma_wait3A_66] : memref<2048x4096xf32, #tpu.memory_space<hbm>> -> memref<8x2048xf32, #tpu.memory_space<hbm>>
    %dma_wait3A_68 = arith.constant 0 : i32
    %dma_wait3A_69 = arith.constant 0 : i32
    %dma_wait3A_70 = tpu.memref_slice %arg4[%dma_wait3A_68, %dma_wait3A_69] : memref<2048x4096xf32, #tpu.memory_space<hbm>> -> memref<8x2048xf32, #tpu.memory_space<hbm>>
    tpu.wait_dma2 semaphore(%arg13 : memref<!tpu.dma_semaphore, #tpu.memory_space<semaphore_mem>>) src(%dma_wait3A_70 : memref<8x2048xf32, #tpu.memory_space<hbm>>) dst(%arg9 : memref<8x2048xf32, #tpu.memory_space<vmem>>)
    %dma_wait3A_71 = arith.constant 0 : i32
    %dma_wait3A_72 = arith.constant 0 : i32
    %dma_wait3A_73 = tpu.memref_slice %arg4[%dma_wait3A_71, %dma_wait3A_72] : memref<2048x4096xf32, #tpu.memory_space<hbm>> -> memref<8x2048xf32, #tpu.memory_space<hbm>>
    %dma_wait3A_74 = arith.constant 0 : i32
    %dma_wait3A_75 = arith.constant 0 : i32
    %dma_wait3A_76 = tpu.memref_slice %arg4[%dma_wait3A_74, %dma_wait3A_75] : memref<2048x4096xf32, #tpu.memory_space<hbm>> -> memref<8x2048xf32, #tpu.memory_space<hbm>>
    tpu.wait_dma2 semaphore(%arg14 : memref<!tpu.dma_semaphore, #tpu.memory_space<semaphore_mem>>) src(%dma_wait3A_76 : memref<8x2048xf32, #tpu.memory_space<hbm>>) dst(%arg10 : memref<8x2048xf32, #tpu.memory_space<vmem>>)
    return
  }
}

</mosaic_0001>

<sc_bundles>
// kernel: _quantize.3.cloned.1.call-start
scs
__scs_entry_jumppad:
0x0: {  	(pc) =	sbr.rel $0x88, $3  }
0x1: {  	(tag) =	ssettag $0x0;
	lr =	simm.s32 $0x1  }
0x2: {  	[smem:$0x3F9F] =	sst lr;
	_ =	strace $0xD0000000  }
0x3: {  	_ = 	snop  }
0x4: {  	_ = 	snop  }
0x5: {  	_ = 	snop  }
0x6: {  	_ = 	snop  }
0x7: {  	_ = 	snop  }
__scs_overlays_trampoline_lowered:
0x8: {  	[smem:$0x3FAE] =	sst s0  }
0x9: {  	[smem:$0x3FAF] =	sst s1  }
0xa: {  	[smem:$0x3FB0] =	sst s2  }
0xb: {  	[smem:$0x3FB1] =	sst s3  }
0xc: {  	[smem:$0x3FB2] =	sst s4  }
0xd: {  	[smem:$0x3FB3] =	sst s5  }
0xe: {  	[smem:$0x3FB4] =	sst s6  }
0xf: {  	[smem:$0x3FB5] =	sst s7  }
0x10: {  	[smem:$0x3FB6] =	sst s8  }
0x11: {  	[smem:$0x3FB7] =	sst s9;
	s0 =	simm.s32 @!p0 $0x0  }
0x12: {  	s1 =	sld [smem:$0x3F9D];
	s0 =	simm.s32 @p0 $0x1  }
0x13: {  	[smem:$0x3FB8] =	sst s0;
	s0 =	simm.s32 @!p1 $0x0  }
0x14: {  	s2 =	sld [smem:$0x3F9C];
	s0 =	simm.s32 @p1 $0x1  }
0x15: {  	[smem:$0x3FB9] =	sst s0;
	s0 =	simm.s32 @!p2 $0x0  }
0x16: {  	s3 =	sld [smem:$0x3FDB];
	s0 =	simm.s32 @p2 $0x1  }
0x17: {  	s4 =	simm.s32 $0x1BF5;
	[smem:$0x3FBB] =	sst s0  }
0x18: {  	s0 =	sld [smem:$0x3F9E];
	_ =	swait.ge [sflag:s4], $0x0  }
0x19: {  	s7 =	sld [smem:$0x3F9F]  }
0x1a: {  	s8 =	sadd.s32 $0xFFFFE003, lr  }
0x1b: {  	s9 =	sadd.s32 $0xFFFFFEF7, lr;
	s5 =	simm.s32 $0xFFFFFFFF;
	p2 =	slt.u32 s8, $0xFFFFF086  }
0x1c: {  	p1 =	slt.u32 s9, $0xF7A;
	s5 =	simm.s32 @!p2 $0x0  }
0x1d: {  	s5 =	simm.s32 @p1 $0x1;
	p0 =	seq.s32 s7, s2  }
0x1e: {  	s7 =	smul.u32 @!p0 $0xF7A, s2;
	p2 =	seq.s32 @!p0 s5, $0x0  }
0x1f: {  	s9 =	smul.u32 $0xF7A, s1;
	s8 =	simm.s32 @!p0 $0x1BF5;
	p2 =	por !p2, p0  }
0x20: {  	[sflag:s8] =	ssyncset.s32 @!p0 $0xFFFFF086;
	s6 =	sadd.s32 @!p0 s3, s7;
	s7 =	simm.s32 @!p0 $0x108  }
0x21: {  	s3 =	sadd.s32 s3, s9;
	s6 =	sadd.s32 @!p0 $0x88, s6;
	s7 =	simm.s32 @p2 $0x1082  }
0x22: {  	[simem:s7], [sflag:s8] =	dma.local @!p0 [hbm:s6], $0xF7A  }
0x23: {  	s9 =	sor.u32 $0xD0000000, s2;
	s6 =	simm.s32 $0x108;
	_ =	swait.ge @!p0 [sflag:s8], $0x0  }
0x24: {  	s3 =	sadd.s32 $0x88, s3;
	s6 =	simm.s32 @!p1 $0x1082;
	[sflag:s4] =	ssyncset.s32 $0xFFFFF086  }
0x25: {  	[simem:s6], [sflag:s4] =	dma.local [hbm:s3], $0xF7A  }
0x26: {  	[smem:$0x3F9F] =	sst s1;
	(tag) =	ssettag s2;
	_ =	strace s9  }
0x27: {  	s1 =	sld [smem:$0x3FAF]  }
0x28: {  	s2 =	sld [smem:$0x3FB0]  }
0x29: {  	s4 =	sld [smem:$0x3FB2]  }
0x2a: {  	p0 =	seq.s32 s5, $0x0;
	s5 =	sld [smem:$0x3FB3]  }
0x2b: {  	s6 =	sld [smem:$0x3FB4]  }
0x2c: {  	s7 =	sld [smem:$0x3FB5]  }
0x2d: {  	s3 =	simm.s32 $0x108;
	s8 =	sld [smem:$0x3FB6]  }
0x2e: {  	s3 =	simm.s32 @!p0 $0x1082;
	s9 =	sld [smem:$0x3FB7]  }
0x2f: {  	lr =	sadd.s32 s0, s3;
	s0 =	sld [smem:$0x3FAE]  }
0x30: {  	s3 =	sld [smem:$0x3FB1]  }
0x31: {  	[smem:$0x3FBA] =	sst s10  }
0x32: {  	s10 =	sld [smem:$0x3FB8];
	_ =	sdelay $0x3  }
0x33: {  	p0 =	seq.s32 s10, $0x1;
	s10 =	sld [smem:$0x3FBA];
	_ =	sdelay $0x3  }
0x34: {  	[smem:$0x3FBA] =	sst s10  }
0x35: {  	s10 =	sld [smem:$0x3FB9];
	_ =	sdelay $0x3  }
0x36: {  	p1 =	seq.s32 s10, $0x1;
	s10 =	sld [smem:$0x3FBA];
	_ =	sdelay $0x3  }
0x37: {  	[smem:$0x3FBA] =	sst s10  }
0x38: {  	s10 =	sld [smem:$0x3FBB]  }
0x39: {  	_ = 	snop;
	(pc) =	sbr.ind lr, $3  }
0x3a: {  	_ = 	snop  }
0x3b: {  	_ = 	snop  }
0x3c: {  	p2 =	seq.s32 s10, $0x1;
	s10 =	sld [smem:$0x3FBA]  }
0x3d: {  	_ =	shalt  }
0x3e: {  	_ =	shalt  }
0x3f: {  	_ =	shalt  }
0x40: {  	_ =	shalt  }
0x41: {  	_ =	shalt  }
0x42: {  	_ =	shalt  }
0x43: {  	_ =	shalt  }
0x44: {  	_ =	shalt  }
0x45: {  	_ =	shalt  }
0x46: {  	_ =	shalt  }
0x47: {  	_ =	shalt  }
0x48: {  	_ =	shalt  }
0x49: {  	_ =	shalt  }
0x4a: {  	_ =	shalt  }
0x4b: {  	_ =	shalt  }
0x4c: {  	_ =	shalt  }
0x4d: {  	_ =	shalt  }
0x4e: {  	_ =	shalt  }
0x4f: {  	_ =	shalt  }
0x50: {  	_ =	shalt  }
0x51: {  	_ =	shalt  }
0x52: {  	_ =	shalt  }
0x53: {  	_ =	shalt  }
0x54: {  	_ =	shalt  }
0x55: {  	_ =	shalt  }
0x56: {  	_ =	shalt  }
0x57: {  	_ =	shalt  }
0x58: {  	_ =	shalt  }
0x59: {  	_ =	shalt  }
0x5a: {  	_ =	shalt  }
0x5b: {  	_ =	shalt  }
0x5c: {  	_ =	shalt  }
0x5d: {  	_ =	shalt  }
0x5e: {  	_ =	shalt  }
0x5f: {  	_ =	shalt  }
0x60: {  	_ =	shalt  }
0x61: {  	_ =	shalt  }
0x62: {  	_ =	shalt  }
0x63: {  	_ =	shalt  }
0x64: {  	_ =	shalt  }
0x65: {  	_ =	shalt  }
0x66: {  	_ =	shalt  }
0x67: {  	_ =	shalt  }
0x68: {  	_ =	shalt  }
0x69: {  	_ =	shalt  }
0x6a: {  	_ =	shalt  }
0x6b: {  	_ =	shalt  }
0x6c: {  	_ =	shalt  }
0x6d: {  	_ =	shalt  }
0x6e: {  	_ =	shalt  }
0x6f: {  	_ =	shalt  }
0x70: {  	_ =	shalt  }
0x71: {  	_ =	shalt  }
0x72: {  	_ =	shalt  }
0x73: {  	_ =	shalt  }
0x74: {  	_ =	shalt  }
0x75: {  	_ =	shalt  }
0x76: {  	_ =	shalt  }
0x77: {  	_ =	shalt  }
0x78: {  	_ =	shalt  }
0x79: {  	_ =	shalt  }
0x7a: {  	_ =	shalt  }
0x7b: {  	_ =	shalt  }
0x7c: {  	_ =	shalt  }
0x7d: {  	_ =	shalt  }
0x7e: {  	_ =	shalt  }
0x7f: {  	_ =	shalt  }
0x80: {  	_ =	shalt  }
0x81: {  	_ =	shalt  }
0x82: {  	_ =	shalt  }
0x83: {  	_ =	shalt  }
0x84: {  	_ =	shalt  }
0x85: {  	_ =	shalt  }
0x86: {  	_ =	shalt  }
0x87: {  	_ =	shalt  }
.Lfunc_end0:
.L_simem_size_0:
called_computation_lowered:
.L_overlay_start_0:
0x88: {  	s2 =	sld [smem:$0x3FD9]  }
0x89: {  	s3 =	sld [smem:$0x3FFE];
	_ =	sdelay $0x1  }
0x8a: {  	s1 =	srdreg.scid  }
0x8b: {  	s0 =	sand.u32 $0x1, s1  }
0x8c: {  	s18 =	sshll.u32 s0, $0xA;
	s2 =	sadd.s32 s3, s2  }
0x8d: {  	s2 =	sadd.s32 s2, s18  }
0x8e: {  	[smem:$0x3FC6] =	sst s2  }
0x8f: {  	_ = 	snop  }
0x90: {  	s2 =	sld [smem:$0x3FC9]  }
0x91: {  	s19 =	sld [smem:$0x3FC8]  }
0x92: {  	s4 =	sld [smem:$0x3FD0];
	(tm) =	ssettm $0x1  }
0x93: {  	s5 =	sld [smem:$0x3FFB];
	_ =	sdelay $0x3  }
0x94: {  	_ =	strace s5  }
0x95: {  	s5 =	sld [smem:$0x3FFC];
	_ =	sdelay $0x3  }
0x96: {  	_ =	strace s5  }
0x97: {  	s5 =	sld [smem:$0x3FFD];
	_ =	sdelay $0x3  }
0x98: {  	_ =	strace s5  }
0x99: {  	_ =	strace $0x8FFFFFFF  }
0x9a: {  	s20 =	sld [smem:$0x3FDB];
	_ =	sdelay $0x1  }
0x9b: {  	s6 =	simm.s32 $_scs_section_size  }
0x9c: {  	s7 =	simm.s32 $_size__tile_overlayer_lowered;
	s8 =	simm.s32 $_tile_overlayer_lowered  }
0x9d: {  	s23 =	simm.s32 $0x1BFF;
	s22 =	sshll.u32 s8, $0x1;
	s5 =	sadd.s32 s6, s20  }
0x9e: {  	s9 =	simm.s32 $0x0;
	s21 =	sshll.u32 s7, $0x1;
	s7 =	sadd.s32 s22, s5  }
0x9f: {  	[timem:s9], [sflag:s23] =	dma.local [hbm:s7], s21  }
0xa0: {  	_ =	swait.ge [sflag:s23], s21  }
0xa1: {  	s6 =	ssub.s32 $0x0, s21;
	[sflag:s23] =	ssyncset.done $0x0  }
0xa2: {  	[sflag:s23] =	ssyncadd.s32 s6;
	_ =	sdelay $0x1  }
0xa3: {  	s24 =	simm.s32 $0x1B8B  }
0xa4: {  	_ =	swait.ge [sflag:s24], $0x1  }
0xa5: {  	[sflag:s24] =	ssyncset.done $0x0  }
0xa6: {  	s25 =	simm.s32 $0x1B8E;
	[sflag:s24] =	ssyncadd.s32 $0xFFFFFFFF  }
0xa7: {  	s26 =	simm.s32 $execute0_lowered;
	[smem:$0x3FD2] =	sst s25  }
0xa8: {  	s6 =	sshll.u32 s26, $0x1;
	_ =	strace $0x80000046;
	[dreg:$0x1] =	wrdreg $0xFFFFFFFF  }
0xa9: {  	s28 =	simm.s32 $_size_execute0_lowered;
	s5 =	sadd.s32 s5, s6;
	[dreg:$0x0] =	wrdreg $0x0  }
0xaa: {  	s6 =	sshll.u32 s28, $0x1;
	[dreg:$0x2] =	wrdreg s5  }
0xab: {  	[dreg:$0x3] =	wrdreg s6  }
0xac: {  	[dreg:$0x4] =	wrdreg $0xC0  }
0xad: {  	_ =	task [dreg:s9], $0x5FFFF  }
0xae: {  	[dreg:$0x1] =	wrdreg $0xFFFFFFFF  }
0xaf: {  	[dreg:$0x0] =	wrdreg $0x60  }
0xb0: {  	[dreg:$0x2] =	wrdreg s2  }
0xb1: {  	[dreg:$0x3] =	wrdreg s19  }
0xb2: {  	[dreg:$0x4] =	wrdreg s4  }
0xb3: {  	[dreg:$0x5] =	wrdreg $0x9  }
0xb4: {  	_ =	task.clear_ibuf [dreg:s9], $0x6FFFF;
	_ =	strace $0x90000046  }
0xb5: {  	s29 =	simm.s32 $0x9;
	_ =	strace $0x80000048  }
0xb6: {  	_ =	swait.ge [sflag:s29], $0x1  }
0xb7: {  	[sflag:s29] =	ssyncadd.s32 $0xFFFFFFFF  }
0xb8: {  	_ =	strace $0x90000048  }
0xb9: {  	_ =	sfence  }
0xba: {  	s30 =	sld [smem:$0x0];
	_ =	sdelay $0x2  }
0xbb: {  	s31 =	sshll.u32 s1, $0xD;
	s1 =	sshrl.u32 s1, $0x2  }
0xbc: {  	s3 =	sand.u32 $0x4000, s31;
	s1 =	sadd.s32 s1, s30  }
0xbd: {  	s0 =	sor.u32 s3, s0;
	s1 =	sshll.u32 s1, $0x11  }
0xbe: {  	s0 =	sor.u32 s1, s0  }
0xbf: {  	s0 =	sadd.s32 $0x8F2B, s0  }
0xc0: {  	[sflag:s0] =	ssyncadd.remote.s32 $0x1  }
0xc1: {  	_ =	sfence.sel $0xFFFF  }
0xc2: {  	[dreg:$0x0] =	wrdreg $0xFFFFFFFF;
	(pc) =	sbr.abs _section_cstart, $3  }
0xc3: {  	[dreg:$0x1] =	wrdreg $0xFFFFFFFF  }
0xc4: {  	_ =	task.clear_ibuf [dreg:s9], $0x2FFFF;
	_ =	strace $0x9FFFFFFF  }
0xc5: {  	(tm) =	ssettm $0x7FFFFFFF  }
tec
execute0_lowered:
.L_overlay_start_1:
0x0: {  	(tag) =	ssettag $0x1  }
0x1: {  	s1 =	rddreg [dreg:$0x0]  }
0x2: {  	s3 =	rddreg [dreg:$0x1]  }
0x3: {  	s4 =	rddreg [dreg:$0x2];
	s0 =	srdreg.scid  }
0x4: {  	s6 =	stileid.u32;
	s5 =	simm.s32 $0x0;
	s14 =	simm.s32 $0x1  }
0x5: {  	s16 =	simm.s32 $0x12000;
	s17 =	simm.s32 $0x14000;
	s18 =	simm.s32 $0x18000  }
0x6: {  	v0 =	vimm.s32 $0xD951B37;
	v1 =	vimm.s32 $0x1EA62C48;
	v2 =	vimm.s32 $0xECA8642;
	s19 =	simm.s32 $0x2;
	s20 =	simm.s32 $0x3;
	s21 =	simm.s32 $0x4  }
0x7: {  	v3 =	vimm.s32 $0x1FDB9753;
	s0 =	sand.u32 $0x1, s0;
	s6 =	sshll.u32 s6, $0x1;
	v0 =	vunpack.c.l.s4.s8 v0;
	[smem:$0x7FF] =	sst s5;
	v1 =	vunpack.c.l.s4.s8 v1  }
0x8: {  	vm0 =	vcmask $0x1F00;
	v2 =	vunpack.c.l.s4.s8 v2;
	v3 =	vunpack.c.l.s4.s8 v3;
	s10 =	sadd.s32 $0x800, s4;
	s2 =	ssub.s32 $0x2, s0;
	s0 =	sor.u32 s0, s6  }
0x9: {  	vm1 =	vcmask $0x3F1C;
	_ =	strace $0x80000047;
	s7 =	sshrl.u32 s2, $0x1;
	s6 =	sshll.u32 s0, $0xF;
	v0 =	vunpack.c.0.s8.s32 v0;
	v1 =	vunpack.c.0.s8.s32 v1  }
0xa: {  	v4 =	vimm.s32 $0x2;
	s29 =	sshll.u32 s0, $0xD;
	v2 =	vunpack.c.0.s8.s32 v2;
	v3 =	vunpack.c.0.s8.s32 v3;
	s2 =	ssub.s32 s2, s7;
	s6 =	sadd.s32 s1, s6  }
0xb: {  	v5 =	vimm.s32 $0xFFFFFFF2;
	s7 =	sshll.u32 s0, $0x3;
	s30 =	sadd.s32 s3, s29;
	[dreg:$0x4] =	wrdreg s6;
	v0 =	vnsel vm0, $0x0, v0;
	v1 =	vnsel vm0, $0x1, v1  }
0xc: {  	[dreg:$0x5] =	wrdreg s30;
	s9 =	sor.u32 $0x1, s7;
	s31 =	smax.u32 s2, $0x1;
	v0 =	vsel vm1, v2, v0;
	v1 =	vsel vm1, v3, v1;
	v2 =	vimm.s32 $0x0  }
0xd: {  	s11 =	sor.u32 $0x2, s7;
	s2 =	simm.s32 $0x0;
	[dreg:$0x6] =	wrdreg s31;
	v3 =	vimm.s32 $0x1;
	v0 =	vand.u32 $0xF, v0;
	v1 =	vand.u32 $0xF, v1  }
.LBB2_1:
0xe: {  	[dreg:$0x7] =	wrdreg s2  }
0xf: {  	s0 =	rddreg [dreg:$0x4]  }
0x10: {  	[tilespmem:s5], [sflag:$0x1] =	stream.linear.gather [hbm4b:s0+s5], $0x8000, $0x38;
	[tilespmem:$0x1C000] =	vst v63  }
0x11: {  	s30 =	rddreg [dreg:$0x5];
	s31 =	simm.s32 $0x10000;
	s23 =	simm.s32 $0x0  }
0x12: {  	[tilespmem:s31], [sflag:$0x1] =	stream.linear.gather [hbm4b:s30+s5], $0x2000, $0x38;
	[tilespmem:$0x1C000] =	vst v63  }
.LBB2_2:
0x13: {  	_ =	swait.ge [sflag:s14], $0x8000  }
0x14: {  	s25 =	sshll.u32 s23, $0x1;
	[sflag:s14] =	ssyncset.done $0x0  }
0x15: {  	s0 =	sor.u32 s9, s25;
	[sflag:s14] =	ssyncadd.s32 $0xFFFF8000  }
0x16: {  	s6 =	simm.s32 $0x8000;
	s24 =	sshll.u32 s0, $0xC;
	_ =	swait.ge [sflag:s14], $0x2000  }
0x17: {  	s0 =	sshll.u32 s0, $0xA;
	s2 =	sand.u32 $0x1FFFF000, s24;
	[sflag:s14] =	ssyncset.done $0x0  }
0x18: {  	s0 =	sand.u32 $0x1FFFFC00, s0;
	s2 =	sadd.s32 s1, s2;
	[sflag:s14] =	ssyncadd.s32 $0xFFFFE000  }
0x19: {  	[tilespmem:s6], [sflag:$0x2] =	stream.linear.gather [hbm4b:s2+s5], $0x8000, $0x38;
	[tilespmem:$0x1C000] =	vst v63  }
0x1a: {  	p0 =	seq.s32 s23, $0x0;
	s12 =	simm.s32 $0x0;
	s0 =	sadd.s32 s3, s0  }
0x1b: {  	[tilespmem:s16], [sflag:$0x2] =	stream.linear.gather [hbm4b:s0+s5], $0x2000, $0x38;
	[tilespmem:$0x1C000] =	vst v63  }
0x1c: {  	s13 =	simm.s32 $0x0;
	s2 =	simm.s32 @!p0 $0x3;
	s0 =	sand.u32 $0x1C, s12  }
0x1d: {  	s6 =	sand.u32 $0x3FFFFC00, s13;
	_ =	swait.ge @!p0 [sflag:s2], $0x4000;
	s8 =	sor.u32 $0x3, s0  }
0x1e: {  	s6 =	sadd.s32 $0x10000, s6;
	[sflag:s2] =	ssyncset.done @!p0 $0x0;
	s12 =	sshll.u32 s8, $0x4  }
0x1f: {  	[sflag:s2] =	ssyncadd.s32 @!p0 $0xFFFFC000;
	s15 =	sor.u32 s12, s6  }
0x20: {  	v10 =	vld [tilespmem:s15+$0x0]  }
0x21: {  	s22 =	sshll.u32 s0, $0x4  }
0x22: {  	s26 =	sor.u32 $0x2, s0;
	s2 =	sor.u32 s22, s6  }
0x23: {  	s13 =	sshll.u32 s26, $0x4;
	v18 =	vld [tilespmem:s2+$0x10]  }
0x24: {  	s6 =	sor.u32 s13, s6;
	v19 =	vld [tilespmem:s2+$0x0]  }
0x25: {  	s13 =	simm.s32 $0x0;
	v6 =	vld [tilespmem:s6+$0x0];
	s15 =	sshll.u32 s8, $0x9;
	v7 =	vperm.xlane v10, v0;
	v8 =	vperm.xlane v10, v1  }
0x26: {  	s2 =	sand.u32 $0xFFFFFF80, s13;
	s6 =	sand.u32 $0x3C00, s15  }
0x27: {  	s22 =	sadd.s32 s2, s6;
	v7 =	vadd.f32 v8, v7  }
0x28: {  	v15 =	vld [tilespmem:s22+$0x40];
	v9 =	vperm.xlane v18, v1;
	v8 =	vperm.xlane v18, v0  }
0x29: {  	s0 =	sshll.u32 s0, $0x9;
	v11 =	vperm.xlane v19, v0;
	v7 =	vmul.f32 $5.000000000e-01, v7  }
0x2a: {  	s0 =	sadd.s32 s2, s0;
	v13 =	vperm.xlane v19, v1;
	v14 =	vperm.xlane v6, v1;
	v8 =	vadd.f32 v9, v8  }
0x2b: {  	v16 =	vld [tilespmem:s0+$0x40];
	v9 =	vperm.xlane v6, v0;
	v12 =	vperm.xlane v7, v2  }
0x2c: {  	s12 =	sshll.u32 s26, $0x9;
	v11 =	vadd.f32 v13, v11;
	v20 =	vmul.f32 $5.000000000e-01, v8  }
0x2d: {  	s6 =	sadd.s32 s2, s12;
	v9 =	vadd.f32 v14, v9;
	vm0 =	vgt.f32 v15, v12  }
0x2e: {  	v13 =	vld [tilespmem:s6+$0x0];
	v22 =	vmul.f32 $5.000000000e-01, v11;
	v8 =	vperm.xlane v20, v2;
	v11 =	vsel vm0, $0x2, v3  }
0x2f: {  	v14 =	vld [tilespmem:s6+$0x10];
	v21 =	vmul.f32 $5.000000000e-01, v9;
	v17 =	vperm.xlane v7, v11  }
0x30: {  	v23 =	vld [tilespmem:s0+$0x0];
	v26 =	vsel vm0, $0x4, v4;
	vm1 =	vgt.f32 v16, v8  }
0x31: {  	v9 =	vperm.xlane v21, v2;
	v25 =	vsel vm1, $0x2, v3;
	vm2 =	vgt.f32 v15, v17  }
0x32: {  	v11 =	vperm.xlane v22, v2;
	v17 =	vperm.xlane v20, v25;
	v25 =	vsel vm2, $0x2, v3  }
0x33: {  	v24 =	vld [tilespmem:s0+$0x10];
	v27 =	vsel vm1, $0x4, v4;
	vm0 =	vgt.f32 v13, v9;
	v25 =	vadd.s32 v26, v25  }
0x34: {  	vm1 =	vgt.f32 v14, v9;
	vm3 =	vgt.f32 v16, v17;
	v17 =	vperm.xlane v7, v25  }
0x35: {  	vm2 =	vgt.f32 v23, v11;
	v26 =	vsel vm0, $0x2, v3;
	v28 =	vsel vm3, $0x2, v3  }
0x36: {  	v29 =	vsel vm2, $0x2, v3;
	v27 =	vadd.s32 v27, v28;
	vm4 =	vgt.f32 v15, v17  }
0x37: {  	v25 =	vshll.u32 v25, $0x1;
	v17 =	vperm.xlane v20, v27;
	v28 =	vsel vm4, $0x2, v3  }
0x38: {  	vm3 =	vgt.f32 v24, v11;
	v26 =	vperm.xlane v21, v26;
	v25 =	vadd.s32 v28, v25  }
0x39: {  	v30 =	vsel vm3, $0x2, v3;
	vm12 =	vgt.f32 v16, v17;
	v17 =	vperm.xlane v7, v25  }
0x3a: {  	v27 =	vshll.u32 v27, $0x1;
	v30 =	vperm.xlane v22, v30;
	v31 =	vsel vm12, $0x2, v3  }
0x3b: {  	vm15 =	vgt.f32 v13, v26;
	v27 =	vadd.s32 v31, v27;
	vm13 =	vgt.f32 v15, v17  }
0x3c: {  	v15 =	vperm.xlane v20, v27;
	v17 =	vshll.u32 v25, $0x1;
	v25 =	vsel vm13, $0xFFFFFFF3, v5  }
0x3d: {  	v26 =	vsel vm2, $0x4, v4;
	v28 =	vperm.xlane v22, v29;
	v17 =	vadd.s32 v17, v25  }
0x3e: {  	v29 =	vsel vm1, $0x2, v3;
	vm14 =	vgt.f32 v16, v15;
	v15 =	vperm.xlane v10, v17  }
0x3f: {  	s2 =	sadd.s32 $0x14000, s22;
	v27 =	vshll.u32 v27, $0x1;
	v25 =	vperm.xlane v21, v29;
	v16 =	vsel vm14, $0xFFFFFFF3, v5  }
0x40: {  	vm6 =	vgt.f32 v24, v30;
	v30 =	vsel vm1, $0x4, v4;
	v16 =	vadd.s32 v27, v16;
	[tilespmem:s2+$0x40] =	vst v15  }
0x41: {  	vm5 =	vgt.f32 v23, v28;
	vm7 =	vgt.f32 v14, v25;
	v16 =	vperm.xlane v18, v16;
	v25 =	vld [tilespmem:s22+$0x50]  }
0x42: {  	s26 =	sadd.s32 $0x14000, s0;
	v29 =	vsel vm3, $0x4, v4;
	v17 =	vsel vm6, $0x2, v3;
	v27 =	vsel vm15, $0x2, v3  }
0x43: {  	v17 =	vadd.s32 v29, v17;
	v15 =	vsel vm5, $0x2, v3;
	v28 =	vsel vm7, $0x2, v3;
	[tilespmem:s26+$0x40] =	vst v16  }
0x44: {  	v29 =	vperm.xlane v22, v17;
	v15 =	vadd.s32 v26, v15;
	v16 =	vsel vm0, $0x4, v4;
	v26 =	vld [tilespmem:s0+$0x50]  }
0x45: {  	v28 =	vadd.s32 v30, v28;
	v16 =	vadd.s32 v16, v27;
	v27 =	vperm.xlane v22, v15  }
0x46: {  	v17 =	vshll.u32 v17, $0x1;
	v31 =	vperm.xlane v21, v28;
	vm0 =	vgt.f32 v25, v12  }
0x47: {  	v30 =	vperm.xlane v21, v16;
	vm1 =	vgt.f32 v23, v27;
	v27 =	vsel vm0, $0x2, v3  }
0x48: {  	vm2 =	vgt.f32 v24, v29;
	v28 =	vshll.u32 v28, $0x1;
	v27 =	vperm.xlane v7, v27  }
0x49: {  	vm8 =	vgt.f32 v14, v31;
	vm3 =	vgt.f32 v13, v30;
	vm9 =	vgt.f32 v26, v8  }
0x4a: {  	v29 =	vsel vm1, $0x2, v3;
	v30 =	vsel vm9, $0x2, v3;
	vm1 =	vgt.f32 v25, v27  }
0x4b: {  	v31 =	vsel vm0, $0x4, v4;
	v27 =	vperm.xlane v20, v30;
	v30 =	vsel vm1, $0x2, v3  }
0x4c: {  	v15 =	vshll.u32 v15, $0x1;
	v33 =	vsel vm2, $0x2, v3;
	v30 =	vadd.s32 v31, v30  }
0x4d: {  	v16 =	vshll.u32 v16, $0x1;
	vm0 =	vgt.f32 v26, v27;
	v27 =	vperm.xlane v7, v30  }
0x4e: {  	v17 =	vadd.s32 v33, v17;
	v34 =	vsel vm8, $0x2, v3;
	v15 =	vadd.s32 v29, v15  }
0x4f: {  	v32 =	vsel vm9, $0x4, v4;
	v35 =	vsel vm0, $0x2, v3;
	vm0 =	vgt.f32 v25, v27  }
0x50: {  	v30 =	vshll.u32 v30, $0x1;
	v27 =	vadd.s32 v32, v35;
	v29 =	vsel vm0, $0x2, v3  }
0x51: {  	v33 =	vperm.xlane v22, v17;
	v32 =	vperm.xlane v20, v27;
	v29 =	vadd.s32 v29, v30  }
0x52: {  	v17 =	vshll.u32 v17, $0x1;
	v31 =	vsel vm3, $0x2, v3;
	v30 =	vperm.xlane v7, v29  }
0x53: {  	v28 =	vadd.s32 v34, v28;
	v16 =	vadd.s32 v31, v16;
	vm0 =	vgt.f32 v26, v32  }
0x54: {  	v27 =	vshll.u32 v27, $0x1;
	v32 =	vsel vm0, $0x2, v3;
	vm0 =	vgt.f32 v25, v30  }
0x55: {  	v25 =	vadd.s32 v32, v27;
	v27 =	vshll.u32 v29, $0x1;
	v29 =	vsel vm0, $0xFFFFFFF3, v5  }
0x56: {  	v31 =	vperm.xlane v22, v15;
	v57 =	vperm.xlane v21, v16;
	v27 =	vadd.s32 v27, v29  }
0x57: {  	vm1 =	vgt.f32 v24, v33;
	v30 =	vperm.xlane v20, v25;
	v27 =	vperm.xlane v10, v27  }
0x58: {  	v15 =	vshll.u32 v15, $0x1;
	vm3 =	vgt.f32 v13, v57;
	v29 =	vperm.xlane v21, v28  }
0x59: {  	vm0 =	vgt.f32 v23, v31;
	v13 =	vshll.u32 v25, $0x1;
	vm2 =	vgt.f32 v26, v30;
	[tilespmem:s2+$0x50] =	vst v27  }
0x5a: {  	v25 =	vsel vm1, $0xFFFFFFF3, v5;
	vm10 =	vgt.f32 v14, v29;
	v14 =	vsel vm2, $0xFFFFFFF3, v5;
	v24 =	vld [tilespmem:s22+$0x60]  }
0x5b: {  	v23 =	vsel vm0, $0xFFFFFFF3, v5;
	v17 =	vadd.s32 v17, v25;
	v13 =	vadd.s32 v13, v14  }
0x5c: {  	v26 =	vsel vm3, $0xFFFFFFF3, v5;
	v15 =	vadd.s32 v15, v23;
	v13 =	vperm.xlane v18, v13  }
0x5d: {  	v17 =	vperm.xlane v19, v17;
	v15 =	vperm.xlane v19, v15;
	v14 =	vshll.u32 v16, $0x1  }
0x5e: {  	v27 =	vsel vm10, $0xFFFFFFF3, v5;
	v16 =	vshll.u32 v28, $0x1;
	v14 =	vadd.s32 v14, v26;
	[tilespmem:s26+$0x50] =	vst v13  }
0x5f: {  	[tilespmem:s0+$0x14000] =	vst v15;
	v14 =	vperm.xlane v6, v14;
	v13 =	vadd.s32 v16, v27;
	v16 =	vld [tilespmem:s0+$0x60];
	vm0 =	vgt.f32 v24, v12  }
0x60: {  	[tilespmem:s26+$0x10] =	vst v17;
	v13 =	vperm.xlane v6, v13;
	v15 =	vsel vm0, $0x2, v3  }
0x61: {  	s28 =	sadd.s32 $0x14000, s6;
	v17 =	vld [tilespmem:s0+$0x20];
	[tilespmem:s6+$0x14000] =	vst v14;
	v15 =	vperm.xlane v7, v15  }
0x62: {  	[tilespmem:s28+$0x10] =	vst v13  }
0x63: {  	v13 =	vld [tilespmem:s6+$0x20];
	vm1 =	vgt.f32 v24, v15  }
0x64: {  	v15 =	vsel vm0, $0x4, v4;
	vm0 =	vgt.f32 v16, v8;
	v14 =	vsel vm1, $0x2, v3  }
0x65: {  	v23 =	vsel vm0, $0x2, v3;
	v14 =	vadd.s32 v15, v14  }
0x66: {  	v25 =	vsel vm0, $0x4, v4;
	vm0 =	vgt.f32 v17, v11;
	v15 =	vperm.xlane v7, v14  }
0x67: {  	v23 =	vperm.xlane v20, v23;
	v26 =	vsel vm0, $0x2, v3  }
0x68: {  	vm2 =	vgt.f32 v13, v9;
	v14 =	vshll.u32 v14, $0x1;
	vm1 =	vgt.f32 v24, v15  }
0x69: {  	v26 =	vperm.xlane v22, v26;
	v27 =	vsel vm2, $0x2, v3;
	v15 =	vsel vm1, $0x2, v3  }
0x6a: {  	vm1 =	vgt.f32 v16, v23;
	v14 =	vadd.s32 v15, v14;
	v15 =	vperm.xlane v21, v27  }
0x6b: {  	v27 =	vsel vm0, $0x4, v4;
	vm0 =	vgt.f32 v17, v26;
	v23 =	vperm.xlane v7, v14  }
0x6c: {  	v26 =	vsel vm1, $0x2, v3;
	v28 =	vsel vm0, $0x2, v3;
	v14 =	vshll.u32 v14, $0x1  }
0x6d: {  	vm0 =	vgt.f32 v13, v15;
	v15 =	vsel vm2, $0x4, v4;
	vm1 =	vgt.f32 v24, v23  }
0x6e: {  	v24 =	vadd.s32 v25, v26;
	v25 =	vsel vm0, $0x2, v3;
	v23 =	vsel vm1, $0xFFFFFFF3, v5  }
0x6f: {  	v26 =	vperm.xlane v20, v24;
	v14 =	vadd.s32 v14, v23;
	v23 =	vadd.s32 v27, v28  }
0x70: {  	v15 =	vadd.s32 v15, v25;
	v14 =	vperm.xlane v10, v14;
	v25 =	vperm.xlane v22, v23  }
0x71: {  	v24 =	vshll.u32 v24, $0x1;
	v23 =	vshll.u32 v23, $0x1  }
0x72: {  	vm0 =	vgt.f32 v16, v26;
	v26 =	vperm.xlane v21, v15;
	[tilespmem:s2+$0x60] =	vst v14;
	vm1 =	vgt.f32 v17, v25  }
0x73: {  	v15 =	vshll.u32 v15, $0x1;
	v14 =	vsel vm0, $0x2, v3;
	v25 =	vld [tilespmem:s22+$0x70];
	v27 =	vsel vm1, $0x2, v3  }
0x74: {  	vm0 =	vgt.f32 v13, v26;
	v14 =	vadd.s32 v14, v24;
	v23 =	vadd.s32 v27, v23  }
0x75: {  	v26 =	vsel vm0, $0x2, v3;
	v24 =	vperm.xlane v20, v14;
	v27 =	vperm.xlane v22, v23  }
0x76: {  	v14 =	vshll.u32 v14, $0x1;
	v15 =	vadd.s32 v26, v15;
	v23 =	vshll.u32 v23, $0x1  }
0x77: {  	vm0 =	vgt.f32 v16, v24;
	v16 =	vperm.xlane v21, v15;
	vm1 =	vgt.f32 v17, v27  }
0x78: {  	v17 =	vsel vm0, $0xFFFFFFF3, v5;
	vm0 =	vgt.f32 v25, v12;
	v12 =	vshll.u32 v15, $0x1  }
0x79: {  	v15 =	vsel vm1, $0xFFFFFFF3, v5;
	vm1 =	vgt.f32 v13, v16;
	v13 =	vadd.s32 v14, v17  }
0x7a: {  	v24 =	vsel vm0, $0x2, v3;
	v15 =	vadd.s32 v23, v15;
	v13 =	vperm.xlane v18, v13  }
0x7b: {  	v16 =	vsel vm1, $0xFFFFFFF3, v5;
	v14 =	vperm.xlane v7, v24;
	v15 =	vperm.xlane v19, v15  }
0x7c: {  	v12 =	vadd.s32 v12, v16;
	[tilespmem:s26+$0x60] =	vst v13  }
0x7d: {  	v12 =	vperm.xlane v6, v12;
	vm1 =	vgt.f32 v25, v14;
	[tilespmem:s26+$0x20] =	vst v15;
	v26 =	vld [tilespmem:s0+$0x70]  }
0x7e: {  	s29 =	simm.s32 $0x4;
	v14 =	vsel vm0, $0x4, v4;
	v13 =	vsel vm1, $0x2, v3;
	v23 =	vld [tilespmem:s0+$0x30]  }
0x7f: {  	s13 =	simm.s32 $0x80;
	[tilespmem:s28+$0x20] =	vst v12;
	s0 =	sand.u32 $0x1C, s29;
	v13 =	vadd.s32 v14, v13  }
0x80: {  	s15 =	sand.u32 $0x3FFFFC00, s13;
	v24 =	vld [tilespmem:s6+$0x30];
	s8 =	sor.u32 $0x3, s0;
	v12 =	vperm.xlane v7, v13  }
0x81: {  	s6 =	sadd.s32 $0x10000, s15;
	s22 =	sshll.u32 s8, $0x4  }
0x82: {  	v13 =	vshll.u32 v13, $0x1;
	s12 =	sor.u32 s22, s6;
	vm0 =	vgt.f32 v25, v12  }
0x83: {  	vm1 =	vgt.f32 v26, v8;
	v8 =	vld [tilespmem:s12+$0x0];
	v12 =	vsel vm0, $0x2, v3;
	vm2 =	vgt.f32 v23, v11  }
0x84: {  	v11 =	vsel vm1, $0x2, v3;
	v12 =	vadd.s32 v12, v13;
	v13 =	vsel vm2, $0x2, v3  }
0x85: {  	s13 =	sshll.u32 s0, $0x4;
	v11 =	vperm.xlane v20, v11;
	vm0 =	vgt.f32 v24, v9;
	v7 =	vperm.xlane v7, v12  }
0x86: {  	s12 =	sor.u32 s13, s6;
	v17 =	vsel vm2, $0x4, v4;
	v13 =	vperm.xlane v22, v13;
	v9 =	vsel vm0, $0x2, v3  }
0x87: {  	v12 =	vshll.u32 v12, $0x1;
	v14 =	vperm.xlane v21, v9;
	v9 =	vld [tilespmem:s12+$0x0];
	vm3 =	vgt.f32 v25, v7  }
0x88: {  	s30 =	sor.u32 $0x2, s0;
	v16 =	vperm.xlane v8, v1;
	vm11 =	vgt.f32 v23, v13;
	v15 =	vsel vm3, $0xFFFFFFF3, v5  }
0x89: {  	s15 =	sshll.u32 s30, $0x4;
	s8 =	sshll.u32 s8, $0x9;
	s22 =	simm.s32 $0x10;
	v7 =	vld [tilespmem:s12+$0x10];
	vm3 =	vgt.f32 v26, v11;
	v11 =	vperm.xlane v8, v0;
	v12 =	vadd.s32 v12, v15  }
0x8a: {  	s8 =	sand.u32 $0x3C00, s8;
	s6 =	sor.u32 s15, s6;
	s12 =	sand.u32 $0xFFFFFF80, s22;
	v13 =	vsel vm3, $0x2, v3;
	vm3 =	vgt.f32 v24, v14;
	v15 =	vsel vm1, $0x4, v4  }
0x8b: {  	v25 =	vperm.xlane v10, v12;
	v10 =	vld [tilespmem:s6+$0x0];
	v11 =	vadd.f32 v16, v11;
	s6 =	sadd.s32 s12, s8;
	v12 =	vsel vm11, $0x2, v3  }
0x8c: {  	v16 =	vsel vm3, $0x2, v3;
	v29 =	vadd.s32 v15, v13;
	v58 =	vld [tilespmem:s6+$0x40];
	v13 =	vperm.xlane v9, v0  }
0x8d: {  	v15 =	vsel vm0, $0x4, v4;
	v31 =	vperm.xlane v9, v1;
	v14 =	vmul.f32 $5.000000000e-01, v11  }
0x8e: {  	v28 =	vadd.s32 v17, v12;
	v30 =	vperm.xlane v7, v0;
	v11 =	vperm.xlane v7, v1  }
0x8f: {  	s0 =	sshll.u32 s0, $0x9;
	v13 =	vadd.f32 v31, v13;
	v31 =	vperm.xlane v20, v29;
	v27 =	vperm.xlane v14, v2  }
0x90: {  	s8 =	sadd.s32 s12, s0;
	v29 =	vshll.u32 v29, $0x1;
	v11 =	vadd.f32 v11, v30;
	v12 =	vperm.xlane v10, v0  }
0x91: {  	v59 =	vld [tilespmem:s8+$0x40];
	v17 =	vperm.xlane v10, v1;
	v13 =	vmul.f32 $5.000000000e-01, v13;
	vm1 =	vgt.f32 v58, v27  }
0x92: {  	v38 =	vld [tilespmem:s8+$0x0];
	vm0 =	vgt.f32 v26, v31;
	v11 =	vmul.f32 $5.000000000e-01, v11;
	v30 =	vsel vm1, $0x2, v3  }
0x93: {  	v40 =	vld [tilespmem:s8+$0x10];
	v12 =	vadd.f32 v17, v12;
	v17 =	vperm.xlane v22, v28;
	v61 =	vsel vm1, $0x4, v4  }
0x94: {  	v60 =	vperm.xlane v14, v30;
	v30 =	vadd.s32 v15, v16;
	v16 =	vperm.xlane v11, v2  }
0x95: {  	s15 =	sshll.u32 s30, $0x9;
	v28 =	vshll.u32 v28, $0x1;
	v12 =	vmul.f32 $5.000000000e-01, v12;
	vm1 =	vgt.f32 v23, v17  }
0x96: {  	s22 =	sadd.s32 s12, s15;
	v17 =	vperm.xlane v13, v2;
	vm2 =	vgt.f32 v58, v60;
	vm3 =	vgt.f32 v59, v16  }
0x97: {  	v32 =	vld [tilespmem:s22+$0x0];
	v31 =	vsel vm2, $0x2, v3;
	v15 =	vperm.xlane v12, v2;
	v37 =	vsel vm3, $0x2, v3  }
0x98: {  	v41 =	vsel vm3, $0x4, v4;
	vm4 =	vgt.f32 v38, v17;
	vm5 =	vgt.f32 v40, v17  }
0x99: {  	v35 =	vadd.s32 v61, v31;
	v37 =	vperm.xlane v11, v37;
	v31 =	vperm.xlane v21, v30  }
0x9a: {  	v43 =	vsel vm4, $0x2, v3;
	v47 =	vsel vm5, $0x2, v3;
	v51 =	vsel vm4, $0x4, v4  }
0x9b: {  	v36 =	vld [tilespmem:s22+$0x10];
	v54 =	vsel vm5, $0x4, v4;
	v30 =	vshll.u32 v30, $0x1;
	v39 =	vperm.xlane v14, v35  }
0x9c: {  	vm2 =	vgt.f32 v32, v15;
	v35 =	vshll.u32 v35, $0x1;
	vm3 =	vgt.f32 v59, v37  }
0x9d: {  	v46 =	vperm.xlane v13, v43;
	vm12 =	vgt.f32 v58, v39;
	v37 =	vsel vm3, $0x2, v3  }
0x9e: {  	v42 =	vsel vm2, $0x2, v3;
	v39 =	vsel vm12, $0x2, v3;
	v37 =	vadd.s32 v41, v37  }
0x9f: {  	v55 =	vsel vm2, $0x4, v4;
	v35 =	vadd.s32 v39, v35;
	v62 =	vperm.xlane v11, v37  }
0xa0: {  	vm3 =	vgt.f32 v36, v15;
	v42 =	vperm.xlane v12, v42;
	v63 =	vperm.xlane v14, v35  }
0xa1: {  	v49 =	vsel vm3, $0x2, v3;
	v37 =	vshll.u32 v37, $0x1;
	vm13 =	vgt.f32 v59, v62  }
0xa2: {  	v43 =	vperm.xlane v12, v49;
	vm14 =	vgt.f32 v58, v63;
	v44 =	vsel vm13, $0x2, v3  }
0xa3: {  	v35 =	vshll.u32 v35, $0x1;
	v45 =	vsel vm14, $0xFFFFFFF3, v5;
	v33 =	vadd.s32 v44, v37  }
0xa4: {  	vm12 =	vgt.f32 v38, v46;
	v35 =	vadd.s32 v35, v45;
	v48 =	vperm.xlane v11, v33  }
0xa5: {  	v50 =	vsel vm12, $0x2, v3;
	vm9 =	vgt.f32 v36, v43;
	v35 =	vperm.xlane v8, v35  }
0xa6: {  	s31 =	sadd.s32 $0x14000, s6;
	v53 =	vsel vm9, $0x2, v3;
	v37 =	vperm.xlane v13, v47;
	vm15 =	vgt.f32 v59, v48  }
0xa7: {  	v44 =	vsel vm3, $0x4, v4;
	v33 =	vshll.u32 v33, $0x1;
	[tilespmem:s31+$0x40] =	vst v35;
	v34 =	vsel vm15, $0xFFFFFFF3, v5  }
0xa8: {  	vm13 =	vgt.f32 v32, v42;
	v42 =	vadd.s32 v44, v53;
	v35 =	vld [tilespmem:s6+$0x50];
	v33 =	vadd.s32 v33, v34  }
0xa9: {  	vm8 =	vgt.f32 v40, v37;
	v46 =	vperm.xlane v12, v42;
	v33 =	vperm.xlane v7, v33  }
0xaa: {  	s30 =	sadd.s32 $0x14000, s8;
	v52 =	vsel vm13, $0x2, v3;
	v42 =	vshll.u32 v42, $0x1;
	v37 =	vsel vm8, $0x2, v3  }
0xab: {  	v37 =	vadd.s32 v54, v37;
	vm10 =	vgt.f32 v36, v46;
	v34 =	vadd.s32 v51, v50;
	[tilespmem:s30+$0x40] =	vst v33  }
0xac: {  	v45 =	vperm.xlane v13, v37;
	v37 =	vshll.u32 v37, $0x1;
	v53 =	vsel vm10, $0x2, v3;
	v39 =	vld [tilespmem:s8+$0x50]  }
0xad: {  	v56 =	vperm.xlane v13, v34;
	v34 =	vshll.u32 v34, $0x1;
	vm2 =	vgt.f32 v35, v27  }
0xae: {  	v42 =	vadd.s32 v53, v42;
	vm14 =	vgt.f32 v40, v45;
	v57 =	vsel vm2, $0x2, v3  }
0xaf: {  	v33 =	vadd.s32 v55, v52;
	vm3 =	vgt.f32 v38, v56;
	v43 =	vperm.xlane v14, v57  }
0xb0: {  	v52 =	vsel vm14, $0x2, v3;
	v58 =	vperm.xlane v12, v33;
	v62 =	vsel vm3, $0x2, v3  }
0xb1: {  	v33 =	vshll.u32 v33, $0x1;
	vm15 =	vgt.f32 v35, v43;
	vm9 =	vgt.f32 v39, v16  }
0xb2: {  	v60 =	vsel vm2, $0x4, v4;
	v59 =	vsel vm15, $0x2, v3;
	v61 =	vsel vm9, $0x2, v3  }
0xb3: {  	v37 =	vadd.s32 v52, v37;
	v41 =	vadd.s32 v60, v59;
	v43 =	vperm.xlane v11, v61  }
0xb4: {  	v34 =	vadd.s32 v62, v34;
	vm2 =	vgt.f32 v32, v58;
	v55 =	vperm.xlane v14, v41  }
0xb5: {  	v58 =	vperm.xlane v13, v34;
	v47 =	vsel vm2, $0x2, v3;
	vm2 =	vgt.f32 v39, v43  }
0xb6: {  	v34 =	vshll.u32 v34, $0x1;
	v48 =	vsel vm2, $0x2, v3;
	vm2 =	vgt.f32 v35, v55  }
0xb7: {  	v33 =	vadd.s32 v47, v33;
	v41 =	vshll.u32 v41, $0x1;
	v57 =	vsel vm2, $0x2, v3  }
0xb8: {  	v62 =	vperm.xlane v12, v33;
	v33 =	vshll.u32 v33, $0x1;
	v41 =	vadd.s32 v57, v41  }
0xb9: {  	v63 =	vsel vm9, $0x4, v4;
	v59 =	vperm.xlane v13, v37;
	v60 =	vperm.xlane v14, v41  }
0xba: {  	vm13 =	vgt.f32 v32, v62;
	v37 =	vshll.u32 v37, $0x1;
	v54 =	vadd.s32 v63, v48  }
0xbb: {  	vm2 =	vgt.f32 v38, v58;
	v56 =	vperm.xlane v11, v54;
	vm11 =	vgt.f32 v35, v60  }
0xbc: {  	v63 =	vperm.xlane v12, v42;
	v47 =	vshll.u32 v41, $0x1;
	v48 =	vsel vm11, $0xFFFFFFF3, v5  }
0xbd: {  	v44 =	vshll.u32 v54, $0x1;
	vm3 =	vgt.f32 v39, v56;
	v49 =	vadd.s32 v47, v48  }
0xbe: {  	v52 =	vsel vm2, $0xFFFFFFF3, v5;
	v46 =	vsel vm3, $0x2, v3;
	v32 =	vperm.xlane v8, v49  }
0xbf: {  	v54 =	vsel vm13, $0xFFFFFFF3, v5;
	vm3 =	vgt.f32 v40, v59;
	v44 =	vadd.s32 v46, v44  }
0xc0: {  	v34 =	vadd.s32 v34, v52;
	v53 =	vsel vm3, $0xFFFFFFF3, v5;
	v61 =	vperm.xlane v11, v44;
	[tilespmem:s31+$0x50] =	vst v32  }
0xc1: {  	v57 =	vshll.u32 v42, $0x1;
	v34 =	vperm.xlane v9, v34;
	v37 =	vadd.s32 v37, v53;
	v58 =	vld [tilespmem:s6+$0x60]  }
0xc2: {  	vm2 =	vgt.f32 v24, v31;
	v37 =	vperm.xlane v9, v37;
	vm12 =	vgt.f32 v39, v61  }
0xc3: {  	vm14 =	vgt.f32 v36, v63;
	[tilespmem:s8+$0x14000] =	vst v34;
	v50 =	vshll.u32 v44, $0x1;
	v51 =	vsel vm12, $0xFFFFFFF3, v5  }
0xc4: {  	v33 =	vadd.s32 v33, v54;
	v55 =	vsel vm14, $0xFFFFFFF3, v5;
	[tilespmem:s30+$0x10] =	vst v37;
	v56 =	vadd.s32 v50, v51  }
0xc5: {  	v33 =	vperm.xlane v10, v33;
	v35 =	vadd.s32 v57, v55;
	v63 =	vld [tilespmem:s8+$0x20];
	v32 =	vperm.xlane v7, v56  }
0xc6: {  	v59 =	vsel vm0, $0x2, v3;
	v60 =	vsel vm1, $0x2, v3;
	vm0 =	vgt.f32 v58, v27  }
0xc7: {  	v31 =	vperm.xlane v10, v35;
	v28 =	vadd.s32 v60, v28;
	[tilespmem:s30+$0x50] =	vst v32;
	v62 =	vsel vm0, $0x2, v3  }
0xc8: {  	s0 =	sadd.s32 $0x14000, s22;
	[tilespmem:s22+$0x14000] =	vst v33;
	v29 =	vadd.s32 v59, v29;
	v22 =	vperm.xlane v22, v28;
	v34 =	vld [tilespmem:s8+$0x60];
	v40 =	vperm.xlane v14, v62  }
0xc9: {  	v20 =	vperm.xlane v20, v29;
	v29 =	vshll.u32 v29, $0x1;
	v28 =	vshll.u32 v28, $0x1;
	[tilespmem:s0+$0x10] =	vst v31  }
0xca: {  	v31 =	vld [tilespmem:s22+$0x20];
	v42 =	vsel vm0, $0x4, v4;
	vm0 =	vgt.f32 v63, v17;
	vm1 =	vgt.f32 v58, v40  }
0xcb: {  	v61 =	vsel vm2, $0x2, v3;
	v47 =	vsel vm0, $0x2, v3;
	v41 =	vsel vm1, $0x2, v3  }
0xcc: {  	v48 =	vsel vm0, $0x4, v4;
	vm0 =	vgt.f32 v26, v20;
	v32 =	vadd.s32 v42, v41  }
0xcd: {  	v20 =	vperm.xlane v13, v47;
	vm2 =	vgt.f32 v34, v16;
	v46 =	vperm.xlane v14, v32  }
0xce: {  	v30 =	vadd.s32 v61, v30;
	v43 =	vsel vm2, $0x2, v3;
	v44 =	vsel vm2, $0x4, v4  }
0xcf: {  	vm1 =	vgt.f32 v31, v15;
	vm3 =	vgt.f32 v63, v20;
	vm2 =	vgt.f32 v58, v46  }
0xd0: {  	v45 =	vperm.xlane v11, v43;
	v32 =	vshll.u32 v32, $0x1;
	v35 =	vsel vm2, $0x2, v3  }
0xd1: {  	v26 =	vsel vm1, $0x2, v3;
	v50 =	vsel vm3, $0x2, v3;
	v32 =	vadd.s32 v35, v32  }
0xd2: {  	v26 =	vperm.xlane v12, v26;
	vm2 =	vgt.f32 v34, v45;
	v49 =	vperm.xlane v14, v32  }
0xd3: {  	v21 =	vperm.xlane v21, v30;
	v52 =	vadd.s32 v48, v50;
	v20 =	vsel vm2, $0x2, v3  }
0xd4: {  	vm2 =	vgt.f32 v31, v26;
	v26 =	vsel vm1, $0x4, v4;
	vm1 =	vgt.f32 v58, v49  }
0xd5: {  	v55 =	vperm.xlane v13, v52;
	v32 =	vshll.u32 v32, $0x1;
	v53 =	vsel vm1, $0xFFFFFFF3, v5  }
0xd6: {  	v20 =	vadd.s32 v44, v20;
	v51 =	vsel vm2, $0x2, v3;
	v32 =	vadd.s32 v32, v53  }
0xd7: {  	v54 =	vperm.xlane v11, v20;
	v26 =	vadd.s32 v26, v51;
	v32 =	vperm.xlane v8, v32  }
0xd8: {  	vm15 =	vgt.f32 v24, v21;
	v33 =	vshll.u32 v52, $0x1;
	v56 =	vperm.xlane v12, v26  }
0xd9: {  	vm2 =	vgt.f32 v63, v55;
	v37 =	vshll.u32 v26, $0x1;
	vm1 =	vgt.f32 v34, v54;
	[tilespmem:s31+$0x60] =	vst v32  }
0xda: {  	v58 =	vsel vm2, $0x2, v3;
	v57 =	vsel vm1, $0x2, v3;
	vm1 =	vgt.f32 v31, v56;
	v26 =	vld [tilespmem:s6+$0x70]  }
0xdb: {  	v20 =	vshll.u32 v20, $0x1;
	v60 =	vsel vm1, $0x2, v3;
	v32 =	vadd.s32 v58, v33  }
0xdc: {  	v20 =	vadd.s32 v57, v20;
	v35 =	vadd.s32 v60, v37;
	v61 =	vperm.xlane v13, v32  }
0xdd: {  	v59 =	vperm.xlane v11, v20;
	v20 =	vshll.u32 v20, $0x1;
	v62 =	vperm.xlane v12, v35  }
0xde: {  	v35 =	vshll.u32 v35, $0x1;
	v32 =	vshll.u32 v32, $0x1;
	vm2 =	vgt.f32 v63, v61  }
0xdf: {  	vm1 =	vgt.f32 v34, v59;
	v36 =	vsel vm2, $0xFFFFFFF3, v5;
	vm2 =	vgt.f32 v26, v27  }
0xe0: {  	v34 =	vsel vm1, $0xFFFFFFF3, v5;
	vm1 =	vgt.f32 v31, v62;
	v31 =	vsel vm2, $0x2, v3  }
0xe1: {  	v20 =	vadd.s32 v20, v34;
	v32 =	vadd.s32 v32, v36;
	v31 =	vperm.xlane v14, v31  }
0xe2: {  	v20 =	vperm.xlane v7, v20;
	v27 =	vsel vm1, $0xFFFFFFF3, v5;
	v32 =	vperm.xlane v9, v32  }
0xe3: {  	vm1 =	vgt.f32 v23, v22;
	v27 =	vadd.s32 v35, v27;
	vm3 =	vgt.f32 v26, v31  }
0xe4: {  	[tilespmem:s30+$0x60] =	vst v20;
	v22 =	vsel vm2, $0x4, v4;
	v23 =	vperm.xlane v10, v27;
	v21 =	vsel vm3, $0x2, v3  }
0xe5: {  	v30 =	vshll.u32 v30, $0x1;
	v24 =	vsel vm0, $0xFFFFFFF3, v5;
	[tilespmem:s30+$0x20] =	vst v32;
	v27 =	vadd.s32 v22, v21;
	v22 =	vld [tilespmem:s8+$0x70]  }
0xe6: {  	v24 =	vadd.s32 v29, v24;
	v20 =	vld [tilespmem:s8+$0x30];
	[tilespmem:s0+$0x20] =	vst v23;
	v21 =	vsel vm1, $0xFFFFFFF3, v5;
	v63 =	vperm.xlane v14, v27  }
0xe7: {  	v24 =	vperm.xlane v18, v24;
	v31 =	vsel vm15, $0xFFFFFFF3, v5;
	v23 =	vadd.s32 v28, v21;
	v21 =	vld [tilespmem:s22+$0x30]  }
0xe8: {  	s13 =	sor.u32 s7, s25;
	[tilespmem:s2+$0x70] =	vst v25;
	v28 =	vadd.s32 v30, v31;
	v23 =	vperm.xlane v19, v23;
	vm0 =	vgt.f32 v26, v63  }
.LBB2_3:
0xe9: {  	s29 =	sadd.s32 $0x4, s29;
	v19 =	vsel vm0, $0x2, v3;
	v25 =	vshll.u32 v27, $0x1;
	v27 =	vperm.xlane v6, v28;
	v18 =	vmovc v9;
	v6 =	vmovc v10  }
0xea: {  	s2 =	sand.u32 $0x1C, s29;
	s6 =	sshll.u32 s29, $0x5;
	p1 =	slt.u32 s29, $0xFC;
	vm0 =	vgt.f32 v22, v16;
	v9 =	vadd.s32 v19, v25;
	[tilespmem:s26+$0x70] =	vst v24  }
0xeb: {  	s6 =	sand.u32 $0x3FFFFC00, s6;
	s8 =	sshll.u32 s2, $0x4;
	s12 =	sor.u32 $0x3, s2;
	vm1 =	vgt.f32 v20, v17;
	v10 =	vsel vm0, $0x2, v3;
	v14 =	vperm.xlane v14, v9;
	[tilespmem:s26+$0x30] =	vst v23  }
0xec: {  	s22 =	sshll.u32 s2, $0x9;
	s6 =	sadd.s32 $0x10000, s6;
	s26 =	sshll.u32 s12, $0x4;
	v16 =	vsel vm1, $0x2, v3;
	v10 =	vperm.xlane v11, v10;
	vm2 =	vgt.f32 v21, v15;
	[tilespmem:s28+$0x30] =	vst v27  }
0xed: {  	s2 =	sor.u32 $0x2, s2;
	s8 =	sor.u32 s8, s6;
	s26 =	sor.u32 s26, s6;
	v15 =	vperm.xlane v13, v16;
	v16 =	vsel vm2, $0x2, v3;
	vm3 =	vgt.f32 v26, v14  }
0xee: {  	v9 =	vshll.u32 v9, $0x1;
	s28 =	sshll.u32 s2, $0x4;
	s2 =	sshll.u32 s2, $0x9;
	v14 =	vld [tilespmem:s26+$0x0];
	v16 =	vperm.xlane v12, v16;
	v17 =	vsel vm3, $0xFFFFFFF3, v5;
	s26 =	smov.u32 s30  }
0xef: {  	s6 =	sor.u32 s28, s6;
	s28 =	smov.u32 s0;
	vm4 =	vgt.f32 v22, v10;
	v19 =	vld [tilespmem:s8+$0x10];
	vm3 =	vgt.f32 v20, v15;
	v10 =	vadd.s32 v9, v17  }
0xf0: {  	v15 =	vsel vm4, $0x2, v3;
	v9 =	vld [tilespmem:s8+$0x0];
	vm4 =	vgt.f32 v21, v16;
	v26 =	vperm.xlane v8, v10  }
0xf1: {  	v17 =	vsel vm0, $0x4, v4;
	v16 =	vsel vm3, $0x2, v3;
	v10 =	vld [tilespmem:s6+$0x0];
	v23 =	vsel vm4, $0x2, v3  }
0xf2: {  	v24 =	vsel vm1, $0x4, v4;
	v25 =	vadd.s32 v17, v15;
	v15 =	vsel vm2, $0x4, v4;
	[tilespmem:s31+$0x70] =	vst v26  }
0xf3: {  	s0 =	sshll.u32 s29, $0x2;
	s6 =	sshll.u32 s12, $0x9;
	v24 =	vadd.s32 v24, v16;
	v17 =	vperm.xlane v14, v0;
	v27 =	vperm.xlane v14, v1;
	v8 =	vmovc v14  }
0xf4: {  	s0 =	sand.u32 $0xFFFFFF80, s0;
	s8 =	sand.u32 $0x3C00, s6;
	v26 =	vadd.s32 v15, v23;
	v14 =	vperm.xlane v19, v0;
	v16 =	vperm.xlane v19, v1  }
0xf5: {  	s2 =	sadd.s32 s0, s2;
	s6 =	sadd.s32 s0, s22;
	s8 =	sadd.s32 s0, s8;
	v15 =	vperm.xlane v9, v0;
	v23 =	vperm.xlane v9, v1;
	v17 =	vadd.f32 v27, v17  }
0xf6: {  	s30 =	sadd.s32 $0x14000, s6;
	s0 =	sadd.s32 $0x14000, s2;
	v16 =	vadd.f32 v16, v14;
	v28 =	vperm.xlane v10, v0;
	v29 =	vperm.xlane v10, v1;
	v35 =	vld [tilespmem:s8+$0x40]  }
0xf7: {  	v15 =	vadd.f32 v23, v15;
	v36 =	vld [tilespmem:s6+$0x40];
	v14 =	vmul.f32 $5.000000000e-01, v17;
	v17 =	vperm.xlane v11, v25  }
0xf8: {  	v30 =	vperm.xlane v13, v24;
	v27 =	vmul.f32 $5.000000000e-01, v16;
	v29 =	vadd.f32 v29, v28;
	v31 =	vld [tilespmem:s2+$0x0]  }
0xf9: {  	v28 =	vmul.f32 $5.000000000e-01, v15;
	v32 =	vld [tilespmem:s2+$0x10];
	v23 =	vperm.xlane v14, v2;
	vm1 =	vgt.f32 v22, v17  }
0xfa: {  	vm0 =	vgt.f32 v20, v30;
	v33 =	vld [tilespmem:s6+$0x0];
	v16 =	vperm.xlane v27, v2;
	v29 =	vmul.f32 $5.000000000e-01, v29  }
0xfb: {  	v30 =	vperm.xlane v12, v26;
	v17 =	vperm.xlane v28, v2;
	v34 =	vld [tilespmem:s6+$0x10];
	vm5 =	vgt.f32 v35, v23  }
0xfc: {  	vm2 =	vgt.f32 v36, v16;
	v15 =	vperm.xlane v29, v2;
	v37 =	vsel vm5, $0x2, v3  }
0xfd: {  	v38 =	vsel vm2, $0x2, v3;
	v39 =	vsel vm2, $0x4, v4;
	v37 =	vperm.xlane v14, v37  }
0xfe: {  	v38 =	vperm.xlane v27, v38;
	vm2 =	vgt.f32 v31, v15;
	vm3 =	vgt.f32 v32, v15  }
0xff: {  	vm4 =	vgt.f32 v33, v17;
	v40 =	vsel vm2, $0x2, v3;
	vm6 =	vgt.f32 v35, v37  }
0x100: {  	vm7 =	vgt.f32 v36, v38;
	v37 =	vsel vm6, $0x2, v3;
	v38 =	vsel vm5, $0x4, v4  }
0x101: {  	vm5 =	vgt.f32 v34, v17;
	v41 =	vsel vm7, $0x2, v3;
	v37 =	vadd.s32 v38, v37  }
0x102: {  	v38 =	vsel vm4, $0x2, v3;
	v39 =	vadd.s32 v39, v41;
	v41 =	vperm.xlane v14, v37  }
0x103: {  	v42 =	vsel vm5, $0x2, v3;
	v43 =	vperm.xlane v27, v39;
	v39 =	vshll.u32 v39, $0x1  }
0x104: {  	v44 =	vsel vm3, $0x2, v3;
	v38 =	vperm.xlane v28, v38;
	vm6 =	vgt.f32 v35, v41  }
0x105: {  	v37 =	vshll.u32 v37, $0x1;
	vm7 =	vgt.f32 v36, v43;
	v41 =	vsel vm6, $0x2, v3  }
0x106: {  	v42 =	vperm.xlane v28, v42;
	v43 =	vsel vm7, $0x2, v3;
	v37 =	vadd.s32 v41, v37  }
0x107: {  	v40 =	vperm.xlane v29, v40;
	v39 =	vadd.s32 v43, v39;
	v41 =	vperm.xlane v14, v37  }
0x108: {  	v44 =	vperm.xlane v29, v44;
	v43 =	vperm.xlane v27, v39;
	v39 =	vshll.u32 v39, $0x1  }
0x109: {  	vm6 =	vgt.f32 v33, v38;
	vm7 =	vgt.f32 v34, v42;
	vm8 =	vgt.f32 v35, v41  }
0x10a: {  	v35 =	vshll.u32 v37, $0x1;
	vm9 =	vgt.f32 v36, v43;
	v36 =	vsel vm8, $0xFFFFFFF3, v5  }
0x10b: {  	vm8 =	vgt.f32 v31, v40;
	v37 =	vsel vm9, $0xFFFFFFF3, v5;
	v35 =	vadd.s32 v35, v36  }
0x10c: {  	vm9 =	vgt.f32 v32, v44;
	v36 =	vadd.s32 v39, v37;
	v35 =	vperm.xlane v8, v35  }
0x10d: {  	s31 =	sadd.s32 $0x14000, s8;
	v38 =	vsel vm7, $0x2, v3;
	v37 =	vsel vm6, $0x2, v3;
	v36 =	vperm.xlane v19, v36  }
0x10e: {  	v40 =	vsel vm8, $0x2, v3;
	v39 =	vsel vm4, $0x4, v4;
	v41 =	vsel vm9, $0x2, v3;
	[tilespmem:s31+$0x40] =	vst v35  }
0x10f: {  	v42 =	vsel vm3, $0x4, v4;
	v35 =	vsel vm5, $0x4, v4;
	[tilespmem:s30+$0x40] =	vst v36;
	v36 =	vsel vm2, $0x4, v4;
	v43 =	vld [tilespmem:s8+$0x50]  }
0x110: {  	v37 =	vadd.s32 v39, v37;
	v35 =	vadd.s32 v35, v38;
	v38 =	vld [tilespmem:s6+$0x50];
	v36 =	vadd.s32 v36, v40  }
0x111: {  	v41 =	vadd.s32 v42, v41;
	v39 =	vperm.xlane v28, v37;
	v40 =	vperm.xlane v28, v35  }
0x112: {  	v37 =	vshll.u32 v37, $0x1;
	v44 =	vperm.xlane v29, v41;
	v42 =	vperm.xlane v29, v36  }
0x113: {  	vm2 =	vgt.f32 v33, v39;
	v35 =	vshll.u32 v35, $0x1;
	vm3 =	vgt.f32 v34, v40  }
0x114: {  	vm5 =	vgt.f32 v32, v44;
	vm4 =	vgt.f32 v31, v42;
	vm6 =	vgt.f32 v43, v23  }
0x115: {  	v39 =	vsel vm2, $0x2, v3;
	vm2 =	vgt.f32 v38, v16;
	v40 =	vsel vm6, $0x2, v3  }
0x116: {  	v42 =	vsel vm2, $0x2, v3;
	v44 =	vsel vm2, $0x4, v4;
	v40 =	vperm.xlane v14, v40  }
0x117: {  	v45 =	vsel vm3, $0x2, v3;
	v46 =	vsel vm4, $0x2, v3;
	v42 =	vperm.xlane v27, v42  }
0x118: {  	v36 =	vshll.u32 v36, $0x1;
	v47 =	vsel vm5, $0x2, v3;
	vm2 =	vgt.f32 v43, v40  }
0x119: {  	vm3 =	vgt.f32 v38, v42;
	v40 =	vsel vm2, $0x2, v3;
	v42 =	vsel vm6, $0x4, v4  }
0x11a: {  	v41 =	vshll.u32 v41, $0x1;
	v48 =	vsel vm3, $0x2, v3;
	v40 =	vadd.s32 v42, v40  }
0x11b: {  	v37 =	vadd.s32 v39, v37;
	v39 =	vadd.s32 v44, v48;
	v42 =	vperm.xlane v14, v40  }
0x11c: {  	v35 =	vadd.s32 v45, v35;
	v44 =	vperm.xlane v27, v39;
	v39 =	vshll.u32 v39, $0x1  }
0x11d: {  	v41 =	vadd.s32 v47, v41;
	v36 =	vadd.s32 v46, v36;
	vm2 =	vgt.f32 v43, v42  }
0x11e: {  	v40 =	vshll.u32 v40, $0x1;
	vm3 =	vgt.f32 v38, v44;
	v42 =	vsel vm2, $0x2, v3  }
0x11f: {  	v44 =	vperm.xlane v28, v37;
	v45 =	vsel vm3, $0x2, v3;
	v40 =	vadd.s32 v42, v40  }
0x120: {  	v42 =	vperm.xlane v28, v35;
	v39 =	vadd.s32 v45, v39;
	v45 =	vperm.xlane v14, v40  }
0x121: {  	vm2 =	vgt.f32 v33, v44;
	v44 =	vperm.xlane v29, v36;
	v33 =	vperm.xlane v27, v39  }
0x122: {  	vm3 =	vgt.f32 v34, v42;
	v34 =	vperm.xlane v29, v41;
	vm4 =	vgt.f32 v43, v45  }
0x123: {  	vm5 =	vgt.f32 v38, v33;
	v33 =	vshll.u32 v40, $0x1;
	v38 =	vsel vm4, $0xFFFFFFF3, v5  }
0x124: {  	vm4 =	vgt.f32 v31, v44;
	vm6 =	vgt.f32 v32, v34;
	v31 =	vadd.s32 v33, v38  }
0x125: {  	v32 =	vshll.u32 v39, $0x1;
	v33 =	vsel vm5, $0xFFFFFFF3, v5;
	v31 =	vperm.xlane v8, v31  }
0x126: {  	v34 =	vsel vm2, $0xFFFFFFF3, v5;
	v38 =	vsel vm3, $0xFFFFFFF3, v5;
	v39 =	vsel vm4, $0xFFFFFFF3, v5  }
0x127: {  	v37 =	vshll.u32 v37, $0x1;
	v35 =	vshll.u32 v35, $0x1;
	v40 =	vsel vm6, $0xFFFFFFF3, v5;
	[tilespmem:s31+$0x50] =	vst v31  }
0x128: {  	v31 =	vadd.s32 v32, v33;
	v32 =	vshll.u32 v36, $0x1;
	v33 =	vshll.u32 v41, $0x1;
	v36 =	vld [tilespmem:s8+$0x60]  }
0x129: {  	v34 =	vadd.s32 v37, v34;
	v35 =	vadd.s32 v35, v38;
	v32 =	vadd.s32 v32, v39  }
0x12a: {  	v34 =	vperm.xlane v9, v34;
	v31 =	vperm.xlane v19, v31;
	v33 =	vadd.s32 v33, v40  }
0x12b: {  	vm2 =	vgt.f32 v21, v30;
	v35 =	vperm.xlane v9, v35;
	v32 =	vperm.xlane v10, v32  }
0x12c: {  	v25 =	vshll.u32 v25, $0x1;
	v30 =	vperm.xlane v10, v33;
	[tilespmem:s30+$0x50] =	vst v31;
	v31 =	vsel vm1, $0x2, v3  }
0x12d: {  	v37 =	vsel vm2, $0x2, v3;
	[tilespmem:s6+$0x14000] =	vst v34;
	v33 =	vld [tilespmem:s6+$0x60];
	vm1 =	vgt.f32 v36, v23;
	v34 =	vsel vm0, $0x2, v3  }
0x12e: {  	v24 =	vshll.u32 v24, $0x1;
	v26 =	vshll.u32 v26, $0x1;
	[tilespmem:s30+$0x10] =	vst v35;
	v35 =	vsel vm1, $0x2, v3  }
0x12f: {  	v25 =	vadd.s32 v31, v25;
	v24 =	vadd.s32 v34, v24;
	v38 =	vld [tilespmem:s6+$0x20];
	[tilespmem:s2+$0x14000] =	vst v32;
	v32 =	vperm.xlane v14, v35  }
0x130: {  	v31 =	vperm.xlane v11, v25;
	v34 =	vadd.s32 v37, v26;
	[tilespmem:s0+$0x10] =	vst v30;
	v30 =	vperm.xlane v13, v24  }
0x131: {  	v25 =	vshll.u32 v25, $0x1;
	v11 =	vmovc v27;
	v13 =	vmovc v28;
	v35 =	vld [tilespmem:s2+$0x20];
	vm0 =	vgt.f32 v36, v32;
	v32 =	vperm.xlane v12, v34  }
0x132: {  	v27 =	vsel vm1, $0x4, v4;
	v12 =	vmovc v29;
	vm2 =	vgt.f32 v33, v16;
	v26 =	vsel vm0, $0x2, v3  }
0x133: {  	v28 =	vsel vm2, $0x2, v3;
	v29 =	vsel vm2, $0x4, v4;
	v26 =	vadd.s32 v27, v26  }
0x134: {  	vm0 =	vgt.f32 v38, v17;
	v27 =	vperm.xlane v11, v28;
	v28 =	vperm.xlane v14, v26  }
0x135: {  	v37 =	vsel vm0, $0x2, v3;
	v39 =	vsel vm0, $0x4, v4;
	vm0 =	vgt.f32 v22, v31  }
0x136: {  	v22 =	vperm.xlane v13, v37;
	vm1 =	vgt.f32 v35, v15;
	vm2 =	vgt.f32 v36, v28  }
0x137: {  	v26 =	vshll.u32 v26, $0x1;
	v28 =	vsel vm1, $0x2, v3;
	v31 =	vsel vm2, $0x2, v3  }
0x138: {  	vm2 =	vgt.f32 v33, v27;
	v27 =	vperm.xlane v12, v28;
	v26 =	vadd.s32 v31, v26  }
0x139: {  	vm3 =	vgt.f32 v38, v22;
	v22 =	vsel vm2, $0x2, v3;
	v28 =	vperm.xlane v14, v26  }
0x13a: {  	v31 =	vsel vm3, $0x2, v3;
	vm2 =	vgt.f32 v35, v27;
	v27 =	vsel vm1, $0x4, v4  }
0x13b: {  	v22 =	vadd.s32 v29, v22;
	v29 =	vsel vm2, $0x2, v3;
	vm1 =	vgt.f32 v36, v28  }
0x13c: {  	v26 =	vshll.u32 v26, $0x1;
	v28 =	vadd.s32 v39, v31;
	v31 =	vsel vm1, $0xFFFFFFF3, v5  }
0x13d: {  	v36 =	vperm.xlane v11, v22;
	v27 =	vadd.s32 v27, v29;
	v26 =	vadd.s32 v26, v31  }
0x13e: {  	v22 =	vshll.u32 v22, $0x1;
	v29 =	vperm.xlane v13, v28;
	v26 =	vperm.xlane v8, v26  }
0x13f: {  	v28 =	vshll.u32 v28, $0x1;
	vm1 =	vgt.f32 v33, v36;
	v31 =	vperm.xlane v12, v27  }
0x140: {  	v27 =	vshll.u32 v27, $0x1;
	vm2 =	vgt.f32 v38, v29;
	v29 =	vsel vm1, $0x2, v3;
	[tilespmem:s31+$0x60] =	vst v26  }
0x141: {  	v36 =	vsel vm2, $0x2, v3;
	v22 =	vadd.s32 v29, v22;
	vm1 =	vgt.f32 v35, v31;
	v26 =	vld [tilespmem:s8+$0x70]  }
0x142: {  	v28 =	vadd.s32 v36, v28;
	v29 =	vperm.xlane v11, v22;
	v31 =	vsel vm1, $0x2, v3  }
0x143: {  	v22 =	vshll.u32 v22, $0x1;
	v36 =	vperm.xlane v13, v28;
	v27 =	vadd.s32 v31, v27  }
0x144: {  	v28 =	vshll.u32 v28, $0x1;
	vm1 =	vgt.f32 v33, v29;
	v29 =	vperm.xlane v12, v27  }
0x145: {  	v27 =	vshll.u32 v27, $0x1;
	vm2 =	vgt.f32 v38, v36;
	v31 =	vsel vm1, $0xFFFFFFF3, v5  }
0x146: {  	v33 =	vsel vm2, $0xFFFFFFF3, v5;
	vm1 =	vgt.f32 v35, v29;
	vm2 =	vgt.f32 v26, v23  }
0x147: {  	v22 =	vadd.s32 v22, v31;
	v23 =	vsel vm1, $0xFFFFFFF3, v5;
	v29 =	vsel vm2, $0x2, v3  }
0x148: {  	v28 =	vadd.s32 v28, v33;
	v23 =	vadd.s32 v27, v23;
	v27 =	vperm.xlane v14, v29  }
0x149: {  	v22 =	vperm.xlane v19, v22;
	v28 =	vperm.xlane v9, v28;
	vm1 =	vgt.f32 v20, v30  }
0x14a: {  	vm4 =	vgt.f32 v21, v32;
	v23 =	vperm.xlane v10, v23;
	vm3 =	vgt.f32 v26, v27  }
.Ltmp0:
0x14b: {  	v21 =	vsel vm2, $0x4, v4;
	v29 =	vsel vm0, $0xFFFFFFF3, v5;
	[tilespmem:s30+$0x60] =	vst v22;
	v20 =	vsel vm3, $0x2, v3;
	(pc) =	sbr.rel @p1 .LBB2_3-.Ltmp0, $4  }
0x14c: {  	v30 =	vsel vm4, $0xFFFFFFF3, v5;
	[tilespmem:s30+$0x20] =	vst v28;
	v22 =	vld [tilespmem:s6+$0x70];
	v27 =	vadd.s32 v21, v20;
	v28 =	vsel vm1, $0xFFFFFFF3, v5  }
0x14d: {  	v24 =	vshll.u32 v24, $0x1;
	v31 =	vshll.u32 v34, $0x1;
	v20 =	vld [tilespmem:s6+$0x30];
	[tilespmem:s0+$0x20] =	vst v23;
	v23 =	vperm.xlane v14, v27  }
0x14e: {  	v25 =	vadd.s32 v25, v29;
	v24 =	vadd.s32 v24, v28;
	v28 =	vadd.s32 v31, v30;
	v21 =	vld [tilespmem:s2+$0x30]  }
0x14f: {  	vm0 =	vgt.f32 v26, v23;
	v23 =	vperm.xlane v18, v24;
	v24 =	vperm.xlane v7, v25;
	v7 =	vmovc v19  }
0x150: {  	v18 =	vsel vm0, $0x2, v3  }
0x151: {  	v19 =	vshll.u32 v27, $0x1;
	v6 =	vperm.xlane v6, v28;
	vm0 =	vgt.f32 v22, v16  }
0x152: {  	v16 =	vadd.s32 v18, v19;
	vm1 =	vgt.f32 v20, v17;
	v17 =	vsel vm0, $0x2, v3  }
0x153: {  	v14 =	vperm.xlane v14, v16;
	v16 =	vshll.u32 v16, $0x1;
	v18 =	vsel vm1, $0x2, v3  }
0x154: {  	vm2 =	vgt.f32 v21, v15;
	v15 =	vperm.xlane v11, v17;
	v19 =	vsel vm1, $0x4, v4  }
0x155: {  	v17 =	vperm.xlane v13, v18;
	v18 =	vsel vm2, $0x2, v3;
	vm3 =	vgt.f32 v26, v14  }
0x156: {  	v18 =	vperm.xlane v12, v18;
	vm5 =	vgt.f32 v22, v15;
	v25 =	vsel vm3, $0xFFFFFFF3, v5  }
0x157: {  	vm4 =	vgt.f32 v20, v17;
	v14 =	vsel vm5, $0x2, v3;
	v17 =	vsel vm0, $0x4, v4  }
0x158: {  	v16 =	vadd.s32 v16, v25;
	vm9 =	vgt.f32 v21, v18;
	v15 =	vsel vm4, $0x2, v3  }
0x159: {  	v14 =	vadd.s32 v17, v14;
	v17 =	vsel vm2, $0x4, v4;
	v18 =	vsel vm9, $0x2, v3  }
0x15a: {  	v15 =	vadd.s32 v19, v15;
	v17 =	vadd.s32 v17, v18;
	v18 =	vperm.xlane v11, v14  }
0x15b: {  	v8 =	vperm.xlane v8, v16;
	v19 =	vperm.xlane v13, v15;
	v14 =	vshll.u32 v14, $0x1  }
0x15c: {  	v15 =	vshll.u32 v15, $0x1;
	v26 =	vperm.xlane v12, v17;
	vm0 =	vgt.f32 v22, v18  }
0x15d: {  	v17 =	vshll.u32 v17, $0x1;
	vm1 =	vgt.f32 v20, v19;
	v18 =	vsel vm0, $0x2, v3  }
0x15e: {  	vm2 =	vgt.f32 v21, v26;
	v19 =	vsel vm1, $0x2, v3;
	v14 =	vadd.s32 v18, v14  }
0x15f: {  	v25 =	vsel vm2, $0x2, v3;
	v15 =	vadd.s32 v19, v15;
	v11 =	vperm.xlane v11, v14  }
0x160: {  	v13 =	vperm.xlane v13, v15;
	v17 =	vadd.s32 v25, v17;
	v14 =	vshll.u32 v14, $0x1  }
0x161: {  	v15 =	vshll.u32 v15, $0x1;
	v12 =	vperm.xlane v12, v17;
	vm0 =	vgt.f32 v22, v11  }
0x162: {  	[tilespmem:s28+$0x30] =	vst v6;
	v6 =	vshll.u32 v17, $0x1;
	vm1 =	vgt.f32 v20, v13;
	v11 =	vsel vm0, $0xFFFFFFF3, v5  }
0x163: {  	[tilespmem:s26+$0x70] =	vst v24;
	vm2 =	vgt.f32 v21, v12;
	v12 =	vsel vm1, $0xFFFFFFF3, v5;
	v11 =	vadd.s32 v14, v11  }
0x164: {  	[tilespmem:s26+$0x30] =	vst v23;
	v13 =	vsel vm2, $0xFFFFFFF3, v5;
	v12 =	vadd.s32 v15, v12;
	v7 =	vperm.xlane v7, v11  }
0x165: {  	[tilespmem:s31+$0x70] =	vst v8;
	v6 =	vadd.s32 v6, v13;
	v8 =	vperm.xlane v9, v12  }
0x166: {  	v6 =	vperm.xlane v10, v6;
	[tilespmem:s30+$0x70] =	vst v7  }
0x167: {  	s12 =	simm.s32 $0x0;
	s2 =	simm.s32 @!p0 $0x4;
	s26 =	sshll.u32 s13, $0xC;
	[tilespmem:s30+$0x30] =	vst v8  }
0x168: {  	s6 =	simm.s32 $0x0;
	s8 =	sadd.s32 s4, s26;
	[tilespmem:s0+$0x30] =	vst v6;
	s0 =	sand.u32 $0x1C, s12  }
0x169: {  	[hbm4b:s8+s5] =	stream.linear.scatter [tilespmem:s17], [sflag:$0x3], $0x4000, $0x38;
	[tilespmem:$0x1C000] =	vst v63  }
0x16a: {  	s6 =	sand.u32 $0x3FFFFC00, s6;
	s8 =	sor.u32 $0x3, s0;
	_ =	swait.ge @!p0 [sflag:s2], $0x4000  }
0x16b: {  	s6 =	sadd.s32 $0x10000, s6;
	s12 =	sshll.u32 s8, $0x4;
	[sflag:s2] =	ssyncset.done @!p0 $0x0  }
0x16c: {  	s13 =	sor.u32 s12, s6;
	[sflag:s2] =	ssyncadd.s32 @!p0 $0xFFFFC000  }
0x16d: {  	v10 =	vld [tilespmem:s13+$0x200]  }
0x16e: {  	s15 =	sshll.u32 s0, $0x4  }
0x16f: {  	s12 =	sor.u32 $0x2, s0;
	s2 =	sor.u32 s15, s6  }
0x170: {  	s22 =	sshll.u32 s12, $0x4;
	v18 =	vld [tilespmem:s2+$0x210]  }
0x171: {  	s6 =	sor.u32 s22, s6;
	v19 =	vld [tilespmem:s2+$0x200]  }
0x172: {  	s15 =	sshll.u32 s8, $0x9;
	s13 =	simm.s32 $0x0;
	v6 =	vld [tilespmem:s6+$0x200];
	v7 =	vperm.xlane v10, v0;
	v8 =	vperm.xlane v10, v1  }
0x173: {  	s2 =	sand.u32 $0xFFFFFF80, s13;
	s6 =	sand.u32 $0x3C00, s15  }
0x174: {  	s6 =	sadd.s32 s2, s6;
	v7 =	vadd.f32 v8, v7  }
0x175: {  	v15 =	vld [tilespmem:s6+$0x4040];
	v9 =	vperm.xlane v18, v1;
	v8 =	vperm.xlane v18, v0  }
0x176: {  	s0 =	sshll.u32 s0, $0x9;
	v11 =	vperm.xlane v19, v0;
	v7 =	vmul.f32 $5.000000000e-01, v7  }
0x177: {  	s0 =	sadd.s32 s2, s0;
	v13 =	vperm.xlane v19, v1;
	v14 =	vperm.xlane v6, v1;
	v8 =	vadd.f32 v9, v8  }
0x178: {  	v16 =	vld [tilespmem:s0+$0x4040];
	v9 =	vperm.xlane v6, v0;
	v12 =	vperm.xlane v7, v2  }
0x179: {  	s22 =	sshll.u32 s12, $0x9;
	v11 =	vadd.f32 v13, v11;
	v20 =	vmul.f32 $5.000000000e-01, v8  }
0x17a: {  	s2 =	sadd.s32 s2, s22;
	v9 =	vadd.f32 v14, v9;
	vm0 =	vgt.f32 v15, v12  }
0x17b: {  	v13 =	vld [tilespmem:s2+$0x4000];
	v22 =	vmul.f32 $5.000000000e-01, v11;
	v8 =	vperm.xlane v20, v2;
	v11 =	vsel vm0, $0x2, v3  }
0x17c: {  	v14 =	vld [tilespmem:s2+$0x4010];
	v21 =	vmul.f32 $5.000000000e-01, v9;
	v17 =	vperm.xlane v7, v11  }
0x17d: {  	v23 =	vld [tilespmem:s0+$0x4000];
	v26 =	vsel vm0, $0x4, v4;
	vm1 =	vgt.f32 v16, v8  }
0x17e: {  	v9 =	vperm.xlane v21, v2;
	v25 =	vsel vm1, $0x2, v3;
	vm2 =	vgt.f32 v15, v17  }
0x17f: {  	v11 =	vperm.xlane v22, v2;
	v17 =	vperm.xlane v20, v25;
	v25 =	vsel vm2, $0x2, v3  }
0x180: {  	v24 =	vld [tilespmem:s0+$0x4010];
	v27 =	vsel vm1, $0x4, v4;
	vm0 =	vgt.f32 v13, v9;
	v25 =	vadd.s32 v26, v25  }
0x181: {  	vm1 =	vgt.f32 v14, v9;
	vm3 =	vgt.f32 v16, v17;
	v17 =	vperm.xlane v7, v25  }
0x182: {  	vm2 =	vgt.f32 v23, v11;
	v26 =	vsel vm0, $0x2, v3;
	v28 =	vsel vm3, $0x2, v3  }
0x183: {  	v29 =	vsel vm2, $0x2, v3;
	v27 =	vadd.s32 v27, v28;
	vm10 =	vgt.f32 v15, v17  }
0x184: {  	v25 =	vshll.u32 v25, $0x1;
	v17 =	vperm.xlane v20, v27;
	v28 =	vsel vm10, $0x2, v3  }
0x185: {  	vm3 =	vgt.f32 v24, v11;
	v26 =	vperm.xlane v21, v26;
	v25 =	vadd.s32 v28, v25  }
0x186: {  	v30 =	vsel vm3, $0x2, v3;
	vm11 =	vgt.f32 v16, v17;
	v17 =	vperm.xlane v7, v25  }
0x187: {  	v27 =	vshll.u32 v27, $0x1;
	v30 =	vperm.xlane v22, v30;
	v31 =	vsel vm11, $0x2, v3  }
0x188: {  	vm15 =	vgt.f32 v13, v26;
	v27 =	vadd.s32 v31, v27;
	vm12 =	vgt.f32 v15, v17  }
0x189: {  	v15 =	vperm.xlane v20, v27;
	v17 =	vshll.u32 v25, $0x1;
	v25 =	vsel vm12, $0xFFFFFFF3, v5  }
0x18a: {  	v26 =	vsel vm2, $0x4, v4;
	v28 =	vperm.xlane v22, v29;
	v17 =	vadd.s32 v17, v25  }
0x18b: {  	v29 =	vsel vm1, $0x2, v3;
	vm13 =	vgt.f32 v16, v15;
	v15 =	vperm.xlane v10, v17  }
0x18c: {  	s13 =	sadd.s32 $0x18000, s6;
	v27 =	vshll.u32 v27, $0x1;
	v25 =	vperm.xlane v21, v29;
	v16 =	vsel vm13, $0xFFFFFFF3, v5  }
0x18d: {  	vm6 =	vgt.f32 v24, v30;
	v30 =	vsel vm1, $0x4, v4;
	v16 =	vadd.s32 v27, v16;
	[tilespmem:s13+$0x40] =	vst v15  }
0x18e: {  	vm14 =	vgt.f32 v23, v28;
	vm7 =	vgt.f32 v14, v25;
	v16 =	vperm.xlane v18, v16;
	v25 =	vld [tilespmem:s6+$0x4050]  }
0x18f: {  	s28 =	sadd.s32 $0x18000, s0;
	v29 =	vsel vm3, $0x4, v4;
	v17 =	vsel vm6, $0x2, v3;
	v27 =	vsel vm15, $0x2, v3  }
0x190: {  	v17 =	vadd.s32 v29, v17;
	v15 =	vsel vm14, $0x2, v3;
	v28 =	vsel vm7, $0x2, v3;
	[tilespmem:s28+$0x40] =	vst v16  }
0x191: {  	v29 =	vperm.xlane v22, v17;
	v15 =	vadd.s32 v26, v15;
	v16 =	vsel vm0, $0x4, v4;
	v26 =	vld [tilespmem:s0+$0x4050]  }
0x192: {  	v28 =	vadd.s32 v30, v28;
	v16 =	vadd.s32 v16, v27;
	v27 =	vperm.xlane v22, v15  }
0x193: {  	v17 =	vshll.u32 v17, $0x1;
	v31 =	vperm.xlane v21, v28;
	vm0 =	vgt.f32 v25, v12  }
0x194: {  	v30 =	vperm.xlane v21, v16;
	vm1 =	vgt.f32 v23, v27;
	v27 =	vsel vm0, $0x2, v3  }
0x195: {  	vm2 =	vgt.f32 v24, v29;
	v28 =	vshll.u32 v28, $0x1;
	v27 =	vperm.xlane v7, v27  }
0x196: {  	vm8 =	vgt.f32 v14, v31;
	vm3 =	vgt.f32 v13, v30;
	vm9 =	vgt.f32 v26, v8  }
0x197: {  	v29 =	vsel vm1, $0x2, v3;
	v30 =	vsel vm9, $0x2, v3;
	vm1 =	vgt.f32 v25, v27  }
0x198: {  	v31 =	vsel vm0, $0x4, v4;
	v27 =	vperm.xlane v20, v30;
	v30 =	vsel vm1, $0x2, v3  }
0x199: {  	v15 =	vshll.u32 v15, $0x1;
	v33 =	vsel vm2, $0x2, v3;
	v30 =	vadd.s32 v31, v30  }
0x19a: {  	v16 =	vshll.u32 v16, $0x1;
	vm0 =	vgt.f32 v26, v27;
	v27 =	vperm.xlane v7, v30  }
0x19b: {  	v17 =	vadd.s32 v33, v17;
	v34 =	vsel vm8, $0x2, v3;
	v15 =	vadd.s32 v29, v15  }
0x19c: {  	v32 =	vsel vm9, $0x4, v4;
	v35 =	vsel vm0, $0x2, v3;
	vm0 =	vgt.f32 v25, v27  }
0x19d: {  	v30 =	vshll.u32 v30, $0x1;
	v27 =	vadd.s32 v32, v35;
	v29 =	vsel vm0, $0x2, v3  }
0x19e: {  	v33 =	vperm.xlane v22, v17;
	v32 =	vperm.xlane v20, v27;
	v29 =	vadd.s32 v29, v30  }
0x19f: {  	v17 =	vshll.u32 v17, $0x1;
	v31 =	vsel vm3, $0x2, v3;
	v30 =	vperm.xlane v7, v29  }
0x1a0: {  	v28 =	vadd.s32 v34, v28;
	v16 =	vadd.s32 v31, v16;
	vm0 =	vgt.f32 v26, v32  }
0x1a1: {  	v27 =	vshll.u32 v27, $0x1;
	v32 =	vsel vm0, $0x2, v3;
	vm0 =	vgt.f32 v25, v30  }
0x1a2: {  	v25 =	vadd.s32 v32, v27;
	v27 =	vshll.u32 v29, $0x1;
	v29 =	vsel vm0, $0xFFFFFFF3, v5  }
0x1a3: {  	v31 =	vperm.xlane v22, v15;
	v57 =	vperm.xlane v21, v16;
	v27 =	vadd.s32 v27, v29  }
0x1a4: {  	vm1 =	vgt.f32 v24, v33;
	v30 =	vperm.xlane v20, v25;
	v27 =	vperm.xlane v10, v27  }
0x1a5: {  	v15 =	vshll.u32 v15, $0x1;
	vm3 =	vgt.f32 v13, v57;
	v29 =	vperm.xlane v21, v28  }
0x1a6: {  	vm0 =	vgt.f32 v23, v31;
	v13 =	vshll.u32 v25, $0x1;
	vm2 =	vgt.f32 v26, v30;
	[tilespmem:s13+$0x50] =	vst v27  }
0x1a7: {  	v25 =	vsel vm1, $0xFFFFFFF3, v5;
	vm10 =	vgt.f32 v14, v29;
	v14 =	vsel vm2, $0xFFFFFFF3, v5;
	v24 =	vld [tilespmem:s6+$0x4060]  }
0x1a8: {  	v23 =	vsel vm0, $0xFFFFFFF3, v5;
	v17 =	vadd.s32 v17, v25;
	v13 =	vadd.s32 v13, v14  }
0x1a9: {  	v26 =	vsel vm3, $0xFFFFFFF3, v5;
	v15 =	vadd.s32 v15, v23;
	v13 =	vperm.xlane v18, v13  }
0x1aa: {  	v17 =	vperm.xlane v19, v17;
	v15 =	vperm.xlane v19, v15;
	v14 =	vshll.u32 v16, $0x1  }
0x1ab: {  	v27 =	vsel vm10, $0xFFFFFFF3, v5;
	v16 =	vshll.u32 v28, $0x1;
	v14 =	vadd.s32 v14, v26;
	[tilespmem:s28+$0x50] =	vst v13  }
0x1ac: {  	[tilespmem:s0+$0x18000] =	vst v15;
	v14 =	vperm.xlane v6, v14;
	v13 =	vadd.s32 v16, v27;
	v16 =	vld [tilespmem:s0+$0x4060];
	vm0 =	vgt.f32 v24, v12  }
0x1ad: {  	[tilespmem:s28+$0x10] =	vst v17;
	v13 =	vperm.xlane v6, v13;
	v15 =	vsel vm0, $0x2, v3  }
0x1ae: {  	s29 =	sadd.s32 $0x18000, s2;
	v17 =	vld [tilespmem:s0+$0x4020];
	[tilespmem:s2+$0x18000] =	vst v14;
	v15 =	vperm.xlane v7, v15  }
0x1af: {  	[tilespmem:s29+$0x10] =	vst v13  }
0x1b0: {  	v13 =	vld [tilespmem:s2+$0x4020];
	vm1 =	vgt.f32 v24, v15  }
0x1b1: {  	v15 =	vsel vm0, $0x4, v4;
	vm0 =	vgt.f32 v16, v8;
	v14 =	vsel vm1, $0x2, v3  }
0x1b2: {  	v23 =	vsel vm0, $0x2, v3;
	v14 =	vadd.s32 v15, v14  }
0x1b3: {  	v25 =	vsel vm0, $0x4, v4;
	vm0 =	vgt.f32 v17, v11;
	v15 =	vperm.xlane v7, v14  }
0x1b4: {  	v23 =	vperm.xlane v20, v23;
	v26 =	vsel vm0, $0x2, v3  }
0x1b5: {  	vm2 =	vgt.f32 v13, v9;
	v14 =	vshll.u32 v14, $0x1;
	vm1 =	vgt.f32 v24, v15  }
0x1b6: {  	v26 =	vperm.xlane v22, v26;
	v27 =	vsel vm2, $0x2, v3;
	v15 =	vsel vm1, $0x2, v3  }
0x1b7: {  	vm1 =	vgt.f32 v16, v23;
	v14 =	vadd.s32 v15, v14;
	v15 =	vperm.xlane v21, v27  }
0x1b8: {  	v27 =	vsel vm0, $0x4, v4;
	vm0 =	vgt.f32 v17, v26;
	v23 =	vperm.xlane v7, v14  }
0x1b9: {  	v26 =	vsel vm1, $0x2, v3;
	v28 =	vsel vm0, $0x2, v3;
	v14 =	vshll.u32 v14, $0x1  }
0x1ba: {  	vm0 =	vgt.f32 v13, v15;
	v15 =	vsel vm2, $0x4, v4;
	vm1 =	vgt.f32 v24, v23  }
0x1bb: {  	v24 =	vadd.s32 v25, v26;
	v25 =	vsel vm0, $0x2, v3;
	v23 =	vsel vm1, $0xFFFFFFF3, v5  }
0x1bc: {  	v26 =	vperm.xlane v20, v24;
	v14 =	vadd.s32 v14, v23;
	v23 =	vadd.s32 v27, v28  }
0x1bd: {  	v15 =	vadd.s32 v15, v25;
	v14 =	vperm.xlane v10, v14;
	v25 =	vperm.xlane v22, v23  }
0x1be: {  	v24 =	vshll.u32 v24, $0x1;
	v23 =	vshll.u32 v23, $0x1  }
0x1bf: {  	vm0 =	vgt.f32 v16, v26;
	v26 =	vperm.xlane v21, v15;
	[tilespmem:s13+$0x60] =	vst v14;
	vm1 =	vgt.f32 v17, v25  }
0x1c0: {  	v15 =	vshll.u32 v15, $0x1;
	v14 =	vsel vm0, $0x2, v3;
	v25 =	vld [tilespmem:s6+$0x4070];
	v27 =	vsel vm1, $0x2, v3  }
0x1c1: {  	vm0 =	vgt.f32 v13, v26;
	v14 =	vadd.s32 v14, v24;
	v23 =	vadd.s32 v27, v23  }
0x1c2: {  	v26 =	vsel vm0, $0x2, v3;
	v24 =	vperm.xlane v20, v14;
	v27 =	vperm.xlane v22, v23  }
0x1c3: {  	v14 =	vshll.u32 v14, $0x1;
	v15 =	vadd.s32 v26, v15;
	v23 =	vshll.u32 v23, $0x1  }
0x1c4: {  	vm0 =	vgt.f32 v16, v24;
	v16 =	vperm.xlane v21, v15;
	vm1 =	vgt.f32 v17, v27  }
0x1c5: {  	v17 =	vsel vm0, $0xFFFFFFF3, v5;
	vm0 =	vgt.f32 v25, v12;
	v12 =	vshll.u32 v15, $0x1  }
0x1c6: {  	v15 =	vsel vm1, $0xFFFFFFF3, v5;
	vm1 =	vgt.f32 v13, v16;
	v13 =	vadd.s32 v14, v17  }
0x1c7: {  	v24 =	vsel vm0, $0x2, v3;
	v15 =	vadd.s32 v23, v15;
	v13 =	vperm.xlane v18, v13  }
0x1c8: {  	v16 =	vsel vm1, $0xFFFFFFF3, v5;
	v14 =	vperm.xlane v7, v24;
	v15 =	vperm.xlane v19, v15  }
0x1c9: {  	v12 =	vadd.s32 v12, v16;
	[tilespmem:s28+$0x60] =	vst v13  }
0x1ca: {  	v12 =	vperm.xlane v6, v12;
	vm1 =	vgt.f32 v25, v14;
	[tilespmem:s28+$0x20] =	vst v15;
	v26 =	vld [tilespmem:s0+$0x4070]  }
0x1cb: {  	s30 =	simm.s32 $0x4;
	v14 =	vsel vm0, $0x4, v4;
	v13 =	vsel vm1, $0x2, v3;
	v23 =	vld [tilespmem:s0+$0x4030]  }
0x1cc: {  	s12 =	simm.s32 $0x80;
	[tilespmem:s29+$0x20] =	vst v12;
	s0 =	sand.u32 $0x1C, s30;
	v13 =	vadd.s32 v14, v13  }
0x1cd: {  	s15 =	sand.u32 $0x3FFFFC00, s12;
	v24 =	vld [tilespmem:s2+$0x4030];
	s6 =	sor.u32 $0x3, s0;
	v12 =	vperm.xlane v7, v13  }
0x1ce: {  	s2 =	sadd.s32 $0x10000, s15;
	s22 =	sshll.u32 s6, $0x4  }
0x1cf: {  	v13 =	vshll.u32 v13, $0x1;
	s8 =	sor.u32 s22, s2;
	vm0 =	vgt.f32 v25, v12  }
0x1d0: {  	vm1 =	vgt.f32 v26, v8;
	v8 =	vld [tilespmem:s8+$0x200];
	v12 =	vsel vm0, $0x2, v3;
	vm2 =	vgt.f32 v23, v11  }
0x1d1: {  	v11 =	vsel vm1, $0x2, v3;
	v12 =	vadd.s32 v12, v13;
	v13 =	vsel vm2, $0x2, v3  }
0x1d2: {  	s12 =	sshll.u32 s0, $0x4;
	v11 =	vperm.xlane v20, v11;
	vm0 =	vgt.f32 v24, v9;
	v7 =	vperm.xlane v7, v12  }
0x1d3: {  	s8 =	sor.u32 s12, s2;
	v17 =	vsel vm2, $0x4, v4;
	v13 =	vperm.xlane v22, v13;
	v9 =	vsel vm0, $0x2, v3  }
0x1d4: {  	v12 =	vshll.u32 v12, $0x1;
	v14 =	vperm.xlane v21, v9;
	v9 =	vld [tilespmem:s8+$0x200];
	vm3 =	vgt.f32 v25, v7  }
0x1d5: {  	s22 =	sor.u32 $0x2, s0;
	v16 =	vperm.xlane v8, v1;
	vm11 =	vgt.f32 v23, v13;
	v15 =	vsel vm3, $0xFFFFFFF3, v5  }
0x1d6: {  	s15 =	simm.s32 $0x10;
	s6 =	sshll.u32 s6, $0x9;
	s12 =	sshll.u32 s22, $0x4;
	v7 =	vld [tilespmem:s8+$0x210];
	vm3 =	vgt.f32 v26, v11;
	v11 =	vperm.xlane v8, v0;
	v12 =	vadd.s32 v12, v15  }
0x1d7: {  	s6 =	sand.u32 $0x3C00, s6;
	s2 =	sor.u32 s12, s2;
	s8 =	sand.u32 $0xFFFFFF80, s15;
	v13 =	vsel vm3, $0x2, v3;
	vm3 =	vgt.f32 v24, v14;
	v15 =	vsel vm1, $0x4, v4  }
0x1d8: {  	s6 =	sadd.s32 s8, s6;
	v25 =	vperm.xlane v10, v12;
	v10 =	vld [tilespmem:s2+$0x200];
	v11 =	vadd.f32 v16, v11;
	v12 =	vsel vm11, $0x2, v3  }
0x1d9: {  	v58 =	vld [tilespmem:s6+$0x4040];
	v16 =	vsel vm3, $0x2, v3;
	v29 =	vadd.s32 v15, v13;
	v13 =	vperm.xlane v9, v0  }
0x1da: {  	v15 =	vsel vm0, $0x4, v4;
	v31 =	vperm.xlane v9, v1;
	v14 =	vmul.f32 $5.000000000e-01, v11  }
0x1db: {  	v28 =	vadd.s32 v17, v12;
	v30 =	vperm.xlane v7, v0;
	v11 =	vperm.xlane v7, v1  }
0x1dc: {  	s0 =	sshll.u32 s0, $0x9;
	v13 =	vadd.f32 v31, v13;
	v31 =	vperm.xlane v20, v29;
	v27 =	vperm.xlane v14, v2  }
0x1dd: {  	s15 =	sadd.s32 s8, s0;
	v29 =	vshll.u32 v29, $0x1;
	v11 =	vadd.f32 v11, v30;
	v12 =	vperm.xlane v10, v0  }
0x1de: {  	v59 =	vld [tilespmem:s15+$0x4040];
	v17 =	vperm.xlane v10, v1;
	v13 =	vmul.f32 $5.000000000e-01, v13;
	vm1 =	vgt.f32 v58, v27  }
0x1df: {  	v38 =	vld [tilespmem:s15+$0x4000];
	vm0 =	vgt.f32 v26, v31;
	v11 =	vmul.f32 $5.000000000e-01, v11;
	v30 =	vsel vm1, $0x2, v3  }
0x1e0: {  	v40 =	vld [tilespmem:s15+$0x4010];
	v12 =	vadd.f32 v17, v12;
	v17 =	vperm.xlane v22, v28;
	v61 =	vsel vm1, $0x4, v4  }
0x1e1: {  	v60 =	vperm.xlane v14, v30;
	v30 =	vadd.s32 v15, v16;
	v16 =	vperm.xlane v11, v2  }
0x1e2: {  	s22 =	sshll.u32 s22, $0x9;
	v28 =	vshll.u32 v28, $0x1;
	v12 =	vmul.f32 $5.000000000e-01, v12;
	vm1 =	vgt.f32 v23, v17  }
0x1e3: {  	s8 =	sadd.s32 s8, s22;
	v17 =	vperm.xlane v13, v2;
	vm2 =	vgt.f32 v58, v60;
	vm3 =	vgt.f32 v59, v16  }
0x1e4: {  	v32 =	vld [tilespmem:s8+$0x4000];
	v31 =	vsel vm2, $0x2, v3;
	v15 =	vperm.xlane v12, v2;
	v37 =	vsel vm3, $0x2, v3  }
0x1e5: {  	v41 =	vsel vm3, $0x4, v4;
	vm4 =	vgt.f32 v38, v17;
	vm5 =	vgt.f32 v40, v17  }
0x1e6: {  	v35 =	vadd.s32 v61, v31;
	v37 =	vperm.xlane v11, v37;
	v31 =	vperm.xlane v21, v30  }
0x1e7: {  	v43 =	vsel vm4, $0x2, v3;
	v47 =	vsel vm5, $0x2, v3;
	v51 =	vsel vm4, $0x4, v4  }
0x1e8: {  	v36 =	vld [tilespmem:s8+$0x4010];
	v54 =	vsel vm5, $0x4, v4;
	v30 =	vshll.u32 v30, $0x1;
	v39 =	vperm.xlane v14, v35  }
0x1e9: {  	vm2 =	vgt.f32 v32, v15;
	v35 =	vshll.u32 v35, $0x1;
	vm3 =	vgt.f32 v59, v37  }
0x1ea: {  	v46 =	vperm.xlane v13, v43;
	vm12 =	vgt.f32 v58, v39;
	v37 =	vsel vm3, $0x2, v3  }
0x1eb: {  	v42 =	vsel vm2, $0x2, v3;
	v39 =	vsel vm12, $0x2, v3;
	v37 =	vadd.s32 v41, v37  }
0x1ec: {  	v55 =	vsel vm2, $0x4, v4;
	v35 =	vadd.s32 v39, v35;
	v62 =	vperm.xlane v11, v37  }
0x1ed: {  	vm3 =	vgt.f32 v36, v15;
	v42 =	vperm.xlane v12, v42;
	v63 =	vperm.xlane v14, v35  }
0x1ee: {  	v49 =	vsel vm3, $0x2, v3;
	v37 =	vshll.u32 v37, $0x1;
	vm13 =	vgt.f32 v59, v62  }
0x1ef: {  	v43 =	vperm.xlane v12, v49;
	vm14 =	vgt.f32 v58, v63;
	v44 =	vsel vm13, $0x2, v3  }
0x1f0: {  	v35 =	vshll.u32 v35, $0x1;
	v45 =	vsel vm14, $0xFFFFFFF3, v5;
	v33 =	vadd.s32 v44, v37  }
0x1f1: {  	vm12 =	vgt.f32 v38, v46;
	v35 =	vadd.s32 v35, v45;
	v48 =	vperm.xlane v11, v33  }
0x1f2: {  	v50 =	vsel vm12, $0x2, v3;
	vm9 =	vgt.f32 v36, v43;
	v35 =	vperm.xlane v8, v35  }
0x1f3: {  	s0 =	sadd.s32 $0x18000, s6;
	v53 =	vsel vm9, $0x2, v3;
	v37 =	vperm.xlane v13, v47;
	vm15 =	vgt.f32 v59, v48  }
0x1f4: {  	v44 =	vsel vm3, $0x4, v4;
	v33 =	vshll.u32 v33, $0x1;
	[tilespmem:s0+$0x40] =	vst v35;
	v34 =	vsel vm15, $0xFFFFFFF3, v5  }
0x1f5: {  	vm13 =	vgt.f32 v32, v42;
	v42 =	vadd.s32 v44, v53;
	v35 =	vld [tilespmem:s6+$0x4050];
	v33 =	vadd.s32 v33, v34  }
0x1f6: {  	vm8 =	vgt.f32 v40, v37;
	v46 =	vperm.xlane v12, v42;
	v33 =	vperm.xlane v7, v33  }
0x1f7: {  	s31 =	sadd.s32 $0x18000, s15;
	v52 =	vsel vm13, $0x2, v3;
	v42 =	vshll.u32 v42, $0x1;
	v37 =	vsel vm8, $0x2, v3  }
0x1f8: {  	v37 =	vadd.s32 v54, v37;
	vm10 =	vgt.f32 v36, v46;
	v34 =	vadd.s32 v51, v50;
	[tilespmem:s31+$0x40] =	vst v33  }
0x1f9: {  	v45 =	vperm.xlane v13, v37;
	v37 =	vshll.u32 v37, $0x1;
	v53 =	vsel vm10, $0x2, v3;
	v39 =	vld [tilespmem:s15+$0x4050]  }
0x1fa: {  	v56 =	vperm.xlane v13, v34;
	v34 =	vshll.u32 v34, $0x1;
	vm2 =	vgt.f32 v35, v27  }
0x1fb: {  	v42 =	vadd.s32 v53, v42;
	vm14 =	vgt.f32 v40, v45;
	v57 =	vsel vm2, $0x2, v3  }
0x1fc: {  	v33 =	vadd.s32 v55, v52;
	vm3 =	vgt.f32 v38, v56;
	v43 =	vperm.xlane v14, v57  }
0x1fd: {  	v52 =	vsel vm14, $0x2, v3;
	v58 =	vperm.xlane v12, v33;
	v62 =	vsel vm3, $0x2, v3  }
0x1fe: {  	v33 =	vshll.u32 v33, $0x1;
	vm15 =	vgt.f32 v35, v43;
	vm9 =	vgt.f32 v39, v16  }
0x1ff: {  	v60 =	vsel vm2, $0x4, v4;
	v59 =	vsel vm15, $0x2, v3;
	v61 =	vsel vm9, $0x2, v3  }
0x200: {  	v37 =	vadd.s32 v52, v37;
	v41 =	vadd.s32 v60, v59;
	v43 =	vperm.xlane v11, v61  }
0x201: {  	v34 =	vadd.s32 v62, v34;
	vm2 =	vgt.f32 v32, v58;
	v55 =	vperm.xlane v14, v41  }
0x202: {  	v58 =	vperm.xlane v13, v34;
	v47 =	vsel vm2, $0x2, v3;
	vm2 =	vgt.f32 v39, v43  }
0x203: {  	v34 =	vshll.u32 v34, $0x1;
	v48 =	vsel vm2, $0x2, v3;
	vm2 =	vgt.f32 v35, v55  }
0x204: {  	v33 =	vadd.s32 v47, v33;
	v41 =	vshll.u32 v41, $0x1;
	v57 =	vsel vm2, $0x2, v3  }
0x205: {  	v62 =	vperm.xlane v12, v33;
	v33 =	vshll.u32 v33, $0x1;
	v41 =	vadd.s32 v57, v41  }
0x206: {  	v63 =	vsel vm9, $0x4, v4;
	v59 =	vperm.xlane v13, v37;
	v60 =	vperm.xlane v14, v41  }
0x207: {  	vm13 =	vgt.f32 v32, v62;
	v37 =	vshll.u32 v37, $0x1;
	v54 =	vadd.s32 v63, v48  }
0x208: {  	vm2 =	vgt.f32 v38, v58;
	v56 =	vperm.xlane v11, v54;
	vm11 =	vgt.f32 v35, v60  }
0x209: {  	v63 =	vperm.xlane v12, v42;
	v47 =	vshll.u32 v41, $0x1;
	v48 =	vsel vm11, $0xFFFFFFF3, v5  }
0x20a: {  	v44 =	vshll.u32 v54, $0x1;
	vm3 =	vgt.f32 v39, v56;
	v49 =	vadd.s32 v47, v48  }
0x20b: {  	v52 =	vsel vm2, $0xFFFFFFF3, v5;
	v46 =	vsel vm3, $0x2, v3;
	v32 =	vperm.xlane v8, v49  }
0x20c: {  	v54 =	vsel vm13, $0xFFFFFFF3, v5;
	vm3 =	vgt.f32 v40, v59;
	v44 =	vadd.s32 v46, v44  }
0x20d: {  	v34 =	vadd.s32 v34, v52;
	v53 =	vsel vm3, $0xFFFFFFF3, v5;
	v61 =	vperm.xlane v11, v44;
	[tilespmem:s0+$0x50] =	vst v32  }
0x20e: {  	v57 =	vshll.u32 v42, $0x1;
	v34 =	vperm.xlane v9, v34;
	v37 =	vadd.s32 v37, v53;
	v58 =	vld [tilespmem:s6+$0x4060]  }
0x20f: {  	vm2 =	vgt.f32 v24, v31;
	v37 =	vperm.xlane v9, v37;
	vm12 =	vgt.f32 v39, v61  }
0x210: {  	vm14 =	vgt.f32 v36, v63;
	[tilespmem:s15+$0x18000] =	vst v34;
	v50 =	vshll.u32 v44, $0x1;
	v51 =	vsel vm12, $0xFFFFFFF3, v5  }
0x211: {  	v33 =	vadd.s32 v33, v54;
	v55 =	vsel vm14, $0xFFFFFFF3, v5;
	[tilespmem:s31+$0x10] =	vst v37;
	v56 =	vadd.s32 v50, v51  }
0x212: {  	v33 =	vperm.xlane v10, v33;
	v35 =	vadd.s32 v57, v55;
	v63 =	vld [tilespmem:s15+$0x4020];
	v32 =	vperm.xlane v7, v56  }
0x213: {  	v59 =	vsel vm0, $0x2, v3;
	v60 =	vsel vm1, $0x2, v3;
	vm0 =	vgt.f32 v58, v27  }
0x214: {  	v31 =	vperm.xlane v10, v35;
	v28 =	vadd.s32 v60, v28;
	[tilespmem:s31+$0x50] =	vst v32;
	v62 =	vsel vm0, $0x2, v3  }
0x215: {  	s2 =	sadd.s32 $0x18000, s8;
	[tilespmem:s8+$0x18000] =	vst v33;
	v29 =	vadd.s32 v59, v29;
	v22 =	vperm.xlane v22, v28;
	v34 =	vld [tilespmem:s15+$0x4060];
	v40 =	vperm.xlane v14, v62  }
0x216: {  	v20 =	vperm.xlane v20, v29;
	v29 =	vshll.u32 v29, $0x1;
	v28 =	vshll.u32 v28, $0x1;
	[tilespmem:s2+$0x10] =	vst v31  }
0x217: {  	v31 =	vld [tilespmem:s8+$0x4020];
	v42 =	vsel vm0, $0x4, v4;
	vm0 =	vgt.f32 v63, v17;
	vm1 =	vgt.f32 v58, v40  }
0x218: {  	v61 =	vsel vm2, $0x2, v3;
	v47 =	vsel vm0, $0x2, v3;
	v41 =	vsel vm1, $0x2, v3  }
0x219: {  	v48 =	vsel vm0, $0x4, v4;
	vm0 =	vgt.f32 v26, v20;
	v32 =	vadd.s32 v42, v41  }
0x21a: {  	v20 =	vperm.xlane v13, v47;
	vm2 =	vgt.f32 v34, v16;
	v46 =	vperm.xlane v14, v32  }
0x21b: {  	v30 =	vadd.s32 v61, v30;
	v43 =	vsel vm2, $0x2, v3;
	v44 =	vsel vm2, $0x4, v4  }
0x21c: {  	vm1 =	vgt.f32 v31, v15;
	vm3 =	vgt.f32 v63, v20;
	vm2 =	vgt.f32 v58, v46  }
0x21d: {  	v45 =	vperm.xlane v11, v43;
	v32 =	vshll.u32 v32, $0x1;
	v35 =	vsel vm2, $0x2, v3  }
0x21e: {  	v26 =	vsel vm1, $0x2, v3;
	v50 =	vsel vm3, $0x2, v3;
	v32 =	vadd.s32 v35, v32  }
0x21f: {  	v26 =	vperm.xlane v12, v26;
	vm2 =	vgt.f32 v34, v45;
	v49 =	vperm.xlane v14, v32  }
0x220: {  	v21 =	vperm.xlane v21, v30;
	v52 =	vadd.s32 v48, v50;
	v20 =	vsel vm2, $0x2, v3  }
0x221: {  	vm2 =	vgt.f32 v31, v26;
	v26 =	vsel vm1, $0x4, v4;
	vm1 =	vgt.f32 v58, v49  }
0x222: {  	v55 =	vperm.xlane v13, v52;
	v32 =	vshll.u32 v32, $0x1;
	v53 =	vsel vm1, $0xFFFFFFF3, v5  }
0x223: {  	v20 =	vadd.s32 v44, v20;
	v51 =	vsel vm2, $0x2, v3;
	v32 =	vadd.s32 v32, v53  }
0x224: {  	v54 =	vperm.xlane v11, v20;
	v26 =	vadd.s32 v26, v51;
	v32 =	vperm.xlane v8, v32  }
0x225: {  	vm15 =	vgt.f32 v24, v21;
	v33 =	vshll.u32 v52, $0x1;
	v56 =	vperm.xlane v12, v26  }
0x226: {  	vm2 =	vgt.f32 v63, v55;
	v37 =	vshll.u32 v26, $0x1;
	vm1 =	vgt.f32 v34, v54;
	[tilespmem:s0+$0x60] =	vst v32  }
0x227: {  	v58 =	vsel vm2, $0x2, v3;
	v57 =	vsel vm1, $0x2, v3;
	vm1 =	vgt.f32 v31, v56;
	v26 =	vld [tilespmem:s6+$0x4070]  }
0x228: {  	v20 =	vshll.u32 v20, $0x1;
	v60 =	vsel vm1, $0x2, v3;
	v32 =	vadd.s32 v58, v33  }
0x229: {  	v20 =	vadd.s32 v57, v20;
	v35 =	vadd.s32 v60, v37;
	v61 =	vperm.xlane v13, v32  }
0x22a: {  	v59 =	vperm.xlane v11, v20;
	v20 =	vshll.u32 v20, $0x1;
	v62 =	vperm.xlane v12, v35  }
0x22b: {  	v35 =	vshll.u32 v35, $0x1;
	v32 =	vshll.u32 v32, $0x1;
	vm2 =	vgt.f32 v63, v61  }
0x22c: {  	vm1 =	vgt.f32 v34, v59;
	v36 =	vsel vm2, $0xFFFFFFF3, v5;
	vm2 =	vgt.f32 v26, v27  }
0x22d: {  	v34 =	vsel vm1, $0xFFFFFFF3, v5;
	vm1 =	vgt.f32 v31, v62;
	v31 =	vsel vm2, $0x2, v3  }
0x22e: {  	v20 =	vadd.s32 v20, v34;
	v32 =	vadd.s32 v32, v36;
	v31 =	vperm.xlane v14, v31  }
0x22f: {  	v20 =	vperm.xlane v7, v20;
	v27 =	vsel vm1, $0xFFFFFFF3, v5;
	v32 =	vperm.xlane v9, v32  }
0x230: {  	vm1 =	vgt.f32 v23, v22;
	v27 =	vadd.s32 v35, v27;
	vm3 =	vgt.f32 v26, v31  }
0x231: {  	[tilespmem:s31+$0x60] =	vst v20;
	v22 =	vsel vm2, $0x4, v4;
	v23 =	vperm.xlane v10, v27;
	v21 =	vsel vm3, $0x2, v3  }
0x232: {  	v30 =	vshll.u32 v30, $0x1;
	v24 =	vsel vm0, $0xFFFFFFF3, v5;
	[tilespmem:s31+$0x20] =	vst v32;
	v27 =	vadd.s32 v22, v21;
	v22 =	vld [tilespmem:s15+$0x4070]  }
0x233: {  	v24 =	vadd.s32 v29, v24;
	v20 =	vld [tilespmem:s15+$0x4030];
	[tilespmem:s2+$0x20] =	vst v23;
	v21 =	vsel vm1, $0xFFFFFFF3, v5;
	v63 =	vperm.xlane v14, v27  }
0x234: {  	v24 =	vperm.xlane v18, v24;
	v31 =	vsel vm15, $0xFFFFFFF3, v5;
	v23 =	vadd.s32 v28, v21;
	v21 =	vld [tilespmem:s8+$0x4030]  }
0x235: {  	[tilespmem:s13+$0x70] =	vst v25;
	v28 =	vadd.s32 v30, v31;
	v23 =	vperm.xlane v19, v23;
	vm0 =	vgt.f32 v26, v63  }
.LBB2_5:
0x236: {  	s30 =	sadd.s32 $0x4, s30;
	v19 =	vsel vm0, $0x2, v3;
	v25 =	vshll.u32 v27, $0x1;
	v27 =	vperm.xlane v6, v28;
	v18 =	vmovc v9;
	v6 =	vmovc v10  }
0x237: {  	s6 =	sand.u32 $0x1C, s30;
	s8 =	sshll.u32 s30, $0x5;
	p0 =	slt.u32 s30, $0xFC;
	vm0 =	vgt.f32 v22, v16;
	v9 =	vadd.s32 v19, v25;
	[tilespmem:s28+$0x70] =	vst v24  }
0x238: {  	s8 =	sand.u32 $0x3FFFFC00, s8;
	s12 =	sshll.u32 s6, $0x4;
	s13 =	sor.u32 $0x3, s6;
	vm1 =	vgt.f32 v20, v17;
	v10 =	vsel vm0, $0x2, v3;
	v14 =	vperm.xlane v14, v9;
	[tilespmem:s28+$0x30] =	vst v23  }
0x239: {  	s22 =	sshll.u32 s6, $0x9;
	s8 =	sadd.s32 $0x10000, s8;
	s28 =	sshll.u32 s13, $0x4;
	v16 =	vsel vm1, $0x2, v3;
	v10 =	vperm.xlane v11, v10;
	vm2 =	vgt.f32 v21, v15;
	[tilespmem:s29+$0x30] =	vst v27  }
0x23a: {  	s6 =	sor.u32 $0x2, s6;
	s12 =	sor.u32 s12, s8;
	s28 =	sor.u32 s28, s8;
	v15 =	vperm.xlane v13, v16;
	v16 =	vsel vm2, $0x2, v3;
	vm3 =	vgt.f32 v26, v14  }
0x23b: {  	v9 =	vshll.u32 v9, $0x1;
	s29 =	sshll.u32 s6, $0x4;
	s15 =	sshll.u32 s6, $0x9;
	v14 =	vld [tilespmem:s28+$0x200];
	v16 =	vperm.xlane v12, v16;
	v17 =	vsel vm3, $0xFFFFFFF3, v5;
	s28 =	smov.u32 s31  }
0x23c: {  	s6 =	sor.u32 s29, s8;
	s29 =	smov.u32 s2;
	vm4 =	vgt.f32 v22, v10;
	v19 =	vld [tilespmem:s12+$0x210];
	vm3 =	vgt.f32 v20, v15;
	v10 =	vadd.s32 v9, v17  }
0x23d: {  	v15 =	vsel vm4, $0x2, v3;
	v9 =	vld [tilespmem:s12+$0x200];
	vm4 =	vgt.f32 v21, v16;
	v26 =	vperm.xlane v8, v10  }
0x23e: {  	v17 =	vsel vm0, $0x4, v4;
	v16 =	vsel vm3, $0x2, v3;
	v10 =	vld [tilespmem:s6+$0x200];
	v23 =	vsel vm4, $0x2, v3  }
0x23f: {  	v24 =	vsel vm1, $0x4, v4;
	v25 =	vadd.s32 v17, v15;
	v15 =	vsel vm2, $0x4, v4;
	[tilespmem:s0+$0x70] =	vst v26  }
0x240: {  	s2 =	sshll.u32 s13, $0x9;
	v24 =	vadd.s32 v24, v16;
	s0 =	sshll.u32 s30, $0x2;
	v17 =	vperm.xlane v14, v0;
	v27 =	vperm.xlane v14, v1;
	v8 =	vmovc v14  }
0x241: {  	s2 =	sand.u32 $0x3C00, s2;
	v26 =	vadd.s32 v15, v23;
	s0 =	sand.u32 $0xFFFFFF80, s0;
	v14 =	vperm.xlane v19, v0;
	v16 =	vperm.xlane v19, v1  }
0x242: {  	s6 =	sadd.s32 s0, s22;
	s13 =	sadd.s32 s0, s15;
	s8 =	sadd.s32 s0, s2;
	v15 =	vperm.xlane v9, v0;
	v23 =	vperm.xlane v9, v1;
	v17 =	vadd.f32 v27, v17  }
0x243: {  	s31 =	sadd.s32 $0x18000, s6;
	s2 =	sadd.s32 $0x18000, s13;
	v16 =	vadd.f32 v16, v14;
	v28 =	vperm.xlane v10, v0;
	v29 =	vperm.xlane v10, v1;
	v35 =	vld [tilespmem:s8+$0x4040]  }
0x244: {  	v15 =	vadd.f32 v23, v15;
	v36 =	vld [tilespmem:s6+$0x4040];
	v14 =	vmul.f32 $5.000000000e-01, v17;
	v17 =	vperm.xlane v11, v25  }
0x245: {  	v30 =	vperm.xlane v13, v24;
	v27 =	vmul.f32 $5.000000000e-01, v16;
	v29 =	vadd.f32 v29, v28;
	v31 =	vld [tilespmem:s13+$0x4000]  }
0x246: {  	v28 =	vmul.f32 $5.000000000e-01, v15;
	v32 =	vld [tilespmem:s13+$0x4010];
	v23 =	vperm.xlane v14, v2;
	vm1 =	vgt.f32 v22, v17  }
0x247: {  	vm0 =	vgt.f32 v20, v30;
	v33 =	vld [tilespmem:s6+$0x4000];
	v16 =	vperm.xlane v27, v2;
	v29 =	vmul.f32 $5.000000000e-01, v29  }
0x248: {  	v30 =	vperm.xlane v12, v26;
	v17 =	vperm.xlane v28, v2;
	v34 =	vld [tilespmem:s6+$0x4010];
	vm5 =	vgt.f32 v35, v23  }
0x249: {  	vm2 =	vgt.f32 v36, v16;
	v15 =	vperm.xlane v29, v2;
	v37 =	vsel vm5, $0x2, v3  }
0x24a: {  	v38 =	vsel vm2, $0x2, v3;
	v39 =	vsel vm2, $0x4, v4;
	v37 =	vperm.xlane v14, v37  }
0x24b: {  	v38 =	vperm.xlane v27, v38;
	vm2 =	vgt.f32 v31, v15;
	vm3 =	vgt.f32 v32, v15  }
0x24c: {  	vm4 =	vgt.f32 v33, v17;
	v40 =	vsel vm2, $0x2, v3;
	vm6 =	vgt.f32 v35, v37  }
0x24d: {  	vm7 =	vgt.f32 v36, v38;
	v37 =	vsel vm6, $0x2, v3;
	v38 =	vsel vm5, $0x4, v4  }
0x24e: {  	vm5 =	vgt.f32 v34, v17;
	v41 =	vsel vm7, $0x2, v3;
	v37 =	vadd.s32 v38, v37  }
0x24f: {  	v38 =	vsel vm4, $0x2, v3;
	v39 =	vadd.s32 v39, v41;
	v41 =	vperm.xlane v14, v37  }
0x250: {  	v42 =	vsel vm5, $0x2, v3;
	v43 =	vperm.xlane v27, v39;
	v39 =	vshll.u32 v39, $0x1  }
0x251: {  	v44 =	vsel vm3, $0x2, v3;
	v38 =	vperm.xlane v28, v38;
	vm6 =	vgt.f32 v35, v41  }
0x252: {  	v37 =	vshll.u32 v37, $0x1;
	vm7 =	vgt.f32 v36, v43;
	v41 =	vsel vm6, $0x2, v3  }
0x253: {  	v42 =	vperm.xlane v28, v42;
	v43 =	vsel vm7, $0x2, v3;
	v37 =	vadd.s32 v41, v37  }
0x254: {  	v40 =	vperm.xlane v29, v40;
	v39 =	vadd.s32 v43, v39;
	v41 =	vperm.xlane v14, v37  }
0x255: {  	v44 =	vperm.xlane v29, v44;
	v43 =	vperm.xlane v27, v39;
	v39 =	vshll.u32 v39, $0x1  }
0x256: {  	vm6 =	vgt.f32 v33, v38;
	vm7 =	vgt.f32 v34, v42;
	vm8 =	vgt.f32 v35, v41  }
0x257: {  	v35 =	vshll.u32 v37, $0x1;
	vm9 =	vgt.f32 v36, v43;
	v36 =	vsel vm8, $0xFFFFFFF3, v5  }
0x258: {  	vm8 =	vgt.f32 v31, v40;
	v37 =	vsel vm9, $0xFFFFFFF3, v5;
	v35 =	vadd.s32 v35, v36  }
0x259: {  	vm9 =	vgt.f32 v32, v44;
	v36 =	vadd.s32 v39, v37;
	v35 =	vperm.xlane v8, v35  }
0x25a: {  	s0 =	sadd.s32 $0x18000, s8;
	v38 =	vsel vm7, $0x2, v3;
	v37 =	vsel vm6, $0x2, v3;
	v36 =	vperm.xlane v19, v36  }
0x25b: {  	v40 =	vsel vm8, $0x2, v3;
	v39 =	vsel vm4, $0x4, v4;
	v41 =	vsel vm9, $0x2, v3;
	[tilespmem:s0+$0x40] =	vst v35  }
0x25c: {  	v42 =	vsel vm3, $0x4, v4;
	v35 =	vsel vm5, $0x4, v4;
	[tilespmem:s31+$0x40] =	vst v36;
	v36 =	vsel vm2, $0x4, v4;
	v43 =	vld [tilespmem:s8+$0x4050]  }
0x25d: {  	v37 =	vadd.s32 v39, v37;
	v35 =	vadd.s32 v35, v38;
	v38 =	vld [tilespmem:s6+$0x4050];
	v36 =	vadd.s32 v36, v40  }
0x25e: {  	v41 =	vadd.s32 v42, v41;
	v39 =	vperm.xlane v28, v37;
	v40 =	vperm.xlane v28, v35  }
0x25f: {  	v37 =	vshll.u32 v37, $0x1;
	v44 =	vperm.xlane v29, v41;
	v42 =	vperm.xlane v29, v36  }
0x260: {  	vm2 =	vgt.f32 v33, v39;
	v35 =	vshll.u32 v35, $0x1;
	vm3 =	vgt.f32 v34, v40  }
0x261: {  	vm5 =	vgt.f32 v32, v44;
	vm4 =	vgt.f32 v31, v42;
	vm6 =	vgt.f32 v43, v23  }
0x262: {  	v39 =	vsel vm2, $0x2, v3;
	vm2 =	vgt.f32 v38, v16;
	v40 =	vsel vm6, $0x2, v3  }
0x263: {  	v42 =	vsel vm2, $0x2, v3;
	v44 =	vsel vm2, $0x4, v4;
	v40 =	vperm.xlane v14, v40  }
0x264: {  	v45 =	vsel vm3, $0x2, v3;
	v46 =	vsel vm4, $0x2, v3;
	v42 =	vperm.xlane v27, v42  }
0x265: {  	v36 =	vshll.u32 v36, $0x1;
	v47 =	vsel vm5, $0x2, v3;
	vm2 =	vgt.f32 v43, v40  }
0x266: {  	vm3 =	vgt.f32 v38, v42;
	v40 =	vsel vm2, $0x2, v3;
	v42 =	vsel vm6, $0x4, v4  }
0x267: {  	v41 =	vshll.u32 v41, $0x1;
	v48 =	vsel vm3, $0x2, v3;
	v40 =	vadd.s32 v42, v40  }
0x268: {  	v37 =	vadd.s32 v39, v37;
	v39 =	vadd.s32 v44, v48;
	v42 =	vperm.xlane v14, v40  }
0x269: {  	v35 =	vadd.s32 v45, v35;
	v44 =	vperm.xlane v27, v39;
	v39 =	vshll.u32 v39, $0x1  }
0x26a: {  	v41 =	vadd.s32 v47, v41;
	v36 =	vadd.s32 v46, v36;
	vm2 =	vgt.f32 v43, v42  }
0x26b: {  	v40 =	vshll.u32 v40, $0x1;
	vm3 =	vgt.f32 v38, v44;
	v42 =	vsel vm2, $0x2, v3  }
0x26c: {  	v44 =	vperm.xlane v28, v37;
	v45 =	vsel vm3, $0x2, v3;
	v40 =	vadd.s32 v42, v40  }
0x26d: {  	v42 =	vperm.xlane v28, v35;
	v39 =	vadd.s32 v45, v39;
	v45 =	vperm.xlane v14, v40  }
0x26e: {  	vm2 =	vgt.f32 v33, v44;
	v44 =	vperm.xlane v29, v36;
	v33 =	vperm.xlane v27, v39  }
0x26f: {  	vm3 =	vgt.f32 v34, v42;
	v34 =	vperm.xlane v29, v41;
	vm4 =	vgt.f32 v43, v45  }
0x270: {  	vm5 =	vgt.f32 v38, v33;
	v33 =	vshll.u32 v40, $0x1;
	v38 =	vsel vm4, $0xFFFFFFF3, v5  }
0x271: {  	vm4 =	vgt.f32 v31, v44;
	vm6 =	vgt.f32 v32, v34;
	v31 =	vadd.s32 v33, v38  }
0x272: {  	v32 =	vshll.u32 v39, $0x1;
	v33 =	vsel vm5, $0xFFFFFFF3, v5;
	v31 =	vperm.xlane v8, v31  }
0x273: {  	v34 =	vsel vm2, $0xFFFFFFF3, v5;
	v38 =	vsel vm3, $0xFFFFFFF3, v5;
	v39 =	vsel vm4, $0xFFFFFFF3, v5  }
0x274: {  	v37 =	vshll.u32 v37, $0x1;
	v35 =	vshll.u32 v35, $0x1;
	v40 =	vsel vm6, $0xFFFFFFF3, v5;
	[tilespmem:s0+$0x50] =	vst v31  }
0x275: {  	v31 =	vadd.s32 v32, v33;
	v32 =	vshll.u32 v36, $0x1;
	v33 =	vshll.u32 v41, $0x1;
	v36 =	vld [tilespmem:s8+$0x4060]  }
0x276: {  	v34 =	vadd.s32 v37, v34;
	v35 =	vadd.s32 v35, v38;
	v32 =	vadd.s32 v32, v39  }
0x277: {  	v34 =	vperm.xlane v9, v34;
	v31 =	vperm.xlane v19, v31;
	v33 =	vadd.s32 v33, v40  }
0x278: {  	vm2 =	vgt.f32 v21, v30;
	v35 =	vperm.xlane v9, v35;
	v32 =	vperm.xlane v10, v32  }
0x279: {  	v25 =	vshll.u32 v25, $0x1;
	v30 =	vperm.xlane v10, v33;
	[tilespmem:s31+$0x50] =	vst v31;
	v31 =	vsel vm1, $0x2, v3  }
0x27a: {  	v37 =	vsel vm2, $0x2, v3;
	[tilespmem:s6+$0x18000] =	vst v34;
	v33 =	vld [tilespmem:s6+$0x4060];
	vm1 =	vgt.f32 v36, v23;
	v34 =	vsel vm0, $0x2, v3  }
0x27b: {  	v24 =	vshll.u32 v24, $0x1;
	v26 =	vshll.u32 v26, $0x1;
	[tilespmem:s31+$0x10] =	vst v35;
	v35 =	vsel vm1, $0x2, v3  }
0x27c: {  	v25 =	vadd.s32 v31, v25;
	v24 =	vadd.s32 v34, v24;
	v38 =	vld [tilespmem:s6+$0x4020];
	[tilespmem:s13+$0x18000] =	vst v32;
	v32 =	vperm.xlane v14, v35  }
0x27d: {  	v31 =	vperm.xlane v11, v25;
	v34 =	vadd.s32 v37, v26;
	[tilespmem:s2+$0x10] =	vst v30;
	v30 =	vperm.xlane v13, v24  }
0x27e: {  	v25 =	vshll.u32 v25, $0x1;
	v11 =	vmovc v27;
	v13 =	vmovc v28;
	v35 =	vld [tilespmem:s13+$0x4020];
	vm0 =	vgt.f32 v36, v32;
	v32 =	vperm.xlane v12, v34  }
0x27f: {  	v27 =	vsel vm1, $0x4, v4;
	v12 =	vmovc v29;
	vm2 =	vgt.f32 v33, v16;
	v26 =	vsel vm0, $0x2, v3  }
0x280: {  	v28 =	vsel vm2, $0x2, v3;
	v29 =	vsel vm2, $0x4, v4;
	v26 =	vadd.s32 v27, v26  }
0x281: {  	vm0 =	vgt.f32 v38, v17;
	v27 =	vperm.xlane v11, v28;
	v28 =	vperm.xlane v14, v26  }
0x282: {  	v37 =	vsel vm0, $0x2, v3;
	v39 =	vsel vm0, $0x4, v4;
	vm0 =	vgt.f32 v22, v31  }
0x283: {  	v22 =	vperm.xlane v13, v37;
	vm1 =	vgt.f32 v35, v15;
	vm2 =	vgt.f32 v36, v28  }
0x284: {  	v26 =	vshll.u32 v26, $0x1;
	v28 =	vsel vm1, $0x2, v3;
	v31 =	vsel vm2, $0x2, v3  }
0x285: {  	vm2 =	vgt.f32 v33, v27;
	v27 =	vperm.xlane v12, v28;
	v26 =	vadd.s32 v31, v26  }
0x286: {  	vm3 =	vgt.f32 v38, v22;
	v22 =	vsel vm2, $0x2, v3;
	v28 =	vperm.xlane v14, v26  }
0x287: {  	v31 =	vsel vm3, $0x2, v3;
	vm2 =	vgt.f32 v35, v27;
	v27 =	vsel vm1, $0x4, v4  }
0x288: {  	v22 =	vadd.s32 v29, v22;
	v29 =	vsel vm2, $0x2, v3;
	vm1 =	vgt.f32 v36, v28  }
0x289: {  	v26 =	vshll.u32 v26, $0x1;
	v28 =	vadd.s32 v39, v31;
	v31 =	vsel vm1, $0xFFFFFFF3, v5  }
0x28a: {  	v36 =	vperm.xlane v11, v22;
	v27 =	vadd.s32 v27, v29;
	v26 =	vadd.s32 v26, v31  }
0x28b: {  	v22 =	vshll.u32 v22, $0x1;
	v29 =	vperm.xlane v13, v28;
	v26 =	vperm.xlane v8, v26  }
0x28c: {  	v28 =	vshll.u32 v28, $0x1;
	vm1 =	vgt.f32 v33, v36;
	v31 =	vperm.xlane v12, v27  }
0x28d: {  	v27 =	vshll.u32 v27, $0x1;
	vm2 =	vgt.f32 v38, v29;
	v29 =	vsel vm1, $0x2, v3;
	[tilespmem:s0+$0x60] =	vst v26  }
0x28e: {  	v36 =	vsel vm2, $0x2, v3;
	v22 =	vadd.s32 v29, v22;
	vm1 =	vgt.f32 v35, v31;
	v26 =	vld [tilespmem:s8+$0x4070]  }
0x28f: {  	v28 =	vadd.s32 v36, v28;
	v29 =	vperm.xlane v11, v22;
	v31 =	vsel vm1, $0x2, v3  }
0x290: {  	v22 =	vshll.u32 v22, $0x1;
	v36 =	vperm.xlane v13, v28;
	v27 =	vadd.s32 v31, v27  }
0x291: {  	v28 =	vshll.u32 v28, $0x1;
	vm1 =	vgt.f32 v33, v29;
	v29 =	vperm.xlane v12, v27  }
0x292: {  	v27 =	vshll.u32 v27, $0x1;
	vm2 =	vgt.f32 v38, v36;
	v31 =	vsel vm1, $0xFFFFFFF3, v5  }
0x293: {  	v33 =	vsel vm2, $0xFFFFFFF3, v5;
	vm1 =	vgt.f32 v35, v29;
	vm2 =	vgt.f32 v26, v23  }
0x294: {  	v22 =	vadd.s32 v22, v31;
	v23 =	vsel vm1, $0xFFFFFFF3, v5;
	v29 =	vsel vm2, $0x2, v3  }
0x295: {  	v28 =	vadd.s32 v28, v33;
	v23 =	vadd.s32 v27, v23;
	v27 =	vperm.xlane v14, v29  }
0x296: {  	v22 =	vperm.xlane v19, v22;
	v28 =	vperm.xlane v9, v28;
	vm1 =	vgt.f32 v20, v30  }
0x297: {  	vm4 =	vgt.f32 v21, v32;
	v23 =	vperm.xlane v10, v23;
	vm3 =	vgt.f32 v26, v27  }
.Ltmp1:
0x298: {  	v21 =	vsel vm2, $0x4, v4;
	v29 =	vsel vm0, $0xFFFFFFF3, v5;
	[tilespmem:s31+$0x60] =	vst v22;
	v20 =	vsel vm3, $0x2, v3;
	(pc) =	sbr.rel @p0 .LBB2_5-.Ltmp1, $4  }
0x299: {  	v30 =	vsel vm4, $0xFFFFFFF3, v5;
	[tilespmem:s31+$0x20] =	vst v28;
	v22 =	vld [tilespmem:s6+$0x4070];
	v27 =	vadd.s32 v21, v20;
	v28 =	vsel vm1, $0xFFFFFFF3, v5  }
0x29a: {  	v24 =	vshll.u32 v24, $0x1;
	v31 =	vshll.u32 v34, $0x1;
	v20 =	vld [tilespmem:s6+$0x4030];
	[tilespmem:s2+$0x20] =	vst v23;
	v23 =	vperm.xlane v14, v27  }
0x29b: {  	v25 =	vadd.s32 v25, v29;
	v24 =	vadd.s32 v24, v28;
	v28 =	vadd.s32 v31, v30;
	v21 =	vld [tilespmem:s13+$0x4030]  }
0x29c: {  	vm0 =	vgt.f32 v26, v23;
	v23 =	vperm.xlane v18, v24;
	v24 =	vperm.xlane v7, v25;
	v7 =	vmovc v19  }
0x29d: {  	v18 =	vsel vm0, $0x2, v3  }
0x29e: {  	v19 =	vshll.u32 v27, $0x1;
	v6 =	vperm.xlane v6, v28;
	vm0 =	vgt.f32 v22, v16  }
0x29f: {  	v16 =	vadd.s32 v18, v19;
	vm1 =	vgt.f32 v20, v17;
	v17 =	vsel vm0, $0x2, v3  }
0x2a0: {  	v14 =	vperm.xlane v14, v16;
	v16 =	vshll.u32 v16, $0x1;
	v18 =	vsel vm1, $0x2, v3  }
0x2a1: {  	vm2 =	vgt.f32 v21, v15;
	v15 =	vperm.xlane v11, v17;
	v19 =	vsel vm1, $0x4, v4  }
0x2a2: {  	v17 =	vperm.xlane v13, v18;
	v18 =	vsel vm2, $0x2, v3;
	vm3 =	vgt.f32 v26, v14  }
0x2a3: {  	v18 =	vperm.xlane v12, v18;
	vm5 =	vgt.f32 v22, v15;
	v25 =	vsel vm3, $0xFFFFFFF3, v5  }
0x2a4: {  	vm4 =	vgt.f32 v20, v17;
	v14 =	vsel vm5, $0x2, v3;
	v17 =	vsel vm0, $0x4, v4  }
0x2a5: {  	v16 =	vadd.s32 v16, v25;
	vm9 =	vgt.f32 v21, v18;
	v15 =	vsel vm4, $0x2, v3  }
0x2a6: {  	v14 =	vadd.s32 v17, v14;
	v17 =	vsel vm2, $0x4, v4;
	v18 =	vsel vm9, $0x2, v3  }
0x2a7: {  	v15 =	vadd.s32 v19, v15;
	v17 =	vadd.s32 v17, v18;
	v18 =	vperm.xlane v11, v14  }
0x2a8: {  	v8 =	vperm.xlane v8, v16;
	v19 =	vperm.xlane v13, v15;
	v14 =	vshll.u32 v14, $0x1  }
0x2a9: {  	v15 =	vshll.u32 v15, $0x1;
	v26 =	vperm.xlane v12, v17;
	vm0 =	vgt.f32 v22, v18  }
0x2aa: {  	v17 =	vshll.u32 v17, $0x1;
	vm1 =	vgt.f32 v20, v19;
	v18 =	vsel vm0, $0x2, v3  }
0x2ab: {  	vm2 =	vgt.f32 v21, v26;
	v19 =	vsel vm1, $0x2, v3;
	v14 =	vadd.s32 v18, v14  }
0x2ac: {  	v25 =	vsel vm2, $0x2, v3;
	v15 =	vadd.s32 v19, v15;
	v11 =	vperm.xlane v11, v14  }
0x2ad: {  	v13 =	vperm.xlane v13, v15;
	v17 =	vadd.s32 v25, v17;
	v14 =	vshll.u32 v14, $0x1  }
0x2ae: {  	v15 =	vshll.u32 v15, $0x1;
	v12 =	vperm.xlane v12, v17;
	vm0 =	vgt.f32 v22, v11  }
0x2af: {  	[tilespmem:s29+$0x30] =	vst v6;
	v6 =	vshll.u32 v17, $0x1;
	vm1 =	vgt.f32 v20, v13;
	v11 =	vsel vm0, $0xFFFFFFF3, v5  }
0x2b0: {  	[tilespmem:s28+$0x70] =	vst v24;
	vm2 =	vgt.f32 v21, v12;
	v12 =	vsel vm1, $0xFFFFFFF3, v5;
	v11 =	vadd.s32 v14, v11  }
0x2b1: {  	[tilespmem:s28+$0x30] =	vst v23;
	v13 =	vsel vm2, $0xFFFFFFF3, v5;
	v12 =	vadd.s32 v15, v12;
	v7 =	vperm.xlane v7, v11  }
0x2b2: {  	[tilespmem:s0+$0x70] =	vst v8;
	v6 =	vadd.s32 v6, v13;
	v8 =	vperm.xlane v9, v12  }
0x2b3: {  	v6 =	vperm.xlane v10, v6;
	[tilespmem:s31+$0x70] =	vst v7  }
0x2b4: {  	[tilespmem:s31+$0x30] =	vst v8  }
0x2b5: {  	s12 =	sadd.s32 s26, s10;
	[tilespmem:s2+$0x30] =	vst v6  }
0x2b6: {  	[hbm4b:s12+s5] =	stream.linear.scatter [tilespmem:s18], [sflag:$0x4], $0x4000, $0x38;
	[tilespmem:$0x1C000] =	vst v63  }
0x2b7: {  	_ =	swait.ge [sflag:s19], $0x8000  }
0x2b8: {  	p0 =	seq.s32 s23, $0x3;
	[sflag:s19] =	ssyncset.done $0x0  }
0x2b9: {  	s0 =	sadd.s32 @!p0 s25, s11;
	[sflag:s19] =	ssyncadd.s32 $0xFFFF8000  }
0x2ba: {  	s6 =	simm.s32 @!p0 $0x0;
	s2 =	sshll.u32 @!p0 s0, $0xC;
	_ =	swait.ge [sflag:s19], $0x2000  }
0x2bb: {  	s0 =	sshll.u32 @!p0 s0, $0xA;
	s2 =	sand.u32 @!p0 $0x1FFFE000, s2;
	[sflag:s19] =	ssyncset.done $0x0  }
0x2bc: {  	s0 =	sand.u32 @!p0 $0x1FFFF800, s0;
	s2 =	sadd.s32 @!p0 s1, s2;
	[sflag:s19] =	ssyncadd.s32 $0xFFFFE000  }
0x2bd: {  	[tilespmem:s6], [sflag:$0x1] =	stream.linear.gather @!p0 [hbm4b:s2+s6], $0x8000, $0x38;
	[tilespmem:$0x1C000] =	vst v63  }
0x2be: {  	s13 =	simm.s32 $0x0;
	s0 =	sadd.s32 @!p0 s3, s0;
	s2 =	simm.s32 @!p0 $0x10000  }
0x2bf: {  	[tilespmem:s2], [sflag:$0x1] =	stream.linear.gather @!p0 [hbm4b:s0+s6], $0x2000, $0x38;
	[tilespmem:$0x1C000] =	vst v63  }
0x2c0: {  	s15 =	simm.s32 $0x0;
	s0 =	sand.u32 $0x1C, s13  }
0x2c1: {  	s2 =	sand.u32 $0x3FFFFC00, s15;
	_ =	swait.ge [sflag:s20], $0x4000;
	s22 =	sor.u32 $0x3, s0  }
0x2c2: {  	s2 =	sadd.s32 $0x12000, s2;
	[sflag:s20] =	ssyncset.done $0x0;
	s8 =	sshll.u32 s22, $0x4  }
0x2c3: {  	[sflag:s20] =	ssyncadd.s32 $0xFFFFC000;
	s8 =	sor.u32 s8, s2  }
0x2c4: {  	v10 =	vld [tilespmem:s8+$0x0]  }
0x2c5: {  	s25 =	sshll.u32 s0, $0x4  }
0x2c6: {  	s12 =	sor.u32 $0x2, s0;
	s8 =	sor.u32 s25, s2  }
0x2c7: {  	s13 =	sshll.u32 s12, $0x4;
	v18 =	vld [tilespmem:s8+$0x10]  }
0x2c8: {  	s2 =	sor.u32 s13, s2;
	v19 =	vld [tilespmem:s8+$0x0]  }
0x2c9: {  	s26 =	simm.s32 $0x0;
	s6 =	sshll.u32 s22, $0x9;
	v6 =	vld [tilespmem:s2+$0x0];
	v7 =	vperm.xlane v10, v0;
	v8 =	vperm.xlane v10, v1  }
0x2ca: {  	s6 =	sand.u32 $0x3C00, s6;
	s2 =	sand.u32 $0xFFFFFF80, s26  }
0x2cb: {  	s6 =	sadd.s32 s2, s6;
	v7 =	vadd.f32 v8, v7  }
0x2cc: {  	v15 =	vld [tilespmem:s6+$0x8040];
	v9 =	vperm.xlane v18, v1;
	v8 =	vperm.xlane v18, v0  }
0x2cd: {  	s0 =	sshll.u32 s0, $0x9;
	v11 =	vperm.xlane v19, v0;
	v7 =	vmul.f32 $5.000000000e-01, v7  }
0x2ce: {  	s0 =	sadd.s32 s2, s0;
	v13 =	vperm.xlane v19, v1;
	v14 =	vperm.xlane v6, v1;
	v8 =	vadd.f32 v9, v8  }
0x2cf: {  	v16 =	vld [tilespmem:s0+$0x8040];
	v9 =	vperm.xlane v6, v0;
	v12 =	vperm.xlane v7, v2  }
0x2d0: {  	s30 =	sshll.u32 s12, $0x9;
	v11 =	vadd.f32 v13, v11;
	v20 =	vmul.f32 $5.000000000e-01, v8  }
0x2d1: {  	s2 =	sadd.s32 s2, s30;
	v9 =	vadd.f32 v14, v9;
	vm0 =	vgt.f32 v15, v12  }
0x2d2: {  	v13 =	vld [tilespmem:s2+$0x8000];
	v22 =	vmul.f32 $5.000000000e-01, v11;
	v8 =	vperm.xlane v20, v2;
	v11 =	vsel vm0, $0x2, v3  }
0x2d3: {  	v14 =	vld [tilespmem:s2+$0x8010];
	v21 =	vmul.f32 $5.000000000e-01, v9;
	v17 =	vperm.xlane v7, v11  }
0x2d4: {  	v23 =	vld [tilespmem:s0+$0x8000];
	v26 =	vsel vm0, $0x4, v4;
	vm1 =	vgt.f32 v16, v8  }
0x2d5: {  	v9 =	vperm.xlane v21, v2;
	v25 =	vsel vm1, $0x2, v3;
	vm2 =	vgt.f32 v15, v17  }
0x2d6: {  	v11 =	vperm.xlane v22, v2;
	v17 =	vperm.xlane v20, v25;
	v25 =	vsel vm2, $0x2, v3  }
0x2d7: {  	v24 =	vld [tilespmem:s0+$0x8010];
	v27 =	vsel vm1, $0x4, v4;
	vm0 =	vgt.f32 v13, v9;
	v25 =	vadd.s32 v26, v25  }
0x2d8: {  	vm1 =	vgt.f32 v14, v9;
	vm3 =	vgt.f32 v16, v17;
	v17 =	vperm.xlane v7, v25  }
0x2d9: {  	vm2 =	vgt.f32 v23, v11;
	v26 =	vsel vm0, $0x2, v3;
	v28 =	vsel vm3, $0x2, v3  }
0x2da: {  	v29 =	vsel vm2, $0x2, v3;
	v27 =	vadd.s32 v27, v28;
	vm10 =	vgt.f32 v15, v17  }
0x2db: {  	v25 =	vshll.u32 v25, $0x1;
	v17 =	vperm.xlane v20, v27;
	v28 =	vsel vm10, $0x2, v3  }
0x2dc: {  	vm3 =	vgt.f32 v24, v11;
	v26 =	vperm.xlane v21, v26;
	v25 =	vadd.s32 v28, v25  }
0x2dd: {  	v30 =	vsel vm3, $0x2, v3;
	vm11 =	vgt.f32 v16, v17;
	v17 =	vperm.xlane v7, v25  }
0x2de: {  	v27 =	vshll.u32 v27, $0x1;
	v30 =	vperm.xlane v22, v30;
	v31 =	vsel vm11, $0x2, v3  }
0x2df: {  	vm15 =	vgt.f32 v13, v26;
	v27 =	vadd.s32 v31, v27;
	vm12 =	vgt.f32 v15, v17  }
0x2e0: {  	v15 =	vperm.xlane v20, v27;
	v17 =	vshll.u32 v25, $0x1;
	v25 =	vsel vm12, $0xFFFFFFF3, v5  }
0x2e1: {  	v26 =	vsel vm2, $0x4, v4;
	v28 =	vperm.xlane v22, v29;
	v17 =	vadd.s32 v17, v25  }
0x2e2: {  	v29 =	vsel vm1, $0x2, v3;
	vm13 =	vgt.f32 v16, v15;
	v15 =	vperm.xlane v10, v17  }
0x2e3: {  	s13 =	sadd.s32 $0x14000, s6;
	v27 =	vshll.u32 v27, $0x1;
	v25 =	vperm.xlane v21, v29;
	v16 =	vsel vm13, $0xFFFFFFF3, v5  }
0x2e4: {  	vm6 =	vgt.f32 v24, v30;
	v30 =	vsel vm1, $0x4, v4;
	v16 =	vadd.s32 v27, v16;
	[tilespmem:s13+$0x40] =	vst v15  }
0x2e5: {  	vm14 =	vgt.f32 v23, v28;
	vm7 =	vgt.f32 v14, v25;
	v16 =	vperm.xlane v18, v16;
	v25 =	vld [tilespmem:s6+$0x8050]  }
0x2e6: {  	s25 =	sadd.s32 $0x14000, s0;
	v29 =	vsel vm3, $0x4, v4;
	v17 =	vsel vm6, $0x2, v3;
	v27 =	vsel vm15, $0x2, v3  }
0x2e7: {  	v17 =	vadd.s32 v29, v17;
	v15 =	vsel vm14, $0x2, v3;
	v28 =	vsel vm7, $0x2, v3;
	[tilespmem:s25+$0x40] =	vst v16  }
0x2e8: {  	v29 =	vperm.xlane v22, v17;
	v15 =	vadd.s32 v26, v15;
	v16 =	vsel vm0, $0x4, v4;
	v26 =	vld [tilespmem:s0+$0x8050]  }
0x2e9: {  	v28 =	vadd.s32 v30, v28;
	v16 =	vadd.s32 v16, v27;
	v27 =	vperm.xlane v22, v15  }
0x2ea: {  	v17 =	vshll.u32 v17, $0x1;
	v31 =	vperm.xlane v21, v28;
	vm0 =	vgt.f32 v25, v12  }
0x2eb: {  	v30 =	vperm.xlane v21, v16;
	vm1 =	vgt.f32 v23, v27;
	v27 =	vsel vm0, $0x2, v3  }
0x2ec: {  	vm2 =	vgt.f32 v24, v29;
	v28 =	vshll.u32 v28, $0x1;
	v27 =	vperm.xlane v7, v27  }
0x2ed: {  	vm8 =	vgt.f32 v14, v31;
	vm3 =	vgt.f32 v13, v30;
	vm9 =	vgt.f32 v26, v8  }
0x2ee: {  	v29 =	vsel vm1, $0x2, v3;
	v30 =	vsel vm9, $0x2, v3;
	vm1 =	vgt.f32 v25, v27  }
0x2ef: {  	v31 =	vsel vm0, $0x4, v4;
	v27 =	vperm.xlane v20, v30;
	v30 =	vsel vm1, $0x2, v3  }
0x2f0: {  	v15 =	vshll.u32 v15, $0x1;
	v33 =	vsel vm2, $0x2, v3;
	v30 =	vadd.s32 v31, v30  }
0x2f1: {  	v16 =	vshll.u32 v16, $0x1;
	vm0 =	vgt.f32 v26, v27;
	v27 =	vperm.xlane v7, v30  }
0x2f2: {  	v17 =	vadd.s32 v33, v17;
	v34 =	vsel vm8, $0x2, v3;
	v15 =	vadd.s32 v29, v15  }
0x2f3: {  	v32 =	vsel vm9, $0x4, v4;
	v35 =	vsel vm0, $0x2, v3;
	vm0 =	vgt.f32 v25, v27  }
0x2f4: {  	v30 =	vshll.u32 v30, $0x1;
	v27 =	vadd.s32 v32, v35;
	v29 =	vsel vm0, $0x2, v3  }
0x2f5: {  	v33 =	vperm.xlane v22, v17;
	v32 =	vperm.xlane v20, v27;
	v29 =	vadd.s32 v29, v30  }
0x2f6: {  	v17 =	vshll.u32 v17, $0x1;
	v31 =	vsel vm3, $0x2, v3;
	v30 =	vperm.xlane v7, v29  }
0x2f7: {  	v28 =	vadd.s32 v34, v28;
	v16 =	vadd.s32 v31, v16;
	vm0 =	vgt.f32 v26, v32  }
0x2f8: {  	v27 =	vshll.u32 v27, $0x1;
	v32 =	vsel vm0, $0x2, v3;
	vm0 =	vgt.f32 v25, v30  }
0x2f9: {  	v25 =	vadd.s32 v32, v27;
	v27 =	vshll.u32 v29, $0x1;
	v29 =	vsel vm0, $0xFFFFFFF3, v5  }
0x2fa: {  	v31 =	vperm.xlane v22, v15;
	v57 =	vperm.xlane v21, v16;
	v27 =	vadd.s32 v27, v29  }
0x2fb: {  	vm1 =	vgt.f32 v24, v33;
	v30 =	vperm.xlane v20, v25;
	v27 =	vperm.xlane v10, v27  }
0x2fc: {  	v15 =	vshll.u32 v15, $0x1;
	vm3 =	vgt.f32 v13, v57;
	v29 =	vperm.xlane v21, v28  }
0x2fd: {  	vm0 =	vgt.f32 v23, v31;
	v13 =	vshll.u32 v25, $0x1;
	vm2 =	vgt.f32 v26, v30;
	[tilespmem:s13+$0x50] =	vst v27  }
0x2fe: {  	v25 =	vsel vm1, $0xFFFFFFF3, v5;
	vm10 =	vgt.f32 v14, v29;
	v14 =	vsel vm2, $0xFFFFFFF3, v5;
	v24 =	vld [tilespmem:s6+$0x8060]  }
0x2ff: {  	v23 =	vsel vm0, $0xFFFFFFF3, v5;
	v17 =	vadd.s32 v17, v25;
	v13 =	vadd.s32 v13, v14  }
0x300: {  	v26 =	vsel vm3, $0xFFFFFFF3, v5;
	v15 =	vadd.s32 v15, v23;
	v13 =	vperm.xlane v18, v13  }
0x301: {  	v17 =	vperm.xlane v19, v17;
	v15 =	vperm.xlane v19, v15;
	v14 =	vshll.u32 v16, $0x1  }
0x302: {  	v27 =	vsel vm10, $0xFFFFFFF3, v5;
	v16 =	vshll.u32 v28, $0x1;
	v14 =	vadd.s32 v14, v26;
	[tilespmem:s25+$0x50] =	vst v13  }
0x303: {  	[tilespmem:s0+$0x14000] =	vst v15;
	v14 =	vperm.xlane v6, v14;
	v13 =	vadd.s32 v16, v27;
	v16 =	vld [tilespmem:s0+$0x8060];
	vm0 =	vgt.f32 v24, v12  }
0x304: {  	[tilespmem:s25+$0x10] =	vst v17;
	v13 =	vperm.xlane v6, v13;
	v15 =	vsel vm0, $0x2, v3  }
0x305: {  	s26 =	sadd.s32 $0x14000, s2;
	v17 =	vld [tilespmem:s0+$0x8020];
	[tilespmem:s2+$0x14000] =	vst v14;
	v15 =	vperm.xlane v7, v15  }
0x306: {  	[tilespmem:s26+$0x10] =	vst v13  }
0x307: {  	v13 =	vld [tilespmem:s2+$0x8020];
	vm1 =	vgt.f32 v24, v15  }
0x308: {  	v15 =	vsel vm0, $0x4, v4;
	vm0 =	vgt.f32 v16, v8;
	v14 =	vsel vm1, $0x2, v3  }
0x309: {  	v23 =	vsel vm0, $0x2, v3;
	v14 =	vadd.s32 v15, v14  }
0x30a: {  	v25 =	vsel vm0, $0x4, v4;
	vm0 =	vgt.f32 v17, v11;
	v15 =	vperm.xlane v7, v14  }
0x30b: {  	v23 =	vperm.xlane v20, v23;
	v26 =	vsel vm0, $0x2, v3  }
0x30c: {  	vm2 =	vgt.f32 v13, v9;
	v14 =	vshll.u32 v14, $0x1;
	vm1 =	vgt.f32 v24, v15  }
0x30d: {  	v26 =	vperm.xlane v22, v26;
	v27 =	vsel vm2, $0x2, v3;
	v15 =	vsel vm1, $0x2, v3  }
0x30e: {  	vm1 =	vgt.f32 v16, v23;
	v14 =	vadd.s32 v15, v14;
	v15 =	vperm.xlane v21, v27  }
0x30f: {  	v27 =	vsel vm0, $0x4, v4;
	vm0 =	vgt.f32 v17, v26;
	v23 =	vperm.xlane v7, v14  }
0x310: {  	v26 =	vsel vm1, $0x2, v3;
	v28 =	vsel vm0, $0x2, v3;
	v14 =	vshll.u32 v14, $0x1  }
0x311: {  	vm0 =	vgt.f32 v13, v15;
	v15 =	vsel vm2, $0x4, v4;
	vm1 =	vgt.f32 v24, v23  }
0x312: {  	v24 =	vadd.s32 v25, v26;
	v25 =	vsel vm0, $0x2, v3;
	v23 =	vsel vm1, $0xFFFFFFF3, v5  }
0x313: {  	v26 =	vperm.xlane v20, v24;
	v14 =	vadd.s32 v14, v23;
	v23 =	vadd.s32 v27, v28  }
0x314: {  	v15 =	vadd.s32 v15, v25;
	v14 =	vperm.xlane v10, v14;
	v25 =	vperm.xlane v22, v23  }
0x315: {  	v24 =	vshll.u32 v24, $0x1;
	v23 =	vshll.u32 v23, $0x1  }
0x316: {  	vm0 =	vgt.f32 v16, v26;
	v26 =	vperm.xlane v21, v15;
	[tilespmem:s13+$0x60] =	vst v14;
	vm1 =	vgt.f32 v17, v25  }
0x317: {  	v15 =	vshll.u32 v15, $0x1;
	v14 =	vsel vm0, $0x2, v3;
	v25 =	vld [tilespmem:s6+$0x8070];
	v27 =	vsel vm1, $0x2, v3  }
0x318: {  	vm0 =	vgt.f32 v13, v26;
	v14 =	vadd.s32 v14, v24;
	v23 =	vadd.s32 v27, v23  }
0x319: {  	v26 =	vsel vm0, $0x2, v3;
	v24 =	vperm.xlane v20, v14;
	v27 =	vperm.xlane v22, v23  }
0x31a: {  	v14 =	vshll.u32 v14, $0x1;
	v15 =	vadd.s32 v26, v15;
	v23 =	vshll.u32 v23, $0x1  }
0x31b: {  	vm0 =	vgt.f32 v16, v24;
	v16 =	vperm.xlane v21, v15;
	vm1 =	vgt.f32 v17, v27  }
0x31c: {  	v17 =	vsel vm0, $0xFFFFFFF3, v5;
	vm0 =	vgt.f32 v25, v12;
	v12 =	vshll.u32 v15, $0x1  }
0x31d: {  	v15 =	vsel vm1, $0xFFFFFFF3, v5;
	vm1 =	vgt.f32 v13, v16;
	v13 =	vadd.s32 v14, v17  }
0x31e: {  	v24 =	vsel vm0, $0x2, v3;
	v15 =	vadd.s32 v23, v15;
	v13 =	vperm.xlane v18, v13  }
0x31f: {  	v16 =	vsel vm1, $0xFFFFFFF3, v5;
	v14 =	vperm.xlane v7, v24;
	v15 =	vperm.xlane v19, v15  }
0x320: {  	v12 =	vadd.s32 v12, v16;
	[tilespmem:s25+$0x60] =	vst v13  }
0x321: {  	v12 =	vperm.xlane v6, v12;
	vm1 =	vgt.f32 v25, v14;
	[tilespmem:s25+$0x20] =	vst v15;
	v26 =	vld [tilespmem:s0+$0x8070]  }
0x322: {  	s28 =	simm.s32 $0x4;
	v14 =	vsel vm0, $0x4, v4;
	v13 =	vsel vm1, $0x2, v3;
	v23 =	vld [tilespmem:s0+$0x8030]  }
0x323: {  	s31 =	simm.s32 $0x80;
	[tilespmem:s26+$0x20] =	vst v12;
	s0 =	sand.u32 $0x1C, s28;
	v13 =	vadd.s32 v14, v13  }
0x324: {  	s8 =	sand.u32 $0x3FFFFC00, s31;
	v24 =	vld [tilespmem:s2+$0x8030];
	s12 =	sor.u32 $0x3, s0;
	v12 =	vperm.xlane v7, v13  }
0x325: {  	s2 =	sadd.s32 $0x12000, s8;
	s15 =	sshll.u32 s12, $0x4  }
0x326: {  	v13 =	vshll.u32 v13, $0x1;
	s8 =	sor.u32 s15, s2;
	vm0 =	vgt.f32 v25, v12  }
0x327: {  	vm1 =	vgt.f32 v26, v8;
	v8 =	vld [tilespmem:s8+$0x0];
	v12 =	vsel vm0, $0x2, v3;
	vm2 =	vgt.f32 v23, v11  }
0x328: {  	v11 =	vsel vm1, $0x2, v3;
	v12 =	vadd.s32 v12, v13;
	v13 =	vsel vm2, $0x2, v3  }
0x329: {  	s22 =	sshll.u32 s0, $0x4;
	v11 =	vperm.xlane v20, v11;
	vm0 =	vgt.f32 v24, v9;
	v7 =	vperm.xlane v7, v12  }
0x32a: {  	s8 =	sor.u32 s22, s2;
	v17 =	vsel vm2, $0x4, v4;
	v13 =	vperm.xlane v22, v13;
	v9 =	vsel vm0, $0x2, v3  }
0x32b: {  	v12 =	vshll.u32 v12, $0x1;
	v14 =	vperm.xlane v21, v9;
	v9 =	vld [tilespmem:s8+$0x0];
	vm3 =	vgt.f32 v25, v7  }
0x32c: {  	s15 =	sor.u32 $0x2, s0;
	v16 =	vperm.xlane v8, v1;
	vm11 =	vgt.f32 v23, v13;
	v15 =	vsel vm3, $0xFFFFFFF3, v5  }
0x32d: {  	s31 =	simm.s32 $0x10;
	s6 =	sshll.u32 s12, $0x9;
	s30 =	sshll.u32 s15, $0x4;
	v7 =	vld [tilespmem:s8+$0x10];
	vm3 =	vgt.f32 v26, v11;
	v11 =	vperm.xlane v8, v0;
	v12 =	vadd.s32 v12, v15  }
0x32e: {  	s6 =	sand.u32 $0x3C00, s6;
	s2 =	sor.u32 s30, s2;
	s8 =	sand.u32 $0xFFFFFF80, s31;
	v13 =	vsel vm3, $0x2, v3;
	vm3 =	vgt.f32 v24, v14;
	v15 =	vsel vm1, $0x4, v4  }
0x32f: {  	s22 =	sadd.s32 s8, s6;
	v25 =	vperm.xlane v10, v12;
	v10 =	vld [tilespmem:s2+$0x0];
	v11 =	vadd.f32 v16, v11;
	v12 =	vsel vm11, $0x2, v3  }
0x330: {  	v58 =	vld [tilespmem:s22+$0x8040];
	v16 =	vsel vm3, $0x2, v3;
	v29 =	vadd.s32 v15, v13;
	v13 =	vperm.xlane v9, v0  }
0x331: {  	v15 =	vsel vm0, $0x4, v4;
	v31 =	vperm.xlane v9, v1;
	v14 =	vmul.f32 $5.000000000e-01, v11  }
0x332: {  	v28 =	vadd.s32 v17, v12;
	v30 =	vperm.xlane v7, v0;
	v11 =	vperm.xlane v7, v1  }
0x333: {  	s0 =	sshll.u32 s0, $0x9;
	v13 =	vadd.f32 v31, v13;
	v31 =	vperm.xlane v20, v29;
	v27 =	vperm.xlane v14, v2  }
0x334: {  	s30 =	sadd.s32 s8, s0;
	v29 =	vshll.u32 v29, $0x1;
	v11 =	vadd.f32 v11, v30;
	v12 =	vperm.xlane v10, v0  }
0x335: {  	v59 =	vld [tilespmem:s30+$0x8040];
	v17 =	vperm.xlane v10, v1;
	v13 =	vmul.f32 $5.000000000e-01, v13;
	vm1 =	vgt.f32 v58, v27  }
0x336: {  	v38 =	vld [tilespmem:s30+$0x8000];
	vm0 =	vgt.f32 v26, v31;
	v11 =	vmul.f32 $5.000000000e-01, v11;
	v30 =	vsel vm1, $0x2, v3  }
0x337: {  	v40 =	vld [tilespmem:s30+$0x8010];
	v12 =	vadd.f32 v17, v12;
	v17 =	vperm.xlane v22, v28;
	v61 =	vsel vm1, $0x4, v4  }
0x338: {  	v60 =	vperm.xlane v14, v30;
	v30 =	vadd.s32 v15, v16;
	v16 =	vperm.xlane v11, v2  }
0x339: {  	s31 =	sshll.u32 s15, $0x9;
	v28 =	vshll.u32 v28, $0x1;
	v12 =	vmul.f32 $5.000000000e-01, v12;
	vm1 =	vgt.f32 v23, v17  }
0x33a: {  	s8 =	sadd.s32 s8, s31;
	v17 =	vperm.xlane v13, v2;
	vm2 =	vgt.f32 v58, v60;
	vm3 =	vgt.f32 v59, v16  }
0x33b: {  	v32 =	vld [tilespmem:s8+$0x8000];
	v31 =	vsel vm2, $0x2, v3;
	v15 =	vperm.xlane v12, v2;
	v37 =	vsel vm3, $0x2, v3  }
0x33c: {  	v41 =	vsel vm3, $0x4, v4;
	vm4 =	vgt.f32 v38, v17;
	vm5 =	vgt.f32 v40, v17  }
0x33d: {  	v35 =	vadd.s32 v61, v31;
	v37 =	vperm.xlane v11, v37;
	v31 =	vperm.xlane v21, v30  }
0x33e: {  	v43 =	vsel vm4, $0x2, v3;
	v47 =	vsel vm5, $0x2, v3;
	v51 =	vsel vm4, $0x4, v4  }
0x33f: {  	v36 =	vld [tilespmem:s8+$0x8010];
	v54 =	vsel vm5, $0x4, v4;
	v30 =	vshll.u32 v30, $0x1;
	v39 =	vperm.xlane v14, v35  }
0x340: {  	vm2 =	vgt.f32 v32, v15;
	v35 =	vshll.u32 v35, $0x1;
	vm3 =	vgt.f32 v59, v37  }
0x341: {  	v46 =	vperm.xlane v13, v43;
	vm12 =	vgt.f32 v58, v39;
	v37 =	vsel vm3, $0x2, v3  }
0x342: {  	v42 =	vsel vm2, $0x2, v3;
	v39 =	vsel vm12, $0x2, v3;
	v37 =	vadd.s32 v41, v37  }
0x343: {  	v55 =	vsel vm2, $0x4, v4;
	v35 =	vadd.s32 v39, v35;
	v62 =	vperm.xlane v11, v37  }
0x344: {  	vm3 =	vgt.f32 v36, v15;
	v42 =	vperm.xlane v12, v42;
	v63 =	vperm.xlane v14, v35  }
0x345: {  	v49 =	vsel vm3, $0x2, v3;
	v37 =	vshll.u32 v37, $0x1;
	vm13 =	vgt.f32 v59, v62  }
0x346: {  	v43 =	vperm.xlane v12, v49;
	vm14 =	vgt.f32 v58, v63;
	v44 =	vsel vm13, $0x2, v3  }
0x347: {  	v35 =	vshll.u32 v35, $0x1;
	v45 =	vsel vm14, $0xFFFFFFF3, v5;
	v33 =	vadd.s32 v44, v37  }
0x348: {  	vm12 =	vgt.f32 v38, v46;
	v35 =	vadd.s32 v35, v45;
	v48 =	vperm.xlane v11, v33  }
0x349: {  	v50 =	vsel vm12, $0x2, v3;
	vm9 =	vgt.f32 v36, v43;
	v35 =	vperm.xlane v8, v35  }
0x34a: {  	s0 =	sadd.s32 $0x14000, s22;
	v53 =	vsel vm9, $0x2, v3;
	v37 =	vperm.xlane v13, v47;
	vm15 =	vgt.f32 v59, v48  }
0x34b: {  	v44 =	vsel vm3, $0x4, v4;
	v33 =	vshll.u32 v33, $0x1;
	[tilespmem:s0+$0x40] =	vst v35;
	v34 =	vsel vm15, $0xFFFFFFF3, v5  }
0x34c: {  	vm13 =	vgt.f32 v32, v42;
	v42 =	vadd.s32 v44, v53;
	v35 =	vld [tilespmem:s22+$0x8050];
	v33 =	vadd.s32 v33, v34  }
0x34d: {  	vm8 =	vgt.f32 v40, v37;
	v46 =	vperm.xlane v12, v42;
	v33 =	vperm.xlane v7, v33  }
0x34e: {  	s29 =	sadd.s32 $0x14000, s30;
	v52 =	vsel vm13, $0x2, v3;
	v42 =	vshll.u32 v42, $0x1;
	v37 =	vsel vm8, $0x2, v3  }
0x34f: {  	v37 =	vadd.s32 v54, v37;
	vm10 =	vgt.f32 v36, v46;
	v34 =	vadd.s32 v51, v50;
	[tilespmem:s29+$0x40] =	vst v33  }
0x350: {  	v45 =	vperm.xlane v13, v37;
	v37 =	vshll.u32 v37, $0x1;
	v53 =	vsel vm10, $0x2, v3;
	v39 =	vld [tilespmem:s30+$0x8050]  }
0x351: {  	v56 =	vperm.xlane v13, v34;
	v34 =	vshll.u32 v34, $0x1;
	vm2 =	vgt.f32 v35, v27  }
0x352: {  	v42 =	vadd.s32 v53, v42;
	vm14 =	vgt.f32 v40, v45;
	v57 =	vsel vm2, $0x2, v3  }
0x353: {  	v33 =	vadd.s32 v55, v52;
	vm3 =	vgt.f32 v38, v56;
	v43 =	vperm.xlane v14, v57  }
0x354: {  	v52 =	vsel vm14, $0x2, v3;
	v58 =	vperm.xlane v12, v33;
	v62 =	vsel vm3, $0x2, v3  }
0x355: {  	v33 =	vshll.u32 v33, $0x1;
	vm15 =	vgt.f32 v35, v43;
	vm9 =	vgt.f32 v39, v16  }
0x356: {  	v60 =	vsel vm2, $0x4, v4;
	v59 =	vsel vm15, $0x2, v3;
	v61 =	vsel vm9, $0x2, v3  }
0x357: {  	v37 =	vadd.s32 v52, v37;
	v41 =	vadd.s32 v60, v59;
	v43 =	vperm.xlane v11, v61  }
0x358: {  	v34 =	vadd.s32 v62, v34;
	vm2 =	vgt.f32 v32, v58;
	v55 =	vperm.xlane v14, v41  }
0x359: {  	v58 =	vperm.xlane v13, v34;
	v47 =	vsel vm2, $0x2, v3;
	vm2 =	vgt.f32 v39, v43  }
0x35a: {  	v34 =	vshll.u32 v34, $0x1;
	v48 =	vsel vm2, $0x2, v3;
	vm2 =	vgt.f32 v35, v55  }
0x35b: {  	v33 =	vadd.s32 v47, v33;
	v41 =	vshll.u32 v41, $0x1;
	v57 =	vsel vm2, $0x2, v3  }
0x35c: {  	v62 =	vperm.xlane v12, v33;
	v33 =	vshll.u32 v33, $0x1;
	v41 =	vadd.s32 v57, v41  }
0x35d: {  	v63 =	vsel vm9, $0x4, v4;
	v59 =	vperm.xlane v13, v37;
	v60 =	vperm.xlane v14, v41  }
0x35e: {  	vm13 =	vgt.f32 v32, v62;
	v37 =	vshll.u32 v37, $0x1;
	v54 =	vadd.s32 v63, v48  }
0x35f: {  	vm2 =	vgt.f32 v38, v58;
	v56 =	vperm.xlane v11, v54;
	vm11 =	vgt.f32 v35, v60  }
0x360: {  	v63 =	vperm.xlane v12, v42;
	v47 =	vshll.u32 v41, $0x1;
	v48 =	vsel vm11, $0xFFFFFFF3, v5  }
0x361: {  	v44 =	vshll.u32 v54, $0x1;
	vm3 =	vgt.f32 v39, v56;
	v49 =	vadd.s32 v47, v48  }
0x362: {  	v52 =	vsel vm2, $0xFFFFFFF3, v5;
	v46 =	vsel vm3, $0x2, v3;
	v32 =	vperm.xlane v8, v49  }
0x363: {  	v54 =	vsel vm13, $0xFFFFFFF3, v5;
	vm3 =	vgt.f32 v40, v59;
	v44 =	vadd.s32 v46, v44  }
0x364: {  	v34 =	vadd.s32 v34, v52;
	v53 =	vsel vm3, $0xFFFFFFF3, v5;
	v61 =	vperm.xlane v11, v44;
	[tilespmem:s0+$0x50] =	vst v32  }
0x365: {  	v57 =	vshll.u32 v42, $0x1;
	v34 =	vperm.xlane v9, v34;
	v37 =	vadd.s32 v37, v53;
	v58 =	vld [tilespmem:s22+$0x8060]  }
0x366: {  	vm2 =	vgt.f32 v24, v31;
	v37 =	vperm.xlane v9, v37;
	vm12 =	vgt.f32 v39, v61  }
0x367: {  	vm14 =	vgt.f32 v36, v63;
	[tilespmem:s30+$0x14000] =	vst v34;
	v50 =	vshll.u32 v44, $0x1;
	v51 =	vsel vm12, $0xFFFFFFF3, v5  }
0x368: {  	v33 =	vadd.s32 v33, v54;
	v55 =	vsel vm14, $0xFFFFFFF3, v5;
	[tilespmem:s29+$0x10] =	vst v37;
	v56 =	vadd.s32 v50, v51  }
0x369: {  	v33 =	vperm.xlane v10, v33;
	v35 =	vadd.s32 v57, v55;
	v63 =	vld [tilespmem:s30+$0x8020];
	v32 =	vperm.xlane v7, v56  }
0x36a: {  	v59 =	vsel vm0, $0x2, v3;
	v60 =	vsel vm1, $0x2, v3;
	vm0 =	vgt.f32 v58, v27  }
0x36b: {  	v31 =	vperm.xlane v10, v35;
	v28 =	vadd.s32 v60, v28;
	[tilespmem:s29+$0x50] =	vst v32;
	v62 =	vsel vm0, $0x2, v3  }
0x36c: {  	s2 =	sadd.s32 $0x14000, s8;
	[tilespmem:s8+$0x14000] =	vst v33;
	v29 =	vadd.s32 v59, v29;
	v22 =	vperm.xlane v22, v28;
	v34 =	vld [tilespmem:s30+$0x8060];
	v40 =	vperm.xlane v14, v62  }
0x36d: {  	v20 =	vperm.xlane v20, v29;
	v29 =	vshll.u32 v29, $0x1;
	v28 =	vshll.u32 v28, $0x1;
	[tilespmem:s2+$0x10] =	vst v31  }
0x36e: {  	v31 =	vld [tilespmem:s8+$0x8020];
	v42 =	vsel vm0, $0x4, v4;
	vm0 =	vgt.f32 v63, v17;
	vm1 =	vgt.f32 v58, v40  }
0x36f: {  	v61 =	vsel vm2, $0x2, v3;
	v47 =	vsel vm0, $0x2, v3;
	v41 =	vsel vm1, $0x2, v3  }
0x370: {  	v48 =	vsel vm0, $0x4, v4;
	vm0 =	vgt.f32 v26, v20;
	v32 =	vadd.s32 v42, v41  }
0x371: {  	v20 =	vperm.xlane v13, v47;
	vm2 =	vgt.f32 v34, v16;
	v46 =	vperm.xlane v14, v32  }
0x372: {  	v30 =	vadd.s32 v61, v30;
	v43 =	vsel vm2, $0x2, v3;
	v44 =	vsel vm2, $0x4, v4  }
0x373: {  	vm1 =	vgt.f32 v31, v15;
	vm3 =	vgt.f32 v63, v20;
	vm2 =	vgt.f32 v58, v46  }
0x374: {  	v45 =	vperm.xlane v11, v43;
	v32 =	vshll.u32 v32, $0x1;
	v35 =	vsel vm2, $0x2, v3  }
0x375: {  	v26 =	vsel vm1, $0x2, v3;
	v50 =	vsel vm3, $0x2, v3;
	v32 =	vadd.s32 v35, v32  }
0x376: {  	v26 =	vperm.xlane v12, v26;
	vm2 =	vgt.f32 v34, v45;
	v49 =	vperm.xlane v14, v32  }
0x377: {  	v21 =	vperm.xlane v21, v30;
	v52 =	vadd.s32 v48, v50;
	v20 =	vsel vm2, $0x2, v3  }
0x378: {  	vm2 =	vgt.f32 v31, v26;
	v26 =	vsel vm1, $0x4, v4;
	vm1 =	vgt.f32 v58, v49  }
0x379: {  	v55 =	vperm.xlane v13, v52;
	v32 =	vshll.u32 v32, $0x1;
	v53 =	vsel vm1, $0xFFFFFFF3, v5  }
0x37a: {  	v20 =	vadd.s32 v44, v20;
	v51 =	vsel vm2, $0x2, v3;
	v32 =	vadd.s32 v32, v53  }
0x37b: {  	v54 =	vperm.xlane v11, v20;
	v26 =	vadd.s32 v26, v51;
	v32 =	vperm.xlane v8, v32  }
0x37c: {  	vm15 =	vgt.f32 v24, v21;
	v33 =	vshll.u32 v52, $0x1;
	v56 =	vperm.xlane v12, v26  }
0x37d: {  	vm2 =	vgt.f32 v63, v55;
	v37 =	vshll.u32 v26, $0x1;
	vm1 =	vgt.f32 v34, v54;
	[tilespmem:s0+$0x60] =	vst v32  }
0x37e: {  	v58 =	vsel vm2, $0x2, v3;
	v57 =	vsel vm1, $0x2, v3;
	vm1 =	vgt.f32 v31, v56;
	v26 =	vld [tilespmem:s22+$0x8070]  }
0x37f: {  	v20 =	vshll.u32 v20, $0x1;
	v60 =	vsel vm1, $0x2, v3;
	v32 =	vadd.s32 v58, v33  }
0x380: {  	v20 =	vadd.s32 v57, v20;
	v35 =	vadd.s32 v60, v37;
	v61 =	vperm.xlane v13, v32  }
0x381: {  	v59 =	vperm.xlane v11, v20;
	v20 =	vshll.u32 v20, $0x1;
	v62 =	vperm.xlane v12, v35  }
0x382: {  	v35 =	vshll.u32 v35, $0x1;
	v32 =	vshll.u32 v32, $0x1;
	vm2 =	vgt.f32 v63, v61  }
0x383: {  	vm1 =	vgt.f32 v34, v59;
	v36 =	vsel vm2, $0xFFFFFFF3, v5;
	vm2 =	vgt.f32 v26, v27  }
0x384: {  	v34 =	vsel vm1, $0xFFFFFFF3, v5;
	vm1 =	vgt.f32 v31, v62;
	v31 =	vsel vm2, $0x2, v3  }
0x385: {  	v20 =	vadd.s32 v20, v34;
	v32 =	vadd.s32 v32, v36;
	v31 =	vperm.xlane v14, v31  }
0x386: {  	v20 =	vperm.xlane v7, v20;
	v27 =	vsel vm1, $0xFFFFFFF3, v5;
	v32 =	vperm.xlane v9, v32  }
0x387: {  	vm1 =	vgt.f32 v23, v22;
	v27 =	vadd.s32 v35, v27;
	vm3 =	vgt.f32 v26, v31  }
0x388: {  	[tilespmem:s29+$0x60] =	vst v20;
	v22 =	vsel vm2, $0x4, v4;
	v23 =	vperm.xlane v10, v27;
	v21 =	vsel vm3, $0x2, v3  }
0x389: {  	v30 =	vshll.u32 v30, $0x1;
	v24 =	vsel vm0, $0xFFFFFFF3, v5;
	[tilespmem:s29+$0x20] =	vst v32;
	v27 =	vadd.s32 v22, v21;
	v22 =	vld [tilespmem:s30+$0x8070]  }
0x38a: {  	v24 =	vadd.s32 v29, v24;
	v20 =	vld [tilespmem:s30+$0x8030];
	[tilespmem:s2+$0x20] =	vst v23;
	v21 =	vsel vm1, $0xFFFFFFF3, v5;
	v63 =	vperm.xlane v14, v27  }
0x38b: {  	v24 =	vperm.xlane v18, v24;
	v31 =	vsel vm15, $0xFFFFFFF3, v5;
	v23 =	vadd.s32 v28, v21;
	v21 =	vld [tilespmem:s8+$0x8030]  }
0x38c: {  	[tilespmem:s13+$0x70] =	vst v25;
	v28 =	vadd.s32 v30, v31;
	v23 =	vperm.xlane v19, v23;
	vm0 =	vgt.f32 v26, v63  }
.LBB2_7:
0x38d: {  	s28 =	sadd.s32 $0x4, s28;
	v19 =	vsel vm0, $0x2, v3;
	v25 =	vshll.u32 v27, $0x1;
	v27 =	vperm.xlane v6, v28;
	v18 =	vmovc v9;
	v6 =	vmovc v10  }
0x38e: {  	s6 =	sand.u32 $0x1C, s28;
	s8 =	sshll.u32 s28, $0x5;
	p0 =	slt.u32 s28, $0xFC;
	vm0 =	vgt.f32 v22, v16;
	v9 =	vadd.s32 v19, v25;
	[tilespmem:s25+$0x70] =	vst v24  }
0x38f: {  	s8 =	sand.u32 $0x3FFFFC00, s8;
	s12 =	sshll.u32 s6, $0x4;
	s13 =	sor.u32 $0x3, s6;
	vm1 =	vgt.f32 v20, v17;
	v10 =	vsel vm0, $0x2, v3;
	v14 =	vperm.xlane v14, v9;
	[tilespmem:s25+$0x30] =	vst v23  }
0x390: {  	s15 =	sshll.u32 s6, $0x9;
	s8 =	sadd.s32 $0x12000, s8;
	s22 =	sshll.u32 s13, $0x4;
	v16 =	vsel vm1, $0x2, v3;
	v10 =	vperm.xlane v11, v10;
	vm2 =	vgt.f32 v21, v15;
	[tilespmem:s26+$0x30] =	vst v27  }
0x391: {  	s6 =	sor.u32 $0x2, s6;
	s12 =	sor.u32 s12, s8;
	s22 =	sor.u32 s22, s8;
	v15 =	vperm.xlane v13, v16;
	v16 =	vsel vm2, $0x2, v3;
	vm3 =	vgt.f32 v26, v14  }
0x392: {  	v9 =	vshll.u32 v9, $0x1;
	s25 =	smov.u32 s29;
	s26 =	sshll.u32 s6, $0x4;
	s30 =	sshll.u32 s6, $0x9;
	v14 =	vld [tilespmem:s22+$0x0];
	v16 =	vperm.xlane v12, v16;
	v17 =	vsel vm3, $0xFFFFFFF3, v5  }
0x393: {  	s6 =	sor.u32 s26, s8;
	s26 =	smov.u32 s2;
	vm4 =	vgt.f32 v22, v10;
	v19 =	vld [tilespmem:s12+$0x10];
	vm3 =	vgt.f32 v20, v15;
	v10 =	vadd.s32 v9, v17  }
0x394: {  	v15 =	vsel vm4, $0x2, v3;
	v9 =	vld [tilespmem:s12+$0x0];
	vm4 =	vgt.f32 v21, v16;
	v26 =	vperm.xlane v8, v10  }
0x395: {  	v17 =	vsel vm0, $0x4, v4;
	v16 =	vsel vm3, $0x2, v3;
	v10 =	vld [tilespmem:s6+$0x0];
	v23 =	vsel vm4, $0x2, v3  }
0x396: {  	v24 =	vsel vm1, $0x4, v4;
	v25 =	vadd.s32 v17, v15;
	v15 =	vsel vm2, $0x4, v4;
	[tilespmem:s0+$0x70] =	vst v26  }
0x397: {  	s2 =	sshll.u32 s13, $0x9;
	v24 =	vadd.s32 v24, v16;
	s0 =	sshll.u32 s28, $0x2;
	v17 =	vperm.xlane v14, v0;
	v27 =	vperm.xlane v14, v1;
	v8 =	vmovc v14  }
0x398: {  	s2 =	sand.u32 $0x3C00, s2;
	v26 =	vadd.s32 v15, v23;
	s0 =	sand.u32 $0xFFFFFF80, s0;
	v14 =	vperm.xlane v19, v0;
	v16 =	vperm.xlane v19, v1  }
0x399: {  	s6 =	sadd.s32 s0, s15;
	s13 =	sadd.s32 s0, s30;
	s8 =	sadd.s32 s0, s2;
	v15 =	vperm.xlane v9, v0;
	v23 =	vperm.xlane v9, v1;
	v17 =	vadd.f32 v27, v17  }
0x39a: {  	s29 =	sadd.s32 $0x14000, s6;
	s2 =	sadd.s32 $0x14000, s13;
	v16 =	vadd.f32 v16, v14;
	v28 =	vperm.xlane v10, v0;
	v29 =	vperm.xlane v10, v1;
	v35 =	vld [tilespmem:s8+$0x8040]  }
0x39b: {  	v15 =	vadd.f32 v23, v15;
	v36 =	vld [tilespmem:s6+$0x8040];
	v14 =	vmul.f32 $5.000000000e-01, v17;
	v17 =	vperm.xlane v11, v25  }
0x39c: {  	v30 =	vperm.xlane v13, v24;
	v27 =	vmul.f32 $5.000000000e-01, v16;
	v29 =	vadd.f32 v29, v28;
	v31 =	vld [tilespmem:s13+$0x8000]  }
0x39d: {  	v28 =	vmul.f32 $5.000000000e-01, v15;
	v32 =	vld [tilespmem:s13+$0x8010];
	v23 =	vperm.xlane v14, v2;
	vm1 =	vgt.f32 v22, v17  }
0x39e: {  	vm0 =	vgt.f32 v20, v30;
	v33 =	vld [tilespmem:s6+$0x8000];
	v16 =	vperm.xlane v27, v2;
	v29 =	vmul.f32 $5.000000000e-01, v29  }
0x39f: {  	v30 =	vperm.xlane v12, v26;
	v17 =	vperm.xlane v28, v2;
	v34 =	vld [tilespmem:s6+$0x8010];
	vm5 =	vgt.f32 v35, v23  }
0x3a0: {  	vm2 =	vgt.f32 v36, v16;
	v15 =	vperm.xlane v29, v2;
	v37 =	vsel vm5, $0x2, v3  }
0x3a1: {  	v38 =	vsel vm2, $0x2, v3;
	v39 =	vsel vm2, $0x4, v4;
	v37 =	vperm.xlane v14, v37  }
0x3a2: {  	v38 =	vperm.xlane v27, v38;
	vm2 =	vgt.f32 v31, v15;
	vm3 =	vgt.f32 v32, v15  }
0x3a3: {  	vm4 =	vgt.f32 v33, v17;
	v40 =	vsel vm2, $0x2, v3;
	vm6 =	vgt.f32 v35, v37  }
0x3a4: {  	vm7 =	vgt.f32 v36, v38;
	v37 =	vsel vm6, $0x2, v3;
	v38 =	vsel vm5, $0x4, v4  }
0x3a5: {  	vm5 =	vgt.f32 v34, v17;
	v41 =	vsel vm7, $0x2, v3;
	v37 =	vadd.s32 v38, v37  }
0x3a6: {  	v38 =	vsel vm4, $0x2, v3;
	v39 =	vadd.s32 v39, v41;
	v41 =	vperm.xlane v14, v37  }
0x3a7: {  	v42 =	vsel vm5, $0x2, v3;
	v43 =	vperm.xlane v27, v39;
	v39 =	vshll.u32 v39, $0x1  }
0x3a8: {  	v44 =	vsel vm3, $0x2, v3;
	v38 =	vperm.xlane v28, v38;
	vm6 =	vgt.f32 v35, v41  }
0x3a9: {  	v37 =	vshll.u32 v37, $0x1;
	vm7 =	vgt.f32 v36, v43;
	v41 =	vsel vm6, $0x2, v3  }
0x3aa: {  	v42 =	vperm.xlane v28, v42;
	v43 =	vsel vm7, $0x2, v3;
	v37 =	vadd.s32 v41, v37  }
0x3ab: {  	v40 =	vperm.xlane v29, v40;
	v39 =	vadd.s32 v43, v39;
	v41 =	vperm.xlane v14, v37  }
0x3ac: {  	v44 =	vperm.xlane v29, v44;
	v43 =	vperm.xlane v27, v39;
	v39 =	vshll.u32 v39, $0x1  }
0x3ad: {  	vm6 =	vgt.f32 v33, v38;
	vm7 =	vgt.f32 v34, v42;
	vm8 =	vgt.f32 v35, v41  }
0x3ae: {  	v35 =	vshll.u32 v37, $0x1;
	vm9 =	vgt.f32 v36, v43;
	v36 =	vsel vm8, $0xFFFFFFF3, v5  }
0x3af: {  	vm8 =	vgt.f32 v31, v40;
	v37 =	vsel vm9, $0xFFFFFFF3, v5;
	v35 =	vadd.s32 v35, v36  }
0x3b0: {  	vm9 =	vgt.f32 v32, v44;
	v36 =	vadd.s32 v39, v37;
	v35 =	vperm.xlane v8, v35  }
0x3b1: {  	s0 =	sadd.s32 $0x14000, s8;
	v38 =	vsel vm7, $0x2, v3;
	v37 =	vsel vm6, $0x2, v3;
	v36 =	vperm.xlane v19, v36  }
0x3b2: {  	v40 =	vsel vm8, $0x2, v3;
	v39 =	vsel vm4, $0x4, v4;
	v41 =	vsel vm9, $0x2, v3;
	[tilespmem:s0+$0x40] =	vst v35  }
0x3b3: {  	v42 =	vsel vm3, $0x4, v4;
	v35 =	vsel vm5, $0x4, v4;
	[tilespmem:s29+$0x40] =	vst v36;
	v36 =	vsel vm2, $0x4, v4;
	v43 =	vld [tilespmem:s8+$0x8050]  }
0x3b4: {  	v37 =	vadd.s32 v39, v37;
	v35 =	vadd.s32 v35, v38;
	v38 =	vld [tilespmem:s6+$0x8050];
	v36 =	vadd.s32 v36, v40  }
0x3b5: {  	v41 =	vadd.s32 v42, v41;
	v39 =	vperm.xlane v28, v37;
	v40 =	vperm.xlane v28, v35  }
0x3b6: {  	v37 =	vshll.u32 v37, $0x1;
	v44 =	vperm.xlane v29, v41;
	v42 =	vperm.xlane v29, v36  }
0x3b7: {  	vm2 =	vgt.f32 v33, v39;
	v35 =	vshll.u32 v35, $0x1;
	vm3 =	vgt.f32 v34, v40  }
0x3b8: {  	vm5 =	vgt.f32 v32, v44;
	vm4 =	vgt.f32 v31, v42;
	vm6 =	vgt.f32 v43, v23  }
0x3b9: {  	v39 =	vsel vm2, $0x2, v3;
	vm2 =	vgt.f32 v38, v16;
	v40 =	vsel vm6, $0x2, v3  }
0x3ba: {  	v42 =	vsel vm2, $0x2, v3;
	v44 =	vsel vm2, $0x4, v4;
	v40 =	vperm.xlane v14, v40  }
0x3bb: {  	v45 =	vsel vm3, $0x2, v3;
	v46 =	vsel vm4, $0x2, v3;
	v42 =	vperm.xlane v27, v42  }
0x3bc: {  	v36 =	vshll.u32 v36, $0x1;
	v47 =	vsel vm5, $0x2, v3;
	vm2 =	vgt.f32 v43, v40  }
0x3bd: {  	vm3 =	vgt.f32 v38, v42;
	v40 =	vsel vm2, $0x2, v3;
	v42 =	vsel vm6, $0x4, v4  }
0x3be: {  	v41 =	vshll.u32 v41, $0x1;
	v48 =	vsel vm3, $0x2, v3;
	v40 =	vadd.s32 v42, v40  }
0x3bf: {  	v37 =	vadd.s32 v39, v37;
	v39 =	vadd.s32 v44, v48;
	v42 =	vperm.xlane v14, v40  }
0x3c0: {  	v35 =	vadd.s32 v45, v35;
	v44 =	vperm.xlane v27, v39;
	v39 =	vshll.u32 v39, $0x1  }
0x3c1: {  	v41 =	vadd.s32 v47, v41;
	v36 =	vadd.s32 v46, v36;
	vm2 =	vgt.f32 v43, v42  }
0x3c2: {  	v40 =	vshll.u32 v40, $0x1;
	vm3 =	vgt.f32 v38, v44;
	v42 =	vsel vm2, $0x2, v3  }
0x3c3: {  	v44 =	vperm.xlane v28, v37;
	v45 =	vsel vm3, $0x2, v3;
	v40 =	vadd.s32 v42, v40  }
0x3c4: {  	v42 =	vperm.xlane v28, v35;
	v39 =	vadd.s32 v45, v39;
	v45 =	vperm.xlane v14, v40  }
0x3c5: {  	vm2 =	vgt.f32 v33, v44;
	v44 =	vperm.xlane v29, v36;
	v33 =	vperm.xlane v27, v39  }
0x3c6: {  	vm3 =	vgt.f32 v34, v42;
	v34 =	vperm.xlane v29, v41;
	vm4 =	vgt.f32 v43, v45  }
0x3c7: {  	vm5 =	vgt.f32 v38, v33;
	v33 =	vshll.u32 v40, $0x1;
	v38 =	vsel vm4, $0xFFFFFFF3, v5  }
0x3c8: {  	vm4 =	vgt.f32 v31, v44;
	vm6 =	vgt.f32 v32, v34;
	v31 =	vadd.s32 v33, v38  }
0x3c9: {  	v32 =	vshll.u32 v39, $0x1;
	v33 =	vsel vm5, $0xFFFFFFF3, v5;
	v31 =	vperm.xlane v8, v31  }
0x3ca: {  	v34 =	vsel vm2, $0xFFFFFFF3, v5;
	v38 =	vsel vm3, $0xFFFFFFF3, v5;
	v39 =	vsel vm4, $0xFFFFFFF3, v5  }
0x3cb: {  	v37 =	vshll.u32 v37, $0x1;
	v35 =	vshll.u32 v35, $0x1;
	v40 =	vsel vm6, $0xFFFFFFF3, v5;
	[tilespmem:s0+$0x50] =	vst v31  }
0x3cc: {  	v31 =	vadd.s32 v32, v33;
	v32 =	vshll.u32 v36, $0x1;
	v33 =	vshll.u32 v41, $0x1;
	v36 =	vld [tilespmem:s8+$0x8060]  }
0x3cd: {  	v34 =	vadd.s32 v37, v34;
	v35 =	vadd.s32 v35, v38;
	v32 =	vadd.s32 v32, v39  }
0x3ce: {  	v34 =	vperm.xlane v9, v34;
	v31 =	vperm.xlane v19, v31;
	v33 =	vadd.s32 v33, v40  }
0x3cf: {  	vm2 =	vgt.f32 v21, v30;
	v35 =	vperm.xlane v9, v35;
	v32 =	vperm.xlane v10, v32  }
0x3d0: {  	v25 =	vshll.u32 v25, $0x1;
	v30 =	vperm.xlane v10, v33;
	[tilespmem:s29+$0x50] =	vst v31;
	v31 =	vsel vm1, $0x2, v3  }
0x3d1: {  	v37 =	vsel vm2, $0x2, v3;
	[tilespmem:s6+$0x14000] =	vst v34;
	v33 =	vld [tilespmem:s6+$0x8060];
	vm1 =	vgt.f32 v36, v23;
	v34 =	vsel vm0, $0x2, v3  }
0x3d2: {  	v24 =	vshll.u32 v24, $0x1;
	v26 =	vshll.u32 v26, $0x1;
	[tilespmem:s29+$0x10] =	vst v35;
	v35 =	vsel vm1, $0x2, v3  }
0x3d3: {  	v25 =	vadd.s32 v31, v25;
	v24 =	vadd.s32 v34, v24;
	v38 =	vld [tilespmem:s6+$0x8020];
	[tilespmem:s13+$0x14000] =	vst v32;
	v32 =	vperm.xlane v14, v35  }
0x3d4: {  	v31 =	vperm.xlane v11, v25;
	v34 =	vadd.s32 v37, v26;
	[tilespmem:s2+$0x10] =	vst v30;
	v30 =	vperm.xlane v13, v24  }
0x3d5: {  	v25 =	vshll.u32 v25, $0x1;
	v11 =	vmovc v27;
	v13 =	vmovc v28;
	v35 =	vld [tilespmem:s13+$0x8020];
	vm0 =	vgt.f32 v36, v32;
	v32 =	vperm.xlane v12, v34  }
0x3d6: {  	v27 =	vsel vm1, $0x4, v4;
	v12 =	vmovc v29;
	vm2 =	vgt.f32 v33, v16;
	v26 =	vsel vm0, $0x2, v3  }
0x3d7: {  	v28 =	vsel vm2, $0x2, v3;
	v29 =	vsel vm2, $0x4, v4;
	v26 =	vadd.s32 v27, v26  }
0x3d8: {  	vm0 =	vgt.f32 v38, v17;
	v27 =	vperm.xlane v11, v28;
	v28 =	vperm.xlane v14, v26  }
0x3d9: {  	v37 =	vsel vm0, $0x2, v3;
	v39 =	vsel vm0, $0x4, v4;
	vm0 =	vgt.f32 v22, v31  }
0x3da: {  	v22 =	vperm.xlane v13, v37;
	vm1 =	vgt.f32 v35, v15;
	vm2 =	vgt.f32 v36, v28  }
0x3db: {  	v26 =	vshll.u32 v26, $0x1;
	v28 =	vsel vm1, $0x2, v3;
	v31 =	vsel vm2, $0x2, v3  }
0x3dc: {  	vm2 =	vgt.f32 v33, v27;
	v27 =	vperm.xlane v12, v28;
	v26 =	vadd.s32 v31, v26  }
0x3dd: {  	vm3 =	vgt.f32 v38, v22;
	v22 =	vsel vm2, $0x2, v3;
	v28 =	vperm.xlane v14, v26  }
0x3de: {  	v31 =	vsel vm3, $0x2, v3;
	vm2 =	vgt.f32 v35, v27;
	v27 =	vsel vm1, $0x4, v4  }
0x3df: {  	v22 =	vadd.s32 v29, v22;
	v29 =	vsel vm2, $0x2, v3;
	vm1 =	vgt.f32 v36, v28  }
0x3e0: {  	v26 =	vshll.u32 v26, $0x1;
	v28 =	vadd.s32 v39, v31;
	v31 =	vsel vm1, $0xFFFFFFF3, v5  }
0x3e1: {  	v36 =	vperm.xlane v11, v22;
	v27 =	vadd.s32 v27, v29;
	v26 =	vadd.s32 v26, v31  }
0x3e2: {  	v22 =	vshll.u32 v22, $0x1;
	v29 =	vperm.xlane v13, v28;
	v26 =	vperm.xlane v8, v26  }
0x3e3: {  	v28 =	vshll.u32 v28, $0x1;
	vm1 =	vgt.f32 v33, v36;
	v31 =	vperm.xlane v12, v27  }
0x3e4: {  	v27 =	vshll.u32 v27, $0x1;
	vm2 =	vgt.f32 v38, v29;
	v29 =	vsel vm1, $0x2, v3;
	[tilespmem:s0+$0x60] =	vst v26  }
0x3e5: {  	v36 =	vsel vm2, $0x2, v3;
	v22 =	vadd.s32 v29, v22;
	vm1 =	vgt.f32 v35, v31;
	v26 =	vld [tilespmem:s8+$0x8070]  }
0x3e6: {  	v28 =	vadd.s32 v36, v28;
	v29 =	vperm.xlane v11, v22;
	v31 =	vsel vm1, $0x2, v3  }
0x3e7: {  	v22 =	vshll.u32 v22, $0x1;
	v36 =	vperm.xlane v13, v28;
	v27 =	vadd.s32 v31, v27  }
0x3e8: {  	v28 =	vshll.u32 v28, $0x1;
	vm1 =	vgt.f32 v33, v29;
	v29 =	vperm.xlane v12, v27  }
0x3e9: {  	v27 =	vshll.u32 v27, $0x1;
	vm2 =	vgt.f32 v38, v36;
	v31 =	vsel vm1, $0xFFFFFFF3, v5  }
0x3ea: {  	v33 =	vsel vm2, $0xFFFFFFF3, v5;
	vm1 =	vgt.f32 v35, v29;
	vm2 =	vgt.f32 v26, v23  }
0x3eb: {  	v22 =	vadd.s32 v22, v31;
	v23 =	vsel vm1, $0xFFFFFFF3, v5;
	v29 =	vsel vm2, $0x2, v3  }
0x3ec: {  	v28 =	vadd.s32 v28, v33;
	v23 =	vadd.s32 v27, v23;
	v27 =	vperm.xlane v14, v29  }
0x3ed: {  	v22 =	vperm.xlane v19, v22;
	v28 =	vperm.xlane v9, v28;
	vm1 =	vgt.f32 v20, v30  }
0x3ee: {  	vm4 =	vgt.f32 v21, v32;
	v23 =	vperm.xlane v10, v23;
	vm3 =	vgt.f32 v26, v27  }
.Ltmp2:
0x3ef: {  	v21 =	vsel vm2, $0x4, v4;
	v29 =	vsel vm0, $0xFFFFFFF3, v5;
	[tilespmem:s29+$0x60] =	vst v22;
	v20 =	vsel vm3, $0x2, v3;
	(pc) =	sbr.rel @p0 .LBB2_7-.Ltmp2, $4  }
0x3f0: {  	v30 =	vsel vm4, $0xFFFFFFF3, v5;
	[tilespmem:s29+$0x20] =	vst v28;
	v22 =	vld [tilespmem:s6+$0x8070];
	v27 =	vadd.s32 v21, v20;
	v28 =	vsel vm1, $0xFFFFFFF3, v5  }
0x3f1: {  	v24 =	vshll.u32 v24, $0x1;
	v31 =	vshll.u32 v34, $0x1;
	v20 =	vld [tilespmem:s6+$0x8030];
	[tilespmem:s2+$0x20] =	vst v23;
	v23 =	vperm.xlane v14, v27  }
0x3f2: {  	v25 =	vadd.s32 v25, v29;
	v24 =	vadd.s32 v24, v28;
	v28 =	vadd.s32 v31, v30;
	v21 =	vld [tilespmem:s13+$0x8030]  }
0x3f3: {  	vm0 =	vgt.f32 v26, v23;
	v23 =	vperm.xlane v18, v24;
	v24 =	vperm.xlane v7, v25;
	v7 =	vmovc v19  }
0x3f4: {  	v18 =	vsel vm0, $0x2, v3  }
0x3f5: {  	v19 =	vshll.u32 v27, $0x1;
	v6 =	vperm.xlane v6, v28;
	vm0 =	vgt.f32 v22, v16  }
0x3f6: {  	v16 =	vadd.s32 v18, v19;
	vm1 =	vgt.f32 v20, v17;
	v17 =	vsel vm0, $0x2, v3  }
0x3f7: {  	v14 =	vperm.xlane v14, v16;
	v16 =	vshll.u32 v16, $0x1;
	v18 =	vsel vm1, $0x2, v3  }
0x3f8: {  	vm2 =	vgt.f32 v21, v15;
	v15 =	vperm.xlane v11, v17;
	v19 =	vsel vm1, $0x4, v4  }
0x3f9: {  	v17 =	vperm.xlane v13, v18;
	v18 =	vsel vm2, $0x2, v3;
	vm3 =	vgt.f32 v26, v14  }
0x3fa: {  	v18 =	vperm.xlane v12, v18;
	vm5 =	vgt.f32 v22, v15;
	v25 =	vsel vm3, $0xFFFFFFF3, v5  }
0x3fb: {  	vm4 =	vgt.f32 v20, v17;
	v14 =	vsel vm5, $0x2, v3;
	v17 =	vsel vm0, $0x4, v4  }
0x3fc: {  	v16 =	vadd.s32 v16, v25;
	vm9 =	vgt.f32 v21, v18;
	v15 =	vsel vm4, $0x2, v3  }
0x3fd: {  	v14 =	vadd.s32 v17, v14;
	v17 =	vsel vm2, $0x4, v4;
	v18 =	vsel vm9, $0x2, v3  }
0x3fe: {  	v15 =	vadd.s32 v19, v15;
	v17 =	vadd.s32 v17, v18;
	v18 =	vperm.xlane v11, v14  }
0x3ff: {  	v8 =	vperm.xlane v8, v16;
	v19 =	vperm.xlane v13, v15;
	v14 =	vshll.u32 v14, $0x1  }
0x400: {  	v15 =	vshll.u32 v15, $0x1;
	v26 =	vperm.xlane v12, v17;
	vm0 =	vgt.f32 v22, v18  }
0x401: {  	v17 =	vshll.u32 v17, $0x1;
	vm1 =	vgt.f32 v20, v19;
	v18 =	vsel vm0, $0x2, v3  }
0x402: {  	vm2 =	vgt.f32 v21, v26;
	v19 =	vsel vm1, $0x2, v3;
	v14 =	vadd.s32 v18, v14  }
0x403: {  	v25 =	vsel vm2, $0x2, v3;
	v15 =	vadd.s32 v19, v15;
	v11 =	vperm.xlane v11, v14  }
0x404: {  	v13 =	vperm.xlane v13, v15;
	v17 =	vadd.s32 v25, v17;
	v14 =	vshll.u32 v14, $0x1  }
0x405: {  	v15 =	vshll.u32 v15, $0x1;
	v12 =	vperm.xlane v12, v17;
	vm0 =	vgt.f32 v22, v11  }
0x406: {  	[tilespmem:s26+$0x30] =	vst v6;
	v6 =	vshll.u32 v17, $0x1;
	vm1 =	vgt.f32 v20, v13;
	v11 =	vsel vm0, $0xFFFFFFF3, v5  }
0x407: {  	[tilespmem:s25+$0x70] =	vst v24;
	vm2 =	vgt.f32 v21, v12;
	v12 =	vsel vm1, $0xFFFFFFF3, v5;
	v11 =	vadd.s32 v14, v11  }
0x408: {  	[tilespmem:s25+$0x30] =	vst v23;
	v13 =	vsel vm2, $0xFFFFFFF3, v5;
	v12 =	vadd.s32 v15, v12;
	v7 =	vperm.xlane v7, v11  }
0x409: {  	[tilespmem:s0+$0x70] =	vst v8;
	v6 =	vadd.s32 v6, v13;
	v8 =	vperm.xlane v9, v12  }
0x40a: {  	v6 =	vperm.xlane v10, v6;
	[tilespmem:s29+$0x70] =	vst v7  }
0x40b: {  	s15 =	simm.s32 $0x0;
	[tilespmem:s29+$0x30] =	vst v8  }
0x40c: {  	s13 =	sadd.s32 s4, s24;
	s22 =	simm.s32 $0x0;
	s0 =	sand.u32 $0x1C, s15;
	[tilespmem:s2+$0x30] =	vst v6  }
0x40d: {  	[hbm4b:s13+s5] =	stream.linear.scatter [tilespmem:s17], [sflag:$0x3], $0x4000, $0x38;
	[tilespmem:$0x1C000] =	vst v63  }
0x40e: {  	s6 =	sor.u32 $0x3, s0;
	s2 =	sand.u32 $0x3FFFFC00, s22;
	_ =	swait.ge [sflag:s21], $0x4000  }
0x40f: {  	s8 =	sshll.u32 s6, $0x4;
	s2 =	sadd.s32 $0x12000, s2;
	[sflag:s21] =	ssyncset.done $0x0  }
0x410: {  	s8 =	sor.u32 s8, s2;
	[sflag:s21] =	ssyncadd.s32 $0xFFFFC000  }
0x411: {  	v10 =	vld [tilespmem:s8+$0x200]  }
0x412: {  	s25 =	sshll.u32 s0, $0x4  }
0x413: {  	s12 =	sor.u32 $0x2, s0;
	s8 =	sor.u32 s25, s2  }
0x414: {  	s13 =	sshll.u32 s12, $0x4;
	v18 =	vld [tilespmem:s8+$0x210]  }
0x415: {  	s2 =	sor.u32 s13, s2;
	v19 =	vld [tilespmem:s8+$0x200]  }
0x416: {  	s26 =	simm.s32 $0x0;
	s6 =	sshll.u32 s6, $0x9;
	v6 =	vld [tilespmem:s2+$0x200];
	v7 =	vperm.xlane v10, v0;
	v8 =	vperm.xlane v10, v1  }
0x417: {  	s6 =	sand.u32 $0x3C00, s6;
	s2 =	sand.u32 $0xFFFFFF80, s26  }
0x418: {  	s6 =	sadd.s32 s2, s6;
	v7 =	vadd.f32 v8, v7  }
0x419: {  	v15 =	vld [tilespmem:s6+$0xC040];
	v9 =	vperm.xlane v18, v1;
	v8 =	vperm.xlane v18, v0  }
0x41a: {  	s0 =	sshll.u32 s0, $0x9;
	v11 =	vperm.xlane v19, v0;
	v7 =	vmul.f32 $5.000000000e-01, v7  }
0x41b: {  	s0 =	sadd.s32 s2, s0;
	v13 =	vperm.xlane v19, v1;
	v14 =	vperm.xlane v6, v1;
	v8 =	vadd.f32 v9, v8  }
0x41c: {  	v16 =	vld [tilespmem:s0+$0xC040];
	v9 =	vperm.xlane v6, v0;
	v12 =	vperm.xlane v7, v2  }
0x41d: {  	s30 =	sshll.u32 s12, $0x9;
	v11 =	vadd.f32 v13, v11;
	v20 =	vmul.f32 $5.000000000e-01, v8  }
0x41e: {  	s2 =	sadd.s32 s2, s30;
	v9 =	vadd.f32 v14, v9;
	vm0 =	vgt.f32 v15, v12  }
0x41f: {  	v13 =	vld [tilespmem:s2+$0xC000];
	v22 =	vmul.f32 $5.000000000e-01, v11;
	v8 =	vperm.xlane v20, v2;
	v11 =	vsel vm0, $0x2, v3  }
0x420: {  	v14 =	vld [tilespmem:s2+$0xC010];
	v21 =	vmul.f32 $5.000000000e-01, v9;
	v17 =	vperm.xlane v7, v11  }
0x421: {  	v23 =	vld [tilespmem:s0+$0xC000];
	v26 =	vsel vm0, $0x4, v4;
	vm1 =	vgt.f32 v16, v8  }
0x422: {  	v9 =	vperm.xlane v21, v2;
	v25 =	vsel vm1, $0x2, v3;
	vm2 =	vgt.f32 v15, v17  }
0x423: {  	v11 =	vperm.xlane v22, v2;
	v17 =	vperm.xlane v20, v25;
	v25 =	vsel vm2, $0x2, v3  }
0x424: {  	v24 =	vld [tilespmem:s0+$0xC010];
	v27 =	vsel vm1, $0x4, v4;
	vm0 =	vgt.f32 v13, v9;
	v25 =	vadd.s32 v26, v25  }
0x425: {  	vm1 =	vgt.f32 v14, v9;
	vm3 =	vgt.f32 v16, v17;
	v17 =	vperm.xlane v7, v25  }
0x426: {  	vm2 =	vgt.f32 v23, v11;
	v26 =	vsel vm0, $0x2, v3;
	v28 =	vsel vm3, $0x2, v3  }
0x427: {  	v29 =	vsel vm2, $0x2, v3;
	v27 =	vadd.s32 v27, v28;
	vm10 =	vgt.f32 v15, v17  }
0x428: {  	v25 =	vshll.u32 v25, $0x1;
	v17 =	vperm.xlane v20, v27;
	v28 =	vsel vm10, $0x2, v3  }
0x429: {  	vm3 =	vgt.f32 v24, v11;
	v26 =	vperm.xlane v21, v26;
	v25 =	vadd.s32 v28, v25  }
0x42a: {  	v30 =	vsel vm3, $0x2, v3;
	vm11 =	vgt.f32 v16, v17;
	v17 =	vperm.xlane v7, v25  }
0x42b: {  	v27 =	vshll.u32 v27, $0x1;
	v30 =	vperm.xlane v22, v30;
	v31 =	vsel vm11, $0x2, v3  }
0x42c: {  	vm15 =	vgt.f32 v13, v26;
	v27 =	vadd.s32 v31, v27;
	vm12 =	vgt.f32 v15, v17  }
0x42d: {  	v15 =	vperm.xlane v20, v27;
	v17 =	vshll.u32 v25, $0x1;
	v25 =	vsel vm12, $0xFFFFFFF3, v5  }
0x42e: {  	v26 =	vsel vm2, $0x4, v4;
	v28 =	vperm.xlane v22, v29;
	v17 =	vadd.s32 v17, v25  }
0x42f: {  	v29 =	vsel vm1, $0x2, v3;
	vm13 =	vgt.f32 v16, v15;
	v15 =	vperm.xlane v10, v17  }
0x430: {  	s13 =	sadd.s32 $0x18000, s6;
	v27 =	vshll.u32 v27, $0x1;
	v25 =	vperm.xlane v21, v29;
	v16 =	vsel vm13, $0xFFFFFFF3, v5  }
0x431: {  	vm6 =	vgt.f32 v24, v30;
	v30 =	vsel vm1, $0x4, v4;
	v16 =	vadd.s32 v27, v16;
	[tilespmem:s13+$0x40] =	vst v15  }
0x432: {  	vm14 =	vgt.f32 v23, v28;
	vm7 =	vgt.f32 v14, v25;
	v16 =	vperm.xlane v18, v16;
	v25 =	vld [tilespmem:s6+$0xC050]  }
0x433: {  	s25 =	sadd.s32 $0x18000, s0;
	v29 =	vsel vm3, $0x4, v4;
	v17 =	vsel vm6, $0x2, v3;
	v27 =	vsel vm15, $0x2, v3  }
0x434: {  	v17 =	vadd.s32 v29, v17;
	v15 =	vsel vm14, $0x2, v3;
	v28 =	vsel vm7, $0x2, v3;
	[tilespmem:s25+$0x40] =	vst v16  }
0x435: {  	v29 =	vperm.xlane v22, v17;
	v15 =	vadd.s32 v26, v15;
	v16 =	vsel vm0, $0x4, v4;
	v26 =	vld [tilespmem:s0+$0xC050]  }
0x436: {  	v28 =	vadd.s32 v30, v28;
	v16 =	vadd.s32 v16, v27;
	v27 =	vperm.xlane v22, v15  }
0x437: {  	v17 =	vshll.u32 v17, $0x1;
	v31 =	vperm.xlane v21, v28;
	vm0 =	vgt.f32 v25, v12  }
0x438: {  	v30 =	vperm.xlane v21, v16;
	vm1 =	vgt.f32 v23, v27;
	v27 =	vsel vm0, $0x2, v3  }
0x439: {  	vm2 =	vgt.f32 v24, v29;
	v28 =	vshll.u32 v28, $0x1;
	v27 =	vperm.xlane v7, v27  }
0x43a: {  	vm8 =	vgt.f32 v14, v31;
	vm3 =	vgt.f32 v13, v30;
	vm9 =	vgt.f32 v26, v8  }
0x43b: {  	v29 =	vsel vm1, $0x2, v3;
	v30 =	vsel vm9, $0x2, v3;
	vm1 =	vgt.f32 v25, v27  }
0x43c: {  	v31 =	vsel vm0, $0x4, v4;
	v27 =	vperm.xlane v20, v30;
	v30 =	vsel vm1, $0x2, v3  }
0x43d: {  	v15 =	vshll.u32 v15, $0x1;
	v33 =	vsel vm2, $0x2, v3;
	v30 =	vadd.s32 v31, v30  }
0x43e: {  	v16 =	vshll.u32 v16, $0x1;
	vm0 =	vgt.f32 v26, v27;
	v27 =	vperm.xlane v7, v30  }
0x43f: {  	v17 =	vadd.s32 v33, v17;
	v34 =	vsel vm8, $0x2, v3;
	v15 =	vadd.s32 v29, v15  }
0x440: {  	v32 =	vsel vm9, $0x4, v4;
	v35 =	vsel vm0, $0x2, v3;
	vm0 =	vgt.f32 v25, v27  }
0x441: {  	v30 =	vshll.u32 v30, $0x1;
	v27 =	vadd.s32 v32, v35;
	v29 =	vsel vm0, $0x2, v3  }
0x442: {  	v33 =	vperm.xlane v22, v17;
	v32 =	vperm.xlane v20, v27;
	v29 =	vadd.s32 v29, v30  }
0x443: {  	v17 =	vshll.u32 v17, $0x1;
	v31 =	vsel vm3, $0x2, v3;
	v30 =	vperm.xlane v7, v29  }
0x444: {  	v28 =	vadd.s32 v34, v28;
	v16 =	vadd.s32 v31, v16;
	vm0 =	vgt.f32 v26, v32  }
0x445: {  	v27 =	vshll.u32 v27, $0x1;
	v32 =	vsel vm0, $0x2, v3;
	vm0 =	vgt.f32 v25, v30  }
0x446: {  	v25 =	vadd.s32 v32, v27;
	v27 =	vshll.u32 v29, $0x1;
	v29 =	vsel vm0, $0xFFFFFFF3, v5  }
0x447: {  	v31 =	vperm.xlane v22, v15;
	v57 =	vperm.xlane v21, v16;
	v27 =	vadd.s32 v27, v29  }
0x448: {  	vm1 =	vgt.f32 v24, v33;
	v30 =	vperm.xlane v20, v25;
	v27 =	vperm.xlane v10, v27  }
0x449: {  	v15 =	vshll.u32 v15, $0x1;
	vm3 =	vgt.f32 v13, v57;
	v29 =	vperm.xlane v21, v28  }
0x44a: {  	vm0 =	vgt.f32 v23, v31;
	v13 =	vshll.u32 v25, $0x1;
	vm2 =	vgt.f32 v26, v30;
	[tilespmem:s13+$0x50] =	vst v27  }
0x44b: {  	v25 =	vsel vm1, $0xFFFFFFF3, v5;
	vm10 =	vgt.f32 v14, v29;
	v14 =	vsel vm2, $0xFFFFFFF3, v5;
	v24 =	vld [tilespmem:s6+$0xC060]  }
0x44c: {  	v23 =	vsel vm0, $0xFFFFFFF3, v5;
	v17 =	vadd.s32 v17, v25;
	v13 =	vadd.s32 v13, v14  }
0x44d: {  	v26 =	vsel vm3, $0xFFFFFFF3, v5;
	v15 =	vadd.s32 v15, v23;
	v13 =	vperm.xlane v18, v13  }
0x44e: {  	v17 =	vperm.xlane v19, v17;
	v15 =	vperm.xlane v19, v15;
	v14 =	vshll.u32 v16, $0x1  }
0x44f: {  	v27 =	vsel vm10, $0xFFFFFFF3, v5;
	v16 =	vshll.u32 v28, $0x1;
	v14 =	vadd.s32 v14, v26;
	[tilespmem:s25+$0x50] =	vst v13  }
0x450: {  	[tilespmem:s0+$0x18000] =	vst v15;
	v14 =	vperm.xlane v6, v14;
	v13 =	vadd.s32 v16, v27;
	v16 =	vld [tilespmem:s0+$0xC060];
	vm0 =	vgt.f32 v24, v12  }
0x451: {  	[tilespmem:s25+$0x10] =	vst v17;
	v13 =	vperm.xlane v6, v13;
	v15 =	vsel vm0, $0x2, v3  }
0x452: {  	s26 =	sadd.s32 $0x18000, s2;
	v17 =	vld [tilespmem:s0+$0xC020];
	[tilespmem:s2+$0x18000] =	vst v14;
	v15 =	vperm.xlane v7, v15  }
0x453: {  	[tilespmem:s26+$0x10] =	vst v13  }
0x454: {  	v13 =	vld [tilespmem:s2+$0xC020];
	vm1 =	vgt.f32 v24, v15  }
0x455: {  	v15 =	vsel vm0, $0x4, v4;
	vm0 =	vgt.f32 v16, v8;
	v14 =	vsel vm1, $0x2, v3  }
0x456: {  	v23 =	vsel vm0, $0x2, v3;
	v14 =	vadd.s32 v15, v14  }
0x457: {  	v25 =	vsel vm0, $0x4, v4;
	vm0 =	vgt.f32 v17, v11;
	v15 =	vperm.xlane v7, v14  }
0x458: {  	v23 =	vperm.xlane v20, v23;
	v26 =	vsel vm0, $0x2, v3  }
0x459: {  	vm2 =	vgt.f32 v13, v9;
	v14 =	vshll.u32 v14, $0x1;
	vm1 =	vgt.f32 v24, v15  }
0x45a: {  	v26 =	vperm.xlane v22, v26;
	v27 =	vsel vm2, $0x2, v3;
	v15 =	vsel vm1, $0x2, v3  }
0x45b: {  	vm1 =	vgt.f32 v16, v23;
	v14 =	vadd.s32 v15, v14;
	v15 =	vperm.xlane v21, v27  }
0x45c: {  	v27 =	vsel vm0, $0x4, v4;
	vm0 =	vgt.f32 v17, v26;
	v23 =	vperm.xlane v7, v14  }
0x45d: {  	v26 =	vsel vm1, $0x2, v3;
	v28 =	vsel vm0, $0x2, v3;
	v14 =	vshll.u32 v14, $0x1  }
0x45e: {  	vm0 =	vgt.f32 v13, v15;
	v15 =	vsel vm2, $0x4, v4;
	vm1 =	vgt.f32 v24, v23  }
0x45f: {  	v24 =	vadd.s32 v25, v26;
	v25 =	vsel vm0, $0x2, v3;
	v23 =	vsel vm1, $0xFFFFFFF3, v5  }
0x460: {  	v26 =	vperm.xlane v20, v24;
	v14 =	vadd.s32 v14, v23;
	v23 =	vadd.s32 v27, v28  }
0x461: {  	v15 =	vadd.s32 v15, v25;
	v14 =	vperm.xlane v10, v14;
	v25 =	vperm.xlane v22, v23  }
0x462: {  	v24 =	vshll.u32 v24, $0x1;
	v23 =	vshll.u32 v23, $0x1  }
0x463: {  	vm0 =	vgt.f32 v16, v26;
	v26 =	vperm.xlane v21, v15;
	[tilespmem:s13+$0x60] =	vst v14;
	vm1 =	vgt.f32 v17, v25  }
0x464: {  	v15 =	vshll.u32 v15, $0x1;
	v14 =	vsel vm0, $0x2, v3;
	v25 =	vld [tilespmem:s6+$0xC070];
	v27 =	vsel vm1, $0x2, v3  }
0x465: {  	vm0 =	vgt.f32 v13, v26;
	v14 =	vadd.s32 v14, v24;
	v23 =	vadd.s32 v27, v23  }
0x466: {  	v26 =	vsel vm0, $0x2, v3;
	v24 =	vperm.xlane v20, v14;
	v27 =	vperm.xlane v22, v23  }
0x467: {  	v14 =	vshll.u32 v14, $0x1;
	v15 =	vadd.s32 v26, v15;
	v23 =	vshll.u32 v23, $0x1  }
0x468: {  	vm0 =	vgt.f32 v16, v24;
	v16 =	vperm.xlane v21, v15;
	vm1 =	vgt.f32 v17, v27  }
0x469: {  	v17 =	vsel vm0, $0xFFFFFFF3, v5;
	vm0 =	vgt.f32 v25, v12;
	v12 =	vshll.u32 v15, $0x1  }
0x46a: {  	v15 =	vsel vm1, $0xFFFFFFF3, v5;
	vm1 =	vgt.f32 v13, v16;
	v13 =	vadd.s32 v14, v17  }
0x46b: {  	v24 =	vsel vm0, $0x2, v3;
	v15 =	vadd.s32 v23, v15;
	v13 =	vperm.xlane v18, v13  }
0x46c: {  	v16 =	vsel vm1, $0xFFFFFFF3, v5;
	v14 =	vperm.xlane v7, v24;
	v15 =	vperm.xlane v19, v15  }
0x46d: {  	v12 =	vadd.s32 v12, v16;
	[tilespmem:s25+$0x60] =	vst v13  }
0x46e: {  	v12 =	vperm.xlane v6, v12;
	vm1 =	vgt.f32 v25, v14;
	[tilespmem:s25+$0x20] =	vst v15;
	v26 =	vld [tilespmem:s0+$0xC070]  }
0x46f: {  	s28 =	simm.s32 $0x4;
	v14 =	vsel vm0, $0x4, v4;
	v13 =	vsel vm1, $0x2, v3;
	v23 =	vld [tilespmem:s0+$0xC030]  }
0x470: {  	s31 =	simm.s32 $0x80;
	[tilespmem:s26+$0x20] =	vst v12;
	s0 =	sand.u32 $0x1C, s28;
	v13 =	vadd.s32 v14, v13  }
0x471: {  	s8 =	sand.u32 $0x3FFFFC00, s31;
	v24 =	vld [tilespmem:s2+$0xC030];
	s12 =	sor.u32 $0x3, s0;
	v12 =	vperm.xlane v7, v13  }
0x472: {  	s2 =	sadd.s32 $0x12000, s8;
	s15 =	sshll.u32 s12, $0x4  }
0x473: {  	v13 =	vshll.u32 v13, $0x1;
	s8 =	sor.u32 s15, s2;
	vm0 =	vgt.f32 v25, v12  }
0x474: {  	vm1 =	vgt.f32 v26, v8;
	v8 =	vld [tilespmem:s8+$0x200];
	v12 =	vsel vm0, $0x2, v3;
	vm2 =	vgt.f32 v23, v11  }
0x475: {  	v11 =	vsel vm1, $0x2, v3;
	v12 =	vadd.s32 v12, v13;
	v13 =	vsel vm2, $0x2, v3  }
0x476: {  	s22 =	sshll.u32 s0, $0x4;
	v11 =	vperm.xlane v20, v11;
	vm0 =	vgt.f32 v24, v9;
	v7 =	vperm.xlane v7, v12  }
0x477: {  	s8 =	sor.u32 s22, s2;
	v17 =	vsel vm2, $0x4, v4;
	v13 =	vperm.xlane v22, v13;
	v9 =	vsel vm0, $0x2, v3  }
0x478: {  	v12 =	vshll.u32 v12, $0x1;
	v14 =	vperm.xlane v21, v9;
	v9 =	vld [tilespmem:s8+$0x200];
	vm3 =	vgt.f32 v25, v7  }
0x479: {  	s15 =	sor.u32 $0x2, s0;
	v16 =	vperm.xlane v8, v1;
	vm11 =	vgt.f32 v23, v13;
	v15 =	vsel vm3, $0xFFFFFFF3, v5  }
0x47a: {  	s31 =	simm.s32 $0x10;
	s6 =	sshll.u32 s12, $0x9;
	s30 =	sshll.u32 s15, $0x4;
	v7 =	vld [tilespmem:s8+$0x210];
	vm3 =	vgt.f32 v26, v11;
	v11 =	vperm.xlane v8, v0;
	v12 =	vadd.s32 v12, v15  }
0x47b: {  	s6 =	sand.u32 $0x3C00, s6;
	s2 =	sor.u32 s30, s2;
	s8 =	sand.u32 $0xFFFFFF80, s31;
	v13 =	vsel vm3, $0x2, v3;
	vm3 =	vgt.f32 v24, v14;
	v15 =	vsel vm1, $0x4, v4  }
0x47c: {  	s22 =	sadd.s32 s8, s6;
	v25 =	vperm.xlane v10, v12;
	v10 =	vld [tilespmem:s2+$0x200];
	v11 =	vadd.f32 v16, v11;
	v12 =	vsel vm11, $0x2, v3  }
0x47d: {  	v58 =	vld [tilespmem:s22+$0xC040];
	v16 =	vsel vm3, $0x2, v3;
	v29 =	vadd.s32 v15, v13;
	v13 =	vperm.xlane v9, v0  }
0x47e: {  	v15 =	vsel vm0, $0x4, v4;
	v31 =	vperm.xlane v9, v1;
	v14 =	vmul.f32 $5.000000000e-01, v11  }
0x47f: {  	v28 =	vadd.s32 v17, v12;
	v30 =	vperm.xlane v7, v0;
	v11 =	vperm.xlane v7, v1  }
0x480: {  	s0 =	sshll.u32 s0, $0x9;
	v13 =	vadd.f32 v31, v13;
	v31 =	vperm.xlane v20, v29;
	v27 =	vperm.xlane v14, v2  }
0x481: {  	s30 =	sadd.s32 s8, s0;
	v29 =	vshll.u32 v29, $0x1;
	v11 =	vadd.f32 v11, v30;
	v12 =	vperm.xlane v10, v0  }
0x482: {  	v59 =	vld [tilespmem:s30+$0xC040];
	v17 =	vperm.xlane v10, v1;
	v13 =	vmul.f32 $5.000000000e-01, v13;
	vm1 =	vgt.f32 v58, v27  }
0x483: {  	v38 =	vld [tilespmem:s30+$0xC000];
	vm0 =	vgt.f32 v26, v31;
	v11 =	vmul.f32 $5.000000000e-01, v11;
	v30 =	vsel vm1, $0x2, v3  }
0x484: {  	v40 =	vld [tilespmem:s30+$0xC010];
	v12 =	vadd.f32 v17, v12;
	v17 =	vperm.xlane v22, v28;
	v61 =	vsel vm1, $0x4, v4  }
0x485: {  	v60 =	vperm.xlane v14, v30;
	v30 =	vadd.s32 v15, v16;
	v16 =	vperm.xlane v11, v2  }
0x486: {  	s31 =	sshll.u32 s15, $0x9;
	v28 =	vshll.u32 v28, $0x1;
	v12 =	vmul.f32 $5.000000000e-01, v12;
	vm1 =	vgt.f32 v23, v17  }
0x487: {  	s8 =	sadd.s32 s8, s31;
	v17 =	vperm.xlane v13, v2;
	vm2 =	vgt.f32 v58, v60;
	vm3 =	vgt.f32 v59, v16  }
0x488: {  	v32 =	vld [tilespmem:s8+$0xC000];
	v31 =	vsel vm2, $0x2, v3;
	v15 =	vperm.xlane v12, v2;
	v37 =	vsel vm3, $0x2, v3  }
0x489: {  	v41 =	vsel vm3, $0x4, v4;
	vm4 =	vgt.f32 v38, v17;
	vm5 =	vgt.f32 v40, v17  }
0x48a: {  	v35 =	vadd.s32 v61, v31;
	v37 =	vperm.xlane v11, v37;
	v31 =	vperm.xlane v21, v30  }
0x48b: {  	v43 =	vsel vm4, $0x2, v3;
	v47 =	vsel vm5, $0x2, v3;
	v51 =	vsel vm4, $0x4, v4  }
0x48c: {  	v36 =	vld [tilespmem:s8+$0xC010];
	v54 =	vsel vm5, $0x4, v4;
	v30 =	vshll.u32 v30, $0x1;
	v39 =	vperm.xlane v14, v35  }
0x48d: {  	vm2 =	vgt.f32 v32, v15;
	v35 =	vshll.u32 v35, $0x1;
	vm3 =	vgt.f32 v59, v37  }
0x48e: {  	v46 =	vperm.xlane v13, v43;
	vm12 =	vgt.f32 v58, v39;
	v37 =	vsel vm3, $0x2, v3  }
0x48f: {  	v42 =	vsel vm2, $0x2, v3;
	v39 =	vsel vm12, $0x2, v3;
	v37 =	vadd.s32 v41, v37  }
0x490: {  	v55 =	vsel vm2, $0x4, v4;
	v35 =	vadd.s32 v39, v35;
	v62 =	vperm.xlane v11, v37  }
0x491: {  	vm3 =	vgt.f32 v36, v15;
	v42 =	vperm.xlane v12, v42;
	v63 =	vperm.xlane v14, v35  }
0x492: {  	v49 =	vsel vm3, $0x2, v3;
	v37 =	vshll.u32 v37, $0x1;
	vm13 =	vgt.f32 v59, v62  }
0x493: {  	v43 =	vperm.xlane v12, v49;
	vm14 =	vgt.f32 v58, v63;
	v44 =	vsel vm13, $0x2, v3  }
0x494: {  	v35 =	vshll.u32 v35, $0x1;
	v45 =	vsel vm14, $0xFFFFFFF3, v5;
	v33 =	vadd.s32 v44, v37  }
0x495: {  	vm12 =	vgt.f32 v38, v46;
	v35 =	vadd.s32 v35, v45;
	v48 =	vperm.xlane v11, v33  }
0x496: {  	v50 =	vsel vm12, $0x2, v3;
	vm9 =	vgt.f32 v36, v43;
	v35 =	vperm.xlane v8, v35  }
0x497: {  	s0 =	sadd.s32 $0x18000, s22;
	v53 =	vsel vm9, $0x2, v3;
	v37 =	vperm.xlane v13, v47;
	vm15 =	vgt.f32 v59, v48  }
0x498: {  	v44 =	vsel vm3, $0x4, v4;
	v33 =	vshll.u32 v33, $0x1;
	[tilespmem:s0+$0x40] =	vst v35;
	v34 =	vsel vm15, $0xFFFFFFF3, v5  }
0x499: {  	vm13 =	vgt.f32 v32, v42;
	v42 =	vadd.s32 v44, v53;
	v35 =	vld [tilespmem:s22+$0xC050];
	v33 =	vadd.s32 v33, v34  }
0x49a: {  	vm8 =	vgt.f32 v40, v37;
	v46 =	vperm.xlane v12, v42;
	v33 =	vperm.xlane v7, v33  }
0x49b: {  	s29 =	sadd.s32 $0x18000, s30;
	v52 =	vsel vm13, $0x2, v3;
	v42 =	vshll.u32 v42, $0x1;
	v37 =	vsel vm8, $0x2, v3  }
0x49c: {  	v37 =	vadd.s32 v54, v37;
	vm10 =	vgt.f32 v36, v46;
	v34 =	vadd.s32 v51, v50;
	[tilespmem:s29+$0x40] =	vst v33  }
0x49d: {  	v45 =	vperm.xlane v13, v37;
	v37 =	vshll.u32 v37, $0x1;
	v53 =	vsel vm10, $0x2, v3;
	v39 =	vld [tilespmem:s30+$0xC050]  }
0x49e: {  	v56 =	vperm.xlane v13, v34;
	v34 =	vshll.u32 v34, $0x1;
	vm2 =	vgt.f32 v35, v27  }
0x49f: {  	v42 =	vadd.s32 v53, v42;
	vm14 =	vgt.f32 v40, v45;
	v57 =	vsel vm2, $0x2, v3  }
0x4a0: {  	v33 =	vadd.s32 v55, v52;
	vm3 =	vgt.f32 v38, v56;
	v43 =	vperm.xlane v14, v57  }
0x4a1: {  	v52 =	vsel vm14, $0x2, v3;
	v58 =	vperm.xlane v12, v33;
	v62 =	vsel vm3, $0x2, v3  }
0x4a2: {  	v33 =	vshll.u32 v33, $0x1;
	vm15 =	vgt.f32 v35, v43;
	vm9 =	vgt.f32 v39, v16  }
0x4a3: {  	v60 =	vsel vm2, $0x4, v4;
	v59 =	vsel vm15, $0x2, v3;
	v61 =	vsel vm9, $0x2, v3  }
0x4a4: {  	v37 =	vadd.s32 v52, v37;
	v41 =	vadd.s32 v60, v59;
	v43 =	vperm.xlane v11, v61  }
0x4a5: {  	v34 =	vadd.s32 v62, v34;
	vm2 =	vgt.f32 v32, v58;
	v55 =	vperm.xlane v14, v41  }
0x4a6: {  	v58 =	vperm.xlane v13, v34;
	v47 =	vsel vm2, $0x2, v3;
	vm2 =	vgt.f32 v39, v43  }
0x4a7: {  	v34 =	vshll.u32 v34, $0x1;
	v48 =	vsel vm2, $0x2, v3;
	vm2 =	vgt.f32 v35, v55  }
0x4a8: {  	v33 =	vadd.s32 v47, v33;
	v41 =	vshll.u32 v41, $0x1;
	v57 =	vsel vm2, $0x2, v3  }
0x4a9: {  	v62 =	vperm.xlane v12, v33;
	v33 =	vshll.u32 v33, $0x1;
	v41 =	vadd.s32 v57, v41  }
0x4aa: {  	v63 =	vsel vm9, $0x4, v4;
	v59 =	vperm.xlane v13, v37;
	v60 =	vperm.xlane v14, v41  }
0x4ab: {  	vm13 =	vgt.f32 v32, v62;
	v37 =	vshll.u32 v37, $0x1;
	v54 =	vadd.s32 v63, v48  }
0x4ac: {  	vm2 =	vgt.f32 v38, v58;
	v56 =	vperm.xlane v11, v54;
	vm11 =	vgt.f32 v35, v60  }
0x4ad: {  	v63 =	vperm.xlane v12, v42;
	v47 =	vshll.u32 v41, $0x1;
	v48 =	vsel vm11, $0xFFFFFFF3, v5  }
0x4ae: {  	v44 =	vshll.u32 v54, $0x1;
	vm3 =	vgt.f32 v39, v56;
	v49 =	vadd.s32 v47, v48  }
0x4af: {  	v52 =	vsel vm2, $0xFFFFFFF3, v5;
	v46 =	vsel vm3, $0x2, v3;
	v32 =	vperm.xlane v8, v49  }
0x4b0: {  	v54 =	vsel vm13, $0xFFFFFFF3, v5;
	vm3 =	vgt.f32 v40, v59;
	v44 =	vadd.s32 v46, v44  }
0x4b1: {  	v34 =	vadd.s32 v34, v52;
	v53 =	vsel vm3, $0xFFFFFFF3, v5;
	v61 =	vperm.xlane v11, v44;
	[tilespmem:s0+$0x50] =	vst v32  }
0x4b2: {  	v57 =	vshll.u32 v42, $0x1;
	v34 =	vperm.xlane v9, v34;
	v37 =	vadd.s32 v37, v53;
	v58 =	vld [tilespmem:s22+$0xC060]  }
0x4b3: {  	vm2 =	vgt.f32 v24, v31;
	v37 =	vperm.xlane v9, v37;
	vm12 =	vgt.f32 v39, v61  }
0x4b4: {  	vm14 =	vgt.f32 v36, v63;
	[tilespmem:s30+$0x18000] =	vst v34;
	v50 =	vshll.u32 v44, $0x1;
	v51 =	vsel vm12, $0xFFFFFFF3, v5  }
0x4b5: {  	v33 =	vadd.s32 v33, v54;
	v55 =	vsel vm14, $0xFFFFFFF3, v5;
	[tilespmem:s29+$0x10] =	vst v37;
	v56 =	vadd.s32 v50, v51  }
0x4b6: {  	v33 =	vperm.xlane v10, v33;
	v35 =	vadd.s32 v57, v55;
	v63 =	vld [tilespmem:s30+$0xC020];
	v32 =	vperm.xlane v7, v56  }
0x4b7: {  	v59 =	vsel vm0, $0x2, v3;
	v60 =	vsel vm1, $0x2, v3;
	vm0 =	vgt.f32 v58, v27  }
0x4b8: {  	v31 =	vperm.xlane v10, v35;
	v28 =	vadd.s32 v60, v28;
	[tilespmem:s29+$0x50] =	vst v32;
	v62 =	vsel vm0, $0x2, v3  }
0x4b9: {  	s2 =	sadd.s32 $0x18000, s8;
	[tilespmem:s8+$0x18000] =	vst v33;
	v29 =	vadd.s32 v59, v29;
	v22 =	vperm.xlane v22, v28;
	v34 =	vld [tilespmem:s30+$0xC060];
	v40 =	vperm.xlane v14, v62  }
0x4ba: {  	v20 =	vperm.xlane v20, v29;
	v29 =	vshll.u32 v29, $0x1;
	v28 =	vshll.u32 v28, $0x1;
	[tilespmem:s2+$0x10] =	vst v31  }
0x4bb: {  	v31 =	vld [tilespmem:s8+$0xC020];
	v42 =	vsel vm0, $0x4, v4;
	vm0 =	vgt.f32 v63, v17;
	vm1 =	vgt.f32 v58, v40  }
0x4bc: {  	v61 =	vsel vm2, $0x2, v3;
	v47 =	vsel vm0, $0x2, v3;
	v41 =	vsel vm1, $0x2, v3  }
0x4bd: {  	v48 =	vsel vm0, $0x4, v4;
	vm0 =	vgt.f32 v26, v20;
	v32 =	vadd.s32 v42, v41  }
0x4be: {  	v20 =	vperm.xlane v13, v47;
	vm2 =	vgt.f32 v34, v16;
	v46 =	vperm.xlane v14, v32  }
0x4bf: {  	v30 =	vadd.s32 v61, v30;
	v43 =	vsel vm2, $0x2, v3;
	v44 =	vsel vm2, $0x4, v4  }
0x4c0: {  	vm1 =	vgt.f32 v31, v15;
	vm3 =	vgt.f32 v63, v20;
	vm2 =	vgt.f32 v58, v46  }
0x4c1: {  	v45 =	vperm.xlane v11, v43;
	v32 =	vshll.u32 v32, $0x1;
	v35 =	vsel vm2, $0x2, v3  }
0x4c2: {  	v26 =	vsel vm1, $0x2, v3;
	v50 =	vsel vm3, $0x2, v3;
	v32 =	vadd.s32 v35, v32  }
0x4c3: {  	v26 =	vperm.xlane v12, v26;
	vm2 =	vgt.f32 v34, v45;
	v49 =	vperm.xlane v14, v32  }
0x4c4: {  	v21 =	vperm.xlane v21, v30;
	v52 =	vadd.s32 v48, v50;
	v20 =	vsel vm2, $0x2, v3  }
0x4c5: {  	vm2 =	vgt.f32 v31, v26;
	v26 =	vsel vm1, $0x4, v4;
	vm1 =	vgt.f32 v58, v49  }
0x4c6: {  	v55 =	vperm.xlane v13, v52;
	v32 =	vshll.u32 v32, $0x1;
	v53 =	vsel vm1, $0xFFFFFFF3, v5  }
0x4c7: {  	v20 =	vadd.s32 v44, v20;
	v51 =	vsel vm2, $0x2, v3;
	v32 =	vadd.s32 v32, v53  }
0x4c8: {  	v54 =	vperm.xlane v11, v20;
	v26 =	vadd.s32 v26, v51;
	v32 =	vperm.xlane v8, v32  }
0x4c9: {  	vm15 =	vgt.f32 v24, v21;
	v33 =	vshll.u32 v52, $0x1;
	v56 =	vperm.xlane v12, v26  }
0x4ca: {  	vm2 =	vgt.f32 v63, v55;
	v37 =	vshll.u32 v26, $0x1;
	vm1 =	vgt.f32 v34, v54;
	[tilespmem:s0+$0x60] =	vst v32  }
0x4cb: {  	v58 =	vsel vm2, $0x2, v3;
	v57 =	vsel vm1, $0x2, v3;
	vm1 =	vgt.f32 v31, v56;
	v26 =	vld [tilespmem:s22+$0xC070]  }
0x4cc: {  	v20 =	vshll.u32 v20, $0x1;
	v60 =	vsel vm1, $0x2, v3;
	v32 =	vadd.s32 v58, v33  }
0x4cd: {  	v20 =	vadd.s32 v57, v20;
	v35 =	vadd.s32 v60, v37;
	v61 =	vperm.xlane v13, v32  }
0x4ce: {  	v59 =	vperm.xlane v11, v20;
	v20 =	vshll.u32 v20, $0x1;
	v62 =	vperm.xlane v12, v35  }
0x4cf: {  	v35 =	vshll.u32 v35, $0x1;
	v32 =	vshll.u32 v32, $0x1;
	vm2 =	vgt.f32 v63, v61  }
0x4d0: {  	vm1 =	vgt.f32 v34, v59;
	v36 =	vsel vm2, $0xFFFFFFF3, v5;
	vm2 =	vgt.f32 v26, v27  }
0x4d1: {  	v34 =	vsel vm1, $0xFFFFFFF3, v5;
	vm1 =	vgt.f32 v31, v62;
	v31 =	vsel vm2, $0x2, v3  }
0x4d2: {  	v20 =	vadd.s32 v20, v34;
	v32 =	vadd.s32 v32, v36;
	v31 =	vperm.xlane v14, v31  }
0x4d3: {  	v20 =	vperm.xlane v7, v20;
	v27 =	vsel vm1, $0xFFFFFFF3, v5;
	v32 =	vperm.xlane v9, v32  }
0x4d4: {  	vm1 =	vgt.f32 v23, v22;
	v27 =	vadd.s32 v35, v27;
	vm3 =	vgt.f32 v26, v31  }
0x4d5: {  	[tilespmem:s29+$0x60] =	vst v20;
	v22 =	vsel vm2, $0x4, v4;
	v23 =	vperm.xlane v10, v27;
	v21 =	vsel vm3, $0x2, v3  }
0x4d6: {  	v30 =	vshll.u32 v30, $0x1;
	v24 =	vsel vm0, $0xFFFFFFF3, v5;
	[tilespmem:s29+$0x20] =	vst v32;
	v27 =	vadd.s32 v22, v21;
	v22 =	vld [tilespmem:s30+$0xC070]  }
0x4d7: {  	v24 =	vadd.s32 v29, v24;
	v20 =	vld [tilespmem:s30+$0xC030];
	[tilespmem:s2+$0x20] =	vst v23;
	v21 =	vsel vm1, $0xFFFFFFF3, v5;
	v63 =	vperm.xlane v14, v27  }
0x4d8: {  	v24 =	vperm.xlane v18, v24;
	v31 =	vsel vm15, $0xFFFFFFF3, v5;
	v23 =	vadd.s32 v28, v21;
	v21 =	vld [tilespmem:s8+$0xC030]  }
0x4d9: {  	[tilespmem:s13+$0x70] =	vst v25;
	v28 =	vadd.s32 v30, v31;
	v23 =	vperm.xlane v19, v23;
	vm0 =	vgt.f32 v26, v63  }
.LBB2_9:
0x4da: {  	s28 =	sadd.s32 $0x4, s28;
	v19 =	vsel vm0, $0x2, v3;
	v25 =	vshll.u32 v27, $0x1;
	v27 =	vperm.xlane v6, v28;
	v18 =	vmovc v9;
	v6 =	vmovc v10  }
0x4db: {  	s6 =	sand.u32 $0x1C, s28;
	s8 =	sshll.u32 s28, $0x5;
	p0 =	slt.u32 s28, $0xFC;
	vm0 =	vgt.f32 v22, v16;
	v9 =	vadd.s32 v19, v25;
	[tilespmem:s25+$0x70] =	vst v24  }
0x4dc: {  	s8 =	sand.u32 $0x3FFFFC00, s8;
	s12 =	sshll.u32 s6, $0x4;
	s13 =	sor.u32 $0x3, s6;
	vm1 =	vgt.f32 v20, v17;
	v10 =	vsel vm0, $0x2, v3;
	v14 =	vperm.xlane v14, v9;
	[tilespmem:s25+$0x30] =	vst v23  }
0x4dd: {  	s15 =	sshll.u32 s6, $0x9;
	s8 =	sadd.s32 $0x12000, s8;
	s22 =	sshll.u32 s13, $0x4;
	v16 =	vsel vm1, $0x2, v3;
	v10 =	vperm.xlane v11, v10;
	vm2 =	vgt.f32 v21, v15;
	[tilespmem:s26+$0x30] =	vst v27  }
0x4de: {  	s6 =	sor.u32 $0x2, s6;
	s12 =	sor.u32 s12, s8;
	s22 =	sor.u32 s22, s8;
	v15 =	vperm.xlane v13, v16;
	v16 =	vsel vm2, $0x2, v3;
	vm3 =	vgt.f32 v26, v14  }
0x4df: {  	v9 =	vshll.u32 v9, $0x1;
	s25 =	smov.u32 s29;
	s26 =	sshll.u32 s6, $0x4;
	s30 =	sshll.u32 s6, $0x9;
	v14 =	vld [tilespmem:s22+$0x200];
	v16 =	vperm.xlane v12, v16;
	v17 =	vsel vm3, $0xFFFFFFF3, v5  }
0x4e0: {  	s6 =	sor.u32 s26, s8;
	s26 =	smov.u32 s2;
	vm4 =	vgt.f32 v22, v10;
	v19 =	vld [tilespmem:s12+$0x210];
	vm3 =	vgt.f32 v20, v15;
	v10 =	vadd.s32 v9, v17  }
0x4e1: {  	v15 =	vsel vm4, $0x2, v3;
	v9 =	vld [tilespmem:s12+$0x200];
	vm4 =	vgt.f32 v21, v16;
	v26 =	vperm.xlane v8, v10  }
0x4e2: {  	v17 =	vsel vm0, $0x4, v4;
	v16 =	vsel vm3, $0x2, v3;
	v10 =	vld [tilespmem:s6+$0x200];
	v23 =	vsel vm4, $0x2, v3  }
0x4e3: {  	v24 =	vsel vm1, $0x4, v4;
	v25 =	vadd.s32 v17, v15;
	v15 =	vsel vm2, $0x4, v4;
	[tilespmem:s0+$0x70] =	vst v26  }
0x4e4: {  	s2 =	sshll.u32 s13, $0x9;
	v24 =	vadd.s32 v24, v16;
	s0 =	sshll.u32 s28, $0x2;
	v17 =	vperm.xlane v14, v0;
	v27 =	vperm.xlane v14, v1;
	v8 =	vmovc v14  }
0x4e5: {  	s2 =	sand.u32 $0x3C00, s2;
	v26 =	vadd.s32 v15, v23;
	s0 =	sand.u32 $0xFFFFFF80, s0;
	v14 =	vperm.xlane v19, v0;
	v16 =	vperm.xlane v19, v1  }
0x4e6: {  	s6 =	sadd.s32 s0, s15;
	s13 =	sadd.s32 s0, s30;
	s8 =	sadd.s32 s0, s2;
	v15 =	vperm.xlane v9, v0;
	v23 =	vperm.xlane v9, v1;
	v17 =	vadd.f32 v27, v17  }
0x4e7: {  	s29 =	sadd.s32 $0x18000, s6;
	s2 =	sadd.s32 $0x18000, s13;
	v16 =	vadd.f32 v16, v14;
	v28 =	vperm.xlane v10, v0;
	v29 =	vperm.xlane v10, v1;
	v35 =	vld [tilespmem:s8+$0xC040]  }
0x4e8: {  	v15 =	vadd.f32 v23, v15;
	v36 =	vld [tilespmem:s6+$0xC040];
	v14 =	vmul.f32 $5.000000000e-01, v17;
	v17 =	vperm.xlane v11, v25  }
0x4e9: {  	v30 =	vperm.xlane v13, v24;
	v27 =	vmul.f32 $5.000000000e-01, v16;
	v29 =	vadd.f32 v29, v28;
	v31 =	vld [tilespmem:s13+$0xC000]  }
0x4ea: {  	v28 =	vmul.f32 $5.000000000e-01, v15;
	v32 =	vld [tilespmem:s13+$0xC010];
	v23 =	vperm.xlane v14, v2;
	vm1 =	vgt.f32 v22, v17  }
0x4eb: {  	vm0 =	vgt.f32 v20, v30;
	v33 =	vld [tilespmem:s6+$0xC000];
	v16 =	vperm.xlane v27, v2;
	v29 =	vmul.f32 $5.000000000e-01, v29  }
0x4ec: {  	v30 =	vperm.xlane v12, v26;
	v17 =	vperm.xlane v28, v2;
	v34 =	vld [tilespmem:s6+$0xC010];
	vm5 =	vgt.f32 v35, v23  }
0x4ed: {  	vm2 =	vgt.f32 v36, v16;
	v15 =	vperm.xlane v29, v2;
	v37 =	vsel vm5, $0x2, v3  }
0x4ee: {  	v38 =	vsel vm2, $0x2, v3;
	v39 =	vsel vm2, $0x4, v4;
	v37 =	vperm.xlane v14, v37  }
0x4ef: {  	v38 =	vperm.xlane v27, v38;
	vm2 =	vgt.f32 v31, v15;
	vm3 =	vgt.f32 v32, v15  }
0x4f0: {  	vm4 =	vgt.f32 v33, v17;
	v40 =	vsel vm2, $0x2, v3;
	vm6 =	vgt.f32 v35, v37  }
0x4f1: {  	vm7 =	vgt.f32 v36, v38;
	v37 =	vsel vm6, $0x2, v3;
	v38 =	vsel vm5, $0x4, v4  }
0x4f2: {  	vm5 =	vgt.f32 v34, v17;
	v41 =	vsel vm7, $0x2, v3;
	v37 =	vadd.s32 v38, v37  }
0x4f3: {  	v38 =	vsel vm4, $0x2, v3;
	v39 =	vadd.s32 v39, v41;
	v41 =	vperm.xlane v14, v37  }
0x4f4: {  	v42 =	vsel vm5, $0x2, v3;
	v43 =	vperm.xlane v27, v39;
	v39 =	vshll.u32 v39, $0x1  }
0x4f5: {  	v44 =	vsel vm3, $0x2, v3;
	v38 =	vperm.xlane v28, v38;
	vm6 =	vgt.f32 v35, v41  }
0x4f6: {  	v37 =	vshll.u32 v37, $0x1;
	vm7 =	vgt.f32 v36, v43;
	v41 =	vsel vm6, $0x2, v3  }
0x4f7: {  	v42 =	vperm.xlane v28, v42;
	v43 =	vsel vm7, $0x2, v3;
	v37 =	vadd.s32 v41, v37  }
0x4f8: {  	v40 =	vperm.xlane v29, v40;
	v39 =	vadd.s32 v43, v39;
	v41 =	vperm.xlane v14, v37  }
0x4f9: {  	v44 =	vperm.xlane v29, v44;
	v43 =	vperm.xlane v27, v39;
	v39 =	vshll.u32 v39, $0x1  }
0x4fa: {  	vm6 =	vgt.f32 v33, v38;
	vm7 =	vgt.f32 v34, v42;
	vm8 =	vgt.f32 v35, v41  }
0x4fb: {  	v35 =	vshll.u32 v37, $0x1;
	vm9 =	vgt.f32 v36, v43;
	v36 =	vsel vm8, $0xFFFFFFF3, v5  }
0x4fc: {  	vm8 =	vgt.f32 v31, v40;
	v37 =	vsel vm9, $0xFFFFFFF3, v5;
	v35 =	vadd.s32 v35, v36  }
0x4fd: {  	vm9 =	vgt.f32 v32, v44;
	v36 =	vadd.s32 v39, v37;
	v35 =	vperm.xlane v8, v35  }
0x4fe: {  	s0 =	sadd.s32 $0x18000, s8;
	v38 =	vsel vm7, $0x2, v3;
	v37 =	vsel vm6, $0x2, v3;
	v36 =	vperm.xlane v19, v36  }
0x4ff: {  	v40 =	vsel vm8, $0x2, v3;
	v39 =	vsel vm4, $0x4, v4;
	v41 =	vsel vm9, $0x2, v3;
	[tilespmem:s0+$0x40] =	vst v35  }
0x500: {  	v42 =	vsel vm3, $0x4, v4;
	v35 =	vsel vm5, $0x4, v4;
	[tilespmem:s29+$0x40] =	vst v36;
	v36 =	vsel vm2, $0x4, v4;
	v43 =	vld [tilespmem:s8+$0xC050]  }
0x501: {  	v37 =	vadd.s32 v39, v37;
	v35 =	vadd.s32 v35, v38;
	v38 =	vld [tilespmem:s6+$0xC050];
	v36 =	vadd.s32 v36, v40  }
0x502: {  	v41 =	vadd.s32 v42, v41;
	v39 =	vperm.xlane v28, v37;
	v40 =	vperm.xlane v28, v35  }
0x503: {  	v37 =	vshll.u32 v37, $0x1;
	v44 =	vperm.xlane v29, v41;
	v42 =	vperm.xlane v29, v36  }
0x504: {  	vm2 =	vgt.f32 v33, v39;
	v35 =	vshll.u32 v35, $0x1;
	vm3 =	vgt.f32 v34, v40  }
0x505: {  	vm5 =	vgt.f32 v32, v44;
	vm4 =	vgt.f32 v31, v42;
	vm6 =	vgt.f32 v43, v23  }
0x506: {  	v39 =	vsel vm2, $0x2, v3;
	vm2 =	vgt.f32 v38, v16;
	v40 =	vsel vm6, $0x2, v3  }
0x507: {  	v42 =	vsel vm2, $0x2, v3;
	v44 =	vsel vm2, $0x4, v4;
	v40 =	vperm.xlane v14, v40  }
0x508: {  	v45 =	vsel vm3, $0x2, v3;
	v46 =	vsel vm4, $0x2, v3;
	v42 =	vperm.xlane v27, v42  }
0x509: {  	v36 =	vshll.u32 v36, $0x1;
	v47 =	vsel vm5, $0x2, v3;
	vm2 =	vgt.f32 v43, v40  }
0x50a: {  	vm3 =	vgt.f32 v38, v42;
	v40 =	vsel vm2, $0x2, v3;
	v42 =	vsel vm6, $0x4, v4  }
0x50b: {  	v41 =	vshll.u32 v41, $0x1;
	v48 =	vsel vm3, $0x2, v3;
	v40 =	vadd.s32 v42, v40  }
0x50c: {  	v37 =	vadd.s32 v39, v37;
	v39 =	vadd.s32 v44, v48;
	v42 =	vperm.xlane v14, v40  }
0x50d: {  	v35 =	vadd.s32 v45, v35;
	v44 =	vperm.xlane v27, v39;
	v39 =	vshll.u32 v39, $0x1  }
0x50e: {  	v41 =	vadd.s32 v47, v41;
	v36 =	vadd.s32 v46, v36;
	vm2 =	vgt.f32 v43, v42  }
0x50f: {  	v40 =	vshll.u32 v40, $0x1;
	vm3 =	vgt.f32 v38, v44;
	v42 =	vsel vm2, $0x2, v3  }
0x510: {  	v44 =	vperm.xlane v28, v37;
	v45 =	vsel vm3, $0x2, v3;
	v40 =	vadd.s32 v42, v40  }
0x511: {  	v42 =	vperm.xlane v28, v35;
	v39 =	vadd.s32 v45, v39;
	v45 =	vperm.xlane v14, v40  }
0x512: {  	vm2 =	vgt.f32 v33, v44;
	v44 =	vperm.xlane v29, v36;
	v33 =	vperm.xlane v27, v39  }
0x513: {  	vm3 =	vgt.f32 v34, v42;
	v34 =	vperm.xlane v29, v41;
	vm4 =	vgt.f32 v43, v45  }
0x514: {  	vm5 =	vgt.f32 v38, v33;
	v33 =	vshll.u32 v40, $0x1;
	v38 =	vsel vm4, $0xFFFFFFF3, v5  }
0x515: {  	vm4 =	vgt.f32 v31, v44;
	vm6 =	vgt.f32 v32, v34;
	v31 =	vadd.s32 v33, v38  }
0x516: {  	v32 =	vshll.u32 v39, $0x1;
	v33 =	vsel vm5, $0xFFFFFFF3, v5;
	v31 =	vperm.xlane v8, v31  }
0x517: {  	v34 =	vsel vm2, $0xFFFFFFF3, v5;
	v38 =	vsel vm3, $0xFFFFFFF3, v5;
	v39 =	vsel vm4, $0xFFFFFFF3, v5  }
0x518: {  	v37 =	vshll.u32 v37, $0x1;
	v35 =	vshll.u32 v35, $0x1;
	v40 =	vsel vm6, $0xFFFFFFF3, v5;
	[tilespmem:s0+$0x50] =	vst v31  }
0x519: {  	v31 =	vadd.s32 v32, v33;
	v32 =	vshll.u32 v36, $0x1;
	v33 =	vshll.u32 v41, $0x1;
	v36 =	vld [tilespmem:s8+$0xC060]  }
0x51a: {  	v34 =	vadd.s32 v37, v34;
	v35 =	vadd.s32 v35, v38;
	v32 =	vadd.s32 v32, v39  }
0x51b: {  	v34 =	vperm.xlane v9, v34;
	v31 =	vperm.xlane v19, v31;
	v33 =	vadd.s32 v33, v40  }
0x51c: {  	vm2 =	vgt.f32 v21, v30;
	v35 =	vperm.xlane v9, v35;
	v32 =	vperm.xlane v10, v32  }
0x51d: {  	v25 =	vshll.u32 v25, $0x1;
	v30 =	vperm.xlane v10, v33;
	[tilespmem:s29+$0x50] =	vst v31;
	v31 =	vsel vm1, $0x2, v3  }
0x51e: {  	v37 =	vsel vm2, $0x2, v3;
	[tilespmem:s6+$0x18000] =	vst v34;
	v33 =	vld [tilespmem:s6+$0xC060];
	vm1 =	vgt.f32 v36, v23;
	v34 =	vsel vm0, $0x2, v3  }
0x51f: {  	v24 =	vshll.u32 v24, $0x1;
	v26 =	vshll.u32 v26, $0x1;
	[tilespmem:s29+$0x10] =	vst v35;
	v35 =	vsel vm1, $0x2, v3  }
0x520: {  	v25 =	vadd.s32 v31, v25;
	v24 =	vadd.s32 v34, v24;
	v38 =	vld [tilespmem:s6+$0xC020];
	[tilespmem:s13+$0x18000] =	vst v32;
	v32 =	vperm.xlane v14, v35  }
0x521: {  	v31 =	vperm.xlane v11, v25;
	v34 =	vadd.s32 v37, v26;
	[tilespmem:s2+$0x10] =	vst v30;
	v30 =	vperm.xlane v13, v24  }
0x522: {  	v25 =	vshll.u32 v25, $0x1;
	v11 =	vmovc v27;
	v13 =	vmovc v28;
	v35 =	vld [tilespmem:s13+$0xC020];
	vm0 =	vgt.f32 v36, v32;
	v32 =	vperm.xlane v12, v34  }
0x523: {  	v27 =	vsel vm1, $0x4, v4;
	v12 =	vmovc v29;
	vm2 =	vgt.f32 v33, v16;
	v26 =	vsel vm0, $0x2, v3  }
0x524: {  	v28 =	vsel vm2, $0x2, v3;
	v29 =	vsel vm2, $0x4, v4;
	v26 =	vadd.s32 v27, v26  }
0x525: {  	vm0 =	vgt.f32 v38, v17;
	v27 =	vperm.xlane v11, v28;
	v28 =	vperm.xlane v14, v26  }
0x526: {  	v37 =	vsel vm0, $0x2, v3;
	v39 =	vsel vm0, $0x4, v4;
	vm0 =	vgt.f32 v22, v31  }
0x527: {  	v22 =	vperm.xlane v13, v37;
	vm1 =	vgt.f32 v35, v15;
	vm2 =	vgt.f32 v36, v28  }
0x528: {  	v26 =	vshll.u32 v26, $0x1;
	v28 =	vsel vm1, $0x2, v3;
	v31 =	vsel vm2, $0x2, v3  }
0x529: {  	vm2 =	vgt.f32 v33, v27;
	v27 =	vperm.xlane v12, v28;
	v26 =	vadd.s32 v31, v26  }
0x52a: {  	vm3 =	vgt.f32 v38, v22;
	v22 =	vsel vm2, $0x2, v3;
	v28 =	vperm.xlane v14, v26  }
0x52b: {  	v31 =	vsel vm3, $0x2, v3;
	vm2 =	vgt.f32 v35, v27;
	v27 =	vsel vm1, $0x4, v4  }
0x52c: {  	v22 =	vadd.s32 v29, v22;
	v29 =	vsel vm2, $0x2, v3;
	vm1 =	vgt.f32 v36, v28  }
0x52d: {  	v26 =	vshll.u32 v26, $0x1;
	v28 =	vadd.s32 v39, v31;
	v31 =	vsel vm1, $0xFFFFFFF3, v5  }
0x52e: {  	v36 =	vperm.xlane v11, v22;
	v27 =	vadd.s32 v27, v29;
	v26 =	vadd.s32 v26, v31  }
0x52f: {  	v22 =	vshll.u32 v22, $0x1;
	v29 =	vperm.xlane v13, v28;
	v26 =	vperm.xlane v8, v26  }
0x530: {  	v28 =	vshll.u32 v28, $0x1;
	vm1 =	vgt.f32 v33, v36;
	v31 =	vperm.xlane v12, v27  }
0x531: {  	v27 =	vshll.u32 v27, $0x1;
	vm2 =	vgt.f32 v38, v29;
	v29 =	vsel vm1, $0x2, v3;
	[tilespmem:s0+$0x60] =	vst v26  }
0x532: {  	v36 =	vsel vm2, $0x2, v3;
	v22 =	vadd.s32 v29, v22;
	vm1 =	vgt.f32 v35, v31;
	v26 =	vld [tilespmem:s8+$0xC070]  }
0x533: {  	v28 =	vadd.s32 v36, v28;
	v29 =	vperm.xlane v11, v22;
	v31 =	vsel vm1, $0x2, v3  }
0x534: {  	v22 =	vshll.u32 v22, $0x1;
	v36 =	vperm.xlane v13, v28;
	v27 =	vadd.s32 v31, v27  }
0x535: {  	v28 =	vshll.u32 v28, $0x1;
	vm1 =	vgt.f32 v33, v29;
	v29 =	vperm.xlane v12, v27  }
0x536: {  	v27 =	vshll.u32 v27, $0x1;
	vm2 =	vgt.f32 v38, v36;
	v31 =	vsel vm1, $0xFFFFFFF3, v5  }
0x537: {  	v33 =	vsel vm2, $0xFFFFFFF3, v5;
	vm1 =	vgt.f32 v35, v29;
	vm2 =	vgt.f32 v26, v23  }
0x538: {  	v22 =	vadd.s32 v22, v31;
	v23 =	vsel vm1, $0xFFFFFFF3, v5;
	v29 =	vsel vm2, $0x2, v3  }
0x539: {  	v28 =	vadd.s32 v28, v33;
	v23 =	vadd.s32 v27, v23;
	v27 =	vperm.xlane v14, v29  }
0x53a: {  	v22 =	vperm.xlane v19, v22;
	v28 =	vperm.xlane v9, v28;
	vm1 =	vgt.f32 v20, v30  }
0x53b: {  	vm4 =	vgt.f32 v21, v32;
	v23 =	vperm.xlane v10, v23;
	vm3 =	vgt.f32 v26, v27  }
.Ltmp3:
0x53c: {  	v21 =	vsel vm2, $0x4, v4;
	v29 =	vsel vm0, $0xFFFFFFF3, v5;
	[tilespmem:s29+$0x60] =	vst v22;
	v20 =	vsel vm3, $0x2, v3;
	(pc) =	sbr.rel @p0 .LBB2_9-.Ltmp3, $4  }
0x53d: {  	v30 =	vsel vm4, $0xFFFFFFF3, v5;
	[tilespmem:s29+$0x20] =	vst v28;
	v22 =	vld [tilespmem:s6+$0xC070];
	v27 =	vadd.s32 v21, v20;
	v28 =	vsel vm1, $0xFFFFFFF3, v5  }
0x53e: {  	v24 =	vshll.u32 v24, $0x1;
	v31 =	vshll.u32 v34, $0x1;
	v20 =	vld [tilespmem:s6+$0xC030];
	[tilespmem:s2+$0x20] =	vst v23;
	v23 =	vperm.xlane v14, v27  }
0x53f: {  	v25 =	vadd.s32 v25, v29;
	v24 =	vadd.s32 v24, v28;
	v28 =	vadd.s32 v31, v30;
	v21 =	vld [tilespmem:s13+$0xC030]  }
0x540: {  	vm0 =	vgt.f32 v26, v23;
	v23 =	vperm.xlane v18, v24;
	v24 =	vperm.xlane v7, v25;
	v7 =	vmovc v19  }
0x541: {  	v18 =	vsel vm0, $0x2, v3  }
0x542: {  	v44 =	vshll.u32 v27, $0x1;
	v6 =	vperm.xlane v6, v28;
	vm15 =	vgt.f32 v22, v16  }
0x543: {  	v46 =	vadd.s32 v18, v44;
	vm1 =	vgt.f32 v20, v17;
	v45 =	vsel vm15, $0x2, v3  }
0x544: {  	v14 =	vperm.xlane v14, v46;
	v51 =	vsel vm15, $0x4, v4;
	v19 =	vsel vm1, $0x2, v3  }
0x545: {  	v17 =	vperm.xlane v11, v45;
	vm2 =	vgt.f32 v21, v15;
	v52 =	vsel vm1, $0x4, v4  }
0x546: {  	v15 =	vshll.u32 v46, $0x1;
	v47 =	vperm.xlane v13, v19;
	v48 =	vsel vm2, $0x2, v3  }
0x547: {  	vm8 =	vgt.f32 v26, v14;
	v53 =	vsel vm2, $0x4, v4;
	v18 =	vperm.xlane v12, v48  }
0x548: {  	vm3 =	vgt.f32 v22, v17;
	v25 =	vsel vm8, $0xFFFFFFF3, v5;
	vm4 =	vgt.f32 v20, v47  }
0x549: {  	v49 =	vsel vm3, $0x2, v3;
	v15 =	vadd.s32 v15, v25;
	v50 =	vsel vm4, $0x2, v3  }
0x54a: {  	vm9 =	vgt.f32 v21, v18;
	v16 =	vadd.s32 v51, v49;
	v8 =	vperm.xlane v8, v15  }
0x54b: {  	v18 =	vsel vm9, $0x2, v3;
	v14 =	vadd.s32 v52, v50;
	v54 =	vperm.xlane v11, v16  }
0x54c: {  	v16 =	vshll.u32 v16, $0x1;
	v17 =	vadd.s32 v53, v18;
	v19 =	vperm.xlane v13, v14  }
0x54d: {  	v14 =	vshll.u32 v14, $0x1;
	v55 =	vperm.xlane v12, v17;
	vm10 =	vgt.f32 v22, v54  }
0x54e: {  	v17 =	vshll.u32 v17, $0x1;
	vm11 =	vgt.f32 v20, v19;
	v18 =	vsel vm10, $0x2, v3  }
0x54f: {  	vm12 =	vgt.f32 v21, v55;
	v19 =	vsel vm11, $0x2, v3;
	v16 =	vadd.s32 v18, v16  }
0x550: {  	v56 =	vsel vm12, $0x2, v3;
	v14 =	vadd.s32 v19, v14;
	v58 =	vperm.xlane v11, v16  }
0x551: {  	v60 =	vshll.u32 v16, $0x1;
	v57 =	vperm.xlane v13, v14;
	v17 =	vadd.s32 v56, v17  }
0x552: {  	v14 =	vshll.u32 v14, $0x1;
	v59 =	vperm.xlane v12, v17;
	vm13 =	vgt.f32 v22, v58  }
0x553: {  	[tilespmem:s26+$0x30] =	vst v6;
	v6 =	vshll.u32 v17, $0x1;
	vm14 =	vgt.f32 v20, v57;
	v11 =	vsel vm13, $0xFFFFFFF3, v5  }
0x554: {  	s23 =	sadd.s32 $0x1, s23;
	[tilespmem:s25+$0x70] =	vst v24;
	vm15 =	vgt.f32 v21, v59;
	v61 =	vsel vm14, $0xFFFFFFF3, v5;
	v11 =	vadd.s32 v60, v11  }
0x555: {  	[tilespmem:s25+$0x30] =	vst v23;
	p0 =	sne.s32 s23, $0x4;
	v62 =	vsel vm15, $0xFFFFFFF3, v5;
	v12 =	vadd.s32 v14, v61;
	v7 =	vperm.xlane v7, v11  }
.Ltmp4:
0x556: {  	[tilespmem:s0+$0x70] =	vst v8;
	v6 =	vadd.s32 v6, v62;
	v63 =	vperm.xlane v9, v12;
	(pc) =	sbr.rel @p0 .LBB2_2-.Ltmp4, $4  }
0x557: {  	v6 =	vperm.xlane v10, v6;
	[tilespmem:s29+$0x70] =	vst v7  }
0x558: {  	[tilespmem:s29+$0x30] =	vst v63  }
0x559: {  	s31 =	sadd.s32 s24, s10;
	[tilespmem:s2+$0x30] =	vst v6  }
0x55a: {  	[hbm4b:s31+s5] =	stream.linear.scatter [tilespmem:s18], [sflag:$0x4], $0x4000, $0x38;
	[tilespmem:$0x1C000] =	vst v63  }
0x55b: {  	_ =	swait.ge [sflag:s20], $0x4000  }
0x55c: {  	[sflag:s20] =	ssyncset.done $0x0  }
0x55d: {  	[sflag:s20] =	ssyncadd.s32 $0xFFFFC000  }
0x55e: {  	_ =	swait.ge [sflag:s21], $0x4000  }
0x55f: {  	s2 =	rddreg [dreg:$0x7]  }
0x560: {  	s0 =	rddreg [dreg:$0x6];
	s2 =	sadd.s32 $0x1, s2  }
0x561: {  	p0 =	sne.s32 s2, s0  }
.Ltmp5:
0x562: {  	_ = 	snop;
	(pc) =	sbr.rel @p0 .LBB2_1-.Ltmp5, $3  }
0x563: {  	_ =	sdelay $0x1  }
0x564: {  	[sflag:s21] =	ssyncset.done $0x0  }
0x565: {  	[sflag:s21] =	ssyncadd.s32 $0xFFFFC000  }
0x566: {  	_ =	sfence.sel $0x180000  }
0x567: {  	[bflag:$0x0] =	sbarrier.arrive $0xFFFF  }
0x568: {  	_ =	strace $0x90000047  }
0x569: {  	s0 =	stileid.u32;
	[bflag:$0x2] =	sbarrier.arrive $0xFFFF  }
0x56a: {  	p0 =	sne.s32 s0, $0x0;
	s0 =	rddreg [dreg:$0x3]  }
0x56b: {  	s0 =	sadd.s32 @!p0 $0x100000, s0  }
0x56c: {  	[sflag:s0] =	ssyncadd.tile.s32 @!p0 $0x1;
	_ =	shalt  }
.Lfunc_end2:
_tile_overlayer_lowered:
.L_overlay_start_2:
0x56d: {  	(tag) =	ssettag $0x2  }
0x56e: {  	s0 =	rddreg [dreg:$0x0];
	s2 =	stileid.u32  }
0x56f: {  	s1 =	rddreg [dreg:$0x1];
	p0 =	sne.s32 s2, $0x0  }
0x570: {  	s3 =	rddreg [dreg:$0x2];
	[bflag:$0x3] =	sbarrier.arrive $0xFFFF;
	s2 =	simm.s32 @!p0 $0x1C05  }
0x571: {  	[timem:s3], [sflag:s2] =	dma.local @!p0 [hbm:s0], s1  }
0x572: {  	s0 =	simm.s32 @!p0 $0x5  }
0x573: {  	_ =	swait.ge @!p0 [sflag:s0], s1  }
0x574: {  	s1 =	ssub.s32 @!p0 $0x0, s1;
	[sflag:s0] =	ssyncset.done @!p0 $0x0  }
0x575: {  	[sflag:s0] =	ssyncadd.s32 @!p0 s1  }
0x576: {  	[bflag:$0x3] =	sbarrier.arrive $0xFFFF  }
0x577: {  	_ =	shalt  }

</sc_bundles>
